<compile_context>
chip_gen: v7x
topology: tpu7x:2x2x1
jax: 0.10.2.dev20260603
libtpu: 0.0.44.dev20260713+nightly
codegen_flags: <defaults>
</compile_context>

<pallas_src>
import functools

import jax
import jax.numpy as jnp
from jax import lax
from jax.experimental import pallas as pl
from jax.experimental.pallas import tpu as pltpu
from jax.experimental.pallas import tpu_sc as plsc

N = 100000
E = 3200000
HID = 16
NC = 2
NS = 16
NW = NC * NS
N_PAD = 102400
SLICE = N_PAD // NS
CH = 5120
NCHUNK = E // CH
FULL_ROUNDS = NCHUNK // NW
TAIL_BASE = FULL_ROUNDS * NW

_mesh = plsc.VectorSubcoreMesh(core_axis_name="c", subcore_axis_name="s")


def _fill(ref, value, n):
  vec = jnp.full((16,), value, jnp.float32)
  def body(i, _):
    ref[pl.ds(i * 16, 16)] = vec
    return ()
  lax.fori_loop(0, n // 16, body, ())


def _hist_body(ei_hbm, outa_hbm, outb_hbm, acc, eis, colv0, colv1, colv2,
               ones_v, zv, sem_ei0, sem_ei1, sem_ei2, sem_c0, sem_c1, sem_c2,
               sem_s0, sem_s1, sem_s2):
  cid = lax.axis_index("c")
  sid = lax.axis_index("s")
  wid = cid * NS + sid
  _fill(ones_v, 1.0, CH)
  _fill(zv, 0.0, SLICE)
  pltpu.sync_copy(zv, acc.at[pl.ds(sid * SLICE, SLICE)])
  plsc.subcore_barrier()

  colv = (colv0, colv1, colv2)
  sem_ei = (sem_ei0, sem_ei1, sem_ei2)
  sem_c = (sem_c0, sem_c1, sem_c2)
  sem_s = (sem_s0, sem_s1, sem_s2)
  ei_d, c_d, s_d = {}, {}, {}
  R = FULL_ROUNDS

  def start_ei(k):
    b = k % 3
    ei_d[k] = pltpu.async_copy(
        ei_hbm.at[:, pl.ds((k * NW + wid) * CH, CH)], eis.at[sid, b],
        sem_ei[b])

  start_ei(0)
  start_ei(1)
  ei_d[0].wait()
  c_d[0] = pltpu.async_copy(eis.at[sid, 0, 1], colv[0], sem_c[0])
  for t in range(R):
    b = t % 3
    if t + 2 < R:
      start_ei(t + 2)
    c_d[t].wait()
    s_d[t] = pltpu.async_copy(ones_v, acc.at[colv[b]], sem_s[b], add=True)
    if t + 1 < R:
      if t >= 2:
        s_d[t - 2].wait()
      ei_d[t + 1].wait()
      b1 = (t + 1) % 3
      c_d[t + 1] = pltpu.async_copy(eis.at[sid, b1, 1], colv[b1], sem_c[b1])
  for t in range(max(R - 2, 0), R):
    s_d[t].wait()

  @pl.when(TAIL_BASE + wid < NCHUNK)
  def _():
    pltpu.sync_copy(ei_hbm.at[:, pl.ds((TAIL_BASE + wid) * CH, CH)],
                    eis.at[sid, 0])
    pltpu.sync_copy(eis.at[sid, 0, 1], colv0)
    pltpu.sync_copy(ones_v, acc.at[colv0], add=True)

  plsc.subcore_barrier()
  sl = pl.ds(sid * SLICE, SLICE)
  @pl.when(cid == 0)
  def _():
    pltpu.sync_copy(acc.at[sl], outa_hbm.at[sl])
  @pl.when(cid == 1)
  def _():
    pltpu.sync_copy(acc.at[sl], outb_hbm.at[sl])


_hist = functools.partial(
    pl.kernel,
    out_type=[
        jax.ShapeDtypeStruct((N_PAD,), jnp.float32),
        jax.ShapeDtypeStruct((N_PAD,), jnp.float32),
    ],
    mesh=_mesh,
    scratch_types=[
        pltpu.VMEM_SHARED((N_PAD,), jnp.float32),
        pltpu.VMEM_SHARED((NS, 3, 2, CH), jnp.int32),
        pltpu.VMEM((CH,), jnp.int32),
        pltpu.VMEM((CH,), jnp.int32),
        pltpu.VMEM((CH,), jnp.int32),
        pltpu.VMEM((CH,), jnp.float32),
        pltpu.VMEM((SLICE,), jnp.float32),
    ] + [pltpu.SemaphoreType.DMA] * 9,
)(_hist_body)


def _gs_body(ei_hbm, p_hbm, ta_hbm, tb_hbm,
             p_sp, acc, eis, rowv0, rowv1, rowv2, colv0, colv1, colv2,
             vals0, vals1, vals2, zv,
             sem_p,
             sem_ei0, sem_ei1, sem_ei2, sem_r0, sem_r1, sem_r2,
             sem_c0, sem_c1, sem_c2, sem_g0, sem_g1, sem_g2,
             sem_s0, sem_s1, sem_s2):
  cid = lax.axis_index("c")
  sid = lax.axis_index("s")
  wid = cid * NS + sid
  sl = pl.ds(sid * SLICE, SLICE)

  dp = pltpu.async_copy(p_hbm.at[sl], p_sp.at[sl], sem_p)
  _fill(zv, 0.0, SLICE)
  pltpu.sync_copy(zv, acc.at[sl])
  dp.wait()
  plsc.subcore_barrier()

  rowv = (rowv0, rowv1, rowv2)
  colv = (colv0, colv1, colv2)
  vals = (vals0, vals1, vals2)
  sem_ei = (sem_ei0, sem_ei1, sem_ei2)
  sem_r = (sem_r0, sem_r1, sem_r2)
  sem_c = (sem_c0, sem_c1, sem_c2)
  sem_g = (sem_g0, sem_g1, sem_g2)
  sem_s = (sem_s0, sem_s1, sem_s2)
  ei_d, r_d, c_d, g_d, s_d = {}, {}, {}, {}, {}
  R = FULL_ROUNDS

  def start_ei(k):
    b = k % 3
    ei_d[k] = pltpu.async_copy(
        ei_hbm.at[:, pl.ds((k * NW + wid) * CH, CH)], eis.at[sid, b],
        sem_ei[b])

  def start_rc(k):
    b = k % 3
    r_d[k] = pltpu.async_copy(eis.at[sid, b, 0], rowv[b], sem_r[b])
    c_d[k] = pltpu.async_copy(eis.at[sid, b, 1], colv[b], sem_c[b])

  start_ei(0)
  start_ei(1)
  ei_d[0].wait()
  start_rc(0)
  for t in range(R):
    b = t % 3
    if t + 2 < R:
      start_ei(t + 2)
    r_d[t].wait()
    g_d[t] = pltpu.async_copy(p_sp.at[rowv[b]], vals[b], sem_g[b])
    if t + 1 < R:
      if t >= 2:
        s_d[t - 2].wait()
      ei_d[t + 1].wait()
      start_rc(t + 1)
    g_d[t].wait()
    c_d[t].wait()
    s_d[t] = pltpu.async_copy(vals[b], acc.at[colv[b]], sem_s[b], add=True)
  for t in range(max(R - 2, 0), R):
    s_d[t].wait()

  @pl.when(TAIL_BASE + wid < NCHUNK)
  def _():
    pltpu.sync_copy(ei_hbm.at[:, pl.ds((TAIL_BASE + wid) * CH, CH)],
                    eis.at[sid, 0])
    pltpu.sync_copy(eis.at[sid, 0, 0], rowv0)
    pltpu.sync_copy(eis.at[sid, 0, 1], colv0)
    pltpu.async_copy(p_sp.at[rowv0], vals0, sem_g0).wait()
    pltpu.sync_copy(vals0, acc.at[colv0], add=True)

  plsc.subcore_barrier()
  @pl.when(cid == 0)
  def _():
    pltpu.sync_copy(acc.at[sl], ta_hbm.at[sl])
  @pl.when(cid == 1)
  def _():
    pltpu.sync_copy(acc.at[sl], tb_hbm.at[sl])


_gs = functools.partial(
    pl.kernel,
    out_type=[
        jax.ShapeDtypeStruct((N_PAD,), jnp.float32),
        jax.ShapeDtypeStruct((N_PAD,), jnp.float32),
    ],
    mesh=_mesh,
    scratch_types=[
        pltpu.VMEM_SHARED((N_PAD,), jnp.float32),
        pltpu.VMEM_SHARED((N_PAD,), jnp.float32),
        pltpu.VMEM_SHARED((NS, 3, 2, CH), jnp.int32),
        pltpu.VMEM((CH,), jnp.int32),
        pltpu.VMEM((CH,), jnp.int32),
        pltpu.VMEM((CH,), jnp.int32),
        pltpu.VMEM((CH,), jnp.int32),
        pltpu.VMEM((CH,), jnp.int32),
        pltpu.VMEM((CH,), jnp.int32),
        pltpu.VMEM((CH,), jnp.float32),
        pltpu.VMEM((CH,), jnp.float32),
        pltpu.VMEM((CH,), jnp.float32),
        pltpu.VMEM((SLICE,), jnp.float32),
    ] + [pltpu.SemaphoreType.DMA] * 16,
)(_gs_body)


BN = 5120


def _prep_body(dega_ref, degb_ref, xp_ref, p_ref):
  deg = dega_ref[...] + degb_ref[...] + 1.0
  p_ref[...] = lax.rsqrt(deg) * xp_ref[...]


def _prep(dega, degb, xp):
  vec = pl.BlockSpec((BN,), lambda i: (i,))
  return pl.pallas_call(
      _prep_body,
      grid=(N_PAD // BN,),
      in_specs=[vec, vec, vec],
      out_specs=vec,
      out_shape=jax.ShapeDtypeStruct((N_PAD,), jnp.float32),
  )(dega, degb, xp)


def _fin_body(dega_ref, degb_ref, ta_ref, tb_ref, p_ref,
              Wgz_ref, bgz_ref, Wlz_ref, blz_ref,
              Wgh_ref, bgh_ref, Wlh_ref, blh_ref, *h_refs):
  Az = Wlz_ref[0:HID, :]
  uz = jnp.sum(Wgz_ref[0, :][:, None] * Az, axis=0)
  vz = jnp.sum(bgz_ref[:][:, None] * Az, axis=0) + blz_ref[...]
  Ah = Wlh_ref[0:HID, :]
  uh = jnp.sum(Wgh_ref[0, :][:, None] * Ah, axis=0)
  vh = jnp.sum(bgh_ref[:][:, None] * Ah, axis=0) + blh_ref[...]
  deg = dega_ref[...] + degb_ref[...] + 1.0
  dinv = lax.rsqrt(deg)
  t = ta_ref[...] + tb_ref[...]
  agg = dinv * t + dinv * p_ref[...]
  for c in range(HID):
    zc = jax.nn.sigmoid(agg * uz[c] + vz[c])
    hc = jnp.tanh(agg * uh[c] + vh[c])
    h_refs[c][...] = (1.0 - zc) * hc


def _fin(dega, degb, ta, tb, p,
         Wg_z, bg_z, Wl_z, bl_z, Wg_h, bg_h, Wl_h, bl_h):
  def full(shape):
    return pl.BlockSpec(shape, lambda i, _s=shape: tuple(0 for _ in _s))
  vec = pl.BlockSpec((BN,), lambda i: (i,))
  return pl.pallas_call(
      _fin_body,
      grid=(N_PAD // BN,),
      in_specs=[
          vec, vec, vec, vec, vec,
          full((1, HID)), full((HID,)), full((2 * HID, HID)), full((HID,)),
          full((1, HID)), full((HID,)), full((2 * HID, HID)), full((HID,)),
      ],
      out_specs=[vec] * HID,
      out_shape=[jax.ShapeDtypeStruct((N_PAD,), jnp.float32)] * HID,
  )(dega, degb, ta, tb, p,
    Wg_z, bg_z, Wl_z, bl_z, Wg_h, bg_h, Wl_h, bl_h)


def kernel(observations, edge_index, Wg_z, bg_z, Wl_z, bl_z, Wg_r, bg_r,
           Wl_r, bl_r, Wg_h, bg_h, Wl_h, bl_h):
  del Wg_r, bg_r, Wl_r, bl_r
  xp = jnp.pad(observations[:, 4], (0, N_PAD - N))
  dega, degb = _hist(edge_index)
  p = _prep(dega, degb, xp)
  ta, tb = _gs(edge_index, p)
  hs = _fin(dega, degb, ta, tb, p,
            Wg_z, bg_z, Wl_z, bl_z, Wg_h, bg_h, Wl_h, bl_h)
  planes = [observations[:, c][None] for c in range(4)] + [h[None, :N] for h in hs]
  big = jnp.concatenate(planes, axis=0)
  return jnp.transpose(big, (1, 0))[None]

# --- scband reference (transcript-rebuilt; emitter-appended) ---
"""Pipeline reference for scband-summarizer-39522289058331 (READ-ONLY COPY).

The authoritative reference and input builder live on the scoring server;
editing this copy changes nothing except your own understanding.
"""

import jax, jax.numpy as jnp
import numpy as np

N = 100000
E = 3200000
HID = 16


def setup_inputs(seed: int = 0):
    key = jax.random.key(seed)
    ks = jax.random.split(key, 16)
    def g(k, shape, fan_in):
        return (jax.random.normal(k, shape, dtype=jnp.float32) / np.sqrt(float(fan_in))).astype(jnp.float32)
    inp = {}
    inp["observations"] = jax.random.normal(ks[0], (N, 5), dtype=jnp.float32)
    inp["edge_index"] = jax.random.randint(ks[1], (2, E), 0, N, dtype=jnp.int32)
    inp["Wg_z"] = g(ks[2], (1, HID), 1)
    inp["bg_z"] = jnp.zeros((HID,), jnp.float32)
    inp["Wl_z"] = g(ks[3], (2 * HID, HID), 2 * HID)
    inp["bl_z"] = jnp.zeros((HID,), jnp.float32)
    inp["Wg_r"] = g(ks[4], (1, HID), 1)
    inp["bg_r"] = jnp.zeros((HID,), jnp.float32)
    inp["Wl_r"] = g(ks[5], (2 * HID, HID), 2 * HID)
    inp["bl_r"] = jnp.zeros((HID,), jnp.float32)
    inp["Wg_h"] = g(ks[6], (1, HID), 1)
    inp["bg_h"] = jnp.zeros((HID,), jnp.float32)
    inp["Wl_h"] = g(ks[7], (2 * HID, HID), 2 * HID)
    inp["bl_h"] = jnp.zeros((HID,), jnp.float32)
    return inp


def gcn_conv(x, edge_index, W, b):
    # x: [B, N, Fin]; GCNConv with symmetric gcn_norm and self-loops (fill=1)
    x = x @ W  # [B, N, Fout]
    loops = jnp.arange(N, dtype=edge_index.dtype)
    row = jnp.concatenate([edge_index[0], loops])  # source j
    col = jnp.concatenate([edge_index[1], loops])  # target i
    ew = jnp.ones(row.shape[0], dtype=x.dtype)
    deg = jnp.zeros((N,), x.dtype).at[col].add(ew)
    dinv = jnp.where(deg > 0, jax.lax.rsqrt(jnp.where(deg > 0, deg, 1.0)), 0.0)
    norm = dinv[row] * dinv[col]  # [E+N]
    msgs = x[:, row, :] * norm[None, :, None]
    out = jnp.zeros_like(x).at[:, col, :].add(msgs)
    return out + b


def reference(observations, edge_index, Wg_z, bg_z, Wl_z, bl_z, Wg_r, bg_r, Wl_r, bl_r, Wg_h, bg_h, Wl_h, bl_h):
    # 2-D observations path of Summarizer.forward (hidden=None, return_hidden=False)
    X = observations[:, -1][None, :, None]          # [1, N, 1]
    x_other = observations[:, :-1][None]             # [1, N, 4]
    H = jnp.zeros((1, N, HID), jnp.float32)          # _set_hidden_state
    Z = jax.nn.sigmoid(jnp.concatenate([gcn_conv(X, edge_index, Wg_z, bg_z), H], axis=-1) @ Wl_z + bl_z)
    R = jax.nn.sigmoid(jnp.concatenate([gcn_conv(X, edge_index, Wg_r, bg_r), H], axis=-1) @ Wl_r + bl_r)
    H_tilde = jnp.tanh(jnp.concatenate([gcn_conv(X, edge_index, Wg_h, bg_h), H * R], axis=-1) @ Wl_h + bl_h)
    H = Z * H + (1.0 - Z) * H_tilde                  # [1, N, HID]
    summary = jnp.concatenate([x_other, H], axis=-1) # [1, N, 4 + HID]
    return summary

if __name__ == "__main__":
    import jax
    _d = setup_inputs()
    print(jax.jit(kernel)(*tuple(_d.values())))

</pallas_src>

<mosaic_0001>
#map = affine_map<(d0, d1) -> (0, 0)>
#map1 = affine_map<(d0, d1) -> (0)>
module attributes {stable_mosaic.version = 14 : i64} {
  func.func @_hist_body(%arg0: i32, %arg1: i32, %arg2: memref<2x3200000xi32, #tpu.memory_space<hbm>>, %arg3: memref<102400xf32, #tpu.memory_space<hbm>>, %arg4: memref<102400xf32, #tpu.memory_space<hbm>>, %arg5: memref<102400xf32, #tpu.memory_space<vmem_shared>>, %arg6: memref<16x3x2x5120xi32, #tpu.memory_space<vmem_shared>>, %arg7: memref<5120xi32, #tpu.memory_space<vmem>>, %arg8: memref<5120xi32, #tpu.memory_space<vmem>>, %arg9: memref<5120xi32, #tpu.memory_space<vmem>>, %arg10: memref<5120xf32, #tpu.memory_space<vmem>>, %arg11: memref<6400xf32, #tpu.memory_space<vmem>>, %arg12: memref<!tpu.dma_semaphore, #tpu.memory_space<semaphore_mem>>, %arg13: memref<!tpu.dma_semaphore, #tpu.memory_space<semaphore_mem>>, %arg14: memref<!tpu.dma_semaphore, #tpu.memory_space<semaphore_mem>>, %arg15: memref<!tpu.dma_semaphore, #tpu.memory_space<semaphore_mem>>, %arg16: memref<!tpu.dma_semaphore, #tpu.memory_space<semaphore_mem>>, %arg17: memref<!tpu.dma_semaphore, #tpu.memory_space<semaphore_mem>>, %arg18: memref<!tpu.dma_semaphore, #tpu.memory_space<semaphore_mem>>, %arg19: memref<!tpu.dma_semaphore, #tpu.memory_space<semaphore_mem>>, %arg20: memref<!tpu.dma_semaphore, #tpu.memory_space<semaphore_mem>>) attributes {dimension_semantics = [#tpu.dimension_semantics<core_parallel>, #tpu.dimension_semantics<subcore_parallel>], iteration_bounds = array<i64: 2, 16>, scalar_prefetch = 0 : i64, scratch_operands = 16 : i64, tpu.core_type = #tpu.core_type<sc_vector_subcore>, window_params = [{transform_indices = #map}, {transform_indices = #map1}, {transform_indices = #map1}]} {
    %mul3A = arith.constant 16 : i32
    %mul3A_0 = arith.muli %arg0, %mul3A : i32
    %add3A = arith.addi %mul3A_0, %arg1 : i32
    %broadcast_in_dim3A = arith.constant 1.000000e+00 : f32
    %broadcast_in_dim3A_1 = vector.broadcast %broadcast_in_dim3A : f32 to vector<16xf32>
    %scan3A = arith.constant 0 : i32
    %scan3A_2 = arith.constant 320 : i32
    %scan3A_3 = arith.addi %scan3A, %scan3A_2 : i32
    %scan3A_4 = arith.constant 1 : i32
    scf.for %scan3A_749 = %scan3A to %scan3A_3 step %scan3A_4  : i32 {
      %mul3A_750 = arith.constant 16 : i32
      %mul3A_751 = arith.muli %scan3A_749, %mul3A_750 : i32
      %swap3A = arith.index_cast %mul3A_751 : i32 to index
      %swap3A_752 = tpu.vector_load %arg10[%swap3A] {strides = array<i32>} : memref<5120xf32, #tpu.memory_space<vmem>>, vector<16xf32>,
      %swap3A_753 = vector.shape_cast %swap3A_752 : vector<16xf32> to vector<16xf32>
      %swap3A_754 = vector.shape_cast %broadcast_in_dim3A_1 : vector<16xf32> to vector<16xf32>
      tpu.vector_store %arg10[%swap3A], %swap3A_754 {strides = array<i32>} : memref<5120xf32, #tpu.memory_space<vmem>>, vector<16xf32>,
    }
    %scan3A_5 = arith.constant 320 : i32
    %broadcast_in_dim3A_6 = arith.constant 0.000000e+00 : f32
    %broadcast_in_dim3A_7 = vector.broadcast %broadcast_in_dim3A_6 : f32 to vector<16xf32>
    %scan3A_8 = arith.constant 0 : i32
    %scan3A_9 = arith.constant 400 : i32
    %scan3A_10 = arith.addi %scan3A_8, %scan3A_9 : i32
    %scan3A_11 = arith.constant 1 : i32
    scf.for %scan3A_749 = %scan3A_8 to %scan3A_10 step %scan3A_11  : i32 {
      %mul3A_750 = arith.constant 16 : i32
      %mul3A_751 = arith.muli %scan3A_749, %mul3A_750 : i32
      %swap3A = arith.index_cast %mul3A_751 : i32 to index
      %swap3A_752 = tpu.vector_load %arg11[%swap3A] {strides = array<i32>} : memref<6400xf32, #tpu.memory_space<vmem>>, vector<16xf32>,
      %swap3A_753 = vector.shape_cast %swap3A_752 : vector<16xf32> to vector<16xf32>
      %swap3A_754 = vector.shape_cast %broadcast_in_dim3A_7 : vector<16xf32> to vector<16xf32>
      tpu.vector_store %arg11[%swap3A], %swap3A_754 {strides = array<i32>} : memref<6400xf32, #tpu.memory_space<vmem>>, vector<16xf32>,
    }
    %scan3A_12 = arith.constant 400 : i32
    %mul3A_13 = arith.constant 6400 : i32
    %mul3A_14 = arith.muli %arg1, %mul3A_13 : i32
    "tpu.region"() ({
      %run_scoped3A = tpu.sem_alloc : memref<!tpu.dma_semaphore, #tpu.memory_space<semaphore_mem>>
      %dma_start3A_749 = tpu.memref_slice %arg5[%mul3A_14] : memref<102400xf32, #tpu.memory_space<vmem_shared>> -> memref<6400xf32, #tpu.memory_space<vmem_shared>>
      %dma_start3A_750 = tpu.memref_slice %arg5[%mul3A_14] : memref<102400xf32, #tpu.memory_space<vmem_shared>> -> memref<6400xf32, #tpu.memory_space<vmem_shared>>
      tpu.enqueue_dma source(%arg11 : memref<6400xf32, #tpu.memory_space<vmem>>) target(%dma_start3A_750 : memref<6400xf32, #tpu.memory_space<vmem_shared>>) target_semaphore(%run_scoped3A : memref<!tpu.dma_semaphore, #tpu.memory_space<semaphore_mem>>)
      %dma_wait3A_751 = tpu.memref_slice %arg5[%mul3A_14] : memref<102400xf32, #tpu.memory_space<vmem_shared>> -> memref<6400xf32, #tpu.memory_space<vmem_shared>>
      %dma_wait3A_752 = tpu.memref_slice %arg5[%mul3A_14] : memref<102400xf32, #tpu.memory_space<vmem_shared>> -> memref<6400xf32, #tpu.memory_space<vmem_shared>>
      tpu.wait_dma2 semaphore(%run_scoped3A : memref<!tpu.dma_semaphore, #tpu.memory_space<semaphore_mem>>) src(%arg11 : memref<6400xf32, #tpu.memory_space<vmem>>) dst(%dma_wait3A_752 : memref<6400xf32, #tpu.memory_space<vmem_shared>>)
      tpu.yield
    }) : () -> ()
    %barrier3A = arith.constant 0 : index
    tpu.barrier barrier_id(%barrier3A)
    %add3A_15 = arith.constant 0 : i32
    %add3A_16 = arith.addi %add3A_15, %add3A : i32
    %mul3A_17 = arith.constant 5120 : i32
    %mul3A_18 = arith.muli %add3A_16, %mul3A_17 : i32
    %dma_start3A = arith.constant 0 : i32
    %dma_start3A_19 = arith.constant 0 : i32
    %dma_start3A_20 = arith.constant 0 : i32
    %dma_start3A_21 = tpu.memref_slice %arg6[%arg1, %dma_start3A, %dma_start3A_19, %dma_start3A_20] : memref<16x3x2x5120xi32, #tpu.memory_space<vmem_shared>> -> memref<1x1x2x5120xi32, #tpu.memory_space<vmem_shared>>
    %dma_start3A_22 = tpu.memref_squeeze %dma_start3A_21 : memref<1x1x2x5120xi32, #tpu.memory_space<vmem_shared>> -> memref<2x5120xi32, #tpu.memory_space<vmem_shared>>
    %dma_start3A_23 = arith.constant 0 : i32
    %dma_start3A_24 = tpu.memref_slice %arg2[%dma_start3A_23, %mul3A_18] : memref<2x3200000xi32, #tpu.memory_space<hbm>> -> memref<2x5120xi32, #tpu.memory_space<hbm>>
    tpu.enqueue_dma source(%dma_start3A_24 : memref<2x5120xi32, #tpu.memory_space<hbm>>) target(%dma_start3A_22 : memref<2x5120xi32, #tpu.memory_space<vmem_shared>>) target_semaphore(%arg12 : memref<!tpu.dma_semaphore, #tpu.memory_space<semaphore_mem>>)
    %add3A_25 = arith.constant 32 : i32
    %add3A_26 = arith.addi %add3A_25, %add3A : i32
    %mul3A_27 = arith.constant 5120 : i32
    %mul3A_28 = arith.muli %add3A_26, %mul3A_27 : i32
    %dma_start3A_29 = arith.constant 1 : i32
    %dma_start3A_30 = arith.constant 0 : i32
    %dma_start3A_31 = arith.constant 0 : i32
    %dma_start3A_32 = tpu.memref_slice %arg6[%arg1, %dma_start3A_29, %dma_start3A_30, %dma_start3A_31] : memref<16x3x2x5120xi32, #tpu.memory_space<vmem_shared>> -> memref<1x1x2x5120xi32, #tpu.memory_space<vmem_shared>>
    %dma_start3A_33 = tpu.memref_squeeze %dma_start3A_32 : memref<1x1x2x5120xi32, #tpu.memory_space<vmem_shared>> -> memref<2x5120xi32, #tpu.memory_space<vmem_shared>>
    %dma_start3A_34 = arith.constant 0 : i32
    %dma_start3A_35 = tpu.memref_slice %arg2[%dma_start3A_34, %mul3A_28] : memref<2x3200000xi32, #tpu.memory_space<hbm>> -> memref<2x5120xi32, #tpu.memory_space<hbm>>
    tpu.enqueue_dma source(%dma_start3A_35 : memref<2x5120xi32, #tpu.memory_space<hbm>>) target(%dma_start3A_33 : memref<2x5120xi32, #tpu.memory_space<vmem_shared>>) target_semaphore(%arg13 : memref<!tpu.dma_semaphore, #tpu.memory_space<semaphore_mem>>)
    %dma_wait3A = arith.constant 0 : i32
    %dma_wait3A_36 = arith.constant 0 : i32
    %dma_wait3A_37 = arith.constant 0 : i32
    %dma_wait3A_38 = tpu.memref_slice %arg6[%arg1, %dma_wait3A, %dma_wait3A_36, %dma_wait3A_37] : memref<16x3x2x5120xi32, #tpu.memory_space<vmem_shared>> -> memref<1x1x2x5120xi32, #tpu.memory_space<vmem_shared>>
    %dma_wait3A_39 = tpu.memref_squeeze %dma_wait3A_38 : memref<1x1x2x5120xi32, #tpu.memory_space<vmem_shared>> -> memref<2x5120xi32, #tpu.memory_space<vmem_shared>>
    %dma_wait3A_40 = arith.constant 0 : i32
    %dma_wait3A_41 = tpu.memref_slice %arg2[%dma_wait3A_40, %mul3A_18] : memref<2x3200000xi32, #tpu.memory_space<hbm>> -> memref<2x5120xi32, #tpu.memory_space<hbm>>
    tpu.wait_dma2 semaphore(%arg12 : memref<!tpu.dma_semaphore, #tpu.memory_space<semaphore_mem>>) src(%dma_wait3A_41 : memref<2x5120xi32, #tpu.memory_space<hbm>>) dst(%dma_wait3A_39 : memref<2x5120xi32, #tpu.memory_space<vmem_shared>>)
    %dma_start3A_42 = arith.constant 0 : i32
    %dma_start3A_43 = arith.constant 1 : i32
    %dma_start3A_44 = arith.constant 0 : i32
    %dma_start3A_45 = tpu.memref_slice %arg6[%arg1, %dma_start3A_42, %dma_start3A_43, %dma_start3A_44] : memref<16x3x2x5120xi32, #tpu.memory_space<vmem_shared>> -> memref<1x1x1x5120xi32, #tpu.memory_space<vmem_shared>>
    %dma_start3A_46 = tpu.memref_squeeze %dma_start3A_45 : memref<1x1x1x5120xi32, #tpu.memory_space<vmem_shared>> -> memref<5120xi32, #tpu.memory_space<vmem_shared>>
    %dma_start3A_47 = arith.constant 0 : i32
    %dma_start3A_48 = tpu.memref_slice %arg6[%arg1, %dma_start3A_42, %dma_start3A_43, %dma_start3A_47] : memref<16x3x2x5120xi32, #tpu.memory_space<vmem_shared>> -> memref<1x1x1x5120xi32, #tpu.memory_space<vmem_shared>>
    %dma_start3A_49 = tpu.memref_squeeze %dma_start3A_48 : memref<1x1x1x5120xi32, #tpu.memory_space<vmem_shared>> -> memref<5120xi32, #tpu.memory_space<vmem_shared>>
    tpu.enqueue_dma source(%dma_start3A_49 : memref<5120xi32, #tpu.memory_space<vmem_shared>>) target(%arg7 : memref<5120xi32, #tpu.memory_space<vmem>>) target_semaphore(%arg15 : memref<!tpu.dma_semaphore, #tpu.memory_space<semaphore_mem>>)
    %add3A_50 = arith.constant 64 : i32
    %add3A_51 = arith.addi %add3A_50, %add3A : i32
    %mul3A_52 = arith.constant 5120 : i32
    %mul3A_53 = arith.muli %add3A_51, %mul3A_52 : i32
    %dma_start3A_54 = arith.constant 2 : i32
    %dma_start3A_55 = arith.constant 0 : i32
    %dma_start3A_56 = arith.constant 0 : i32
    %dma_start3A_57 = tpu.memref_slice %arg6[%arg1, %dma_start3A_54, %dma_start3A_55, %dma_start3A_56] : memref<16x3x2x5120xi32, #tpu.memory_space<vmem_shared>> -> memref<1x1x2x5120xi32, #tpu.memory_space<vmem_shared>>
    %dma_start3A_58 = tpu.memref_squeeze %dma_start3A_57 : memref<1x1x2x5120xi32, #tpu.memory_space<vmem_shared>> -> memref<2x5120xi32, #tpu.memory_space<vmem_shared>>
    %dma_start3A_59 = arith.constant 0 : i32
    %dma_start3A_60 = tpu.memref_slice %arg2[%dma_start3A_59, %mul3A_53] : memref<2x3200000xi32, #tpu.memory_space<hbm>> -> memref<2x5120xi32, #tpu.memory_space<hbm>>
    tpu.enqueue_dma source(%dma_start3A_60 : memref<2x5120xi32, #tpu.memory_space<hbm>>) target(%dma_start3A_58 : memref<2x5120xi32, #tpu.memory_space<vmem_shared>>) target_semaphore(%arg14 : memref<!tpu.dma_semaphore, #tpu.memory_space<semaphore_mem>>)
    %dma_wait3A_61 = arith.constant 0 : i32
    %dma_wait3A_62 = arith.constant 1 : i32
    %dma_wait3A_63 = arith.constant 0 : i32
    %dma_wait3A_64 = tpu.memref_slice %arg6[%arg1, %dma_wait3A_61, %dma_wait3A_62, %dma_wait3A_63] : memref<16x3x2x5120xi32, #tpu.memory_space<vmem_shared>> -> memref<1x1x1x5120xi32, #tpu.memory_space<vmem_shared>>
    %dma_wait3A_65 = tpu.memref_squeeze %dma_wait3A_64 : memref<1x1x1x5120xi32, #tpu.memory_space<vmem_shared>> -> memref<5120xi32, #tpu.memory_space<vmem_shared>>
    %dma_wait3A_66 = arith.constant 0 : i32
    %dma_wait3A_67 = tpu.memref_slice %arg6[%arg1, %dma_wait3A_61, %dma_wait3A_62, %dma_wait3A_66] : memref<16x3x2x5120xi32, #tpu.memory_space<vmem_shared>> -> memref<1x1x1x5120xi32, #tpu.memory_space<vmem_shared>>
    %dma_wait3A_68 = tpu.memref_squeeze %dma_wait3A_67 : memref<1x1x1x5120xi32, #tpu.memory_space<vmem_shared>> -> memref<5120xi32, #tpu.memory_space<vmem_shared>>
    tpu.wait_dma2 semaphore(%arg15 : memref<!tpu.dma_semaphore, #tpu.memory_space<semaphore_mem>>) src(%dma_wait3A_68 : memref<5120xi32, #tpu.memory_space<vmem_shared>>) dst(%arg7 : memref<5120xi32, #tpu.memory_space<vmem>>)
    %dma_start3A_69 = arith.constant 0 : i32
    %dma_start3A_70 = tpu.memref_slice %arg5[%dma_start3A_69] : memref<102400xf32, #tpu.memory_space<vmem_shared>> -> memref<102400xf32, #tpu.memory_space<vmem_shared>>
    tpu.enqueue_indirect_dma source(%arg10 : memref<5120xf32, #tpu.memory_space<vmem>>) target(%dma_start3A_70 : memref<102400xf32, #tpu.memory_space<vmem_shared>>) offsets(%arg7 : memref<5120xi32, #tpu.memory_space<vmem>>) semaphore(%arg18 : memref<!tpu.dma_semaphore, #tpu.memory_space<semaphore_mem>>) {add = true}
    %dma_wait3A_71 = arith.constant 1 : i32
    %dma_wait3A_72 = arith.constant 0 : i32
    %dma_wait3A_73 = arith.constant 0 : i32
    %dma_wait3A_74 = tpu.memref_slice %arg6[%arg1, %dma_wait3A_71, %dma_wait3A_72, %dma_wait3A_73] : memref<16x3x2x5120xi32, #tpu.memory_space<vmem_shared>> -> memref<1x1x2x5120xi32, #tpu.memory_space<vmem_shared>>
    %dma_wait3A_75 = tpu.memref_squeeze %dma_wait3A_74 : memref<1x1x2x5120xi32, #tpu.memory_space<vmem_shared>> -> memref<2x5120xi32, #tpu.memory_space<vmem_shared>>
    %dma_wait3A_76 = arith.constant 0 : i32
    %dma_wait3A_77 = tpu.memref_slice %arg2[%dma_wait3A_76, %mul3A_28] : memref<2x3200000xi32, #tpu.memory_space<hbm>> -> memref<2x5120xi32, #tpu.memory_space<hbm>>
    tpu.wait_dma2 semaphore(%arg13 : memref<!tpu.dma_semaphore, #tpu.memory_space<semaphore_mem>>) src(%dma_wait3A_77 : memref<2x5120xi32, #tpu.memory_space<hbm>>) dst(%dma_wait3A_75 : memref<2x5120xi32, #tpu.memory_space<vmem_shared>>)
    %dma_start3A_78 = arith.constant 1 : i32
    %dma_start3A_79 = arith.constant 1 : i32
    %dma_start3A_80 = arith.constant 0 : i32
    %dma_start3A_81 = tpu.memref_slice %arg6[%arg1, %dma_start3A_78, %dma_start3A_79, %dma_start3A_80] : memref<16x3x2x5120xi32, #tpu.memory_space<vmem_shared>> -> memref<1x1x1x5120xi32, #tpu.memory_space<vmem_shared>>
    %dma_start3A_82 = tpu.memref_squeeze %dma_start3A_81 : memref<1x1x1x5120xi32, #tpu.memory_space<vmem_shared>> -> memref<5120xi32, #tpu.memory_space<vmem_shared>>
    %dma_start3A_83 = arith.constant 0 : i32
    %dma_start3A_84 = tpu.memref_slice %arg6[%arg1, %dma_start3A_78, %dma_start3A_79, %dma_start3A_83] : memref<16x3x2x5120xi32, #tpu.memory_space<vmem_shared>> -> memref<1x1x1x5120xi32, #tpu.memory_space<vmem_shared>>
    %dma_start3A_85 = tpu.memref_squeeze %dma_start3A_84 : memref<1x1x1x5120xi32, #tpu.memory_space<vmem_shared>> -> memref<5120xi32, #tpu.memory_space<vmem_shared>>
    tpu.enqueue_dma source(%dma_start3A_85 : memref<5120xi32, #tpu.memory_space<vmem_shared>>) target(%arg8 : memref<5120xi32, #tpu.memory_space<vmem>>) target_semaphore(%arg16 : memref<!tpu.dma_semaphore, #tpu.memory_space<semaphore_mem>>)
    %add3A_86 = arith.constant 96 : i32
    %add3A_87 = arith.addi %add3A_86, %add3A : i32
    %mul3A_88 = arith.constant 5120 : i32
    %mul3A_89 = arith.muli %add3A_87, %mul3A_88 : i32
    %dma_start3A_90 = arith.constant 0 : i32
    %dma_start3A_91 = arith.constant 0 : i32
    %dma_start3A_92 = arith.constant 0 : i32
    %dma_start3A_93 = tpu.memref_slice %arg6[%arg1, %dma_start3A_90, %dma_start3A_91, %dma_start3A_92] : memref<16x3x2x5120xi32, #tpu.memory_space<vmem_shared>> -> memref<1x1x2x5120xi32, #tpu.memory_space<vmem_shared>>
    %dma_start3A_94 = tpu.memref_squeeze %dma_start3A_93 : memref<1x1x2x5120xi32, #tpu.memory_space<vmem_shared>> -> memref<2x5120xi32, #tpu.memory_space<vmem_shared>>
    %dma_start3A_95 = arith.constant 0 : i32
    %dma_start3A_96 = tpu.memref_slice %arg2[%dma_start3A_95, %mul3A_89] : memref<2x3200000xi32, #tpu.memory_space<hbm>> -> memref<2x5120xi32, #tpu.memory_space<hbm>>
    tpu.enqueue_dma source(%dma_start3A_96 : memref<2x5120xi32, #tpu.memory_space<hbm>>) target(%dma_start3A_94 : memref<2x5120xi32, #tpu.memory_space<vmem_shared>>) target_semaphore(%arg12 : memref<!tpu.dma_semaphore, #tpu.memory_space<semaphore_mem>>)
    %dma_wait3A_97 = arith.constant 1 : i32
    %dma_wait3A_98 = arith.constant 1 : i32
    %dma_wait3A_99 = arith.constant 0 : i32
    %dma_wait3A_100 = tpu.memref_slice %arg6[%arg1, %dma_wait3A_97, %dma_wait3A_98, %dma_wait3A_99] : memref<16x3x2x5120xi32, #tpu.memory_space<vmem_shared>> -> memref<1x1x1x5120xi32, #tpu.memory_space<vmem_shared>>
    %dma_wait3A_101 = tpu.memref_squeeze %dma_wait3A_100 : memref<1x1x1x5120xi32, #tpu.memory_space<vmem_shared>> -> memref<5120xi32, #tpu.memory_space<vmem_shared>>
    %dma_wait3A_102 = arith.constant 0 : i32
    %dma_wait3A_103 = tpu.memref_slice %arg6[%arg1, %dma_wait3A_97, %dma_wait3A_98, %dma_wait3A_102] : memref<16x3x2x5120xi32, #tpu.memory_space<vmem_shared>> -> memref<1x1x1x5120xi32, #tpu.memory_space<vmem_shared>>
    %dma_wait3A_104 = tpu.memref_squeeze %dma_wait3A_103 : memref<1x1x1x5120xi32, #tpu.memory_space<vmem_shared>> -> memref<5120xi32, #tpu.memory_space<vmem_shared>>
    tpu.wait_dma2 semaphore(%arg16 : memref<!tpu.dma_semaphore, #tpu.memory_space<semaphore_mem>>) src(%dma_wait3A_104 : memref<5120xi32, #tpu.memory_space<vmem_shared>>) dst(%arg8 : memref<5120xi32, #tpu.memory_space<vmem>>)
    %dma_start3A_105 = arith.constant 0 : i32
    %dma_start3A_106 = tpu.memref_slice %arg5[%dma_start3A_105] : memref<102400xf32, #tpu.memory_space<vmem_shared>> -> memref<102400xf32, #tpu.memory_space<vmem_shared>>
    tpu.enqueue_indirect_dma source(%arg10 : memref<5120xf32, #tpu.memory_space<vmem>>) target(%dma_start3A_106 : memref<102400xf32, #tpu.memory_space<vmem_shared>>) offsets(%arg8 : memref<5120xi32, #tpu.memory_space<vmem>>) semaphore(%arg19 : memref<!tpu.dma_semaphore, #tpu.memory_space<semaphore_mem>>) {add = true}
    %dma_wait3A_107 = arith.constant 2 : i32
    %dma_wait3A_108 = arith.constant 0 : i32
    %dma_wait3A_109 = arith.constant 0 : i32
    %dma_wait3A_110 = tpu.memref_slice %arg6[%arg1, %dma_wait3A_107, %dma_wait3A_108, %dma_wait3A_109] : memref<16x3x2x5120xi32, #tpu.memory_space<vmem_shared>> -> memref<1x1x2x5120xi32, #tpu.memory_space<vmem_shared>>
    %dma_wait3A_111 = tpu.memref_squeeze %dma_wait3A_110 : memref<1x1x2x5120xi32, #tpu.memory_space<vmem_shared>> -> memref<2x5120xi32, #tpu.memory_space<vmem_shared>>
    %dma_wait3A_112 = arith.constant 0 : i32
    %dma_wait3A_113 = tpu.memref_slice %arg2[%dma_wait3A_112, %mul3A_53] : memref<2x3200000xi32, #tpu.memory_space<hbm>> -> memref<2x5120xi32, #tpu.memory_space<hbm>>
    tpu.wait_dma2 semaphore(%arg14 : memref<!tpu.dma_semaphore, #tpu.memory_space<semaphore_mem>>) src(%dma_wait3A_113 : memref<2x5120xi32, #tpu.memory_space<hbm>>) dst(%dma_wait3A_111 : memref<2x5120xi32, #tpu.memory_space<vmem_shared>>)
    %dma_start3A_114 = arith.constant 2 : i32
    %dma_start3A_115 = arith.constant 1 : i32
    %dma_start3A_116 = arith.constant 0 : i32
    %dma_start3A_117 = tpu.memref_slice %arg6[%arg1, %dma_start3A_114, %dma_start3A_115, %dma_start3A_116] : memref<16x3x2x5120xi32, #tpu.memory_space<vmem_shared>> -> memref<1x1x1x5120xi32, #tpu.memory_space<vmem_shared>>
    %dma_start3A_118 = tpu.memref_squeeze %dma_start3A_117 : memref<1x1x1x5120xi32, #tpu.memory_space<vmem_shared>> -> memref<5120xi32, #tpu.memory_space<vmem_shared>>
    %dma_start3A_119 = arith.constant 0 : i32
    %dma_start3A_120 = tpu.memref_slice %arg6[%arg1, %dma_start3A_114, %dma_start3A_115, %dma_start3A_119] : memref<16x3x2x5120xi32, #tpu.memory_space<vmem_shared>> -> memref<1x1x1x5120xi32, #tpu.memory_space<vmem_shared>>
    %dma_start3A_121 = tpu.memref_squeeze %dma_start3A_120 : memref<1x1x1x5120xi32, #tpu.memory_space<vmem_shared>> -> memref<5120xi32, #tpu.memory_space<vmem_shared>>
    tpu.enqueue_dma source(%dma_start3A_121 : memref<5120xi32, #tpu.memory_space<vmem_shared>>) target(%arg9 : memref<5120xi32, #tpu.memory_space<vmem>>) target_semaphore(%arg17 : memref<!tpu.dma_semaphore, #tpu.memory_space<semaphore_mem>>)
    %add3A_122 = arith.constant 128 : i32
    %add3A_123 = arith.addi %add3A_122, %add3A : i32
    %mul3A_124 = arith.constant 5120 : i32
    %mul3A_125 = arith.muli %add3A_123, %mul3A_124 : i32
    %dma_start3A_126 = arith.constant 1 : i32
    %dma_start3A_127 = arith.constant 0 : i32
    %dma_start3A_128 = arith.constant 0 : i32
    %dma_start3A_129 = tpu.memref_slice %arg6[%arg1, %dma_start3A_126, %dma_start3A_127, %dma_start3A_128] : memref<16x3x2x5120xi32, #tpu.memory_space<vmem_shared>> -> memref<1x1x2x5120xi32, #tpu.memory_space<vmem_shared>>
    %dma_start3A_130 = tpu.memref_squeeze %dma_start3A_129 : memref<1x1x2x5120xi32, #tpu.memory_space<vmem_shared>> -> memref<2x5120xi32, #tpu.memory_space<vmem_shared>>
    %dma_start3A_131 = arith.constant 0 : i32
    %dma_start3A_132 = tpu.memref_slice %arg2[%dma_start3A_131, %mul3A_125] : memref<2x3200000xi32, #tpu.memory_space<hbm>> -> memref<2x5120xi32, #tpu.memory_space<hbm>>
    tpu.enqueue_dma source(%dma_start3A_132 : memref<2x5120xi32, #tpu.memory_space<hbm>>) target(%dma_start3A_130 : memref<2x5120xi32, #tpu.memory_space<vmem_shared>>) target_semaphore(%arg13 : memref<!tpu.dma_semaphore, #tpu.memory_space<semaphore_mem>>)
    %dma_wait3A_133 = arith.constant 2 : i32
    %dma_wait3A_134 = arith.constant 1 : i32
    %dma_wait3A_135 = arith.constant 0 : i32
    %dma_wait3A_136 = tpu.memref_slice %arg6[%arg1, %dma_wait3A_133, %dma_wait3A_134, %dma_wait3A_135] : memref<16x3x2x5120xi32, #tpu.memory_space<vmem_shared>> -> memref<1x1x1x5120xi32, #tpu.memory_space<vmem_shared>>
    %dma_wait3A_137 = tpu.memref_squeeze %dma_wait3A_136 : memref<1x1x1x5120xi32, #tpu.memory_space<vmem_shared>> -> memref<5120xi32, #tpu.memory_space<vmem_shared>>
    %dma_wait3A_138 = arith.constant 0 : i32
    %dma_wait3A_139 = tpu.memref_slice %arg6[%arg1, %dma_wait3A_133, %dma_wait3A_134, %dma_wait3A_138] : memref<16x3x2x5120xi32, #tpu.memory_space<vmem_shared>> -> memref<1x1x1x5120xi32, #tpu.memory_space<vmem_shared>>
    %dma_wait3A_140 = tpu.memref_squeeze %dma_wait3A_139 : memref<1x1x1x5120xi32, #tpu.memory_space<vmem_shared>> -> memref<5120xi32, #tpu.memory_space<vmem_shared>>
    tpu.wait_dma2 semaphore(%arg17 : memref<!tpu.dma_semaphore, #tpu.memory_space<semaphore_mem>>) src(%dma_wait3A_140 : memref<5120xi32, #tpu.memory_space<vmem_shared>>) dst(%arg9 : memref<5120xi32, #tpu.memory_space<vmem>>)
    %dma_start3A_141 = arith.constant 0 : i32
    %dma_start3A_142 = tpu.memref_slice %arg5[%dma_start3A_141] : memref<102400xf32, #tpu.memory_space<vmem_shared>> -> memref<102400xf32, #tpu.memory_space<vmem_shared>>
    tpu.enqueue_indirect_dma source(%arg10 : memref<5120xf32, #tpu.memory_space<vmem>>) target(%dma_start3A_142 : memref<102400xf32, #tpu.memory_space<vmem_shared>>) offsets(%arg9 : memref<5120xi32, #tpu.memory_space<vmem>>) semaphore(%arg20 : memref<!tpu.dma_semaphore, #tpu.memory_space<semaphore_mem>>) {add = true}
    %dma_wait3A_143 = arith.constant 0 : i32
    %dma_wait3A_144 = tpu.memref_slice %arg5[%dma_wait3A_143] : memref<102400xf32, #tpu.memory_space<vmem_shared>> -> memref<102400xf32, #tpu.memory_space<vmem_shared>>
    tpu.wait_indirect_dma semaphore(%arg18 : memref<!tpu.dma_semaphore, #tpu.memory_space<semaphore_mem>>) src(%arg10 : memref<5120xf32, #tpu.memory_space<vmem>>) dst(%dma_wait3A_144 : memref<102400xf32, #tpu.memory_space<vmem_shared>>)
    %dma_wait3A_145 = arith.constant 0 : i32
    %dma_wait3A_146 = arith.constant 0 : i32
    %dma_wait3A_147 = arith.constant 0 : i32
    %dma_wait3A_148 = tpu.memref_slice %arg6[%arg1, %dma_wait3A_145, %dma_wait3A_146, %dma_wait3A_147] : memref<16x3x2x5120xi32, #tpu.memory_space<vmem_shared>> -> memref<1x1x2x5120xi32, #tpu.memory_space<vmem_shared>>
    %dma_wait3A_149 = tpu.memref_squeeze %dma_wait3A_148 : memref<1x1x2x5120xi32, #tpu.memory_space<vmem_shared>> -> memref<2x5120xi32, #tpu.memory_space<vmem_shared>>
    %dma_wait3A_150 = arith.constant 0 : i32
    %dma_wait3A_151 = tpu.memref_slice %arg2[%dma_wait3A_150, %mul3A_89] : memref<2x3200000xi32, #tpu.memory_space<hbm>> -> memref<2x5120xi32, #tpu.memory_space<hbm>>
    tpu.wait_dma2 semaphore(%arg12 : memref<!tpu.dma_semaphore, #tpu.memory_space<semaphore_mem>>) src(%dma_wait3A_151 : memref<2x5120xi32, #tpu.memory_space<hbm>>) dst(%dma_wait3A_149 : memref<2x5120xi32, #tpu.memory_space<vmem_shared>>)
    %dma_start3A_152 = arith.constant 0 : i32
    %dma_start3A_153 = arith.constant 1 : i32
    %dma_start3A_154 = arith.constant 0 : i32
    %dma_start3A_155 = tpu.memref_slice %arg6[%arg1, %dma_start3A_152, %dma_start3A_153, %dma_start3A_154] : memref<16x3x2x5120xi32, #tpu.memory_space<vmem_shared>> -> memref<1x1x1x5120xi32, #tpu.memory_space<vmem_shared>>
    %dma_start3A_156 = tpu.memref_squeeze %dma_start3A_155 : memref<1x1x1x5120xi32, #tpu.memory_space<vmem_shared>> -> memref<5120xi32, #tpu.memory_space<vmem_shared>>
    %dma_start3A_157 = arith.constant 0 : i32
    %dma_start3A_158 = tpu.memref_slice %arg6[%arg1, %dma_start3A_152, %dma_start3A_153, %dma_start3A_157] : memref<16x3x2x5120xi32, #tpu.memory_space<vmem_shared>> -> memref<1x1x1x5120xi32, #tpu.memory_space<vmem_shared>>
    %dma_start3A_159 = tpu.memref_squeeze %dma_start3A_158 : memref<1x1x1x5120xi32, #tpu.memory_space<vmem_shared>> -> memref<5120xi32, #tpu.memory_space<vmem_shared>>
    tpu.enqueue_dma source(%dma_start3A_159 : memref<5120xi32, #tpu.memory_space<vmem_shared>>) target(%arg7 : memref<5120xi32, #tpu.memory_space<vmem>>) target_semaphore(%arg15 : memref<!tpu.dma_semaphore, #tpu.memory_space<semaphore_mem>>)
    %add3A_160 = arith.constant 160 : i32
    %add3A_161 = arith.addi %add3A_160, %add3A : i32
    %mul3A_162 = arith.constant 5120 : i32
    %mul3A_163 = arith.muli %add3A_161, %mul3A_162 : i32
    %dma_start3A_164 = arith.constant 2 : i32
    %dma_start3A_165 = arith.constant 0 : i32
    %dma_start3A_166 = arith.constant 0 : i32
    %dma_start3A_167 = tpu.memref_slice %arg6[%arg1, %dma_start3A_164, %dma_start3A_165, %dma_start3A_166] : memref<16x3x2x5120xi32, #tpu.memory_space<vmem_shared>> -> memref<1x1x2x5120xi32, #tpu.memory_space<vmem_shared>>
    %dma_start3A_168 = tpu.memref_squeeze %dma_start3A_167 : memref<1x1x2x5120xi32, #tpu.memory_space<vmem_shared>> -> memref<2x5120xi32, #tpu.memory_space<vmem_shared>>
    %dma_start3A_169 = arith.constant 0 : i32
    %dma_start3A_170 = tpu.memref_slice %arg2[%dma_start3A_169, %mul3A_163] : memref<2x3200000xi32, #tpu.memory_space<hbm>> -> memref<2x5120xi32, #tpu.memory_space<hbm>>
    tpu.enqueue_dma source(%dma_start3A_170 : memref<2x5120xi32, #tpu.memory_space<hbm>>) target(%dma_start3A_168 : memref<2x5120xi32, #tpu.memory_space<vmem_shared>>) target_semaphore(%arg14 : memref<!tpu.dma_semaphore, #tpu.memory_space<semaphore_mem>>)
    %dma_wait3A_171 = arith.constant 0 : i32
    %dma_wait3A_172 = arith.constant 1 : i32
    %dma_wait3A_173 = arith.constant 0 : i32
    %dma_wait3A_174 = tpu.memref_slice %arg6[%arg1, %dma_wait3A_171, %dma_wait3A_172, %dma_wait3A_173] : memref<16x3x2x5120xi32, #tpu.memory_space<vmem_shared>> -> memref<1x1x1x5120xi32, #tpu.memory_space<vmem_shared>>
    %dma_wait3A_175 = tpu.memref_squeeze %dma_wait3A_174 : memref<1x1x1x5120xi32, #tpu.memory_space<vmem_shared>> -> memref<5120xi32, #tpu.memory_space<vmem_shared>>
    %dma_wait3A_176 = arith.constant 0 : i32
    %dma_wait3A_177 = tpu.memref_slice %arg6[%arg1, %dma_wait3A_171, %dma_wait3A_172, %dma_wait3A_176] : memref<16x3x2x5120xi32, #tpu.memory_space<vmem_shared>> -> memref<1x1x1x5120xi32, #tpu.memory_space<vmem_shared>>
    %dma_wait3A_178 = tpu.memref_squeeze %dma_wait3A_177 : memref<1x1x1x5120xi32, #tpu.memory_space<vmem_shared>> -> memref<5120xi32, #tpu.memory_space<vmem_shared>>
    tpu.wait_dma2 semaphore(%arg15 : memref<!tpu.dma_semaphore, #tpu.memory_space<semaphore_mem>>) src(%dma_wait3A_178 : memref<5120xi32, #tpu.memory_space<vmem_shared>>) dst(%arg7 : memref<5120xi32, #tpu.memory_space<vmem>>)
    %dma_start3A_179 = arith.constant 0 : i32
    %dma_start3A_180 = tpu.memref_slice %arg5[%dma_start3A_179] : memref<102400xf32, #tpu.memory_space<vmem_shared>> -> memref<102400xf32, #tpu.memory_space<vmem_shared>>
    tpu.enqueue_indirect_dma source(%arg10 : memref<5120xf32, #tpu.memory_space<vmem>>) target(%dma_start3A_180 : memref<102400xf32, #tpu.memory_space<vmem_shared>>) offsets(%arg7 : memref<5120xi32, #tpu.memory_space<vmem>>) semaphore(%arg18 : memref<!tpu.dma_semaphore, #tpu.memory_space<semaphore_mem>>) {add = true}
    %dma_wait3A_181 = arith.constant 0 : i32
    %dma_wait3A_182 = tpu.memref_slice %arg5[%dma_wait3A_181] : memref<102400xf32, #tpu.memory_space<vmem_shared>> -> memref<102400xf32, #tpu.memory_space<vmem_shared>>
    tpu.wait_indirect_dma semaphore(%arg19 : memref<!tpu.dma_semaphore, #tpu.memory_space<semaphore_mem>>) src(%arg10 : memref<5120xf32, #tpu.memory_space<vmem>>) dst(%dma_wait3A_182 : memref<102400xf32, #tpu.memory_space<vmem_shared>>)
    %dma_wait3A_183 = arith.constant 1 : i32
    %dma_wait3A_184 = arith.constant 0 : i32
    %dma_wait3A_185 = arith.constant 0 : i32
    %dma_wait3A_186 = tpu.memref_slice %arg6[%arg1, %dma_wait3A_183, %dma_wait3A_184, %dma_wait3A_185] : memref<16x3x2x5120xi32, #tpu.memory_space<vmem_shared>> -> memref<1x1x2x5120xi32, #tpu.memory_space<vmem_shared>>
    %dma_wait3A_187 = tpu.memref_squeeze %dma_wait3A_186 : memref<1x1x2x5120xi32, #tpu.memory_space<vmem_shared>> -> memref<2x5120xi32, #tpu.memory_space<vmem_shared>>
    %dma_wait3A_188 = arith.constant 0 : i32
    %dma_wait3A_189 = tpu.memref_slice %arg2[%dma_wait3A_188, %mul3A_125] : memref<2x3200000xi32, #tpu.memory_space<hbm>> -> memref<2x5120xi32, #tpu.memory_space<hbm>>
    tpu.wait_dma2 semaphore(%arg13 : memref<!tpu.dma_semaphore, #tpu.memory_space<semaphore_mem>>) src(%dma_wait3A_189 : memref<2x5120xi32, #tpu.memory_space<hbm>>) dst(%dma_wait3A_187 : memref<2x5120xi32, #tpu.memory_space<vmem_shared>>)
    %dma_start3A_190 = arith.constant 1 : i32
    %dma_start3A_191 = arith.constant 1 : i32
    %dma_start3A_192 = arith.constant 0 : i32
    %dma_start3A_193 = tpu.memref_slice %arg6[%arg1, %dma_start3A_190, %dma_start3A_191, %dma_start3A_192] : memref<16x3x2x5120xi32, #tpu.memory_space<vmem_shared>> -> memref<1x1x1x5120xi32, #tpu.memory_space<vmem_shared>>
    %dma_start3A_194 = tpu.memref_squeeze %dma_start3A_193 : memref<1x1x1x5120xi32, #tpu.memory_space<vmem_shared>> -> memref<5120xi32, #tpu.memory_space<vmem_shared>>
    %dma_start3A_195 = arith.constant 0 : i32
    %dma_start3A_196 = tpu.memref_slice %arg6[%arg1, %dma_start3A_190, %dma_start3A_191, %dma_start3A_195] : memref<16x3x2x5120xi32, #tpu.memory_space<vmem_shared>> -> memref<1x1x1x5120xi32, #tpu.memory_space<vmem_shared>>
    %dma_start3A_197 = tpu.memref_squeeze %dma_start3A_196 : memref<1x1x1x5120xi32, #tpu.memory_space<vmem_shared>> -> memref<5120xi32, #tpu.memory_space<vmem_shared>>
    tpu.enqueue_dma source(%dma_start3A_197 : memref<5120xi32, #tpu.memory_space<vmem_shared>>) target(%arg8 : memref<5120xi32, #tpu.memory_space<vmem>>) target_semaphore(%arg16 : memref<!tpu.dma_semaphore, #tpu.memory_space<semaphore_mem>>)
    %add3A_198 = arith.constant 192 : i32
    %add3A_199 = arith.addi %add3A_198, %add3A : i32
    %mul3A_200 = arith.constant 5120 : i32
    %mul3A_201 = arith.muli %add3A_199, %mul3A_200 : i32
    %dma_start3A_202 = arith.constant 0 : i32
    %dma_start3A_203 = arith.constant 0 : i32
    %dma_start3A_204 = arith.constant 0 : i32
    %dma_start3A_205 = tpu.memref_slice %arg6[%arg1, %dma_start3A_202, %dma_start3A_203, %dma_start3A_204] : memref<16x3x2x5120xi32, #tpu.memory_space<vmem_shared>> -> memref<1x1x2x5120xi32, #tpu.memory_space<vmem_shared>>
    %dma_start3A_206 = tpu.memref_squeeze %dma_start3A_205 : memref<1x1x2x5120xi32, #tpu.memory_space<vmem_shared>> -> memref<2x5120xi32, #tpu.memory_space<vmem_shared>>
    %dma_start3A_207 = arith.constant 0 : i32
    %dma_start3A_208 = tpu.memref_slice %arg2[%dma_start3A_207, %mul3A_201] : memref<2x3200000xi32, #tpu.memory_space<hbm>> -> memref<2x5120xi32, #tpu.memory_space<hbm>>
    tpu.enqueue_dma source(%dma_start3A_208 : memref<2x5120xi32, #tpu.memory_space<hbm>>) target(%dma_start3A_206 : memref<2x5120xi32, #tpu.memory_space<vmem_shared>>) target_semaphore(%arg12 : memref<!tpu.dma_semaphore, #tpu.memory_space<semaphore_mem>>)
    %dma_wait3A_209 = arith.constant 1 : i32
    %dma_wait3A_210 = arith.constant 1 : i32
    %dma_wait3A_211 = arith.constant 0 : i32
    %dma_wait3A_212 = tpu.memref_slice %arg6[%arg1, %dma_wait3A_209, %dma_wait3A_210, %dma_wait3A_211] : memref<16x3x2x5120xi32, #tpu.memory_space<vmem_shared>> -> memref<1x1x1x5120xi32, #tpu.memory_space<vmem_shared>>
    %dma_wait3A_213 = tpu.memref_squeeze %dma_wait3A_212 : memref<1x1x1x5120xi32, #tpu.memory_space<vmem_shared>> -> memref<5120xi32, #tpu.memory_space<vmem_shared>>
    %dma_wait3A_214 = arith.constant 0 : i32
    %dma_wait3A_215 = tpu.memref_slice %arg6[%arg1, %dma_wait3A_209, %dma_wait3A_210, %dma_wait3A_214] : memref<16x3x2x5120xi32, #tpu.memory_space<vmem_shared>> -> memref<1x1x1x5120xi32, #tpu.memory_space<vmem_shared>>
    %dma_wait3A_216 = tpu.memref_squeeze %dma_wait3A_215 : memref<1x1x1x5120xi32, #tpu.memory_space<vmem_shared>> -> memref<5120xi32, #tpu.memory_space<vmem_shared>>
    tpu.wait_dma2 semaphore(%arg16 : memref<!tpu.dma_semaphore, #tpu.memory_space<semaphore_mem>>) src(%dma_wait3A_216 : memref<5120xi32, #tpu.memory_space<vmem_shared>>) dst(%arg8 : memref<5120xi32, #tpu.memory_space<vmem>>)
    %dma_start3A_217 = arith.constant 0 : i32
    %dma_start3A_218 = tpu.memref_slice %arg5[%dma_start3A_217] : memref<102400xf32, #tpu.memory_space<vmem_shared>> -> memref<102400xf32, #tpu.memory_space<vmem_shared>>
    tpu.enqueue_indirect_dma source(%arg10 : memref<5120xf32, #tpu.memory_space<vmem>>) target(%dma_start3A_218 : memref<102400xf32, #tpu.memory_space<vmem_shared>>) offsets(%arg8 : memref<5120xi32, #tpu.memory_space<vmem>>) semaphore(%arg19 : memref<!tpu.dma_semaphore, #tpu.memory_space<semaphore_mem>>) {add = true}
    %dma_wait3A_219 = arith.constant 0 : i32
    %dma_wait3A_220 = tpu.memref_slice %arg5[%dma_wait3A_219] : memref<102400xf32, #tpu.memory_space<vmem_shared>> -> memref<102400xf32, #tpu.memory_space<vmem_shared>>
    tpu.wait_indirect_dma semaphore(%arg20 : memref<!tpu.dma_semaphore, #tpu.memory_space<semaphore_mem>>) src(%arg10 : memref<5120xf32, #tpu.memory_space<vmem>>) dst(%dma_wait3A_220 : memref<102400xf32, #tpu.memory_space<vmem_shared>>)
    %dma_wait3A_221 = arith.constant 2 : i32
    %dma_wait3A_222 = arith.constant 0 : i32
    %dma_wait3A_223 = arith.constant 0 : i32
    %dma_wait3A_224 = tpu.memref_slice %arg6[%arg1, %dma_wait3A_221, %dma_wait3A_222, %dma_wait3A_223] : memref<16x3x2x5120xi32, #tpu.memory_space<vmem_shared>> -> memref<1x1x2x5120xi32, #tpu.memory_space<vmem_shared>>
    %dma_wait3A_225 = tpu.memref_squeeze %dma_wait3A_224 : memref<1x1x2x5120xi32, #tpu.memory_space<vmem_shared>> -> memref<2x5120xi32, #tpu.memory_space<vmem_shared>>
    %dma_wait3A_226 = arith.constant 0 : i32
    %dma_wait3A_227 = tpu.memref_slice %arg2[%dma_wait3A_226, %mul3A_163] : memref<2x3200000xi32, #tpu.memory_space<hbm>> -> memref<2x5120xi32, #tpu.memory_space<hbm>>
    tpu.wait_dma2 semaphore(%arg14 : memref<!tpu.dma_semaphore, #tpu.memory_space<semaphore_mem>>) src(%dma_wait3A_227 : memref<2x5120xi32, #tpu.memory_space<hbm>>) dst(%dma_wait3A_225 : memref<2x5120xi32, #tpu.memory_space<vmem_shared>>)
    %dma_start3A_228 = arith.constant 2 : i32
    %dma_start3A_229 = arith.constant 1 : i32
    %dma_start3A_230 = arith.constant 0 : i32
    %dma_start3A_231 = tpu.memref_slice %arg6[%arg1, %dma_start3A_228, %dma_start3A_229, %dma_start3A_230] : memref<16x3x2x5120xi32, #tpu.memory_space<vmem_shared>> -> memref<1x1x1x5120xi32, #tpu.memory_space<vmem_shared>>
    %dma_start3A_232 = tpu.memref_squeeze %dma_start3A_231 : memref<1x1x1x5120xi32, #tpu.memory_space<vmem_shared>> -> memref<5120xi32, #tpu.memory_space<vmem_shared>>
    %dma_start3A_233 = arith.constant 0 : i32
    %dma_start3A_234 = tpu.memref_slice %arg6[%arg1, %dma_start3A_228, %dma_start3A_229, %dma_start3A_233] : memref<16x3x2x5120xi32, #tpu.memory_space<vmem_shared>> -> memref<1x1x1x5120xi32, #tpu.memory_space<vmem_shared>>
    %dma_start3A_235 = tpu.memref_squeeze %dma_start3A_234 : memref<1x1x1x5120xi32, #tpu.memory_space<vmem_shared>> -> memref<5120xi32, #tpu.memory_space<vmem_shared>>
    tpu.enqueue_dma source(%dma_start3A_235 : memref<5120xi32, #tpu.memory_space<vmem_shared>>) target(%arg9 : memref<5120xi32, #tpu.memory_space<vmem>>) target_semaphore(%arg17 : memref<!tpu.dma_semaphore, #tpu.memory_space<semaphore_mem>>)
    %add3A_236 = arith.constant 224 : i32
    %add3A_237 = arith.addi %add3A_236, %add3A : i32
    %mul3A_238 = arith.constant 5120 : i32
    %mul3A_239 = arith.muli %add3A_237, %mul3A_238 : i32
    %dma_start3A_240 = arith.constant 1 : i32
    %dma_start3A_241 = arith.constant 0 : i32
    %dma_start3A_242 = arith.constant 0 : i32
    %dma_start3A_243 = tpu.memref_slice %arg6[%arg1, %dma_start3A_240, %dma_start3A_241, %dma_start3A_242] : memref<16x3x2x5120xi32, #tpu.memory_space<vmem_shared>> -> memref<1x1x2x5120xi32, #tpu.memory_space<vmem_shared>>
    %dma_start3A_244 = tpu.memref_squeeze %dma_start3A_243 : memref<1x1x2x5120xi32, #tpu.memory_space<vmem_shared>> -> memref<2x5120xi32, #tpu.memory_space<vmem_shared>>
    %dma_start3A_245 = arith.constant 0 : i32
    %dma_start3A_246 = tpu.memref_slice %arg2[%dma_start3A_245, %mul3A_239] : memref<2x3200000xi32, #tpu.memory_space<hbm>> -> memref<2x5120xi32, #tpu.memory_space<hbm>>
    tpu.enqueue_dma source(%dma_start3A_246 : memref<2x5120xi32, #tpu.memory_space<hbm>>) target(%dma_start3A_244 : memref<2x5120xi32, #tpu.memory_space<vmem_shared>>) target_semaphore(%arg13 : memref<!tpu.dma_semaphore, #tpu.memory_space<semaphore_mem>>)
    %dma_wait3A_247 = arith.constant 2 : i32
    %dma_wait3A_248 = arith.constant 1 : i32
    %dma_wait3A_249 = arith.constant 0 : i32
    %dma_wait3A_250 = tpu.memref_slice %arg6[%arg1, %dma_wait3A_247, %dma_wait3A_248, %dma_wait3A_249] : memref<16x3x2x5120xi32, #tpu.memory_space<vmem_shared>> -> memref<1x1x1x5120xi32, #tpu.memory_space<vmem_shared>>
    %dma_wait3A_251 = tpu.memref_squeeze %dma_wait3A_250 : memref<1x1x1x5120xi32, #tpu.memory_space<vmem_shared>> -> memref<5120xi32, #tpu.memory_space<vmem_shared>>
    %dma_wait3A_252 = arith.constant 0 : i32
    %dma_wait3A_253 = tpu.memref_slice %arg6[%arg1, %dma_wait3A_247, %dma_wait3A_248, %dma_wait3A_252] : memref<16x3x2x5120xi32, #tpu.memory_space<vmem_shared>> -> memref<1x1x1x5120xi32, #tpu.memory_space<vmem_shared>>
    %dma_wait3A_254 = tpu.memref_squeeze %dma_wait3A_253 : memref<1x1x1x5120xi32, #tpu.memory_space<vmem_shared>> -> memref<5120xi32, #tpu.memory_space<vmem_shared>>
    tpu.wait_dma2 semaphore(%arg17 : memref<!tpu.dma_semaphore, #tpu.memory_space<semaphore_mem>>) src(%dma_wait3A_254 : memref<5120xi32, #tpu.memory_space<vmem_shared>>) dst(%arg9 : memref<5120xi32, #tpu.memory_space<vmem>>)
    %dma_start3A_255 = arith.constant 0 : i32
    %dma_start3A_256 = tpu.memref_slice %arg5[%dma_start3A_255] : memref<102400xf32, #tpu.memory_space<vmem_shared>> -> memref<102400xf32, #tpu.memory_space<vmem_shared>>
    tpu.enqueue_indirect_dma source(%arg10 : memref<5120xf32, #tpu.memory_space<vmem>>) target(%dma_start3A_256 : memref<102400xf32, #tpu.memory_space<vmem_shared>>) offsets(%arg9 : memref<5120xi32, #tpu.memory_space<vmem>>) semaphore(%arg20 : memref<!tpu.dma_semaphore, #tpu.memory_space<semaphore_mem>>) {add = true}
    %dma_wait3A_257 = arith.constant 0 : i32
    %dma_wait3A_258 = tpu.memref_slice %arg5[%dma_wait3A_257] : memref<102400xf32, #tpu.memory_space<vmem_shared>> -> memref<102400xf32, #tpu.memory_space<vmem_shared>>
    tpu.wait_indirect_dma semaphore(%arg18 : memref<!tpu.dma_semaphore, #tpu.memory_space<semaphore_mem>>) src(%arg10 : memref<5120xf32, #tpu.memory_space<vmem>>) dst(%dma_wait3A_258 : memref<102400xf32, #tpu.memory_space<vmem_shared>>)
    %dma_wait3A_259 = arith.constant 0 : i32
    %dma_wait3A_260 = arith.constant 0 : i32
    %dma_wait3A_261 = arith.constant 0 : i32
    %dma_wait3A_262 = tpu.memref_slice %arg6[%arg1, %dma_wait3A_259, %dma_wait3A_260, %dma_wait3A_261] : memref<16x3x2x5120xi32, #tpu.memory_space<vmem_shared>> -> memref<1x1x2x5120xi32, #tpu.memory_space<vmem_shared>>
    %dma_wait3A_263 = tpu.memref_squeeze %dma_wait3A_262 : memref<1x1x2x5120xi32, #tpu.memory_space<vmem_shared>> -> memref<2x5120xi32, #tpu.memory_space<vmem_shared>>
    %dma_wait3A_264 = arith.constant 0 : i32
    %dma_wait3A_265 = tpu.memref_slice %arg2[%dma_wait3A_264, %mul3A_201] : memref<2x3200000xi32, #tpu.memory_space<hbm>> -> memref<2x5120xi32, #tpu.memory_space<hbm>>
    tpu.wait_dma2 semaphore(%arg12 : memref<!tpu.dma_semaphore, #tpu.memory_space<semaphore_mem>>) src(%dma_wait3A_265 : memref<2x5120xi32, #tpu.memory_space<hbm>>) dst(%dma_wait3A_263 : memref<2x5120xi32, #tpu.memory_space<vmem_shared>>)
    %dma_start3A_266 = arith.constant 0 : i32
    %dma_start3A_267 = arith.constant 1 : i32
    %dma_start3A_268 = arith.constant 0 : i32
    %dma_start3A_269 = tpu.memref_slice %arg6[%arg1, %dma_start3A_266, %dma_start3A_267, %dma_start3A_268] : memref<16x3x2x5120xi32, #tpu.memory_space<vmem_shared>> -> memref<1x1x1x5120xi32, #tpu.memory_space<vmem_shared>>
    %dma_start3A_270 = tpu.memref_squeeze %dma_start3A_269 : memref<1x1x1x5120xi32, #tpu.memory_space<vmem_shared>> -> memref<5120xi32, #tpu.memory_space<vmem_shared>>
    %dma_start3A_271 = arith.constant 0 : i32
    %dma_start3A_272 = tpu.memref_slice %arg6[%arg1, %dma_start3A_266, %dma_start3A_267, %dma_start3A_271] : memref<16x3x2x5120xi32, #tpu.memory_space<vmem_shared>> -> memref<1x1x1x5120xi32, #tpu.memory_space<vmem_shared>>
    %dma_start3A_273 = tpu.memref_squeeze %dma_start3A_272 : memref<1x1x1x5120xi32, #tpu.memory_space<vmem_shared>> -> memref<5120xi32, #tpu.memory_space<vmem_shared>>
    tpu.enqueue_dma source(%dma_start3A_273 : memref<5120xi32, #tpu.memory_space<vmem_shared>>) target(%arg7 : memref<5120xi32, #tpu.memory_space<vmem>>) target_semaphore(%arg15 : memref<!tpu.dma_semaphore, #tpu.memory_space<semaphore_mem>>)
    %add3A_274 = arith.constant 256 : i32
    %add3A_275 = arith.addi %add3A_274, %add3A : i32
    %mul3A_276 = arith.constant 5120 : i32
    %mul3A_277 = arith.muli %add3A_275, %mul3A_276 : i32
    %dma_start3A_278 = arith.constant 2 : i32
    %dma_start3A_279 = arith.constant 0 : i32
    %dma_start3A_280 = arith.constant 0 : i32
    %dma_start3A_281 = tpu.memref_slice %arg6[%arg1, %dma_start3A_278, %dma_start3A_279, %dma_start3A_280] : memref<16x3x2x5120xi32, #tpu.memory_space<vmem_shared>> -> memref<1x1x2x5120xi32, #tpu.memory_space<vmem_shared>>
    %dma_start3A_282 = tpu.memref_squeeze %dma_start3A_281 : memref<1x1x2x5120xi32, #tpu.memory_space<vmem_shared>> -> memref<2x5120xi32, #tpu.memory_space<vmem_shared>>
    %dma_start3A_283 = arith.constant 0 : i32
    %dma_start3A_284 = tpu.memref_slice %arg2[%dma_start3A_283, %mul3A_277] : memref<2x3200000xi32, #tpu.memory_space<hbm>> -> memref<2x5120xi32, #tpu.memory_space<hbm>>
    tpu.enqueue_dma source(%dma_start3A_284 : memref<2x5120xi32, #tpu.memory_space<hbm>>) target(%dma_start3A_282 : memref<2x5120xi32, #tpu.memory_space<vmem_shared>>) target_semaphore(%arg14 : memref<!tpu.dma_semaphore, #tpu.memory_space<semaphore_mem>>)
    %dma_wait3A_285 = arith.constant 0 : i32
    %dma_wait3A_286 = arith.constant 1 : i32
    %dma_wait3A_287 = arith.constant 0 : i32
    %dma_wait3A_288 = tpu.memref_slice %arg6[%arg1, %dma_wait3A_285, %dma_wait3A_286, %dma_wait3A_287] : memref<16x3x2x5120xi32, #tpu.memory_space<vmem_shared>> -> memref<1x1x1x5120xi32, #tpu.memory_space<vmem_shared>>
    %dma_wait3A_289 = tpu.memref_squeeze %dma_wait3A_288 : memref<1x1x1x5120xi32, #tpu.memory_space<vmem_shared>> -> memref<5120xi32, #tpu.memory_space<vmem_shared>>
    %dma_wait3A_290 = arith.constant 0 : i32
    %dma_wait3A_291 = tpu.memref_slice %arg6[%arg1, %dma_wait3A_285, %dma_wait3A_286, %dma_wait3A_290] : memref<16x3x2x5120xi32, #tpu.memory_space<vmem_shared>> -> memref<1x1x1x5120xi32, #tpu.memory_space<vmem_shared>>
    %dma_wait3A_292 = tpu.memref_squeeze %dma_wait3A_291 : memref<1x1x1x5120xi32, #tpu.memory_space<vmem_shared>> -> memref<5120xi32, #tpu.memory_space<vmem_shared>>
    tpu.wait_dma2 semaphore(%arg15 : memref<!tpu.dma_semaphore, #tpu.memory_space<semaphore_mem>>) src(%dma_wait3A_292 : memref<5120xi32, #tpu.memory_space<vmem_shared>>) dst(%arg7 : memref<5120xi32, #tpu.memory_space<vmem>>)
    %dma_start3A_293 = arith.constant 0 : i32
    %dma_start3A_294 = tpu.memref_slice %arg5[%dma_start3A_293] : memref<102400xf32, #tpu.memory_space<vmem_shared>> -> memref<102400xf32, #tpu.memory_space<vmem_shared>>
    tpu.enqueue_indirect_dma source(%arg10 : memref<5120xf32, #tpu.memory_space<vmem>>) target(%dma_start3A_294 : memref<102400xf32, #tpu.memory_space<vmem_shared>>) offsets(%arg7 : memref<5120xi32, #tpu.memory_space<vmem>>) semaphore(%arg18 : memref<!tpu.dma_semaphore, #tpu.memory_space<semaphore_mem>>) {add = true}
    %dma_wait3A_295 = arith.constant 0 : i32
    %dma_wait3A_296 = tpu.memref_slice %arg5[%dma_wait3A_295] : memref<102400xf32, #tpu.memory_space<vmem_shared>> -> memref<102400xf32, #tpu.memory_space<vmem_shared>>
    tpu.wait_indirect_dma semaphore(%arg19 : memref<!tpu.dma_semaphore, #tpu.memory_space<semaphore_mem>>) src(%arg10 : memref<5120xf32, #tpu.memory_space<vmem>>) dst(%dma_wait3A_296 : memref<102400xf32, #tpu.memory_space<vmem_shared>>)
    %dma_wait3A_297 = arith.constant 1 : i32
    %dma_wait3A_298 = arith.constant 0 : i32
    %dma_wait3A_299 = arith.constant 0 : i32
    %dma_wait3A_300 = tpu.memref_slice %arg6[%arg1, %dma_wait3A_297, %dma_wait3A_298, %dma_wait3A_299] : memref<16x3x2x5120xi32, #tpu.memory_space<vmem_shared>> -> memref<1x1x2x5120xi32, #tpu.memory_space<vmem_shared>>
    %dma_wait3A_301 = tpu.memref_squeeze %dma_wait3A_300 : memref<1x1x2x5120xi32, #tpu.memory_space<vmem_shared>> -> memref<2x5120xi32, #tpu.memory_space<vmem_shared>>
    %dma_wait3A_302 = arith.constant 0 : i32
    %dma_wait3A_303 = tpu.memref_slice %arg2[%dma_wait3A_302, %mul3A_239] : memref<2x3200000xi32, #tpu.memory_space<hbm>> -> memref<2x5120xi32, #tpu.memory_space<hbm>>
    tpu.wait_dma2 semaphore(%arg13 : memref<!tpu.dma_semaphore, #tpu.memory_space<semaphore_mem>>) src(%dma_wait3A_303 : memref<2x5120xi32, #tpu.memory_space<hbm>>) dst(%dma_wait3A_301 : memref<2x5120xi32, #tpu.memory_space<vmem_shared>>)
    %dma_start3A_304 = arith.constant 1 : i32
    %dma_start3A_305 = arith.constant 1 : i32
    %dma_start3A_306 = arith.constant 0 : i32
    %dma_start3A_307 = tpu.memref_slice %arg6[%arg1, %dma_start3A_304, %dma_start3A_305, %dma_start3A_306] : memref<16x3x2x5120xi32, #tpu.memory_space<vmem_shared>> -> memref<1x1x1x5120xi32, #tpu.memory_space<vmem_shared>>
    %dma_start3A_308 = tpu.memref_squeeze %dma_start3A_307 : memref<1x1x1x5120xi32, #tpu.memory_space<vmem_shared>> -> memref<5120xi32, #tpu.memory_space<vmem_shared>>
    %dma_start3A_309 = arith.constant 0 : i32
    %dma_start3A_310 = tpu.memref_slice %arg6[%arg1, %dma_start3A_304, %dma_start3A_305, %dma_start3A_309] : memref<16x3x2x5120xi32, #tpu.memory_space<vmem_shared>> -> memref<1x1x1x5120xi32, #tpu.memory_space<vmem_shared>>
    %dma_start3A_311 = tpu.memref_squeeze %dma_start3A_310 : memref<1x1x1x5120xi32, #tpu.memory_space<vmem_shared>> -> memref<5120xi32, #tpu.memory_space<vmem_shared>>
    tpu.enqueue_dma source(%dma_start3A_311 : memref<5120xi32, #tpu.memory_space<vmem_shared>>) target(%arg8 : memref<5120xi32, #tpu.memory_space<vmem>>) target_semaphore(%arg16 : memref<!tpu.dma_semaphore, #tpu.memory_space<semaphore_mem>>)
    %add3A_312 = arith.constant 288 : i32
    %add3A_313 = arith.addi %add3A_312, %add3A : i32
    %mul3A_314 = arith.constant 5120 : i32
    %mul3A_315 = arith.muli %add3A_313, %mul3A_314 : i32
    %dma_start3A_316 = arith.constant 0 : i32
    %dma_start3A_317 = arith.constant 0 : i32
    %dma_start3A_318 = arith.constant 0 : i32
    %dma_start3A_319 = tpu.memref_slice %arg6[%arg1, %dma_start3A_316, %dma_start3A_317, %dma_start3A_318] : memref<16x3x2x5120xi32, #tpu.memory_space<vmem_shared>> -> memref<1x1x2x5120xi32, #tpu.memory_space<vmem_shared>>
    %dma_start3A_320 = tpu.memref_squeeze %dma_start3A_319 : memref<1x1x2x5120xi32, #tpu.memory_space<vmem_shared>> -> memref<2x5120xi32, #tpu.memory_space<vmem_shared>>
    %dma_start3A_321 = arith.constant 0 : i32
    %dma_start3A_322 = tpu.memref_slice %arg2[%dma_start3A_321, %mul3A_315] : memref<2x3200000xi32, #tpu.memory_space<hbm>> -> memref<2x5120xi32, #tpu.memory_space<hbm>>
    tpu.enqueue_dma source(%dma_start3A_322 : memref<2x5120xi32, #tpu.memory_space<hbm>>) target(%dma_start3A_320 : memref<2x5120xi32, #tpu.memory_space<vmem_shared>>) target_semaphore(%arg12 : memref<!tpu.dma_semaphore, #tpu.memory_space<semaphore_mem>>)
    %dma_wait3A_323 = arith.constant 1 : i32
    %dma_wait3A_324 = arith.constant 1 : i32
    %dma_wait3A_325 = arith.constant 0 : i32
    %dma_wait3A_326 = tpu.memref_slice %arg6[%arg1, %dma_wait3A_323, %dma_wait3A_324, %dma_wait3A_325] : memref<16x3x2x5120xi32, #tpu.memory_space<vmem_shared>> -> memref<1x1x1x5120xi32, #tpu.memory_space<vmem_shared>>
    %dma_wait3A_327 = tpu.memref_squeeze %dma_wait3A_326 : memref<1x1x1x5120xi32, #tpu.memory_space<vmem_shared>> -> memref<5120xi32, #tpu.memory_space<vmem_shared>>
    %dma_wait3A_328 = arith.constant 0 : i32
    %dma_wait3A_329 = tpu.memref_slice %arg6[%arg1, %dma_wait3A_323, %dma_wait3A_324, %dma_wait3A_328] : memref<16x3x2x5120xi32, #tpu.memory_space<vmem_shared>> -> memref<1x1x1x5120xi32, #tpu.memory_space<vmem_shared>>
    %dma_wait3A_330 = tpu.memref_squeeze %dma_wait3A_329 : memref<1x1x1x5120xi32, #tpu.memory_space<vmem_shared>> -> memref<5120xi32, #tpu.memory_space<vmem_shared>>
    tpu.wait_dma2 semaphore(%arg16 : memref<!tpu.dma_semaphore, #tpu.memory_space<semaphore_mem>>) src(%dma_wait3A_330 : memref<5120xi32, #tpu.memory_space<vmem_shared>>) dst(%arg8 : memref<5120xi32, #tpu.memory_space<vmem>>)
    %dma_start3A_331 = arith.constant 0 : i32
    %dma_start3A_332 = tpu.memref_slice %arg5[%dma_start3A_331] : memref<102400xf32, #tpu.memory_space<vmem_shared>> -> memref<102400xf32, #tpu.memory_space<vmem_shared>>
    tpu.enqueue_indirect_dma source(%arg10 : memref<5120xf32, #tpu.memory_space<vmem>>) target(%dma_start3A_332 : memref<102400xf32, #tpu.memory_space<vmem_shared>>) offsets(%arg8 : memref<5120xi32, #tpu.memory_space<vmem>>) semaphore(%arg19 : memref<!tpu.dma_semaphore, #tpu.memory_space<semaphore_mem>>) {add = true}
    %dma_wait3A_333 = arith.constant 0 : i32
    %dma_wait3A_334 = tpu.memref_slice %arg5[%dma_wait3A_333] : memref<102400xf32, #tpu.memory_space<vmem_shared>> -> memref<102400xf32, #tpu.memory_space<vmem_shared>>
    tpu.wait_indirect_dma semaphore(%arg20 : memref<!tpu.dma_semaphore, #tpu.memory_space<semaphore_mem>>) src(%arg10 : memref<5120xf32, #tpu.memory_space<vmem>>) dst(%dma_wait3A_334 : memref<102400xf32, #tpu.memory_space<vmem_shared>>)
    %dma_wait3A_335 = arith.constant 2 : i32
    %dma_wait3A_336 = arith.constant 0 : i32
    %dma_wait3A_337 = arith.constant 0 : i32
    %dma_wait3A_338 = tpu.memref_slice %arg6[%arg1, %dma_wait3A_335, %dma_wait3A_336, %dma_wait3A_337] : memref<16x3x2x5120xi32, #tpu.memory_space<vmem_shared>> -> memref<1x1x2x5120xi32, #tpu.memory_space<vmem_shared>>
    %dma_wait3A_339 = tpu.memref_squeeze %dma_wait3A_338 : memref<1x1x2x5120xi32, #tpu.memory_space<vmem_shared>> -> memref<2x5120xi32, #tpu.memory_space<vmem_shared>>
    %dma_wait3A_340 = arith.constant 0 : i32
    %dma_wait3A_341 = tpu.memref_slice %arg2[%dma_wait3A_340, %mul3A_277] : memref<2x3200000xi32, #tpu.memory_space<hbm>> -> memref<2x5120xi32, #tpu.memory_space<hbm>>
    tpu.wait_dma2 semaphore(%arg14 : memref<!tpu.dma_semaphore, #tpu.memory_space<semaphore_mem>>) src(%dma_wait3A_341 : memref<2x5120xi32, #tpu.memory_space<hbm>>) dst(%dma_wait3A_339 : memref<2x5120xi32, #tpu.memory_space<vmem_shared>>)
    %dma_start3A_342 = arith.constant 2 : i32
    %dma_start3A_343 = arith.constant 1 : i32
    %dma_start3A_344 = arith.constant 0 : i32
    %dma_start3A_345 = tpu.memref_slice %arg6[%arg1, %dma_start3A_342, %dma_start3A_343, %dma_start3A_344] : memref<16x3x2x5120xi32, #tpu.memory_space<vmem_shared>> -> memref<1x1x1x5120xi32, #tpu.memory_space<vmem_shared>>
    %dma_start3A_346 = tpu.memref_squeeze %dma_start3A_345 : memref<1x1x1x5120xi32, #tpu.memory_space<vmem_shared>> -> memref<5120xi32, #tpu.memory_space<vmem_shared>>
    %dma_start3A_347 = arith.constant 0 : i32
    %dma_start3A_348 = tpu.memref_slice %arg6[%arg1, %dma_start3A_342, %dma_start3A_343, %dma_start3A_347] : memref<16x3x2x5120xi32, #tpu.memory_space<vmem_shared>> -> memref<1x1x1x5120xi32, #tpu.memory_space<vmem_shared>>
    %dma_start3A_349 = tpu.memref_squeeze %dma_start3A_348 : memref<1x1x1x5120xi32, #tpu.memory_space<vmem_shared>> -> memref<5120xi32, #tpu.memory_space<vmem_shared>>
    tpu.enqueue_dma source(%dma_start3A_349 : memref<5120xi32, #tpu.memory_space<vmem_shared>>) target(%arg9 : memref<5120xi32, #tpu.memory_space<vmem>>) target_semaphore(%arg17 : memref<!tpu.dma_semaphore, #tpu.memory_space<semaphore_mem>>)
    %add3A_350 = arith.constant 320 : i32
    %add3A_351 = arith.addi %add3A_350, %add3A : i32
    %mul3A_352 = arith.constant 5120 : i32
    %mul3A_353 = arith.muli %add3A_351, %mul3A_352 : i32
    %dma_start3A_354 = arith.constant 1 : i32
    %dma_start3A_355 = arith.constant 0 : i32
    %dma_start3A_356 = arith.constant 0 : i32
    %dma_start3A_357 = tpu.memref_slice %arg6[%arg1, %dma_start3A_354, %dma_start3A_355, %dma_start3A_356] : memref<16x3x2x5120xi32, #tpu.memory_space<vmem_shared>> -> memref<1x1x2x5120xi32, #tpu.memory_space<vmem_shared>>
    %dma_start3A_358 = tpu.memref_squeeze %dma_start3A_357 : memref<1x1x2x5120xi32, #tpu.memory_space<vmem_shared>> -> memref<2x5120xi32, #tpu.memory_space<vmem_shared>>
    %dma_start3A_359 = arith.constant 0 : i32
    %dma_start3A_360 = tpu.memref_slice %arg2[%dma_start3A_359, %mul3A_353] : memref<2x3200000xi32, #tpu.memory_space<hbm>> -> memref<2x5120xi32, #tpu.memory_space<hbm>>
    tpu.enqueue_dma source(%dma_start3A_360 : memref<2x5120xi32, #tpu.memory_space<hbm>>) target(%dma_start3A_358 : memref<2x5120xi32, #tpu.memory_space<vmem_shared>>) target_semaphore(%arg13 : memref<!tpu.dma_semaphore, #tpu.memory_space<semaphore_mem>>)
    %dma_wait3A_361 = arith.constant 2 : i32
    %dma_wait3A_362 = arith.constant 1 : i32
    %dma_wait3A_363 = arith.constant 0 : i32
    %dma_wait3A_364 = tpu.memref_slice %arg6[%arg1, %dma_wait3A_361, %dma_wait3A_362, %dma_wait3A_363] : memref<16x3x2x5120xi32, #tpu.memory_space<vmem_shared>> -> memref<1x1x1x5120xi32, #tpu.memory_space<vmem_shared>>
    %dma_wait3A_365 = tpu.memref_squeeze %dma_wait3A_364 : memref<1x1x1x5120xi32, #tpu.memory_space<vmem_shared>> -> memref<5120xi32, #tpu.memory_space<vmem_shared>>
    %dma_wait3A_366 = arith.constant 0 : i32
    %dma_wait3A_367 = tpu.memref_slice %arg6[%arg1, %dma_wait3A_361, %dma_wait3A_362, %dma_wait3A_366] : memref<16x3x2x5120xi32, #tpu.memory_space<vmem_shared>> -> memref<1x1x1x5120xi32, #tpu.memory_space<vmem_shared>>
    %dma_wait3A_368 = tpu.memref_squeeze %dma_wait3A_367 : memref<1x1x1x5120xi32, #tpu.memory_space<vmem_shared>> -> memref<5120xi32, #tpu.memory_space<vmem_shared>>
    tpu.wait_dma2 semaphore(%arg17 : memref<!tpu.dma_semaphore, #tpu.memory_space<semaphore_mem>>) src(%dma_wait3A_368 : memref<5120xi32, #tpu.memory_space<vmem_shared>>) dst(%arg9 : memref<5120xi32, #tpu.memory_space<vmem>>)
    %dma_start3A_369 = arith.constant 0 : i32
    %dma_start3A_370 = tpu.memref_slice %arg5[%dma_start3A_369] : memref<102400xf32, #tpu.memory_space<vmem_shared>> -> memref<102400xf32, #tpu.memory_space<vmem_shared>>
    tpu.enqueue_indirect_dma source(%arg10 : memref<5120xf32, #tpu.memory_space<vmem>>) target(%dma_start3A_370 : memref<102400xf32, #tpu.memory_space<vmem_shared>>) offsets(%arg9 : memref<5120xi32, #tpu.memory_space<vmem>>) semaphore(%arg20 : memref<!tpu.dma_semaphore, #tpu.memory_space<semaphore_mem>>) {add = true}
    %dma_wait3A_371 = arith.constant 0 : i32
    %dma_wait3A_372 = tpu.memref_slice %arg5[%dma_wait3A_371] : memref<102400xf32, #tpu.memory_space<vmem_shared>> -> memref<102400xf32, #tpu.memory_space<vmem_shared>>
    tpu.wait_indirect_dma semaphore(%arg18 : memref<!tpu.dma_semaphore, #tpu.memory_space<semaphore_mem>>) src(%arg10 : memref<5120xf32, #tpu.memory_space<vmem>>) dst(%dma_wait3A_372 : memref<102400xf32, #tpu.memory_space<vmem_shared>>)
    %dma_wait3A_373 = arith.constant 0 : i32
    %dma_wait3A_374 = arith.constant 0 : i32
    %dma_wait3A_375 = arith.constant 0 : i32
    %dma_wait3A_376 = tpu.memref_slice %arg6[%arg1, %dma_wait3A_373, %dma_wait3A_374, %dma_wait3A_375] : memref<16x3x2x5120xi32, #tpu.memory_space<vmem_shared>> -> memref<1x1x2x5120xi32, #tpu.memory_space<vmem_shared>>
    %dma_wait3A_377 = tpu.memref_squeeze %dma_wait3A_376 : memref<1x1x2x5120xi32, #tpu.memory_space<vmem_shared>> -> memref<2x5120xi32, #tpu.memory_space<vmem_shared>>
    %dma_wait3A_378 = arith.constant 0 : i32
    %dma_wait3A_379 = tpu.memref_slice %arg2[%dma_wait3A_378, %mul3A_315] : memref<2x3200000xi32, #tpu.memory_space<hbm>> -> memref<2x5120xi32, #tpu.memory_space<hbm>>
    tpu.wait_dma2 semaphore(%arg12 : memref<!tpu.dma_semaphore, #tpu.memory_space<semaphore_mem>>) src(%dma_wait3A_379 : memref<2x5120xi32, #tpu.memory_space<hbm>>) dst(%dma_wait3A_377 : memref<2x5120xi32, #tpu.memory_space<vmem_shared>>)
    %dma_start3A_380 = arith.constant 0 : i32
    %dma_start3A_381 = arith.constant 1 : i32
    %dma_start3A_382 = arith.constant 0 : i32
    %dma_start3A_383 = tpu.memref_slice %arg6[%arg1, %dma_start3A_380, %dma_start3A_381, %dma_start3A_382] : memref<16x3x2x5120xi32, #tpu.memory_space<vmem_shared>> -> memref<1x1x1x5120xi32, #tpu.memory_space<vmem_shared>>
    %dma_start3A_384 = tpu.memref_squeeze %dma_start3A_383 : memref<1x1x1x5120xi32, #tpu.memory_space<vmem_shared>> -> memref<5120xi32, #tpu.memory_space<vmem_shared>>
    %dma_start3A_385 = arith.constant 0 : i32
    %dma_start3A_386 = tpu.memref_slice %arg6[%arg1, %dma_start3A_380, %dma_start3A_381, %dma_start3A_385] : memref<16x3x2x5120xi32, #tpu.memory_space<vmem_shared>> -> memref<1x1x1x5120xi32, #tpu.memory_space<vmem_shared>>
    %dma_start3A_387 = tpu.memref_squeeze %dma_start3A_386 : memref<1x1x1x5120xi32, #tpu.memory_space<vmem_shared>> -> memref<5120xi32, #tpu.memory_space<vmem_shared>>
    tpu.enqueue_dma source(%dma_start3A_387 : memref<5120xi32, #tpu.memory_space<vmem_shared>>) target(%arg7 : memref<5120xi32, #tpu.memory_space<vmem>>) target_semaphore(%arg15 : memref<!tpu.dma_semaphore, #tpu.memory_space<semaphore_mem>>)
    %add3A_388 = arith.constant 352 : i32
    %add3A_389 = arith.addi %add3A_388, %add3A : i32
    %mul3A_390 = arith.constant 5120 : i32
    %mul3A_391 = arith.muli %add3A_389, %mul3A_390 : i32
    %dma_start3A_392 = arith.constant 2 : i32
    %dma_start3A_393 = arith.constant 0 : i32
    %dma_start3A_394 = arith.constant 0 : i32
    %dma_start3A_395 = tpu.memref_slice %arg6[%arg1, %dma_start3A_392, %dma_start3A_393, %dma_start3A_394] : memref<16x3x2x5120xi32, #tpu.memory_space<vmem_shared>> -> memref<1x1x2x5120xi32, #tpu.memory_space<vmem_shared>>
    %dma_start3A_396 = tpu.memref_squeeze %dma_start3A_395 : memref<1x1x2x5120xi32, #tpu.memory_space<vmem_shared>> -> memref<2x5120xi32, #tpu.memory_space<vmem_shared>>
    %dma_start3A_397 = arith.constant 0 : i32
    %dma_start3A_398 = tpu.memref_slice %arg2[%dma_start3A_397, %mul3A_391] : memref<2x3200000xi32, #tpu.memory_space<hbm>> -> memref<2x5120xi32, #tpu.memory_space<hbm>>
    tpu.enqueue_dma source(%dma_start3A_398 : memref<2x5120xi32, #tpu.memory_space<hbm>>) target(%dma_start3A_396 : memref<2x5120xi32, #tpu.memory_space<vmem_shared>>) target_semaphore(%arg14 : memref<!tpu.dma_semaphore, #tpu.memory_space<semaphore_mem>>)
    %dma_wait3A_399 = arith.constant 0 : i32
    %dma_wait3A_400 = arith.constant 1 : i32
    %dma_wait3A_401 = arith.constant 0 : i32
    %dma_wait3A_402 = tpu.memref_slice %arg6[%arg1, %dma_wait3A_399, %dma_wait3A_400, %dma_wait3A_401] : memref<16x3x2x5120xi32, #tpu.memory_space<vmem_shared>> -> memref<1x1x1x5120xi32, #tpu.memory_space<vmem_shared>>
    %dma_wait3A_403 = tpu.memref_squeeze %dma_wait3A_402 : memref<1x1x1x5120xi32, #tpu.memory_space<vmem_shared>> -> memref<5120xi32, #tpu.memory_space<vmem_shared>>
    %dma_wait3A_404 = arith.constant 0 : i32
    %dma_wait3A_405 = tpu.memref_slice %arg6[%arg1, %dma_wait3A_399, %dma_wait3A_400, %dma_wait3A_404] : memref<16x3x2x5120xi32, #tpu.memory_space<vmem_shared>> -> memref<1x1x1x5120xi32, #tpu.memory_space<vmem_shared>>
    %dma_wait3A_406 = tpu.memref_squeeze %dma_wait3A_405 : memref<1x1x1x5120xi32, #tpu.memory_space<vmem_shared>> -> memref<5120xi32, #tpu.memory_space<vmem_shared>>
    tpu.wait_dma2 semaphore(%arg15 : memref<!tpu.dma_semaphore, #tpu.memory_space<semaphore_mem>>) src(%dma_wait3A_406 : memref<5120xi32, #tpu.memory_space<vmem_shared>>) dst(%arg7 : memref<5120xi32, #tpu.memory_space<vmem>>)
    %dma_start3A_407 = arith.constant 0 : i32
    %dma_start3A_408 = tpu.memref_slice %arg5[%dma_start3A_407] : memref<102400xf32, #tpu.memory_space<vmem_shared>> -> memref<102400xf32, #tpu.memory_space<vmem_shared>>
    tpu.enqueue_indirect_dma source(%arg10 : memref<5120xf32, #tpu.memory_space<vmem>>) target(%dma_start3A_408 : memref<102400xf32, #tpu.memory_space<vmem_shared>>) offsets(%arg7 : memref<5120xi32, #tpu.memory_space<vmem>>) semaphore(%arg18 : memref<!tpu.dma_semaphore, #tpu.memory_space<semaphore_mem>>) {add = true}
    %dma_wait3A_409 = arith.constant 0 : i32
    %dma_wait3A_410 = tpu.memref_slice %arg5[%dma_wait3A_409] : memref<102400xf32, #tpu.memory_space<vmem_shared>> -> memref<102400xf32, #tpu.memory_space<vmem_shared>>
    tpu.wait_indirect_dma semaphore(%arg19 : memref<!tpu.dma_semaphore, #tpu.memory_space<semaphore_mem>>) src(%arg10 : memref<5120xf32, #tpu.memory_space<vmem>>) dst(%dma_wait3A_410 : memref<102400xf32, #tpu.memory_space<vmem_shared>>)
    %dma_wait3A_411 = arith.constant 1 : i32
    %dma_wait3A_412 = arith.constant 0 : i32
    %dma_wait3A_413 = arith.constant 0 : i32
    %dma_wait3A_414 = tpu.memref_slice %arg6[%arg1, %dma_wait3A_411, %dma_wait3A_412, %dma_wait3A_413] : memref<16x3x2x5120xi32, #tpu.memory_space<vmem_shared>> -> memref<1x1x2x5120xi32, #tpu.memory_space<vmem_shared>>
    %dma_wait3A_415 = tpu.memref_squeeze %dma_wait3A_414 : memref<1x1x2x5120xi32, #tpu.memory_space<vmem_shared>> -> memref<2x5120xi32, #tpu.memory_space<vmem_shared>>
    %dma_wait3A_416 = arith.constant 0 : i32
    %dma_wait3A_417 = tpu.memref_slice %arg2[%dma_wait3A_416, %mul3A_353] : memref<2x3200000xi32, #tpu.memory_space<hbm>> -> memref<2x5120xi32, #tpu.memory_space<hbm>>
    tpu.wait_dma2 semaphore(%arg13 : memref<!tpu.dma_semaphore, #tpu.memory_space<semaphore_mem>>) src(%dma_wait3A_417 : memref<2x5120xi32, #tpu.memory_space<hbm>>) dst(%dma_wait3A_415 : memref<2x5120xi32, #tpu.memory_space<vmem_shared>>)
    %dma_start3A_418 = arith.constant 1 : i32
    %dma_start3A_419 = arith.constant 1 : i32
    %dma_start3A_420 = arith.constant 0 : i32
    %dma_start3A_421 = tpu.memref_slice %arg6[%arg1, %dma_start3A_418, %dma_start3A_419, %dma_start3A_420] : memref<16x3x2x5120xi32, #tpu.memory_space<vmem_shared>> -> memref<1x1x1x5120xi32, #tpu.memory_space<vmem_shared>>
    %dma_start3A_422 = tpu.memref_squeeze %dma_start3A_421 : memref<1x1x1x5120xi32, #tpu.memory_space<vmem_shared>> -> memref<5120xi32, #tpu.memory_space<vmem_shared>>
    %dma_start3A_423 = arith.constant 0 : i32
    %dma_start3A_424 = tpu.memref_slice %arg6[%arg1, %dma_start3A_418, %dma_start3A_419, %dma_start3A_423] : memref<16x3x2x5120xi32, #tpu.memory_space<vmem_shared>> -> memref<1x1x1x5120xi32, #tpu.memory_space<vmem_shared>>
    %dma_start3A_425 = tpu.memref_squeeze %dma_start3A_424 : memref<1x1x1x5120xi32, #tpu.memory_space<vmem_shared>> -> memref<5120xi32, #tpu.memory_space<vmem_shared>>
    tpu.enqueue_dma source(%dma_start3A_425 : memref<5120xi32, #tpu.memory_space<vmem_shared>>) target(%arg8 : memref<5120xi32, #tpu.memory_space<vmem>>) target_semaphore(%arg16 : memref<!tpu.dma_semaphore, #tpu.memory_space<semaphore_mem>>)
    %add3A_426 = arith.constant 384 : i32
    %add3A_427 = arith.addi %add3A_426, %add3A : i32
    %mul3A_428 = arith.constant 5120 : i32
    %mul3A_429 = arith.muli %add3A_427, %mul3A_428 : i32
    %dma_start3A_430 = arith.constant 0 : i32
    %dma_start3A_431 = arith.constant 0 : i32
    %dma_start3A_432 = arith.constant 0 : i32
    %dma_start3A_433 = tpu.memref_slice %arg6[%arg1, %dma_start3A_430, %dma_start3A_431, %dma_start3A_432] : memref<16x3x2x5120xi32, #tpu.memory_space<vmem_shared>> -> memref<1x1x2x5120xi32, #tpu.memory_space<vmem_shared>>
    %dma_start3A_434 = tpu.memref_squeeze %dma_start3A_433 : memref<1x1x2x5120xi32, #tpu.memory_space<vmem_shared>> -> memref<2x5120xi32, #tpu.memory_space<vmem_shared>>
    %dma_start3A_435 = arith.constant 0 : i32
    %dma_start3A_436 = tpu.memref_slice %arg2[%dma_start3A_435, %mul3A_429] : memref<2x3200000xi32, #tpu.memory_space<hbm>> -> memref<2x5120xi32, #tpu.memory_space<hbm>>
    tpu.enqueue_dma source(%dma_start3A_436 : memref<2x5120xi32, #tpu.memory_space<hbm>>) target(%dma_start3A_434 : memref<2x5120xi32, #tpu.memory_space<vmem_shared>>) target_semaphore(%arg12 : memref<!tpu.dma_semaphore, #tpu.memory_space<semaphore_mem>>)
    %dma_wait3A_437 = arith.constant 1 : i32
    %dma_wait3A_438 = arith.constant 1 : i32
    %dma_wait3A_439 = arith.constant 0 : i32
    %dma_wait3A_440 = tpu.memref_slice %arg6[%arg1, %dma_wait3A_437, %dma_wait3A_438, %dma_wait3A_439] : memref<16x3x2x5120xi32, #tpu.memory_space<vmem_shared>> -> memref<1x1x1x5120xi32, #tpu.memory_space<vmem_shared>>
    %dma_wait3A_441 = tpu.memref_squeeze %dma_wait3A_440 : memref<1x1x1x5120xi32, #tpu.memory_space<vmem_shared>> -> memref<5120xi32, #tpu.memory_space<vmem_shared>>
    %dma_wait3A_442 = arith.constant 0 : i32
    %dma_wait3A_443 = tpu.memref_slice %arg6[%arg1, %dma_wait3A_437, %dma_wait3A_438, %dma_wait3A_442] : memref<16x3x2x5120xi32, #tpu.memory_space<vmem_shared>> -> memref<1x1x1x5120xi32, #tpu.memory_space<vmem_shared>>
    %dma_wait3A_444 = tpu.memref_squeeze %dma_wait3A_443 : memref<1x1x1x5120xi32, #tpu.memory_space<vmem_shared>> -> memref<5120xi32, #tpu.memory_space<vmem_shared>>
    tpu.wait_dma2 semaphore(%arg16 : memref<!tpu.dma_semaphore, #tpu.memory_space<semaphore_mem>>) src(%dma_wait3A_444 : memref<5120xi32, #tpu.memory_space<vmem_shared>>) dst(%arg8 : memref<5120xi32, #tpu.memory_space<vmem>>)
    %dma_start3A_445 = arith.constant 0 : i32
    %dma_start3A_446 = tpu.memref_slice %arg5[%dma_start3A_445] : memref<102400xf32, #tpu.memory_space<vmem_shared>> -> memref<102400xf32, #tpu.memory_space<vmem_shared>>
    tpu.enqueue_indirect_dma source(%arg10 : memref<5120xf32, #tpu.memory_space<vmem>>) target(%dma_start3A_446 : memref<102400xf32, #tpu.memory_space<vmem_shared>>) offsets(%arg8 : memref<5120xi32, #tpu.memory_space<vmem>>) semaphore(%arg19 : memref<!tpu.dma_semaphore, #tpu.memory_space<semaphore_mem>>) {add = true}
    %dma_wait3A_447 = arith.constant 0 : i32
    %dma_wait3A_448 = tpu.memref_slice %arg5[%dma_wait3A_447] : memref<102400xf32, #tpu.memory_space<vmem_shared>> -> memref<102400xf32, #tpu.memory_space<vmem_shared>>
    tpu.wait_indirect_dma semaphore(%arg20 : memref<!tpu.dma_semaphore, #tpu.memory_space<semaphore_mem>>) src(%arg10 : memref<5120xf32, #tpu.memory_space<vmem>>) dst(%dma_wait3A_448 : memref<102400xf32, #tpu.memory_space<vmem_shared>>)
    %dma_wait3A_449 = arith.constant 2 : i32
    %dma_wait3A_450 = arith.constant 0 : i32
    %dma_wait3A_451 = arith.constant 0 : i32
    %dma_wait3A_452 = tpu.memref_slice %arg6[%arg1, %dma_wait3A_449, %dma_wait3A_450, %dma_wait3A_451] : memref<16x3x2x5120xi32, #tpu.memory_space<vmem_shared>> -> memref<1x1x2x5120xi32, #tpu.memory_space<vmem_shared>>
    %dma_wait3A_453 = tpu.memref_squeeze %dma_wait3A_452 : memref<1x1x2x5120xi32, #tpu.memory_space<vmem_shared>> -> memref<2x5120xi32, #tpu.memory_space<vmem_shared>>
    %dma_wait3A_454 = arith.constant 0 : i32
    %dma_wait3A_455 = tpu.memref_slice %arg2[%dma_wait3A_454, %mul3A_391] : memref<2x3200000xi32, #tpu.memory_space<hbm>> -> memref<2x5120xi32, #tpu.memory_space<hbm>>
    tpu.wait_dma2 semaphore(%arg14 : memref<!tpu.dma_semaphore, #tpu.memory_space<semaphore_mem>>) src(%dma_wait3A_455 : memref<2x5120xi32, #tpu.memory_space<hbm>>) dst(%dma_wait3A_453 : memref<2x5120xi32, #tpu.memory_space<vmem_shared>>)
    %dma_start3A_456 = arith.constant 2 : i32
    %dma_start3A_457 = arith.constant 1 : i32
    %dma_start3A_458 = arith.constant 0 : i32
    %dma_start3A_459 = tpu.memref_slice %arg6[%arg1, %dma_start3A_456, %dma_start3A_457, %dma_start3A_458] : memref<16x3x2x5120xi32, #tpu.memory_space<vmem_shared>> -> memref<1x1x1x5120xi32, #tpu.memory_space<vmem_shared>>
    %dma_start3A_460 = tpu.memref_squeeze %dma_start3A_459 : memref<1x1x1x5120xi32, #tpu.memory_space<vmem_shared>> -> memref<5120xi32, #tpu.memory_space<vmem_shared>>
    %dma_start3A_461 = arith.constant 0 : i32
    %dma_start3A_462 = tpu.memref_slice %arg6[%arg1, %dma_start3A_456, %dma_start3A_457, %dma_start3A_461] : memref<16x3x2x5120xi32, #tpu.memory_space<vmem_shared>> -> memref<1x1x1x5120xi32, #tpu.memory_space<vmem_shared>>
    %dma_start3A_463 = tpu.memref_squeeze %dma_start3A_462 : memref<1x1x1x5120xi32, #tpu.memory_space<vmem_shared>> -> memref<5120xi32, #tpu.memory_space<vmem_shared>>
    tpu.enqueue_dma source(%dma_start3A_463 : memref<5120xi32, #tpu.memory_space<vmem_shared>>) target(%arg9 : memref<5120xi32, #tpu.memory_space<vmem>>) target_semaphore(%arg17 : memref<!tpu.dma_semaphore, #tpu.memory_space<semaphore_mem>>)
    %add3A_464 = arith.constant 416 : i32
    %add3A_465 = arith.addi %add3A_464, %add3A : i32
    %mul3A_466 = arith.constant 5120 : i32
    %mul3A_467 = arith.muli %add3A_465, %mul3A_466 : i32
    %dma_start3A_468 = arith.constant 1 : i32
    %dma_start3A_469 = arith.constant 0 : i32
    %dma_start3A_470 = arith.constant 0 : i32
    %dma_start3A_471 = tpu.memref_slice %arg6[%arg1, %dma_start3A_468, %dma_start3A_469, %dma_start3A_470] : memref<16x3x2x5120xi32, #tpu.memory_space<vmem_shared>> -> memref<1x1x2x5120xi32, #tpu.memory_space<vmem_shared>>
    %dma_start3A_472 = tpu.memref_squeeze %dma_start3A_471 : memref<1x1x2x5120xi32, #tpu.memory_space<vmem_shared>> -> memref<2x5120xi32, #tpu.memory_space<vmem_shared>>
    %dma_start3A_473 = arith.constant 0 : i32
    %dma_start3A_474 = tpu.memref_slice %arg2[%dma_start3A_473, %mul3A_467] : memref<2x3200000xi32, #tpu.memory_space<hbm>> -> memref<2x5120xi32, #tpu.memory_space<hbm>>
    tpu.enqueue_dma source(%dma_start3A_474 : memref<2x5120xi32, #tpu.memory_space<hbm>>) target(%dma_start3A_472 : memref<2x5120xi32, #tpu.memory_space<vmem_shared>>) target_semaphore(%arg13 : memref<!tpu.dma_semaphore, #tpu.memory_space<semaphore_mem>>)
    %dma_wait3A_475 = arith.constant 2 : i32
    %dma_wait3A_476 = arith.constant 1 : i32
    %dma_wait3A_477 = arith.constant 0 : i32
    %dma_wait3A_478 = tpu.memref_slice %arg6[%arg1, %dma_wait3A_475, %dma_wait3A_476, %dma_wait3A_477] : memref<16x3x2x5120xi32, #tpu.memory_space<vmem_shared>> -> memref<1x1x1x5120xi32, #tpu.memory_space<vmem_shared>>
    %dma_wait3A_479 = tpu.memref_squeeze %dma_wait3A_478 : memref<1x1x1x5120xi32, #tpu.memory_space<vmem_shared>> -> memref<5120xi32, #tpu.memory_space<vmem_shared>>
    %dma_wait3A_480 = arith.constant 0 : i32
    %dma_wait3A_481 = tpu.memref_slice %arg6[%arg1, %dma_wait3A_475, %dma_wait3A_476, %dma_wait3A_480] : memref<16x3x2x5120xi32, #tpu.memory_space<vmem_shared>> -> memref<1x1x1x5120xi32, #tpu.memory_space<vmem_shared>>
    %dma_wait3A_482 = tpu.memref_squeeze %dma_wait3A_481 : memref<1x1x1x5120xi32, #tpu.memory_space<vmem_shared>> -> memref<5120xi32, #tpu.memory_space<vmem_shared>>
    tpu.wait_dma2 semaphore(%arg17 : memref<!tpu.dma_semaphore, #tpu.memory_space<semaphore_mem>>) src(%dma_wait3A_482 : memref<5120xi32, #tpu.memory_space<vmem_shared>>) dst(%arg9 : memref<5120xi32, #tpu.memory_space<vmem>>)
    %dma_start3A_483 = arith.constant 0 : i32
    %dma_start3A_484 = tpu.memref_slice %arg5[%dma_start3A_483] : memref<102400xf32, #tpu.memory_space<vmem_shared>> -> memref<102400xf32, #tpu.memory_space<vmem_shared>>
    tpu.enqueue_indirect_dma source(%arg10 : memref<5120xf32, #tpu.memory_space<vmem>>) target(%dma_start3A_484 : memref<102400xf32, #tpu.memory_space<vmem_shared>>) offsets(%arg9 : memref<5120xi32, #tpu.memory_space<vmem>>) semaphore(%arg20 : memref<!tpu.dma_semaphore, #tpu.memory_space<semaphore_mem>>) {add = true}
    %dma_wait3A_485 = arith.constant 0 : i32
    %dma_wait3A_486 = tpu.memref_slice %arg5[%dma_wait3A_485] : memref<102400xf32, #tpu.memory_space<vmem_shared>> -> memref<102400xf32, #tpu.memory_space<vmem_shared>>
    tpu.wait_indirect_dma semaphore(%arg18 : memref<!tpu.dma_semaphore, #tpu.memory_space<semaphore_mem>>) src(%arg10 : memref<5120xf32, #tpu.memory_space<vmem>>) dst(%dma_wait3A_486 : memref<102400xf32, #tpu.memory_space<vmem_shared>>)
    %dma_wait3A_487 = arith.constant 0 : i32
    %dma_wait3A_488 = arith.constant 0 : i32
    %dma_wait3A_489 = arith.constant 0 : i32
    %dma_wait3A_490 = tpu.memref_slice %arg6[%arg1, %dma_wait3A_487, %dma_wait3A_488, %dma_wait3A_489] : memref<16x3x2x5120xi32, #tpu.memory_space<vmem_shared>> -> memref<1x1x2x5120xi32, #tpu.memory_space<vmem_shared>>
    %dma_wait3A_491 = tpu.memref_squeeze %dma_wait3A_490 : memref<1x1x2x5120xi32, #tpu.memory_space<vmem_shared>> -> memref<2x5120xi32, #tpu.memory_space<vmem_shared>>
    %dma_wait3A_492 = arith.constant 0 : i32
    %dma_wait3A_493 = tpu.memref_slice %arg2[%dma_wait3A_492, %mul3A_429] : memref<2x3200000xi32, #tpu.memory_space<hbm>> -> memref<2x5120xi32, #tpu.memory_space<hbm>>
    tpu.wait_dma2 semaphore(%arg12 : memref<!tpu.dma_semaphore, #tpu.memory_space<semaphore_mem>>) src(%dma_wait3A_493 : memref<2x5120xi32, #tpu.memory_space<hbm>>) dst(%dma_wait3A_491 : memref<2x5120xi32, #tpu.memory_space<vmem_shared>>)
    %dma_start3A_494 = arith.constant 0 : i32
    %dma_start3A_495 = arith.constant 1 : i32
    %dma_start3A_496 = arith.constant 0 : i32
    %dma_start3A_497 = tpu.memref_slice %arg6[%arg1, %dma_start3A_494, %dma_start3A_495, %dma_start3A_496] : memref<16x3x2x5120xi32, #tpu.memory_space<vmem_shared>> -> memref<1x1x1x5120xi32, #tpu.memory_space<vmem_shared>>
    %dma_start3A_498 = tpu.memref_squeeze %dma_start3A_497 : memref<1x1x1x5120xi32, #tpu.memory_space<vmem_shared>> -> memref<5120xi32, #tpu.memory_space<vmem_shared>>
    %dma_start3A_499 = arith.constant 0 : i32
    %dma_start3A_500 = tpu.memref_slice %arg6[%arg1, %dma_start3A_494, %dma_start3A_495, %dma_start3A_499] : memref<16x3x2x5120xi32, #tpu.memory_space<vmem_shared>> -> memref<1x1x1x5120xi32, #tpu.memory_space<vmem_shared>>
    %dma_start3A_501 = tpu.memref_squeeze %dma_start3A_500 : memref<1x1x1x5120xi32, #tpu.memory_space<vmem_shared>> -> memref<5120xi32, #tpu.memory_space<vmem_shared>>
    tpu.enqueue_dma source(%dma_start3A_501 : memref<5120xi32, #tpu.memory_space<vmem_shared>>) target(%arg7 : memref<5120xi32, #tpu.memory_space<vmem>>) target_semaphore(%arg15 : memref<!tpu.dma_semaphore, #tpu.memory_space<semaphore_mem>>)
    %add3A_502 = arith.constant 448 : i32
    %add3A_503 = arith.addi %add3A_502, %add3A : i32
    %mul3A_504 = arith.constant 5120 : i32
    %mul3A_505 = arith.muli %add3A_503, %mul3A_504 : i32
    %dma_start3A_506 = arith.constant 2 : i32
    %dma_start3A_507 = arith.constant 0 : i32
    %dma_start3A_508 = arith.constant 0 : i32
    %dma_start3A_509 = tpu.memref_slice %arg6[%arg1, %dma_start3A_506, %dma_start3A_507, %dma_start3A_508] : memref<16x3x2x5120xi32, #tpu.memory_space<vmem_shared>> -> memref<1x1x2x5120xi32, #tpu.memory_space<vmem_shared>>
    %dma_start3A_510 = tpu.memref_squeeze %dma_start3A_509 : memref<1x1x2x5120xi32, #tpu.memory_space<vmem_shared>> -> memref<2x5120xi32, #tpu.memory_space<vmem_shared>>
    %dma_start3A_511 = arith.constant 0 : i32
    %dma_start3A_512 = tpu.memref_slice %arg2[%dma_start3A_511, %mul3A_505] : memref<2x3200000xi32, #tpu.memory_space<hbm>> -> memref<2x5120xi32, #tpu.memory_space<hbm>>
    tpu.enqueue_dma source(%dma_start3A_512 : memref<2x5120xi32, #tpu.memory_space<hbm>>) target(%dma_start3A_510 : memref<2x5120xi32, #tpu.memory_space<vmem_shared>>) target_semaphore(%arg14 : memref<!tpu.dma_semaphore, #tpu.memory_space<semaphore_mem>>)
    %dma_wait3A_513 = arith.constant 0 : i32
    %dma_wait3A_514 = arith.constant 1 : i32
    %dma_wait3A_515 = arith.constant 0 : i32
    %dma_wait3A_516 = tpu.memref_slice %arg6[%arg1, %dma_wait3A_513, %dma_wait3A_514, %dma_wait3A_515] : memref<16x3x2x5120xi32, #tpu.memory_space<vmem_shared>> -> memref<1x1x1x5120xi32, #tpu.memory_space<vmem_shared>>
    %dma_wait3A_517 = tpu.memref_squeeze %dma_wait3A_516 : memref<1x1x1x5120xi32, #tpu.memory_space<vmem_shared>> -> memref<5120xi32, #tpu.memory_space<vmem_shared>>
    %dma_wait3A_518 = arith.constant 0 : i32
    %dma_wait3A_519 = tpu.memref_slice %arg6[%arg1, %dma_wait3A_513, %dma_wait3A_514, %dma_wait3A_518] : memref<16x3x2x5120xi32, #tpu.memory_space<vmem_shared>> -> memref<1x1x1x5120xi32, #tpu.memory_space<vmem_shared>>
    %dma_wait3A_520 = tpu.memref_squeeze %dma_wait3A_519 : memref<1x1x1x5120xi32, #tpu.memory_space<vmem_shared>> -> memref<5120xi32, #tpu.memory_space<vmem_shared>>
    tpu.wait_dma2 semaphore(%arg15 : memref<!tpu.dma_semaphore, #tpu.memory_space<semaphore_mem>>) src(%dma_wait3A_520 : memref<5120xi32, #tpu.memory_space<vmem_shared>>) dst(%arg7 : memref<5120xi32, #tpu.memory_space<vmem>>)
    %dma_start3A_521 = arith.constant 0 : i32
    %dma_start3A_522 = tpu.memref_slice %arg5[%dma_start3A_521] : memref<102400xf32, #tpu.memory_space<vmem_shared>> -> memref<102400xf32, #tpu.memory_space<vmem_shared>>
    tpu.enqueue_indirect_dma source(%arg10 : memref<5120xf32, #tpu.memory_space<vmem>>) target(%dma_start3A_522 : memref<102400xf32, #tpu.memory_space<vmem_shared>>) offsets(%arg7 : memref<5120xi32, #tpu.memory_space<vmem>>) semaphore(%arg18 : memref<!tpu.dma_semaphore, #tpu.memory_space<semaphore_mem>>) {add = true}
    %dma_wait3A_523 = arith.constant 0 : i32
    %dma_wait3A_524 = tpu.memref_slice %arg5[%dma_wait3A_523] : memref<102400xf32, #tpu.memory_space<vmem_shared>> -> memref<102400xf32, #tpu.memory_space<vmem_shared>>
    tpu.wait_indirect_dma semaphore(%arg19 : memref<!tpu.dma_semaphore, #tpu.memory_space<semaphore_mem>>) src(%arg10 : memref<5120xf32, #tpu.memory_space<vmem>>) dst(%dma_wait3A_524 : memref<102400xf32, #tpu.memory_space<vmem_shared>>)
    %dma_wait3A_525 = arith.constant 1 : i32
    %dma_wait3A_526 = arith.constant 0 : i32
    %dma_wait3A_527 = arith.constant 0 : i32
    %dma_wait3A_528 = tpu.memref_slice %arg6[%arg1, %dma_wait3A_525, %dma_wait3A_526, %dma_wait3A_527] : memref<16x3x2x5120xi32, #tpu.memory_space<vmem_shared>> -> memref<1x1x2x5120xi32, #tpu.memory_space<vmem_shared>>
    %dma_wait3A_529 = tpu.memref_squeeze %dma_wait3A_528 : memref<1x1x2x5120xi32, #tpu.memory_space<vmem_shared>> -> memref<2x5120xi32, #tpu.memory_space<vmem_shared>>
    %dma_wait3A_530 = arith.constant 0 : i32
    %dma_wait3A_531 = tpu.memref_slice %arg2[%dma_wait3A_530, %mul3A_467] : memref<2x3200000xi32, #tpu.memory_space<hbm>> -> memref<2x5120xi32, #tpu.memory_space<hbm>>
    tpu.wait_dma2 semaphore(%arg13 : memref<!tpu.dma_semaphore, #tpu.memory_space<semaphore_mem>>) src(%dma_wait3A_531 : memref<2x5120xi32, #tpu.memory_space<hbm>>) dst(%dma_wait3A_529 : memref<2x5120xi32, #tpu.memory_space<vmem_shared>>)
    %dma_start3A_532 = arith.constant 1 : i32
    %dma_start3A_533 = arith.constant 1 : i32
    %dma_start3A_534 = arith.constant 0 : i32
    %dma_start3A_535 = tpu.memref_slice %arg6[%arg1, %dma_start3A_532, %dma_start3A_533, %dma_start3A_534] : memref<16x3x2x5120xi32, #tpu.memory_space<vmem_shared>> -> memref<1x1x1x5120xi32, #tpu.memory_space<vmem_shared>>
    %dma_start3A_536 = tpu.memref_squeeze %dma_start3A_535 : memref<1x1x1x5120xi32, #tpu.memory_space<vmem_shared>> -> memref<5120xi32, #tpu.memory_space<vmem_shared>>
    %dma_start3A_537 = arith.constant 0 : i32
    %dma_start3A_538 = tpu.memref_slice %arg6[%arg1, %dma_start3A_532, %dma_start3A_533, %dma_start3A_537] : memref<16x3x2x5120xi32, #tpu.memory_space<vmem_shared>> -> memref<1x1x1x5120xi32, #tpu.memory_space<vmem_shared>>
    %dma_start3A_539 = tpu.memref_squeeze %dma_start3A_538 : memref<1x1x1x5120xi32, #tpu.memory_space<vmem_shared>> -> memref<5120xi32, #tpu.memory_space<vmem_shared>>
    tpu.enqueue_dma source(%dma_start3A_539 : memref<5120xi32, #tpu.memory_space<vmem_shared>>) target(%arg8 : memref<5120xi32, #tpu.memory_space<vmem>>) target_semaphore(%arg16 : memref<!tpu.dma_semaphore, #tpu.memory_space<semaphore_mem>>)
    %add3A_540 = arith.constant 480 : i32
    %add3A_541 = arith.addi %add3A_540, %add3A : i32
    %mul3A_542 = arith.constant 5120 : i32
    %mul3A_543 = arith.muli %add3A_541, %mul3A_542 : i32
    %dma_start3A_544 = arith.constant 0 : i32
    %dma_start3A_545 = arith.constant 0 : i32
    %dma_start3A_546 = arith.constant 0 : i32
    %dma_start3A_547 = tpu.memref_slice %arg6[%arg1, %dma_start3A_544, %dma_start3A_545, %dma_start3A_546] : memref<16x3x2x5120xi32, #tpu.memory_space<vmem_shared>> -> memref<1x1x2x5120xi32, #tpu.memory_space<vmem_shared>>
    %dma_start3A_548 = tpu.memref_squeeze %dma_start3A_547 : memref<1x1x2x5120xi32, #tpu.memory_space<vmem_shared>> -> memref<2x5120xi32, #tpu.memory_space<vmem_shared>>
    %dma_start3A_549 = arith.constant 0 : i32
    %dma_start3A_550 = tpu.memref_slice %arg2[%dma_start3A_549, %mul3A_543] : memref<2x3200000xi32, #tpu.memory_space<hbm>> -> memref<2x5120xi32, #tpu.memory_space<hbm>>
    tpu.enqueue_dma source(%dma_start3A_550 : memref<2x5120xi32, #tpu.memory_space<hbm>>) target(%dma_start3A_548 : memref<2x5120xi32, #tpu.memory_space<vmem_shared>>) target_semaphore(%arg12 : memref<!tpu.dma_semaphore, #tpu.memory_space<semaphore_mem>>)
    %dma_wait3A_551 = arith.constant 1 : i32
    %dma_wait3A_552 = arith.constant 1 : i32
    %dma_wait3A_553 = arith.constant 0 : i32
    %dma_wait3A_554 = tpu.memref_slice %arg6[%arg1, %dma_wait3A_551, %dma_wait3A_552, %dma_wait3A_553] : memref<16x3x2x5120xi32, #tpu.memory_space<vmem_shared>> -> memref<1x1x1x5120xi32, #tpu.memory_space<vmem_shared>>
    %dma_wait3A_555 = tpu.memref_squeeze %dma_wait3A_554 : memref<1x1x1x5120xi32, #tpu.memory_space<vmem_shared>> -> memref<5120xi32, #tpu.memory_space<vmem_shared>>
    %dma_wait3A_556 = arith.constant 0 : i32
    %dma_wait3A_557 = tpu.memref_slice %arg6[%arg1, %dma_wait3A_551, %dma_wait3A_552, %dma_wait3A_556] : memref<16x3x2x5120xi32, #tpu.memory_space<vmem_shared>> -> memref<1x1x1x5120xi32, #tpu.memory_space<vmem_shared>>
    %dma_wait3A_558 = tpu.memref_squeeze %dma_wait3A_557 : memref<1x1x1x5120xi32, #tpu.memory_space<vmem_shared>> -> memref<5120xi32, #tpu.memory_space<vmem_shared>>
    tpu.wait_dma2 semaphore(%arg16 : memref<!tpu.dma_semaphore, #tpu.memory_space<semaphore_mem>>) src(%dma_wait3A_558 : memref<5120xi32, #tpu.memory_space<vmem_shared>>) dst(%arg8 : memref<5120xi32, #tpu.memory_space<vmem>>)
    %dma_start3A_559 = arith.constant 0 : i32
    %dma_start3A_560 = tpu.memref_slice %arg5[%dma_start3A_559] : memref<102400xf32, #tpu.memory_space<vmem_shared>> -> memref<102400xf32, #tpu.memory_space<vmem_shared>>
    tpu.enqueue_indirect_dma source(%arg10 : memref<5120xf32, #tpu.memory_space<vmem>>) target(%dma_start3A_560 : memref<102400xf32, #tpu.memory_space<vmem_shared>>) offsets(%arg8 : memref<5120xi32, #tpu.memory_space<vmem>>) semaphore(%arg19 : memref<!tpu.dma_semaphore, #tpu.memory_space<semaphore_mem>>) {add = true}
    %dma_wait3A_561 = arith.constant 0 : i32
    %dma_wait3A_562 = tpu.memref_slice %arg5[%dma_wait3A_561] : memref<102400xf32, #tpu.memory_space<vmem_shared>> -> memref<102400xf32, #tpu.memory_space<vmem_shared>>
    tpu.wait_indirect_dma semaphore(%arg20 : memref<!tpu.dma_semaphore, #tpu.memory_space<semaphore_mem>>) src(%arg10 : memref<5120xf32, #tpu.memory_space<vmem>>) dst(%dma_wait3A_562 : memref<102400xf32, #tpu.memory_space<vmem_shared>>)
    %dma_wait3A_563 = arith.constant 2 : i32
    %dma_wait3A_564 = arith.constant 0 : i32
    %dma_wait3A_565 = arith.constant 0 : i32
    %dma_wait3A_566 = tpu.memref_slice %arg6[%arg1, %dma_wait3A_563, %dma_wait3A_564, %dma_wait3A_565] : memref<16x3x2x5120xi32, #tpu.memory_space<vmem_shared>> -> memref<1x1x2x5120xi32, #tpu.memory_space<vmem_shared>>
    %dma_wait3A_567 = tpu.memref_squeeze %dma_wait3A_566 : memref<1x1x2x5120xi32, #tpu.memory_space<vmem_shared>> -> memref<2x5120xi32, #tpu.memory_space<vmem_shared>>
    %dma_wait3A_568 = arith.constant 0 : i32
    %dma_wait3A_569 = tpu.memref_slice %arg2[%dma_wait3A_568, %mul3A_505] : memref<2x3200000xi32, #tpu.memory_space<hbm>> -> memref<2x5120xi32, #tpu.memory_space<hbm>>
    tpu.wait_dma2 semaphore(%arg14 : memref<!tpu.dma_semaphore, #tpu.memory_space<semaphore_mem>>) src(%dma_wait3A_569 : memref<2x5120xi32, #tpu.memory_space<hbm>>) dst(%dma_wait3A_567 : memref<2x5120xi32, #tpu.memory_space<vmem_shared>>)
    %dma_start3A_570 = arith.constant 2 : i32
    %dma_start3A_571 = arith.constant 1 : i32
    %dma_start3A_572 = arith.constant 0 : i32
    %dma_start3A_573 = tpu.memref_slice %arg6[%arg1, %dma_start3A_570, %dma_start3A_571, %dma_start3A_572] : memref<16x3x2x5120xi32, #tpu.memory_space<vmem_shared>> -> memref<1x1x1x5120xi32, #tpu.memory_space<vmem_shared>>
    %dma_start3A_574 = tpu.memref_squeeze %dma_start3A_573 : memref<1x1x1x5120xi32, #tpu.memory_space<vmem_shared>> -> memref<5120xi32, #tpu.memory_space<vmem_shared>>
    %dma_start3A_575 = arith.constant 0 : i32
    %dma_start3A_576 = tpu.memref_slice %arg6[%arg1, %dma_start3A_570, %dma_start3A_571, %dma_start3A_575] : memref<16x3x2x5120xi32, #tpu.memory_space<vmem_shared>> -> memref<1x1x1x5120xi32, #tpu.memory_space<vmem_shared>>
    %dma_start3A_577 = tpu.memref_squeeze %dma_start3A_576 : memref<1x1x1x5120xi32, #tpu.memory_space<vmem_shared>> -> memref<5120xi32, #tpu.memory_space<vmem_shared>>
    tpu.enqueue_dma source(%dma_start3A_577 : memref<5120xi32, #tpu.memory_space<vmem_shared>>) target(%arg9 : memref<5120xi32, #tpu.memory_space<vmem>>) target_semaphore(%arg17 : memref<!tpu.dma_semaphore, #tpu.memory_space<semaphore_mem>>)
    %add3A_578 = arith.constant 512 : i32
    %add3A_579 = arith.addi %add3A_578, %add3A : i32
    %mul3A_580 = arith.constant 5120 : i32
    %mul3A_581 = arith.muli %add3A_579, %mul3A_580 : i32
    %dma_start3A_582 = arith.constant 1 : i32
    %dma_start3A_583 = arith.constant 0 : i32
    %dma_start3A_584 = arith.constant 0 : i32
    %dma_start3A_585 = tpu.memref_slice %arg6[%arg1, %dma_start3A_582, %dma_start3A_583, %dma_start3A_584] : memref<16x3x2x5120xi32, #tpu.memory_space<vmem_shared>> -> memref<1x1x2x5120xi32, #tpu.memory_space<vmem_shared>>
    %dma_start3A_586 = tpu.memref_squeeze %dma_start3A_585 : memref<1x1x2x5120xi32, #tpu.memory_space<vmem_shared>> -> memref<2x5120xi32, #tpu.memory_space<vmem_shared>>
    %dma_start3A_587 = arith.constant 0 : i32
    %dma_start3A_588 = tpu.memref_slice %arg2[%dma_start3A_587, %mul3A_581] : memref<2x3200000xi32, #tpu.memory_space<hbm>> -> memref<2x5120xi32, #tpu.memory_space<hbm>>
    tpu.enqueue_dma source(%dma_start3A_588 : memref<2x5120xi32, #tpu.memory_space<hbm>>) target(%dma_start3A_586 : memref<2x5120xi32, #tpu.memory_space<vmem_shared>>) target_semaphore(%arg13 : memref<!tpu.dma_semaphore, #tpu.memory_space<semaphore_mem>>)
    %dma_wait3A_589 = arith.constant 2 : i32
    %dma_wait3A_590 = arith.constant 1 : i32
    %dma_wait3A_591 = arith.constant 0 : i32
    %dma_wait3A_592 = tpu.memref_slice %arg6[%arg1, %dma_wait3A_589, %dma_wait3A_590, %dma_wait3A_591] : memref<16x3x2x5120xi32, #tpu.memory_space<vmem_shared>> -> memref<1x1x1x5120xi32, #tpu.memory_space<vmem_shared>>
    %dma_wait3A_593 = tpu.memref_squeeze %dma_wait3A_592 : memref<1x1x1x5120xi32, #tpu.memory_space<vmem_shared>> -> memref<5120xi32, #tpu.memory_space<vmem_shared>>
    %dma_wait3A_594 = arith.constant 0 : i32
    %dma_wait3A_595 = tpu.memref_slice %arg6[%arg1, %dma_wait3A_589, %dma_wait3A_590, %dma_wait3A_594] : memref<16x3x2x5120xi32, #tpu.memory_space<vmem_shared>> -> memref<1x1x1x5120xi32, #tpu.memory_space<vmem_shared>>
    %dma_wait3A_596 = tpu.memref_squeeze %dma_wait3A_595 : memref<1x1x1x5120xi32, #tpu.memory_space<vmem_shared>> -> memref<5120xi32, #tpu.memory_space<vmem_shared>>
    tpu.wait_dma2 semaphore(%arg17 : memref<!tpu.dma_semaphore, #tpu.memory_space<semaphore_mem>>) src(%dma_wait3A_596 : memref<5120xi32, #tpu.memory_space<vmem_shared>>) dst(%arg9 : memref<5120xi32, #tpu.memory_space<vmem>>)
    %dma_start3A_597 = arith.constant 0 : i32
    %dma_start3A_598 = tpu.memref_slice %arg5[%dma_start3A_597] : memref<102400xf32, #tpu.memory_space<vmem_shared>> -> memref<102400xf32, #tpu.memory_space<vmem_shared>>
    tpu.enqueue_indirect_dma source(%arg10 : memref<5120xf32, #tpu.memory_space<vmem>>) target(%dma_start3A_598 : memref<102400xf32, #tpu.memory_space<vmem_shared>>) offsets(%arg9 : memref<5120xi32, #tpu.memory_space<vmem>>) semaphore(%arg20 : memref<!tpu.dma_semaphore, #tpu.memory_space<semaphore_mem>>) {add = true}
    %dma_wait3A_599 = arith.constant 0 : i32
    %dma_wait3A_600 = tpu.memref_slice %arg5[%dma_wait3A_599] : memref<102400xf32, #tpu.memory_space<vmem_shared>> -> memref<102400xf32, #tpu.memory_space<vmem_shared>>
    tpu.wait_indirect_dma semaphore(%arg18 : memref<!tpu.dma_semaphore, #tpu.memory_space<semaphore_mem>>) src(%arg10 : memref<5120xf32, #tpu.memory_space<vmem>>) dst(%dma_wait3A_600 : memref<102400xf32, #tpu.memory_space<vmem_shared>>)
    %dma_wait3A_601 = arith.constant 0 : i32
    %dma_wait3A_602 = arith.constant 0 : i32
    %dma_wait3A_603 = arith.constant 0 : i32
    %dma_wait3A_604 = tpu.memref_slice %arg6[%arg1, %dma_wait3A_601, %dma_wait3A_602, %dma_wait3A_603] : memref<16x3x2x5120xi32, #tpu.memory_space<vmem_shared>> -> memref<1x1x2x5120xi32, #tpu.memory_space<vmem_shared>>
    %dma_wait3A_605 = tpu.memref_squeeze %dma_wait3A_604 : memref<1x1x2x5120xi32, #tpu.memory_space<vmem_shared>> -> memref<2x5120xi32, #tpu.memory_space<vmem_shared>>
    %dma_wait3A_606 = arith.constant 0 : i32
    %dma_wait3A_607 = tpu.memref_slice %arg2[%dma_wait3A_606, %mul3A_543] : memref<2x3200000xi32, #tpu.memory_space<hbm>> -> memref<2x5120xi32, #tpu.memory_space<hbm>>
    tpu.wait_dma2 semaphore(%arg12 : memref<!tpu.dma_semaphore, #tpu.memory_space<semaphore_mem>>) src(%dma_wait3A_607 : memref<2x5120xi32, #tpu.memory_space<hbm>>) dst(%dma_wait3A_605 : memref<2x5120xi32, #tpu.memory_space<vmem_shared>>)
    %dma_start3A_608 = arith.constant 0 : i32
    %dma_start3A_609 = arith.constant 1 : i32
    %dma_start3A_610 = arith.constant 0 : i32
    %dma_start3A_611 = tpu.memref_slice %arg6[%arg1, %dma_start3A_608, %dma_start3A_609, %dma_start3A_610] : memref<16x3x2x5120xi32, #tpu.memory_space<vmem_shared>> -> memref<1x1x1x5120xi32, #tpu.memory_space<vmem_shared>>
    %dma_start3A_612 = tpu.memref_squeeze %dma_start3A_611 : memref<1x1x1x5120xi32, #tpu.memory_space<vmem_shared>> -> memref<5120xi32, #tpu.memory_space<vmem_shared>>
    %dma_start3A_613 = arith.constant 0 : i32
    %dma_start3A_614 = tpu.memref_slice %arg6[%arg1, %dma_start3A_608, %dma_start3A_609, %dma_start3A_613] : memref<16x3x2x5120xi32, #tpu.memory_space<vmem_shared>> -> memref<1x1x1x5120xi32, #tpu.memory_space<vmem_shared>>
    %dma_start3A_615 = tpu.memref_squeeze %dma_start3A_614 : memref<1x1x1x5120xi32, #tpu.memory_space<vmem_shared>> -> memref<5120xi32, #tpu.memory_space<vmem_shared>>
    tpu.enqueue_dma source(%dma_start3A_615 : memref<5120xi32, #tpu.memory_space<vmem_shared>>) target(%arg7 : memref<5120xi32, #tpu.memory_space<vmem>>) target_semaphore(%arg15 : memref<!tpu.dma_semaphore, #tpu.memory_space<semaphore_mem>>)
    %add3A_616 = arith.constant 544 : i32
    %add3A_617 = arith.addi %add3A_616, %add3A : i32
    %mul3A_618 = arith.constant 5120 : i32
    %mul3A_619 = arith.muli %add3A_617, %mul3A_618 : i32
    %dma_start3A_620 = arith.constant 2 : i32
    %dma_start3A_621 = arith.constant 0 : i32
    %dma_start3A_622 = arith.constant 0 : i32
    %dma_start3A_623 = tpu.memref_slice %arg6[%arg1, %dma_start3A_620, %dma_start3A_621, %dma_start3A_622] : memref<16x3x2x5120xi32, #tpu.memory_space<vmem_shared>> -> memref<1x1x2x5120xi32, #tpu.memory_space<vmem_shared>>
    %dma_start3A_624 = tpu.memref_squeeze %dma_start3A_623 : memref<1x1x2x5120xi32, #tpu.memory_space<vmem_shared>> -> memref<2x5120xi32, #tpu.memory_space<vmem_shared>>
    %dma_start3A_625 = arith.constant 0 : i32
    %dma_start3A_626 = tpu.memref_slice %arg2[%dma_start3A_625, %mul3A_619] : memref<2x3200000xi32, #tpu.memory_space<hbm>> -> memref<2x5120xi32, #tpu.memory_space<hbm>>
    tpu.enqueue_dma source(%dma_start3A_626 : memref<2x5120xi32, #tpu.memory_space<hbm>>) target(%dma_start3A_624 : memref<2x5120xi32, #tpu.memory_space<vmem_shared>>) target_semaphore(%arg14 : memref<!tpu.dma_semaphore, #tpu.memory_space<semaphore_mem>>)
    %dma_wait3A_627 = arith.constant 0 : i32
    %dma_wait3A_628 = arith.constant 1 : i32
    %dma_wait3A_629 = arith.constant 0 : i32
    %dma_wait3A_630 = tpu.memref_slice %arg6[%arg1, %dma_wait3A_627, %dma_wait3A_628, %dma_wait3A_629] : memref<16x3x2x5120xi32, #tpu.memory_space<vmem_shared>> -> memref<1x1x1x5120xi32, #tpu.memory_space<vmem_shared>>
    %dma_wait3A_631 = tpu.memref_squeeze %dma_wait3A_630 : memref<1x1x1x5120xi32, #tpu.memory_space<vmem_shared>> -> memref<5120xi32, #tpu.memory_space<vmem_shared>>
    %dma_wait3A_632 = arith.constant 0 : i32
    %dma_wait3A_633 = tpu.memref_slice %arg6[%arg1, %dma_wait3A_627, %dma_wait3A_628, %dma_wait3A_632] : memref<16x3x2x5120xi32, #tpu.memory_space<vmem_shared>> -> memref<1x1x1x5120xi32, #tpu.memory_space<vmem_shared>>
    %dma_wait3A_634 = tpu.memref_squeeze %dma_wait3A_633 : memref<1x1x1x5120xi32, #tpu.memory_space<vmem_shared>> -> memref<5120xi32, #tpu.memory_space<vmem_shared>>
    tpu.wait_dma2 semaphore(%arg15 : memref<!tpu.dma_semaphore, #tpu.memory_space<semaphore_mem>>) src(%dma_wait3A_634 : memref<5120xi32, #tpu.memory_space<vmem_shared>>) dst(%arg7 : memref<5120xi32, #tpu.memory_space<vmem>>)
    %dma_start3A_635 = arith.constant 0 : i32
    %dma_start3A_636 = tpu.memref_slice %arg5[%dma_start3A_635] : memref<102400xf32, #tpu.memory_space<vmem_shared>> -> memref<102400xf32, #tpu.memory_space<vmem_shared>>
    tpu.enqueue_indirect_dma source(%arg10 : memref<5120xf32, #tpu.memory_space<vmem>>) target(%dma_start3A_636 : memref<102400xf32, #tpu.memory_space<vmem_shared>>) offsets(%arg7 : memref<5120xi32, #tpu.memory_space<vmem>>) semaphore(%arg18 : memref<!tpu.dma_semaphore, #tpu.memory_space<semaphore_mem>>) {add = true}
    %dma_wait3A_637 = arith.constant 0 : i32
    %dma_wait3A_638 = tpu.memref_slice %arg5[%dma_wait3A_637] : memref<102400xf32, #tpu.memory_space<vmem_shared>> -> memref<102400xf32, #tpu.memory_space<vmem_shared>>
    tpu.wait_indirect_dma semaphore(%arg19 : memref<!tpu.dma_semaphore, #tpu.memory_space<semaphore_mem>>) src(%arg10 : memref<5120xf32, #tpu.memory_space<vmem>>) dst(%dma_wait3A_638 : memref<102400xf32, #tpu.memory_space<vmem_shared>>)
    %dma_wait3A_639 = arith.constant 1 : i32
    %dma_wait3A_640 = arith.constant 0 : i32
    %dma_wait3A_641 = arith.constant 0 : i32
    %dma_wait3A_642 = tpu.memref_slice %arg6[%arg1, %dma_wait3A_639, %dma_wait3A_640, %dma_wait3A_641] : memref<16x3x2x5120xi32, #tpu.memory_space<vmem_shared>> -> memref<1x1x2x5120xi32, #tpu.memory_space<vmem_shared>>
    %dma_wait3A_643 = tpu.memref_squeeze %dma_wait3A_642 : memref<1x1x2x5120xi32, #tpu.memory_space<vmem_shared>> -> memref<2x5120xi32, #tpu.memory_space<vmem_shared>>
    %dma_wait3A_644 = arith.constant 0 : i32
    %dma_wait3A_645 = tpu.memref_slice %arg2[%dma_wait3A_644, %mul3A_581] : memref<2x3200000xi32, #tpu.memory_space<hbm>> -> memref<2x5120xi32, #tpu.memory_space<hbm>>
    tpu.wait_dma2 semaphore(%arg13 : memref<!tpu.dma_semaphore, #tpu.memory_space<semaphore_mem>>) src(%dma_wait3A_645 : memref<2x5120xi32, #tpu.memory_space<hbm>>) dst(%dma_wait3A_643 : memref<2x5120xi32, #tpu.memory_space<vmem_shared>>)
    %dma_start3A_646 = arith.constant 1 : i32
    %dma_start3A_647 = arith.constant 1 : i32
    %dma_start3A_648 = arith.constant 0 : i32
    %dma_start3A_649 = tpu.memref_slice %arg6[%arg1, %dma_start3A_646, %dma_start3A_647, %dma_start3A_648] : memref<16x3x2x5120xi32, #tpu.memory_space<vmem_shared>> -> memref<1x1x1x5120xi32, #tpu.memory_space<vmem_shared>>
    %dma_start3A_650 = tpu.memref_squeeze %dma_start3A_649 : memref<1x1x1x5120xi32, #tpu.memory_space<vmem_shared>> -> memref<5120xi32, #tpu.memory_space<vmem_shared>>
    %dma_start3A_651 = arith.constant 0 : i32
    %dma_start3A_652 = tpu.memref_slice %arg6[%arg1, %dma_start3A_646, %dma_start3A_647, %dma_start3A_651] : memref<16x3x2x5120xi32, #tpu.memory_space<vmem_shared>> -> memref<1x1x1x5120xi32, #tpu.memory_space<vmem_shared>>
    %dma_start3A_653 = tpu.memref_squeeze %dma_start3A_652 : memref<1x1x1x5120xi32, #tpu.memory_space<vmem_shared>> -> memref<5120xi32, #tpu.memory_space<vmem_shared>>
    tpu.enqueue_dma source(%dma_start3A_653 : memref<5120xi32, #tpu.memory_space<vmem_shared>>) target(%arg8 : memref<5120xi32, #tpu.memory_space<vmem>>) target_semaphore(%arg16 : memref<!tpu.dma_semaphore, #tpu.memory_space<semaphore_mem>>)
    %add3A_654 = arith.constant 576 : i32
    %add3A_655 = arith.addi %add3A_654, %add3A : i32
    %mul3A_656 = arith.constant 5120 : i32
    %mul3A_657 = arith.muli %add3A_655, %mul3A_656 : i32
    %dma_start3A_658 = arith.constant 0 : i32
    %dma_start3A_659 = arith.constant 0 : i32
    %dma_start3A_660 = arith.constant 0 : i32
    %dma_start3A_661 = tpu.memref_slice %arg6[%arg1, %dma_start3A_658, %dma_start3A_659, %dma_start3A_660] : memref<16x3x2x5120xi32, #tpu.memory_space<vmem_shared>> -> memref<1x1x2x5120xi32, #tpu.memory_space<vmem_shared>>
    %dma_start3A_662 = tpu.memref_squeeze %dma_start3A_661 : memref<1x1x2x5120xi32, #tpu.memory_space<vmem_shared>> -> memref<2x5120xi32, #tpu.memory_space<vmem_shared>>
    %dma_start3A_663 = arith.constant 0 : i32
    %dma_start3A_664 = tpu.memref_slice %arg2[%dma_start3A_663, %mul3A_657] : memref<2x3200000xi32, #tpu.memory_space<hbm>> -> memref<2x5120xi32, #tpu.memory_space<hbm>>
    tpu.enqueue_dma source(%dma_start3A_664 : memref<2x5120xi32, #tpu.memory_space<hbm>>) target(%dma_start3A_662 : memref<2x5120xi32, #tpu.memory_space<vmem_shared>>) target_semaphore(%arg12 : memref<!tpu.dma_semaphore, #tpu.memory_space<semaphore_mem>>)
    %dma_wait3A_665 = arith.constant 1 : i32
    %dma_wait3A_666 = arith.constant 1 : i32
    %dma_wait3A_667 = arith.constant 0 : i32
    %dma_wait3A_668 = tpu.memref_slice %arg6[%arg1, %dma_wait3A_665, %dma_wait3A_666, %dma_wait3A_667] : memref<16x3x2x5120xi32, #tpu.memory_space<vmem_shared>> -> memref<1x1x1x5120xi32, #tpu.memory_space<vmem_shared>>
    %dma_wait3A_669 = tpu.memref_squeeze %dma_wait3A_668 : memref<1x1x1x5120xi32, #tpu.memory_space<vmem_shared>> -> memref<5120xi32, #tpu.memory_space<vmem_shared>>
    %dma_wait3A_670 = arith.constant 0 : i32
    %dma_wait3A_671 = tpu.memref_slice %arg6[%arg1, %dma_wait3A_665, %dma_wait3A_666, %dma_wait3A_670] : memref<16x3x2x5120xi32, #tpu.memory_space<vmem_shared>> -> memref<1x1x1x5120xi32, #tpu.memory_space<vmem_shared>>
    %dma_wait3A_672 = tpu.memref_squeeze %dma_wait3A_671 : memref<1x1x1x5120xi32, #tpu.memory_space<vmem_shared>> -> memref<5120xi32, #tpu.memory_space<vmem_shared>>
    tpu.wait_dma2 semaphore(%arg16 : memref<!tpu.dma_semaphore, #tpu.memory_space<semaphore_mem>>) src(%dma_wait3A_672 : memref<5120xi32, #tpu.memory_space<vmem_shared>>) dst(%arg8 : memref<5120xi32, #tpu.memory_space<vmem>>)
    %dma_start3A_673 = arith.constant 0 : i32
    %dma_start3A_674 = tpu.memref_slice %arg5[%dma_start3A_673] : memref<102400xf32, #tpu.memory_space<vmem_shared>> -> memref<102400xf32, #tpu.memory_space<vmem_shared>>
    tpu.enqueue_indirect_dma source(%arg10 : memref<5120xf32, #tpu.memory_space<vmem>>) target(%dma_start3A_674 : memref<102400xf32, #tpu.memory_space<vmem_shared>>) offsets(%arg8 : memref<5120xi32, #tpu.memory_space<vmem>>) semaphore(%arg19 : memref<!tpu.dma_semaphore, #tpu.memory_space<semaphore_mem>>) {add = true}
    %dma_wait3A_675 = arith.constant 0 : i32
    %dma_wait3A_676 = tpu.memref_slice %arg5[%dma_wait3A_675] : memref<102400xf32, #tpu.memory_space<vmem_shared>> -> memref<102400xf32, #tpu.memory_space<vmem_shared>>
    tpu.wait_indirect_dma semaphore(%arg20 : memref<!tpu.dma_semaphore, #tpu.memory_space<semaphore_mem>>) src(%arg10 : memref<5120xf32, #tpu.memory_space<vmem>>) dst(%dma_wait3A_676 : memref<102400xf32, #tpu.memory_space<vmem_shared>>)
    %dma_wait3A_677 = arith.constant 2 : i32
    %dma_wait3A_678 = arith.constant 0 : i32
    %dma_wait3A_679 = arith.constant 0 : i32
    %dma_wait3A_680 = tpu.memref_slice %arg6[%arg1, %dma_wait3A_677, %dma_wait3A_678, %dma_wait3A_679] : memref<16x3x2x5120xi32, #tpu.memory_space<vmem_shared>> -> memref<1x1x2x5120xi32, #tpu.memory_space<vmem_shared>>
    %dma_wait3A_681 = tpu.memref_squeeze %dma_wait3A_680 : memref<1x1x2x5120xi32, #tpu.memory_space<vmem_shared>> -> memref<2x5120xi32, #tpu.memory_space<vmem_shared>>
    %dma_wait3A_682 = arith.constant 0 : i32
    %dma_wait3A_683 = tpu.memref_slice %arg2[%dma_wait3A_682, %mul3A_619] : memref<2x3200000xi32, #tpu.memory_space<hbm>> -> memref<2x5120xi32, #tpu.memory_space<hbm>>
    tpu.wait_dma2 semaphore(%arg14 : memref<!tpu.dma_semaphore, #tpu.memory_space<semaphore_mem>>) src(%dma_wait3A_683 : memref<2x5120xi32, #tpu.memory_space<hbm>>) dst(%dma_wait3A_681 : memref<2x5120xi32, #tpu.memory_space<vmem_shared>>)
    %dma_start3A_684 = arith.constant 2 : i32
    %dma_start3A_685 = arith.constant 1 : i32
    %dma_start3A_686 = arith.constant 0 : i32
    %dma_start3A_687 = tpu.memref_slice %arg6[%arg1, %dma_start3A_684, %dma_start3A_685, %dma_start3A_686] : memref<16x3x2x5120xi32, #tpu.memory_space<vmem_shared>> -> memref<1x1x1x5120xi32, #tpu.memory_space<vmem_shared>>
    %dma_start3A_688 = tpu.memref_squeeze %dma_start3A_687 : memref<1x1x1x5120xi32, #tpu.memory_space<vmem_shared>> -> memref<5120xi32, #tpu.memory_space<vmem_shared>>
    %dma_start3A_689 = arith.constant 0 : i32
    %dma_start3A_690 = tpu.memref_slice %arg6[%arg1, %dma_start3A_684, %dma_start3A_685, %dma_start3A_689] : memref<16x3x2x5120xi32, #tpu.memory_space<vmem_shared>> -> memref<1x1x1x5120xi32, #tpu.memory_space<vmem_shared>>
    %dma_start3A_691 = tpu.memref_squeeze %dma_start3A_690 : memref<1x1x1x5120xi32, #tpu.memory_space<vmem_shared>> -> memref<5120xi32, #tpu.memory_space<vmem_shared>>
    tpu.enqueue_dma source(%dma_start3A_691 : memref<5120xi32, #tpu.memory_space<vmem_shared>>) target(%arg9 : memref<5120xi32, #tpu.memory_space<vmem>>) target_semaphore(%arg17 : memref<!tpu.dma_semaphore, #tpu.memory_space<semaphore_mem>>)
    %dma_wait3A_692 = arith.constant 2 : i32
    %dma_wait3A_693 = arith.constant 1 : i32
    %dma_wait3A_694 = arith.constant 0 : i32
    %dma_wait3A_695 = tpu.memref_slice %arg6[%arg1, %dma_wait3A_692, %dma_wait3A_693, %dma_wait3A_694] : memref<16x3x2x5120xi32, #tpu.memory_space<vmem_shared>> -> memref<1x1x1x5120xi32, #tpu.memory_space<vmem_shared>>
    %dma_wait3A_696 = tpu.memref_squeeze %dma_wait3A_695 : memref<1x1x1x5120xi32, #tpu.memory_space<vmem_shared>> -> memref<5120xi32, #tpu.memory_space<vmem_shared>>
    %dma_wait3A_697 = arith.constant 0 : i32
    %dma_wait3A_698 = tpu.memref_slice %arg6[%arg1, %dma_wait3A_692, %dma_wait3A_693, %dma_wait3A_697] : memref<16x3x2x5120xi32, #tpu.memory_space<vmem_shared>> -> memref<1x1x1x5120xi32, #tpu.memory_space<vmem_shared>>
    %dma_wait3A_699 = tpu.memref_squeeze %dma_wait3A_698 : memref<1x1x1x5120xi32, #tpu.memory_space<vmem_shared>> -> memref<5120xi32, #tpu.memory_space<vmem_shared>>
    tpu.wait_dma2 semaphore(%arg17 : memref<!tpu.dma_semaphore, #tpu.memory_space<semaphore_mem>>) src(%dma_wait3A_699 : memref<5120xi32, #tpu.memory_space<vmem_shared>>) dst(%arg9 : memref<5120xi32, #tpu.memory_space<vmem>>)
    %dma_start3A_700 = arith.constant 0 : i32
    %dma_start3A_701 = tpu.memref_slice %arg5[%dma_start3A_700] : memref<102400xf32, #tpu.memory_space<vmem_shared>> -> memref<102400xf32, #tpu.memory_space<vmem_shared>>
    tpu.enqueue_indirect_dma source(%arg10 : memref<5120xf32, #tpu.memory_space<vmem>>) target(%dma_start3A_701 : memref<102400xf32, #tpu.memory_space<vmem_shared>>) offsets(%arg9 : memref<5120xi32, #tpu.memory_space<vmem>>) semaphore(%arg20 : memref<!tpu.dma_semaphore, #tpu.memory_space<semaphore_mem>>) {add = true}
    %dma_wait3A_702 = arith.constant 0 : i32
    %dma_wait3A_703 = tpu.memref_slice %arg5[%dma_wait3A_702] : memref<102400xf32, #tpu.memory_space<vmem_shared>> -> memref<102400xf32, #tpu.memory_space<vmem_shared>>
    tpu.wait_indirect_dma semaphore(%arg18 : memref<!tpu.dma_semaphore, #tpu.memory_space<semaphore_mem>>) src(%arg10 : memref<5120xf32, #tpu.memory_space<vmem>>) dst(%dma_wait3A_703 : memref<102400xf32, #tpu.memory_space<vmem_shared>>)
    %dma_wait3A_704 = arith.constant 0 : i32
    %dma_wait3A_705 = arith.constant 0 : i32
    %dma_wait3A_706 = arith.constant 0 : i32
    %dma_wait3A_707 = tpu.memref_slice %arg6[%arg1, %dma_wait3A_704, %dma_wait3A_705, %dma_wait3A_706] : memref<16x3x2x5120xi32, #tpu.memory_space<vmem_shared>> -> memref<1x1x2x5120xi32, #tpu.memory_space<vmem_shared>>
    %dma_wait3A_708 = tpu.memref_squeeze %dma_wait3A_707 : memref<1x1x2x5120xi32, #tpu.memory_space<vmem_shared>> -> memref<2x5120xi32, #tpu.memory_space<vmem_shared>>
    %dma_wait3A_709 = arith.constant 0 : i32
    %dma_wait3A_710 = tpu.memref_slice %arg2[%dma_wait3A_709, %mul3A_657] : memref<2x3200000xi32, #tpu.memory_space<hbm>> -> memref<2x5120xi32, #tpu.memory_space<hbm>>
    tpu.wait_dma2 semaphore(%arg12 : memref<!tpu.dma_semaphore, #tpu.memory_space<semaphore_mem>>) src(%dma_wait3A_710 : memref<2x5120xi32, #tpu.memory_space<hbm>>) dst(%dma_wait3A_708 : memref<2x5120xi32, #tpu.memory_space<vmem_shared>>)
    %dma_start3A_711 = arith.constant 0 : i32
    %dma_start3A_712 = arith.constant 1 : i32
    %dma_start3A_713 = arith.constant 0 : i32
    %dma_start3A_714 = tpu.memref_slice %arg6[%arg1, %dma_start3A_711, %dma_start3A_712, %dma_start3A_713] : memref<16x3x2x5120xi32, #tpu.memory_space<vmem_shared>> -> memref<1x1x1x5120xi32, #tpu.memory_space<vmem_shared>>
    %dma_start3A_715 = tpu.memref_squeeze %dma_start3A_714 : memref<1x1x1x5120xi32, #tpu.memory_space<vmem_shared>> -> memref<5120xi32, #tpu.memory_space<vmem_shared>>
    %dma_start3A_716 = arith.constant 0 : i32
    %dma_start3A_717 = tpu.memref_slice %arg6[%arg1, %dma_start3A_711, %dma_start3A_712, %dma_start3A_716] : memref<16x3x2x5120xi32, #tpu.memory_space<vmem_shared>> -> memref<1x1x1x5120xi32, #tpu.memory_space<vmem_shared>>
    %dma_start3A_718 = tpu.memref_squeeze %dma_start3A_717 : memref<1x1x1x5120xi32, #tpu.memory_space<vmem_shared>> -> memref<5120xi32, #tpu.memory_space<vmem_shared>>
    tpu.enqueue_dma source(%dma_start3A_718 : memref<5120xi32, #tpu.memory_space<vmem_shared>>) target(%arg7 : memref<5120xi32, #tpu.memory_space<vmem>>) target_semaphore(%arg15 : memref<!tpu.dma_semaphore, #tpu.memory_space<semaphore_mem>>)
    %dma_wait3A_719 = arith.constant 0 : i32
    %dma_wait3A_720 = arith.constant 1 : i32
    %dma_wait3A_721 = arith.constant 0 : i32
    %dma_wait3A_722 = tpu.memref_slice %arg6[%arg1, %dma_wait3A_719, %dma_wait3A_720, %dma_wait3A_721] : memref<16x3x2x5120xi32, #tpu.memory_space<vmem_shared>> -> memref<1x1x1x5120xi32, #tpu.memory_space<vmem_shared>>
    %dma_wait3A_723 = tpu.memref_squeeze %dma_wait3A_722 : memref<1x1x1x5120xi32, #tpu.memory_space<vmem_shared>> -> memref<5120xi32, #tpu.memory_space<vmem_shared>>
    %dma_wait3A_724 = arith.constant 0 : i32
    %dma_wait3A_725 = tpu.memref_slice %arg6[%arg1, %dma_wait3A_719, %dma_wait3A_720, %dma_wait3A_724] : memref<16x3x2x5120xi32, #tpu.memory_space<vmem_shared>> -> memref<1x1x1x5120xi32, #tpu.memory_space<vmem_shared>>
    %dma_wait3A_726 = tpu.memref_squeeze %dma_wait3A_725 : memref<1x1x1x5120xi32, #tpu.memory_space<vmem_shared>> -> memref<5120xi32, #tpu.memory_space<vmem_shared>>
    tpu.wait_dma2 semaphore(%arg15 : memref<!tpu.dma_semaphore, #tpu.memory_space<semaphore_mem>>) src(%dma_wait3A_726 : memref<5120xi32, #tpu.memory_space<vmem_shared>>) dst(%arg7 : memref<5120xi32, #tpu.memory_space<vmem>>)
    %dma_start3A_727 = arith.constant 0 : i32
    %dma_start3A_728 = tpu.memref_slice %arg5[%dma_start3A_727] : memref<102400xf32, #tpu.memory_space<vmem_shared>> -> memref<102400xf32, #tpu.memory_space<vmem_shared>>
    tpu.enqueue_indirect_dma source(%arg10 : memref<5120xf32, #tpu.memory_space<vmem>>) target(%dma_start3A_728 : memref<102400xf32, #tpu.memory_space<vmem_shared>>) offsets(%arg7 : memref<5120xi32, #tpu.memory_space<vmem>>) semaphore(%arg18 : memref<!tpu.dma_semaphore, #tpu.memory_space<semaphore_mem>>) {add = true}
    %dma_wait3A_729 = arith.constant 0 : i32
    %dma_wait3A_730 = tpu.memref_slice %arg5[%dma_wait3A_729] : memref<102400xf32, #tpu.memory_space<vmem_shared>> -> memref<102400xf32, #tpu.memory_space<vmem_shared>>
    tpu.wait_indirect_dma semaphore(%arg20 : memref<!tpu.dma_semaphore, #tpu.memory_space<semaphore_mem>>) src(%arg10 : memref<5120xf32, #tpu.memory_space<vmem>>) dst(%dma_wait3A_730 : memref<102400xf32, #tpu.memory_space<vmem_shared>>)
    %dma_wait3A_731 = arith.constant 0 : i32
    %dma_wait3A_732 = tpu.memref_slice %arg5[%dma_wait3A_731] : memref<102400xf32, #tpu.memory_space<vmem_shared>> -> memref<102400xf32, #tpu.memory_space<vmem_shared>>
    tpu.wait_indirect_dma semaphore(%arg18 : memref<!tpu.dma_semaphore, #tpu.memory_space<semaphore_mem>>) src(%arg10 : memref<5120xf32, #tpu.memory_space<vmem>>) dst(%dma_wait3A_732 : memref<102400xf32, #tpu.memory_space<vmem_shared>>)
    %add3A_733 = arith.constant 608 : i32
    %add3A_734 = arith.addi %add3A_733, %add3A : i32
    %lt3A = arith.constant 625 : i32
    %lt3A_735 = arith.cmpi slt, %add3A_734, %lt3A : i32
    %convert_element_type3A = arith.extui %lt3A_735 : i1 to i32
    %cond3A = arith.constant 0 : i32
    %cond3A_736 = arith.cmpi ne, %convert_element_type3A, %cond3A : i32
    scf.if %cond3A_736 {
      %add3A_749 = arith.constant 608 : i32
      %add3A_750 = arith.addi %add3A_749, %add3A : i32
      %mul3A_751 = arith.constant 5120 : i32
      %mul3A_752 = arith.muli %add3A_750, %mul3A_751 : i32
      %run_scoped3A = arith.constant 0 : i32
      "tpu.region"() ({
        %run_scoped3A_755 = tpu.sem_alloc : memref<!tpu.dma_semaphore, #tpu.memory_space<semaphore_mem>>
        %dma_start3A_756 = arith.constant 0 : i32
        %dma_start3A_757 = arith.constant 0 : i32
        %dma_start3A_758 = tpu.memref_slice %arg6[%arg1, %run_scoped3A, %dma_start3A_756, %dma_start3A_757] : memref<16x3x2x5120xi32, #tpu.memory_space<vmem_shared>> -> memref<1x1x2x5120xi32, #tpu.memory_space<vmem_shared>>
        %dma_start3A_759 = tpu.memref_squeeze %dma_start3A_758 : memref<1x1x2x5120xi32, #tpu.memory_space<vmem_shared>> -> memref<2x5120xi32, #tpu.memory_space<vmem_shared>>
        %dma_start3A_760 = arith.constant 0 : i32
        %dma_start3A_761 = tpu.memref_slice %arg2[%dma_start3A_760, %mul3A_752] : memref<2x3200000xi32, #tpu.memory_space<hbm>> -> memref<2x5120xi32, #tpu.memory_space<hbm>>
        tpu.enqueue_dma source(%dma_start3A_761 : memref<2x5120xi32, #tpu.memory_space<hbm>>) target(%dma_start3A_759 : memref<2x5120xi32, #tpu.memory_space<vmem_shared>>) target_semaphore(%run_scoped3A_755 : memref<!tpu.dma_semaphore, #tpu.memory_space<semaphore_mem>>)
        %dma_wait3A_762 = arith.constant 0 : i32
        %dma_wait3A_763 = arith.constant 0 : i32
        %dma_wait3A_764 = tpu.memref_slice %arg6[%arg1, %run_scoped3A, %dma_wait3A_762, %dma_wait3A_763] : memref<16x3x2x5120xi32, #tpu.memory_space<vmem_shared>> -> memref<1x1x2x5120xi32, #tpu.memory_space<vmem_shared>>
        %dma_wait3A_765 = tpu.memref_squeeze %dma_wait3A_764 : memref<1x1x2x5120xi32, #tpu.memory_space<vmem_shared>> -> memref<2x5120xi32, #tpu.memory_space<vmem_shared>>
        %dma_wait3A_766 = arith.constant 0 : i32
        %dma_wait3A_767 = tpu.memref_slice %arg2[%dma_wait3A_766, %mul3A_752] : memref<2x3200000xi32, #tpu.memory_space<hbm>> -> memref<2x5120xi32, #tpu.memory_space<hbm>>
        tpu.wait_dma2 semaphore(%run_scoped3A_755 : memref<!tpu.dma_semaphore, #tpu.memory_space<semaphore_mem>>) src(%dma_wait3A_767 : memref<2x5120xi32, #tpu.memory_space<hbm>>) dst(%dma_wait3A_765 : memref<2x5120xi32, #tpu.memory_space<vmem_shared>>)
        tpu.yield
      }) : () -> ()
      %run_scoped3A_753 = arith.constant 0 : i32
      %run_scoped3A_754 = arith.constant 1 : i32
      "tpu.region"() ({
        %run_scoped3A_755 = tpu.sem_alloc : memref<!tpu.dma_semaphore, #tpu.memory_space<semaphore_mem>>
        %dma_start3A_756 = arith.constant 0 : i32
        %dma_start3A_757 = tpu.memref_slice %arg6[%arg1, %run_scoped3A_753, %run_scoped3A_754, %dma_start3A_756] : memref<16x3x2x5120xi32, #tpu.memory_space<vmem_shared>> -> memref<1x1x1x5120xi32, #tpu.memory_space<vmem_shared>>
        %dma_start3A_758 = tpu.memref_squeeze %dma_start3A_757 : memref<1x1x1x5120xi32, #tpu.memory_space<vmem_shared>> -> memref<5120xi32, #tpu.memory_space<vmem_shared>>
        %dma_start3A_759 = arith.constant 0 : i32
        %dma_start3A_760 = tpu.memref_slice %arg6[%arg1, %run_scoped3A_753, %run_scoped3A_754, %dma_start3A_759] : memref<16x3x2x5120xi32, #tpu.memory_space<vmem_shared>> -> memref<1x1x1x5120xi32, #tpu.memory_space<vmem_shared>>
        %dma_start3A_761 = tpu.memref_squeeze %dma_start3A_760 : memref<1x1x1x5120xi32, #tpu.memory_space<vmem_shared>> -> memref<5120xi32, #tpu.memory_space<vmem_shared>>
        tpu.enqueue_dma source(%dma_start3A_761 : memref<5120xi32, #tpu.memory_space<vmem_shared>>) target(%arg7 : memref<5120xi32, #tpu.memory_space<vmem>>) target_semaphore(%run_scoped3A_755 : memref<!tpu.dma_semaphore, #tpu.memory_space<semaphore_mem>>)
        %dma_wait3A_762 = arith.constant 0 : i32
        %dma_wait3A_763 = tpu.memref_slice %arg6[%arg1, %run_scoped3A_753, %run_scoped3A_754, %dma_wait3A_762] : memref<16x3x2x5120xi32, #tpu.memory_space<vmem_shared>> -> memref<1x1x1x5120xi32, #tpu.memory_space<vmem_shared>>
        %dma_wait3A_764 = tpu.memref_squeeze %dma_wait3A_763 : memref<1x1x1x5120xi32, #tpu.memory_space<vmem_shared>> -> memref<5120xi32, #tpu.memory_space<vmem_shared>>
        %dma_wait3A_765 = arith.constant 0 : i32
        %dma_wait3A_766 = tpu.memref_slice %arg6[%arg1, %run_scoped3A_753, %run_scoped3A_754, %dma_wait3A_765] : memref<16x3x2x5120xi32, #tpu.memory_space<vmem_shared>> -> memref<1x1x1x5120xi32, #tpu.memory_space<vmem_shared>>
        %dma_wait3A_767 = tpu.memref_squeeze %dma_wait3A_766 : memref<1x1x1x5120xi32, #tpu.memory_space<vmem_shared>> -> memref<5120xi32, #tpu.memory_space<vmem_shared>>
        tpu.wait_dma2 semaphore(%run_scoped3A_755 : memref<!tpu.dma_semaphore, #tpu.memory_space<semaphore_mem>>) src(%dma_wait3A_767 : memref<5120xi32, #tpu.memory_space<vmem_shared>>) dst(%arg7 : memref<5120xi32, #tpu.memory_space<vmem>>)
        tpu.yield
      }) : () -> ()
      "tpu.region"() ({
        %run_scoped3A_755 = tpu.sem_alloc : memref<!tpu.dma_semaphore, #tpu.memory_space<semaphore_mem>>
        %dma_start3A_756 = arith.constant 0 : i32
        %dma_start3A_757 = tpu.memref_slice %arg5[%dma_start3A_756] : memref<102400xf32, #tpu.memory_space<vmem_shared>> -> memref<102400xf32, #tpu.memory_space<vmem_shared>>
        tpu.enqueue_indirect_dma source(%arg10 : memref<5120xf32, #tpu.memory_space<vmem>>) target(%dma_start3A_757 : memref<102400xf32, #tpu.memory_space<vmem_shared>>) offsets(%arg7 : memref<5120xi32, #tpu.memory_space<vmem>>) semaphore(%run_scoped3A_755 : memref<!tpu.dma_semaphore, #tpu.memory_space<semaphore_mem>>) {add = true}
        %dma_wait3A_758 = arith.constant 0 : i32
        %dma_wait3A_759 = tpu.memref_slice %arg5[%dma_wait3A_758] : memref<102400xf32, #tpu.memory_space<vmem_shared>> -> memref<102400xf32, #tpu.memory_space<vmem_shared>>
        tpu.wait_indirect_dma semaphore(%run_scoped3A_755 : memref<!tpu.dma_semaphore, #tpu.memory_space<semaphore_mem>>) src(%arg10 : memref<5120xf32, #tpu.memory_space<vmem>>) dst(%dma_wait3A_759 : memref<102400xf32, #tpu.memory_space<vmem_shared>>)
        tpu.yield
      }) : () -> ()
    } else {
    }
    %barrier3A_737 = arith.constant 0 : index
    tpu.barrier barrier_id(%barrier3A_737)
    %mul3A_738 = arith.constant 6400 : i32
    %mul3A_739 = arith.muli %arg1, %mul3A_738 : i32
    %eq3A = arith.constant 0 : i32
    %eq3A_740 = arith.cmpi eq, %arg0, %eq3A : i32
    %convert_element_type3A_741 = arith.extui %eq3A_740 : i1 to i32
    %cond3A_742 = arith.constant 0 : i32
    %cond3A_743 = arith.cmpi ne, %convert_element_type3A_741, %cond3A_742 : i32
    scf.if %cond3A_743 {
      "tpu.region"() ({
        %run_scoped3A = tpu.sem_alloc : memref<!tpu.dma_semaphore, #tpu.memory_space<semaphore_mem>>
        %dma_start3A_749 = tpu.memref_slice %arg3[%mul3A_739] : memref<102400xf32, #tpu.memory_space<hbm>> -> memref<6400xf32, #tpu.memory_space<hbm>>
        %dma_start3A_750 = tpu.memref_slice %arg5[%mul3A_739] : memref<102400xf32, #tpu.memory_space<vmem_shared>> -> memref<6400xf32, #tpu.memory_space<vmem_shared>>
        tpu.enqueue_dma source(%dma_start3A_750 : memref<6400xf32, #tpu.memory_space<vmem_shared>>) target(%dma_start3A_749 : memref<6400xf32, #tpu.memory_space<hbm>>) target_semaphore(%run_scoped3A : memref<!tpu.dma_semaphore, #tpu.memory_space<semaphore_mem>>)
        %dma_wait3A_751 = tpu.memref_slice %arg3[%mul3A_739] : memref<102400xf32, #tpu.memory_space<hbm>> -> memref<6400xf32, #tpu.memory_space<hbm>>
        %dma_wait3A_752 = tpu.memref_slice %arg5[%mul3A_739] : memref<102400xf32, #tpu.memory_space<vmem_shared>> -> memref<6400xf32, #tpu.memory_space<vmem_shared>>
        tpu.wait_dma2 semaphore(%run_scoped3A : memref<!tpu.dma_semaphore, #tpu.memory_space<semaphore_mem>>) src(%dma_wait3A_752 : memref<6400xf32, #tpu.memory_space<vmem_shared>>) dst(%dma_wait3A_751 : memref<6400xf32, #tpu.memory_space<hbm>>)
        tpu.yield
      }) : () -> ()
    } else {
    }
    %eq3A_744 = arith.constant 1 : i32
    %eq3A_745 = arith.cmpi eq, %arg0, %eq3A_744 : i32
    %convert_element_type3A_746 = arith.extui %eq3A_745 : i1 to i32
    %cond3A_747 = arith.constant 0 : i32
    %cond3A_748 = arith.cmpi ne, %convert_element_type3A_746, %cond3A_747 : i32
    scf.if %cond3A_748 {
      "tpu.region"() ({
        %run_scoped3A = tpu.sem_alloc : memref<!tpu.dma_semaphore, #tpu.memory_space<semaphore_mem>>
        %dma_start3A_749 = tpu.memref_slice %arg4[%mul3A_739] : memref<102400xf32, #tpu.memory_space<hbm>> -> memref<6400xf32, #tpu.memory_space<hbm>>
        %dma_start3A_750 = tpu.memref_slice %arg5[%mul3A_739] : memref<102400xf32, #tpu.memory_space<vmem_shared>> -> memref<6400xf32, #tpu.memory_space<vmem_shared>>
        tpu.enqueue_dma source(%dma_start3A_750 : memref<6400xf32, #tpu.memory_space<vmem_shared>>) target(%dma_start3A_749 : memref<6400xf32, #tpu.memory_space<hbm>>) target_semaphore(%run_scoped3A : memref<!tpu.dma_semaphore, #tpu.memory_space<semaphore_mem>>)
        %dma_wait3A_751 = tpu.memref_slice %arg4[%mul3A_739] : memref<102400xf32, #tpu.memory_space<hbm>> -> memref<6400xf32, #tpu.memory_space<hbm>>
        %dma_wait3A_752 = tpu.memref_slice %arg5[%mul3A_739] : memref<102400xf32, #tpu.memory_space<vmem_shared>> -> memref<6400xf32, #tpu.memory_space<vmem_shared>>
        tpu.wait_dma2 semaphore(%run_scoped3A : memref<!tpu.dma_semaphore, #tpu.memory_space<semaphore_mem>>) src(%dma_wait3A_752 : memref<6400xf32, #tpu.memory_space<vmem_shared>>) dst(%dma_wait3A_751 : memref<6400xf32, #tpu.memory_space<hbm>>)
        tpu.yield
      }) : () -> ()
    } else {
    }
    return
  }
}

#map = affine_map<(d0, d1) -> (0, 0)>
#map1 = affine_map<(d0, d1) -> (0)>
module attributes {stable_mosaic.version = 14 : i64} {
  func.func @_gs_body(%arg0: i32, %arg1: i32, %arg2: memref<2x3200000xi32, #tpu.memory_space<hbm>>, %arg3: memref<102400xf32, #tpu.memory_space<hbm>>, %arg4: memref<102400xf32, #tpu.memory_space<hbm>>, %arg5: memref<102400xf32, #tpu.memory_space<hbm>>, %arg6: memref<102400xf32, #tpu.memory_space<vmem_shared>>, %arg7: memref<102400xf32, #tpu.memory_space<vmem_shared>>, %arg8: memref<16x3x2x5120xi32, #tpu.memory_space<vmem_shared>>, %arg9: memref<5120xi32, #tpu.memory_space<vmem>>, %arg10: memref<5120xi32, #tpu.memory_space<vmem>>, %arg11: memref<5120xi32, #tpu.memory_space<vmem>>, %arg12: memref<5120xi32, #tpu.memory_space<vmem>>, %arg13: memref<5120xi32, #tpu.memory_space<vmem>>, %arg14: memref<5120xi32, #tpu.memory_space<vmem>>, %arg15: memref<5120xf32, #tpu.memory_space<vmem>>, %arg16: memref<5120xf32, #tpu.memory_space<vmem>>, %arg17: memref<5120xf32, #tpu.memory_space<vmem>>, %arg18: memref<6400xf32, #tpu.memory_space<vmem>>, %arg19: memref<!tpu.dma_semaphore, #tpu.memory_space<semaphore_mem>>, %arg20: memref<!tpu.dma_semaphore, #tpu.memory_space<semaphore_mem>>, %arg21: memref<!tpu.dma_semaphore, #tpu.memory_space<semaphore_mem>>, %arg22: memref<!tpu.dma_semaphore, #tpu.memory_space<semaphore_mem>>, %arg23: memref<!tpu.dma_semaphore, #tpu.memory_space<semaphore_mem>>, %arg24: memref<!tpu.dma_semaphore, #tpu.memory_space<semaphore_mem>>, %arg25: memref<!tpu.dma_semaphore, #tpu.memory_space<semaphore_mem>>, %arg26: memref<!tpu.dma_semaphore, #tpu.memory_space<semaphore_mem>>, %arg27: memref<!tpu.dma_semaphore, #tpu.memory_space<semaphore_mem>>, %arg28: memref<!tpu.dma_semaphore, #tpu.memory_space<semaphore_mem>>, %arg29: memref<!tpu.dma_semaphore, #tpu.memory_space<semaphore_mem>>, %arg30: memref<!tpu.dma_semaphore, #tpu.memory_space<semaphore_mem>>, %arg31: memref<!tpu.dma_semaphore, #tpu.memory_space<semaphore_mem>>, %arg32: memref<!tpu.dma_semaphore, #tpu.memory_space<semaphore_mem>>, %arg33: memref<!tpu.dma_semaphore, #tpu.memory_space<semaphore_mem>>, %arg34: memref<!tpu.dma_semaphore, #tpu.memory_space<semaphore_mem>>) attributes {dimension_semantics = [#tpu.dimension_semantics<core_parallel>, #tpu.dimension_semantics<subcore_parallel>], iteration_bounds = array<i64: 2, 16>, scalar_prefetch = 0 : i64, scratch_operands = 29 : i64, tpu.core_type = #tpu.core_type<sc_vector_subcore>, window_params = [{transform_indices = #map}, {transform_indices = #map1}, {transform_indices = #map1}, {transform_indices = #map1}]} {
    %mul3A = arith.constant 16 : i32
    %mul3A_0 = arith.muli %arg0, %mul3A : i32
    %add3A = arith.addi %mul3A_0, %arg1 : i32
    %mul3A_1 = arith.constant 6400 : i32
    %mul3A_2 = arith.muli %arg1, %mul3A_1 : i32
    %dma_start3A = tpu.memref_slice %arg6[%mul3A_2] : memref<102400xf32, #tpu.memory_space<vmem_shared>> -> memref<6400xf32, #tpu.memory_space<vmem_shared>>
    %dma_start3A_3 = tpu.memref_slice %arg3[%mul3A_2] : memref<102400xf32, #tpu.memory_space<hbm>> -> memref<6400xf32, #tpu.memory_space<hbm>>
    tpu.enqueue_dma source(%dma_start3A_3 : memref<6400xf32, #tpu.memory_space<hbm>>) target(%dma_start3A : memref<6400xf32, #tpu.memory_space<vmem_shared>>) target_semaphore(%arg19 : memref<!tpu.dma_semaphore, #tpu.memory_space<semaphore_mem>>)
    %broadcast_in_dim3A = arith.constant 0.000000e+00 : f32
    %broadcast_in_dim3A_4 = vector.broadcast %broadcast_in_dim3A : f32 to vector<16xf32>
    %scan3A = arith.constant 0 : i32
    %scan3A_5 = arith.constant 400 : i32
    %scan3A_6 = arith.addi %scan3A, %scan3A_5 : i32
    %scan3A_7 = arith.constant 1 : i32
    scf.for %scan3A_1124 = %scan3A to %scan3A_6 step %scan3A_7  : i32 {
      %mul3A_1125 = arith.constant 16 : i32
      %mul3A_1126 = arith.muli %scan3A_1124, %mul3A_1125 : i32
      %swap3A = arith.index_cast %mul3A_1126 : i32 to index
      %swap3A_1127 = tpu.vector_load %arg18[%swap3A] {strides = array<i32>} : memref<6400xf32, #tpu.memory_space<vmem>>, vector<16xf32>,
      %swap3A_1128 = vector.shape_cast %swap3A_1127 : vector<16xf32> to vector<16xf32>
      %swap3A_1129 = vector.shape_cast %broadcast_in_dim3A_4 : vector<16xf32> to vector<16xf32>
      tpu.vector_store %arg18[%swap3A], %swap3A_1129 {strides = array<i32>} : memref<6400xf32, #tpu.memory_space<vmem>>, vector<16xf32>,
    }
    %scan3A_8 = arith.constant 400 : i32
    "tpu.region"() ({
      %run_scoped3A = tpu.sem_alloc : memref<!tpu.dma_semaphore, #tpu.memory_space<semaphore_mem>>
      %dma_start3A_1124 = tpu.memref_slice %arg7[%mul3A_2] : memref<102400xf32, #tpu.memory_space<vmem_shared>> -> memref<6400xf32, #tpu.memory_space<vmem_shared>>
      %dma_start3A_1125 = tpu.memref_slice %arg7[%mul3A_2] : memref<102400xf32, #tpu.memory_space<vmem_shared>> -> memref<6400xf32, #tpu.memory_space<vmem_shared>>
      tpu.enqueue_dma source(%arg18 : memref<6400xf32, #tpu.memory_space<vmem>>) target(%dma_start3A_1125 : memref<6400xf32, #tpu.memory_space<vmem_shared>>) target_semaphore(%run_scoped3A : memref<!tpu.dma_semaphore, #tpu.memory_space<semaphore_mem>>)
      %dma_wait3A_1126 = tpu.memref_slice %arg7[%mul3A_2] : memref<102400xf32, #tpu.memory_space<vmem_shared>> -> memref<6400xf32, #tpu.memory_space<vmem_shared>>
      %dma_wait3A_1127 = tpu.memref_slice %arg7[%mul3A_2] : memref<102400xf32, #tpu.memory_space<vmem_shared>> -> memref<6400xf32, #tpu.memory_space<vmem_shared>>
      tpu.wait_dma2 semaphore(%run_scoped3A : memref<!tpu.dma_semaphore, #tpu.memory_space<semaphore_mem>>) src(%arg18 : memref<6400xf32, #tpu.memory_space<vmem>>) dst(%dma_wait3A_1127 : memref<6400xf32, #tpu.memory_space<vmem_shared>>)
      tpu.yield
    }) : () -> ()
    %dma_wait3A = tpu.memref_slice %arg6[%mul3A_2] : memref<102400xf32, #tpu.memory_space<vmem_shared>> -> memref<6400xf32, #tpu.memory_space<vmem_shared>>
    %dma_wait3A_9 = tpu.memref_slice %arg3[%mul3A_2] : memref<102400xf32, #tpu.memory_space<hbm>> -> memref<6400xf32, #tpu.memory_space<hbm>>
    tpu.wait_dma2 semaphore(%arg19 : memref<!tpu.dma_semaphore, #tpu.memory_space<semaphore_mem>>) src(%dma_wait3A_9 : memref<6400xf32, #tpu.memory_space<hbm>>) dst(%dma_wait3A : memref<6400xf32, #tpu.memory_space<vmem_shared>>)
    %barrier3A = arith.constant 0 : index
    tpu.barrier barrier_id(%barrier3A)
    %add3A_10 = arith.constant 0 : i32
    %add3A_11 = arith.addi %add3A_10, %add3A : i32
    %mul3A_12 = arith.constant 5120 : i32
    %mul3A_13 = arith.muli %add3A_11, %mul3A_12 : i32
    %dma_start3A_14 = arith.constant 0 : i32
    %dma_start3A_15 = arith.constant 0 : i32
    %dma_start3A_16 = arith.constant 0 : i32
    %dma_start3A_17 = tpu.memref_slice %arg8[%arg1, %dma_start3A_14, %dma_start3A_15, %dma_start3A_16] : memref<16x3x2x5120xi32, #tpu.memory_space<vmem_shared>> -> memref<1x1x2x5120xi32, #tpu.memory_space<vmem_shared>>
    %dma_start3A_18 = tpu.memref_squeeze %dma_start3A_17 : memref<1x1x2x5120xi32, #tpu.memory_space<vmem_shared>> -> memref<2x5120xi32, #tpu.memory_space<vmem_shared>>
    %dma_start3A_19 = arith.constant 0 : i32
    %dma_start3A_20 = tpu.memref_slice %arg2[%dma_start3A_19, %mul3A_13] : memref<2x3200000xi32, #tpu.memory_space<hbm>> -> memref<2x5120xi32, #tpu.memory_space<hbm>>
    tpu.enqueue_dma source(%dma_start3A_20 : memref<2x5120xi32, #tpu.memory_space<hbm>>) target(%dma_start3A_18 : memref<2x5120xi32, #tpu.memory_space<vmem_shared>>) target_semaphore(%arg20 : memref<!tpu.dma_semaphore, #tpu.memory_space<semaphore_mem>>)
    %add3A_21 = arith.constant 32 : i32
    %add3A_22 = arith.addi %add3A_21, %add3A : i32
    %mul3A_23 = arith.constant 5120 : i32
    %mul3A_24 = arith.muli %add3A_22, %mul3A_23 : i32
    %dma_start3A_25 = arith.constant 1 : i32
    %dma_start3A_26 = arith.constant 0 : i32
    %dma_start3A_27 = arith.constant 0 : i32
    %dma_start3A_28 = tpu.memref_slice %arg8[%arg1, %dma_start3A_25, %dma_start3A_26, %dma_start3A_27] : memref<16x3x2x5120xi32, #tpu.memory_space<vmem_shared>> -> memref<1x1x2x5120xi32, #tpu.memory_space<vmem_shared>>
    %dma_start3A_29 = tpu.memref_squeeze %dma_start3A_28 : memref<1x1x2x5120xi32, #tpu.memory_space<vmem_shared>> -> memref<2x5120xi32, #tpu.memory_space<vmem_shared>>
    %dma_start3A_30 = arith.constant 0 : i32
    %dma_start3A_31 = tpu.memref_slice %arg2[%dma_start3A_30, %mul3A_24] : memref<2x3200000xi32, #tpu.memory_space<hbm>> -> memref<2x5120xi32, #tpu.memory_space<hbm>>
    tpu.enqueue_dma source(%dma_start3A_31 : memref<2x5120xi32, #tpu.memory_space<hbm>>) target(%dma_start3A_29 : memref<2x5120xi32, #tpu.memory_space<vmem_shared>>) target_semaphore(%arg21 : memref<!tpu.dma_semaphore, #tpu.memory_space<semaphore_mem>>)
    %dma_wait3A_32 = arith.constant 0 : i32
    %dma_wait3A_33 = arith.constant 0 : i32
    %dma_wait3A_34 = arith.constant 0 : i32
    %dma_wait3A_35 = tpu.memref_slice %arg8[%arg1, %dma_wait3A_32, %dma_wait3A_33, %dma_wait3A_34] : memref<16x3x2x5120xi32, #tpu.memory_space<vmem_shared>> -> memref<1x1x2x5120xi32, #tpu.memory_space<vmem_shared>>
    %dma_wait3A_36 = tpu.memref_squeeze %dma_wait3A_35 : memref<1x1x2x5120xi32, #tpu.memory_space<vmem_shared>> -> memref<2x5120xi32, #tpu.memory_space<vmem_shared>>
    %dma_wait3A_37 = arith.constant 0 : i32
    %dma_wait3A_38 = tpu.memref_slice %arg2[%dma_wait3A_37, %mul3A_13] : memref<2x3200000xi32, #tpu.memory_space<hbm>> -> memref<2x5120xi32, #tpu.memory_space<hbm>>
    tpu.wait_dma2 semaphore(%arg20 : memref<!tpu.dma_semaphore, #tpu.memory_space<semaphore_mem>>) src(%dma_wait3A_38 : memref<2x5120xi32, #tpu.memory_space<hbm>>) dst(%dma_wait3A_36 : memref<2x5120xi32, #tpu.memory_space<vmem_shared>>)
    %dma_start3A_39 = arith.constant 0 : i32
    %dma_start3A_40 = arith.constant 0 : i32
    %dma_start3A_41 = arith.constant 0 : i32
    %dma_start3A_42 = tpu.memref_slice %arg8[%arg1, %dma_start3A_39, %dma_start3A_40, %dma_start3A_41] : memref<16x3x2x5120xi32, #tpu.memory_space<vmem_shared>> -> memref<1x1x1x5120xi32, #tpu.memory_space<vmem_shared>>
    %dma_start3A_43 = tpu.memref_squeeze %dma_start3A_42 : memref<1x1x1x5120xi32, #tpu.memory_space<vmem_shared>> -> memref<5120xi32, #tpu.memory_space<vmem_shared>>
    %dma_start3A_44 = arith.constant 0 : i32
    %dma_start3A_45 = tpu.memref_slice %arg8[%arg1, %dma_start3A_39, %dma_start3A_40, %dma_start3A_44] : memref<16x3x2x5120xi32, #tpu.memory_space<vmem_shared>> -> memref<1x1x1x5120xi32, #tpu.memory_space<vmem_shared>>
    %dma_start3A_46 = tpu.memref_squeeze %dma_start3A_45 : memref<1x1x1x5120xi32, #tpu.memory_space<vmem_shared>> -> memref<5120xi32, #tpu.memory_space<vmem_shared>>
    tpu.enqueue_dma source(%dma_start3A_46 : memref<5120xi32, #tpu.memory_space<vmem_shared>>) target(%arg9 : memref<5120xi32, #tpu.memory_space<vmem>>) target_semaphore(%arg23 : memref<!tpu.dma_semaphore, #tpu.memory_space<semaphore_mem>>)
    %dma_start3A_47 = arith.constant 0 : i32
    %dma_start3A_48 = arith.constant 1 : i32
    %dma_start3A_49 = arith.constant 0 : i32
    %dma_start3A_50 = tpu.memref_slice %arg8[%arg1, %dma_start3A_47, %dma_start3A_48, %dma_start3A_49] : memref<16x3x2x5120xi32, #tpu.memory_space<vmem_shared>> -> memref<1x1x1x5120xi32, #tpu.memory_space<vmem_shared>>
    %dma_start3A_51 = tpu.memref_squeeze %dma_start3A_50 : memref<1x1x1x5120xi32, #tpu.memory_space<vmem_shared>> -> memref<5120xi32, #tpu.memory_space<vmem_shared>>
    %dma_start3A_52 = arith.constant 0 : i32
    %dma_start3A_53 = tpu.memref_slice %arg8[%arg1, %dma_start3A_47, %dma_start3A_48, %dma_start3A_52] : memref<16x3x2x5120xi32, #tpu.memory_space<vmem_shared>> -> memref<1x1x1x5120xi32, #tpu.memory_space<vmem_shared>>
    %dma_start3A_54 = tpu.memref_squeeze %dma_start3A_53 : memref<1x1x1x5120xi32, #tpu.memory_space<vmem_shared>> -> memref<5120xi32, #tpu.memory_space<vmem_shared>>
    tpu.enqueue_dma source(%dma_start3A_54 : memref<5120xi32, #tpu.memory_space<vmem_shared>>) target(%arg12 : memref<5120xi32, #tpu.memory_space<vmem>>) target_semaphore(%arg26 : memref<!tpu.dma_semaphore, #tpu.memory_space<semaphore_mem>>)
    %add3A_55 = arith.constant 64 : i32
    %add3A_56 = arith.addi %add3A_55, %add3A : i32
    %mul3A_57 = arith.constant 5120 : i32
    %mul3A_58 = arith.muli %add3A_56, %mul3A_57 : i32
    %dma_start3A_59 = arith.constant 2 : i32
    %dma_start3A_60 = arith.constant 0 : i32
    %dma_start3A_61 = arith.constant 0 : i32
    %dma_start3A_62 = tpu.memref_slice %arg8[%arg1, %dma_start3A_59, %dma_start3A_60, %dma_start3A_61] : memref<16x3x2x5120xi32, #tpu.memory_space<vmem_shared>> -> memref<1x1x2x5120xi32, #tpu.memory_space<vmem_shared>>
    %dma_start3A_63 = tpu.memref_squeeze %dma_start3A_62 : memref<1x1x2x5120xi32, #tpu.memory_space<vmem_shared>> -> memref<2x5120xi32, #tpu.memory_space<vmem_shared>>
    %dma_start3A_64 = arith.constant 0 : i32
    %dma_start3A_65 = tpu.memref_slice %arg2[%dma_start3A_64, %mul3A_58] : memref<2x3200000xi32, #tpu.memory_space<hbm>> -> memref<2x5120xi32, #tpu.memory_space<hbm>>
    tpu.enqueue_dma source(%dma_start3A_65 : memref<2x5120xi32, #tpu.memory_space<hbm>>) target(%dma_start3A_63 : memref<2x5120xi32, #tpu.memory_space<vmem_shared>>) target_semaphore(%arg22 : memref<!tpu.dma_semaphore, #tpu.memory_space<semaphore_mem>>)
    %dma_wait3A_66 = arith.constant 0 : i32
    %dma_wait3A_67 = arith.constant 0 : i32
    %dma_wait3A_68 = arith.constant 0 : i32
    %dma_wait3A_69 = tpu.memref_slice %arg8[%arg1, %dma_wait3A_66, %dma_wait3A_67, %dma_wait3A_68] : memref<16x3x2x5120xi32, #tpu.memory_space<vmem_shared>> -> memref<1x1x1x5120xi32, #tpu.memory_space<vmem_shared>>
    %dma_wait3A_70 = tpu.memref_squeeze %dma_wait3A_69 : memref<1x1x1x5120xi32, #tpu.memory_space<vmem_shared>> -> memref<5120xi32, #tpu.memory_space<vmem_shared>>
    %dma_wait3A_71 = arith.constant 0 : i32
    %dma_wait3A_72 = tpu.memref_slice %arg8[%arg1, %dma_wait3A_66, %dma_wait3A_67, %dma_wait3A_71] : memref<16x3x2x5120xi32, #tpu.memory_space<vmem_shared>> -> memref<1x1x1x5120xi32, #tpu.memory_space<vmem_shared>>
    %dma_wait3A_73 = tpu.memref_squeeze %dma_wait3A_72 : memref<1x1x1x5120xi32, #tpu.memory_space<vmem_shared>> -> memref<5120xi32, #tpu.memory_space<vmem_shared>>
    tpu.wait_dma2 semaphore(%arg23 : memref<!tpu.dma_semaphore, #tpu.memory_space<semaphore_mem>>) src(%dma_wait3A_73 : memref<5120xi32, #tpu.memory_space<vmem_shared>>) dst(%arg9 : memref<5120xi32, #tpu.memory_space<vmem>>)
    %dma_start3A_74 = arith.constant 0 : i32
    %dma_start3A_75 = tpu.memref_slice %arg6[%dma_start3A_74] : memref<102400xf32, #tpu.memory_space<vmem_shared>> -> memref<102400xf32, #tpu.memory_space<vmem_shared>>
    tpu.enqueue_indirect_dma source(%dma_start3A_75 : memref<102400xf32, #tpu.memory_space<vmem_shared>>) target(%arg15 : memref<5120xf32, #tpu.memory_space<vmem>>) offsets(%arg9 : memref<5120xi32, #tpu.memory_space<vmem>>) semaphore(%arg29 : memref<!tpu.dma_semaphore, #tpu.memory_space<semaphore_mem>>)
    %dma_wait3A_76 = arith.constant 1 : i32
    %dma_wait3A_77 = arith.constant 0 : i32
    %dma_wait3A_78 = arith.constant 0 : i32
    %dma_wait3A_79 = tpu.memref_slice %arg8[%arg1, %dma_wait3A_76, %dma_wait3A_77, %dma_wait3A_78] : memref<16x3x2x5120xi32, #tpu.memory_space<vmem_shared>> -> memref<1x1x2x5120xi32, #tpu.memory_space<vmem_shared>>
    %dma_wait3A_80 = tpu.memref_squeeze %dma_wait3A_79 : memref<1x1x2x5120xi32, #tpu.memory_space<vmem_shared>> -> memref<2x5120xi32, #tpu.memory_space<vmem_shared>>
    %dma_wait3A_81 = arith.constant 0 : i32
    %dma_wait3A_82 = tpu.memref_slice %arg2[%dma_wait3A_81, %mul3A_24] : memref<2x3200000xi32, #tpu.memory_space<hbm>> -> memref<2x5120xi32, #tpu.memory_space<hbm>>
    tpu.wait_dma2 semaphore(%arg21 : memref<!tpu.dma_semaphore, #tpu.memory_space<semaphore_mem>>) src(%dma_wait3A_82 : memref<2x5120xi32, #tpu.memory_space<hbm>>) dst(%dma_wait3A_80 : memref<2x5120xi32, #tpu.memory_space<vmem_shared>>)
    %dma_start3A_83 = arith.constant 1 : i32
    %dma_start3A_84 = arith.constant 0 : i32
    %dma_start3A_85 = arith.constant 0 : i32
    %dma_start3A_86 = tpu.memref_slice %arg8[%arg1, %dma_start3A_83, %dma_start3A_84, %dma_start3A_85] : memref<16x3x2x5120xi32, #tpu.memory_space<vmem_shared>> -> memref<1x1x1x5120xi32, #tpu.memory_space<vmem_shared>>
    %dma_start3A_87 = tpu.memref_squeeze %dma_start3A_86 : memref<1x1x1x5120xi32, #tpu.memory_space<vmem_shared>> -> memref<5120xi32, #tpu.memory_space<vmem_shared>>
    %dma_start3A_88 = arith.constant 0 : i32
    %dma_start3A_89 = tpu.memref_slice %arg8[%arg1, %dma_start3A_83, %dma_start3A_84, %dma_start3A_88] : memref<16x3x2x5120xi32, #tpu.memory_space<vmem_shared>> -> memref<1x1x1x5120xi32, #tpu.memory_space<vmem_shared>>
    %dma_start3A_90 = tpu.memref_squeeze %dma_start3A_89 : memref<1x1x1x5120xi32, #tpu.memory_space<vmem_shared>> -> memref<5120xi32, #tpu.memory_space<vmem_shared>>
    tpu.enqueue_dma source(%dma_start3A_90 : memref<5120xi32, #tpu.memory_space<vmem_shared>>) target(%arg10 : memref<5120xi32, #tpu.memory_space<vmem>>) target_semaphore(%arg24 : memref<!tpu.dma_semaphore, #tpu.memory_space<semaphore_mem>>)
    %dma_start3A_91 = arith.constant 1 : i32
    %dma_start3A_92 = arith.constant 1 : i32
    %dma_start3A_93 = arith.constant 0 : i32
    %dma_start3A_94 = tpu.memref_slice %arg8[%arg1, %dma_start3A_91, %dma_start3A_92, %dma_start3A_93] : memref<16x3x2x5120xi32, #tpu.memory_space<vmem_shared>> -> memref<1x1x1x5120xi32, #tpu.memory_space<vmem_shared>>
    %dma_start3A_95 = tpu.memref_squeeze %dma_start3A_94 : memref<1x1x1x5120xi32, #tpu.memory_space<vmem_shared>> -> memref<5120xi32, #tpu.memory_space<vmem_shared>>
    %dma_start3A_96 = arith.constant 0 : i32
    %dma_start3A_97 = tpu.memref_slice %arg8[%arg1, %dma_start3A_91, %dma_start3A_92, %dma_start3A_96] : memref<16x3x2x5120xi32, #tpu.memory_space<vmem_shared>> -> memref<1x1x1x5120xi32, #tpu.memory_space<vmem_shared>>
    %dma_start3A_98 = tpu.memref_squeeze %dma_start3A_97 : memref<1x1x1x5120xi32, #tpu.memory_space<vmem_shared>> -> memref<5120xi32, #tpu.memory_space<vmem_shared>>
    tpu.enqueue_dma source(%dma_start3A_98 : memref<5120xi32, #tpu.memory_space<vmem_shared>>) target(%arg13 : memref<5120xi32, #tpu.memory_space<vmem>>) target_semaphore(%arg27 : memref<!tpu.dma_semaphore, #tpu.memory_space<semaphore_mem>>)
    %dma_wait3A_99 = arith.constant 0 : i32
    %dma_wait3A_100 = tpu.memref_slice %arg6[%dma_wait3A_99] : memref<102400xf32, #tpu.memory_space<vmem_shared>> -> memref<102400xf32, #tpu.memory_space<vmem_shared>>
    tpu.wait_indirect_dma semaphore(%arg29 : memref<!tpu.dma_semaphore, #tpu.memory_space<semaphore_mem>>) src(%dma_wait3A_100 : memref<102400xf32, #tpu.memory_space<vmem_shared>>) dst(%arg15 : memref<5120xf32, #tpu.memory_space<vmem>>)
    %dma_wait3A_101 = arith.constant 0 : i32
    %dma_wait3A_102 = arith.constant 1 : i32
    %dma_wait3A_103 = arith.constant 0 : i32
    %dma_wait3A_104 = tpu.memref_slice %arg8[%arg1, %dma_wait3A_101, %dma_wait3A_102, %dma_wait3A_103] : memref<16x3x2x5120xi32, #tpu.memory_space<vmem_shared>> -> memref<1x1x1x5120xi32, #tpu.memory_space<vmem_shared>>
    %dma_wait3A_105 = tpu.memref_squeeze %dma_wait3A_104 : memref<1x1x1x5120xi32, #tpu.memory_space<vmem_shared>> -> memref<5120xi32, #tpu.memory_space<vmem_shared>>
    %dma_wait3A_106 = arith.constant 0 : i32
    %dma_wait3A_107 = tpu.memref_slice %arg8[%arg1, %dma_wait3A_101, %dma_wait3A_102, %dma_wait3A_106] : memref<16x3x2x5120xi32, #tpu.memory_space<vmem_shared>> -> memref<1x1x1x5120xi32, #tpu.memory_space<vmem_shared>>
    %dma_wait3A_108 = tpu.memref_squeeze %dma_wait3A_107 : memref<1x1x1x5120xi32, #tpu.memory_space<vmem_shared>> -> memref<5120xi32, #tpu.memory_space<vmem_shared>>
    tpu.wait_dma2 semaphore(%arg26 : memref<!tpu.dma_semaphore, #tpu.memory_space<semaphore_mem>>) src(%dma_wait3A_108 : memref<5120xi32, #tpu.memory_space<vmem_shared>>) dst(%arg12 : memref<5120xi32, #tpu.memory_space<vmem>>)
    %dma_start3A_109 = arith.constant 0 : i32
    %dma_start3A_110 = tpu.memref_slice %arg7[%dma_start3A_109] : memref<102400xf32, #tpu.memory_space<vmem_shared>> -> memref<102400xf32, #tpu.memory_space<vmem_shared>>
    tpu.enqueue_indirect_dma source(%arg15 : memref<5120xf32, #tpu.memory_space<vmem>>) target(%dma_start3A_110 : memref<102400xf32, #tpu.memory_space<vmem_shared>>) offsets(%arg12 : memref<5120xi32, #tpu.memory_space<vmem>>) semaphore(%arg32 : memref<!tpu.dma_semaphore, #tpu.memory_space<semaphore_mem>>) {add = true}
    %add3A_111 = arith.constant 96 : i32
    %add3A_112 = arith.addi %add3A_111, %add3A : i32
    %mul3A_113 = arith.constant 5120 : i32
    %mul3A_114 = arith.muli %add3A_112, %mul3A_113 : i32
    %dma_start3A_115 = arith.constant 0 : i32
    %dma_start3A_116 = arith.constant 0 : i32
    %dma_start3A_117 = arith.constant 0 : i32
    %dma_start3A_118 = tpu.memref_slice %arg8[%arg1, %dma_start3A_115, %dma_start3A_116, %dma_start3A_117] : memref<16x3x2x5120xi32, #tpu.memory_space<vmem_shared>> -> memref<1x1x2x5120xi32, #tpu.memory_space<vmem_shared>>
    %dma_start3A_119 = tpu.memref_squeeze %dma_start3A_118 : memref<1x1x2x5120xi32, #tpu.memory_space<vmem_shared>> -> memref<2x5120xi32, #tpu.memory_space<vmem_shared>>
    %dma_start3A_120 = arith.constant 0 : i32
    %dma_start3A_121 = tpu.memref_slice %arg2[%dma_start3A_120, %mul3A_114] : memref<2x3200000xi32, #tpu.memory_space<hbm>> -> memref<2x5120xi32, #tpu.memory_space<hbm>>
    tpu.enqueue_dma source(%dma_start3A_121 : memref<2x5120xi32, #tpu.memory_space<hbm>>) target(%dma_start3A_119 : memref<2x5120xi32, #tpu.memory_space<vmem_shared>>) target_semaphore(%arg20 : memref<!tpu.dma_semaphore, #tpu.memory_space<semaphore_mem>>)
    %dma_wait3A_122 = arith.constant 1 : i32
    %dma_wait3A_123 = arith.constant 0 : i32
    %dma_wait3A_124 = arith.constant 0 : i32
    %dma_wait3A_125 = tpu.memref_slice %arg8[%arg1, %dma_wait3A_122, %dma_wait3A_123, %dma_wait3A_124] : memref<16x3x2x5120xi32, #tpu.memory_space<vmem_shared>> -> memref<1x1x1x5120xi32, #tpu.memory_space<vmem_shared>>
    %dma_wait3A_126 = tpu.memref_squeeze %dma_wait3A_125 : memref<1x1x1x5120xi32, #tpu.memory_space<vmem_shared>> -> memref<5120xi32, #tpu.memory_space<vmem_shared>>
    %dma_wait3A_127 = arith.constant 0 : i32
    %dma_wait3A_128 = tpu.memref_slice %arg8[%arg1, %dma_wait3A_122, %dma_wait3A_123, %dma_wait3A_127] : memref<16x3x2x5120xi32, #tpu.memory_space<vmem_shared>> -> memref<1x1x1x5120xi32, #tpu.memory_space<vmem_shared>>
    %dma_wait3A_129 = tpu.memref_squeeze %dma_wait3A_128 : memref<1x1x1x5120xi32, #tpu.memory_space<vmem_shared>> -> memref<5120xi32, #tpu.memory_space<vmem_shared>>
    tpu.wait_dma2 semaphore(%arg24 : memref<!tpu.dma_semaphore, #tpu.memory_space<semaphore_mem>>) src(%dma_wait3A_129 : memref<5120xi32, #tpu.memory_space<vmem_shared>>) dst(%arg10 : memref<5120xi32, #tpu.memory_space<vmem>>)
    %dma_start3A_130 = arith.constant 0 : i32
    %dma_start3A_131 = tpu.memref_slice %arg6[%dma_start3A_130] : memref<102400xf32, #tpu.memory_space<vmem_shared>> -> memref<102400xf32, #tpu.memory_space<vmem_shared>>
    tpu.enqueue_indirect_dma source(%dma_start3A_131 : memref<102400xf32, #tpu.memory_space<vmem_shared>>) target(%arg16 : memref<5120xf32, #tpu.memory_space<vmem>>) offsets(%arg10 : memref<5120xi32, #tpu.memory_space<vmem>>) semaphore(%arg30 : memref<!tpu.dma_semaphore, #tpu.memory_space<semaphore_mem>>)
    %dma_wait3A_132 = arith.constant 2 : i32
    %dma_wait3A_133 = arith.constant 0 : i32
    %dma_wait3A_134 = arith.constant 0 : i32
    %dma_wait3A_135 = tpu.memref_slice %arg8[%arg1, %dma_wait3A_132, %dma_wait3A_133, %dma_wait3A_134] : memref<16x3x2x5120xi32, #tpu.memory_space<vmem_shared>> -> memref<1x1x2x5120xi32, #tpu.memory_space<vmem_shared>>
    %dma_wait3A_136 = tpu.memref_squeeze %dma_wait3A_135 : memref<1x1x2x5120xi32, #tpu.memory_space<vmem_shared>> -> memref<2x5120xi32, #tpu.memory_space<vmem_shared>>
    %dma_wait3A_137 = arith.constant 0 : i32
    %dma_wait3A_138 = tpu.memref_slice %arg2[%dma_wait3A_137, %mul3A_58] : memref<2x3200000xi32, #tpu.memory_space<hbm>> -> memref<2x5120xi32, #tpu.memory_space<hbm>>
    tpu.wait_dma2 semaphore(%arg22 : memref<!tpu.dma_semaphore, #tpu.memory_space<semaphore_mem>>) src(%dma_wait3A_138 : memref<2x5120xi32, #tpu.memory_space<hbm>>) dst(%dma_wait3A_136 : memref<2x5120xi32, #tpu.memory_space<vmem_shared>>)
    %dma_start3A_139 = arith.constant 2 : i32
    %dma_start3A_140 = arith.constant 0 : i32
    %dma_start3A_141 = arith.constant 0 : i32
    %dma_start3A_142 = tpu.memref_slice %arg8[%arg1, %dma_start3A_139, %dma_start3A_140, %dma_start3A_141] : memref<16x3x2x5120xi32, #tpu.memory_space<vmem_shared>> -> memref<1x1x1x5120xi32, #tpu.memory_space<vmem_shared>>
    %dma_start3A_143 = tpu.memref_squeeze %dma_start3A_142 : memref<1x1x1x5120xi32, #tpu.memory_space<vmem_shared>> -> memref<5120xi32, #tpu.memory_space<vmem_shared>>
    %dma_start3A_144 = arith.constant 0 : i32
    %dma_start3A_145 = tpu.memref_slice %arg8[%arg1, %dma_start3A_139, %dma_start3A_140, %dma_start3A_144] : memref<16x3x2x5120xi32, #tpu.memory_space<vmem_shared>> -> memref<1x1x1x5120xi32, #tpu.memory_space<vmem_shared>>
    %dma_start3A_146 = tpu.memref_squeeze %dma_start3A_145 : memref<1x1x1x5120xi32, #tpu.memory_space<vmem_shared>> -> memref<5120xi32, #tpu.memory_space<vmem_shared>>
    tpu.enqueue_dma source(%dma_start3A_146 : memref<5120xi32, #tpu.memory_space<vmem_shared>>) target(%arg11 : memref<5120xi32, #tpu.memory_space<vmem>>) target_semaphore(%arg25 : memref<!tpu.dma_semaphore, #tpu.memory_space<semaphore_mem>>)
    %dma_start3A_147 = arith.constant 2 : i32
    %dma_start3A_148 = arith.constant 1 : i32
    %dma_start3A_149 = arith.constant 0 : i32
    %dma_start3A_150 = tpu.memref_slice %arg8[%arg1, %dma_start3A_147, %dma_start3A_148, %dma_start3A_149] : memref<16x3x2x5120xi32, #tpu.memory_space<vmem_shared>> -> memref<1x1x1x5120xi32, #tpu.memory_space<vmem_shared>>
    %dma_start3A_151 = tpu.memref_squeeze %dma_start3A_150 : memref<1x1x1x5120xi32, #tpu.memory_space<vmem_shared>> -> memref<5120xi32, #tpu.memory_space<vmem_shared>>
    %dma_start3A_152 = arith.constant 0 : i32
    %dma_start3A_153 = tpu.memref_slice %arg8[%arg1, %dma_start3A_147, %dma_start3A_148, %dma_start3A_152] : memref<16x3x2x5120xi32, #tpu.memory_space<vmem_shared>> -> memref<1x1x1x5120xi32, #tpu.memory_space<vmem_shared>>
    %dma_start3A_154 = tpu.memref_squeeze %dma_start3A_153 : memref<1x1x1x5120xi32, #tpu.memory_space<vmem_shared>> -> memref<5120xi32, #tpu.memory_space<vmem_shared>>
    tpu.enqueue_dma source(%dma_start3A_154 : memref<5120xi32, #tpu.memory_space<vmem_shared>>) target(%arg14 : memref<5120xi32, #tpu.memory_space<vmem>>) target_semaphore(%arg28 : memref<!tpu.dma_semaphore, #tpu.memory_space<semaphore_mem>>)
    %dma_wait3A_155 = arith.constant 0 : i32
    %dma_wait3A_156 = tpu.memref_slice %arg6[%dma_wait3A_155] : memref<102400xf32, #tpu.memory_space<vmem_shared>> -> memref<102400xf32, #tpu.memory_space<vmem_shared>>
    tpu.wait_indirect_dma semaphore(%arg30 : memref<!tpu.dma_semaphore, #tpu.memory_space<semaphore_mem>>) src(%dma_wait3A_156 : memref<102400xf32, #tpu.memory_space<vmem_shared>>) dst(%arg16 : memref<5120xf32, #tpu.memory_space<vmem>>)
    %dma_wait3A_157 = arith.constant 1 : i32
    %dma_wait3A_158 = arith.constant 1 : i32
    %dma_wait3A_159 = arith.constant 0 : i32
    %dma_wait3A_160 = tpu.memref_slice %arg8[%arg1, %dma_wait3A_157, %dma_wait3A_158, %dma_wait3A_159] : memref<16x3x2x5120xi32, #tpu.memory_space<vmem_shared>> -> memref<1x1x1x5120xi32, #tpu.memory_space<vmem_shared>>
    %dma_wait3A_161 = tpu.memref_squeeze %dma_wait3A_160 : memref<1x1x1x5120xi32, #tpu.memory_space<vmem_shared>> -> memref<5120xi32, #tpu.memory_space<vmem_shared>>
    %dma_wait3A_162 = arith.constant 0 : i32
    %dma_wait3A_163 = tpu.memref_slice %arg8[%arg1, %dma_wait3A_157, %dma_wait3A_158, %dma_wait3A_162] : memref<16x3x2x5120xi32, #tpu.memory_space<vmem_shared>> -> memref<1x1x1x5120xi32, #tpu.memory_space<vmem_shared>>
    %dma_wait3A_164 = tpu.memref_squeeze %dma_wait3A_163 : memref<1x1x1x5120xi32, #tpu.memory_space<vmem_shared>> -> memref<5120xi32, #tpu.memory_space<vmem_shared>>
    tpu.wait_dma2 semaphore(%arg27 : memref<!tpu.dma_semaphore, #tpu.memory_space<semaphore_mem>>) src(%dma_wait3A_164 : memref<5120xi32, #tpu.memory_space<vmem_shared>>) dst(%arg13 : memref<5120xi32, #tpu.memory_space<vmem>>)
    %dma_start3A_165 = arith.constant 0 : i32
    %dma_start3A_166 = tpu.memref_slice %arg7[%dma_start3A_165] : memref<102400xf32, #tpu.memory_space<vmem_shared>> -> memref<102400xf32, #tpu.memory_space<vmem_shared>>
    tpu.enqueue_indirect_dma source(%arg16 : memref<5120xf32, #tpu.memory_space<vmem>>) target(%dma_start3A_166 : memref<102400xf32, #tpu.memory_space<vmem_shared>>) offsets(%arg13 : memref<5120xi32, #tpu.memory_space<vmem>>) semaphore(%arg33 : memref<!tpu.dma_semaphore, #tpu.memory_space<semaphore_mem>>) {add = true}
    %add3A_167 = arith.constant 128 : i32
    %add3A_168 = arith.addi %add3A_167, %add3A : i32
    %mul3A_169 = arith.constant 5120 : i32
    %mul3A_170 = arith.muli %add3A_168, %mul3A_169 : i32
    %dma_start3A_171 = arith.constant 1 : i32
    %dma_start3A_172 = arith.constant 0 : i32
    %dma_start3A_173 = arith.constant 0 : i32
    %dma_start3A_174 = tpu.memref_slice %arg8[%arg1, %dma_start3A_171, %dma_start3A_172, %dma_start3A_173] : memref<16x3x2x5120xi32, #tpu.memory_space<vmem_shared>> -> memref<1x1x2x5120xi32, #tpu.memory_space<vmem_shared>>
    %dma_start3A_175 = tpu.memref_squeeze %dma_start3A_174 : memref<1x1x2x5120xi32, #tpu.memory_space<vmem_shared>> -> memref<2x5120xi32, #tpu.memory_space<vmem_shared>>
    %dma_start3A_176 = arith.constant 0 : i32
    %dma_start3A_177 = tpu.memref_slice %arg2[%dma_start3A_176, %mul3A_170] : memref<2x3200000xi32, #tpu.memory_space<hbm>> -> memref<2x5120xi32, #tpu.memory_space<hbm>>
    tpu.enqueue_dma source(%dma_start3A_177 : memref<2x5120xi32, #tpu.memory_space<hbm>>) target(%dma_start3A_175 : memref<2x5120xi32, #tpu.memory_space<vmem_shared>>) target_semaphore(%arg21 : memref<!tpu.dma_semaphore, #tpu.memory_space<semaphore_mem>>)
    %dma_wait3A_178 = arith.constant 2 : i32
    %dma_wait3A_179 = arith.constant 0 : i32
    %dma_wait3A_180 = arith.constant 0 : i32
    %dma_wait3A_181 = tpu.memref_slice %arg8[%arg1, %dma_wait3A_178, %dma_wait3A_179, %dma_wait3A_180] : memref<16x3x2x5120xi32, #tpu.memory_space<vmem_shared>> -> memref<1x1x1x5120xi32, #tpu.memory_space<vmem_shared>>
    %dma_wait3A_182 = tpu.memref_squeeze %dma_wait3A_181 : memref<1x1x1x5120xi32, #tpu.memory_space<vmem_shared>> -> memref<5120xi32, #tpu.memory_space<vmem_shared>>
    %dma_wait3A_183 = arith.constant 0 : i32
    %dma_wait3A_184 = tpu.memref_slice %arg8[%arg1, %dma_wait3A_178, %dma_wait3A_179, %dma_wait3A_183] : memref<16x3x2x5120xi32, #tpu.memory_space<vmem_shared>> -> memref<1x1x1x5120xi32, #tpu.memory_space<vmem_shared>>
    %dma_wait3A_185 = tpu.memref_squeeze %dma_wait3A_184 : memref<1x1x1x5120xi32, #tpu.memory_space<vmem_shared>> -> memref<5120xi32, #tpu.memory_space<vmem_shared>>
    tpu.wait_dma2 semaphore(%arg25 : memref<!tpu.dma_semaphore, #tpu.memory_space<semaphore_mem>>) src(%dma_wait3A_185 : memref<5120xi32, #tpu.memory_space<vmem_shared>>) dst(%arg11 : memref<5120xi32, #tpu.memory_space<vmem>>)
    %dma_start3A_186 = arith.constant 0 : i32
    %dma_start3A_187 = tpu.memref_slice %arg6[%dma_start3A_186] : memref<102400xf32, #tpu.memory_space<vmem_shared>> -> memref<102400xf32, #tpu.memory_space<vmem_shared>>
    tpu.enqueue_indirect_dma source(%dma_start3A_187 : memref<102400xf32, #tpu.memory_space<vmem_shared>>) target(%arg17 : memref<5120xf32, #tpu.memory_space<vmem>>) offsets(%arg11 : memref<5120xi32, #tpu.memory_space<vmem>>) semaphore(%arg31 : memref<!tpu.dma_semaphore, #tpu.memory_space<semaphore_mem>>)
    %dma_wait3A_188 = arith.constant 0 : i32
    %dma_wait3A_189 = tpu.memref_slice %arg7[%dma_wait3A_188] : memref<102400xf32, #tpu.memory_space<vmem_shared>> -> memref<102400xf32, #tpu.memory_space<vmem_shared>>
    tpu.wait_indirect_dma semaphore(%arg32 : memref<!tpu.dma_semaphore, #tpu.memory_space<semaphore_mem>>) src(%arg15 : memref<5120xf32, #tpu.memory_space<vmem>>) dst(%dma_wait3A_189 : memref<102400xf32, #tpu.memory_space<vmem_shared>>)
    %dma_wait3A_190 = arith.constant 0 : i32
    %dma_wait3A_191 = arith.constant 0 : i32
    %dma_wait3A_192 = arith.constant 0 : i32
    %dma_wait3A_193 = tpu.memref_slice %arg8[%arg1, %dma_wait3A_190, %dma_wait3A_191, %dma_wait3A_192] : memref<16x3x2x5120xi32, #tpu.memory_space<vmem_shared>> -> memref<1x1x2x5120xi32, #tpu.memory_space<vmem_shared>>
    %dma_wait3A_194 = tpu.memref_squeeze %dma_wait3A_193 : memref<1x1x2x5120xi32, #tpu.memory_space<vmem_shared>> -> memref<2x5120xi32, #tpu.memory_space<vmem_shared>>
    %dma_wait3A_195 = arith.constant 0 : i32
    %dma_wait3A_196 = tpu.memref_slice %arg2[%dma_wait3A_195, %mul3A_114] : memref<2x3200000xi32, #tpu.memory_space<hbm>> -> memref<2x5120xi32, #tpu.memory_space<hbm>>
    tpu.wait_dma2 semaphore(%arg20 : memref<!tpu.dma_semaphore, #tpu.memory_space<semaphore_mem>>) src(%dma_wait3A_196 : memref<2x5120xi32, #tpu.memory_space<hbm>>) dst(%dma_wait3A_194 : memref<2x5120xi32, #tpu.memory_space<vmem_shared>>)
    %dma_start3A_197 = arith.constant 0 : i32
    %dma_start3A_198 = arith.constant 0 : i32
    %dma_start3A_199 = arith.constant 0 : i32
    %dma_start3A_200 = tpu.memref_slice %arg8[%arg1, %dma_start3A_197, %dma_start3A_198, %dma_start3A_199] : memref<16x3x2x5120xi32, #tpu.memory_space<vmem_shared>> -> memref<1x1x1x5120xi32, #tpu.memory_space<vmem_shared>>
    %dma_start3A_201 = tpu.memref_squeeze %dma_start3A_200 : memref<1x1x1x5120xi32, #tpu.memory_space<vmem_shared>> -> memref<5120xi32, #tpu.memory_space<vmem_shared>>
    %dma_start3A_202 = arith.constant 0 : i32
    %dma_start3A_203 = tpu.memref_slice %arg8[%arg1, %dma_start3A_197, %dma_start3A_198, %dma_start3A_202] : memref<16x3x2x5120xi32, #tpu.memory_space<vmem_shared>> -> memref<1x1x1x5120xi32, #tpu.memory_space<vmem_shared>>
    %dma_start3A_204 = tpu.memref_squeeze %dma_start3A_203 : memref<1x1x1x5120xi32, #tpu.memory_space<vmem_shared>> -> memref<5120xi32, #tpu.memory_space<vmem_shared>>
    tpu.enqueue_dma source(%dma_start3A_204 : memref<5120xi32, #tpu.memory_space<vmem_shared>>) target(%arg9 : memref<5120xi32, #tpu.memory_space<vmem>>) target_semaphore(%arg23 : memref<!tpu.dma_semaphore, #tpu.memory_space<semaphore_mem>>)
    %dma_start3A_205 = arith.constant 0 : i32
    %dma_start3A_206 = arith.constant 1 : i32
    %dma_start3A_207 = arith.constant 0 : i32
    %dma_start3A_208 = tpu.memref_slice %arg8[%arg1, %dma_start3A_205, %dma_start3A_206, %dma_start3A_207] : memref<16x3x2x5120xi32, #tpu.memory_space<vmem_shared>> -> memref<1x1x1x5120xi32, #tpu.memory_space<vmem_shared>>
    %dma_start3A_209 = tpu.memref_squeeze %dma_start3A_208 : memref<1x1x1x5120xi32, #tpu.memory_space<vmem_shared>> -> memref<5120xi32, #tpu.memory_space<vmem_shared>>
    %dma_start3A_210 = arith.constant 0 : i32
    %dma_start3A_211 = tpu.memref_slice %arg8[%arg1, %dma_start3A_205, %dma_start3A_206, %dma_start3A_210] : memref<16x3x2x5120xi32, #tpu.memory_space<vmem_shared>> -> memref<1x1x1x5120xi32, #tpu.memory_space<vmem_shared>>
    %dma_start3A_212 = tpu.memref_squeeze %dma_start3A_211 : memref<1x1x1x5120xi32, #tpu.memory_space<vmem_shared>> -> memref<5120xi32, #tpu.memory_space<vmem_shared>>
    tpu.enqueue_dma source(%dma_start3A_212 : memref<5120xi32, #tpu.memory_space<vmem_shared>>) target(%arg12 : memref<5120xi32, #tpu.memory_space<vmem>>) target_semaphore(%arg26 : memref<!tpu.dma_semaphore, #tpu.memory_space<semaphore_mem>>)
    %dma_wait3A_213 = arith.constant 0 : i32
    %dma_wait3A_214 = tpu.memref_slice %arg6[%dma_wait3A_213] : memref<102400xf32, #tpu.memory_space<vmem_shared>> -> memref<102400xf32, #tpu.memory_space<vmem_shared>>
    tpu.wait_indirect_dma semaphore(%arg31 : memref<!tpu.dma_semaphore, #tpu.memory_space<semaphore_mem>>) src(%dma_wait3A_214 : memref<102400xf32, #tpu.memory_space<vmem_shared>>) dst(%arg17 : memref<5120xf32, #tpu.memory_space<vmem>>)
    %dma_wait3A_215 = arith.constant 2 : i32
    %dma_wait3A_216 = arith.constant 1 : i32
    %dma_wait3A_217 = arith.constant 0 : i32
    %dma_wait3A_218 = tpu.memref_slice %arg8[%arg1, %dma_wait3A_215, %dma_wait3A_216, %dma_wait3A_217] : memref<16x3x2x5120xi32, #tpu.memory_space<vmem_shared>> -> memref<1x1x1x5120xi32, #tpu.memory_space<vmem_shared>>
    %dma_wait3A_219 = tpu.memref_squeeze %dma_wait3A_218 : memref<1x1x1x5120xi32, #tpu.memory_space<vmem_shared>> -> memref<5120xi32, #tpu.memory_space<vmem_shared>>
    %dma_wait3A_220 = arith.constant 0 : i32
    %dma_wait3A_221 = tpu.memref_slice %arg8[%arg1, %dma_wait3A_215, %dma_wait3A_216, %dma_wait3A_220] : memref<16x3x2x5120xi32, #tpu.memory_space<vmem_shared>> -> memref<1x1x1x5120xi32, #tpu.memory_space<vmem_shared>>
    %dma_wait3A_222 = tpu.memref_squeeze %dma_wait3A_221 : memref<1x1x1x5120xi32, #tpu.memory_space<vmem_shared>> -> memref<5120xi32, #tpu.memory_space<vmem_shared>>
    tpu.wait_dma2 semaphore(%arg28 : memref<!tpu.dma_semaphore, #tpu.memory_space<semaphore_mem>>) src(%dma_wait3A_222 : memref<5120xi32, #tpu.memory_space<vmem_shared>>) dst(%arg14 : memref<5120xi32, #tpu.memory_space<vmem>>)
    %dma_start3A_223 = arith.constant 0 : i32
    %dma_start3A_224 = tpu.memref_slice %arg7[%dma_start3A_223] : memref<102400xf32, #tpu.memory_space<vmem_shared>> -> memref<102400xf32, #tpu.memory_space<vmem_shared>>
    tpu.enqueue_indirect_dma source(%arg17 : memref<5120xf32, #tpu.memory_space<vmem>>) target(%dma_start3A_224 : memref<102400xf32, #tpu.memory_space<vmem_shared>>) offsets(%arg14 : memref<5120xi32, #tpu.memory_space<vmem>>) semaphore(%arg34 : memref<!tpu.dma_semaphore, #tpu.memory_space<semaphore_mem>>) {add = true}
    %add3A_225 = arith.constant 160 : i32
    %add3A_226 = arith.addi %add3A_225, %add3A : i32
    %mul3A_227 = arith.constant 5120 : i32
    %mul3A_228 = arith.muli %add3A_226, %mul3A_227 : i32
    %dma_start3A_229 = arith.constant 2 : i32
    %dma_start3A_230 = arith.constant 0 : i32
    %dma_start3A_231 = arith.constant 0 : i32
    %dma_start3A_232 = tpu.memref_slice %arg8[%arg1, %dma_start3A_229, %dma_start3A_230, %dma_start3A_231] : memref<16x3x2x5120xi32, #tpu.memory_space<vmem_shared>> -> memref<1x1x2x5120xi32, #tpu.memory_space<vmem_shared>>
    %dma_start3A_233 = tpu.memref_squeeze %dma_start3A_232 : memref<1x1x2x5120xi32, #tpu.memory_space<vmem_shared>> -> memref<2x5120xi32, #tpu.memory_space<vmem_shared>>
    %dma_start3A_234 = arith.constant 0 : i32
    %dma_start3A_235 = tpu.memref_slice %arg2[%dma_start3A_234, %mul3A_228] : memref<2x3200000xi32, #tpu.memory_space<hbm>> -> memref<2x5120xi32, #tpu.memory_space<hbm>>
    tpu.enqueue_dma source(%dma_start3A_235 : memref<2x5120xi32, #tpu.memory_space<hbm>>) target(%dma_start3A_233 : memref<2x5120xi32, #tpu.memory_space<vmem_shared>>) target_semaphore(%arg22 : memref<!tpu.dma_semaphore, #tpu.memory_space<semaphore_mem>>)
    %dma_wait3A_236 = arith.constant 0 : i32
    %dma_wait3A_237 = arith.constant 0 : i32
    %dma_wait3A_238 = arith.constant 0 : i32
    %dma_wait3A_239 = tpu.memref_slice %arg8[%arg1, %dma_wait3A_236, %dma_wait3A_237, %dma_wait3A_238] : memref<16x3x2x5120xi32, #tpu.memory_space<vmem_shared>> -> memref<1x1x1x5120xi32, #tpu.memory_space<vmem_shared>>
    %dma_wait3A_240 = tpu.memref_squeeze %dma_wait3A_239 : memref<1x1x1x5120xi32, #tpu.memory_space<vmem_shared>> -> memref<5120xi32, #tpu.memory_space<vmem_shared>>
    %dma_wait3A_241 = arith.constant 0 : i32
    %dma_wait3A_242 = tpu.memref_slice %arg8[%arg1, %dma_wait3A_236, %dma_wait3A_237, %dma_wait3A_241] : memref<16x3x2x5120xi32, #tpu.memory_space<vmem_shared>> -> memref<1x1x1x5120xi32, #tpu.memory_space<vmem_shared>>
    %dma_wait3A_243 = tpu.memref_squeeze %dma_wait3A_242 : memref<1x1x1x5120xi32, #tpu.memory_space<vmem_shared>> -> memref<5120xi32, #tpu.memory_space<vmem_shared>>
    tpu.wait_dma2 semaphore(%arg23 : memref<!tpu.dma_semaphore, #tpu.memory_space<semaphore_mem>>) src(%dma_wait3A_243 : memref<5120xi32, #tpu.memory_space<vmem_shared>>) dst(%arg9 : memref<5120xi32, #tpu.memory_space<vmem>>)
    %dma_start3A_244 = arith.constant 0 : i32
    %dma_start3A_245 = tpu.memref_slice %arg6[%dma_start3A_244] : memref<102400xf32, #tpu.memory_space<vmem_shared>> -> memref<102400xf32, #tpu.memory_space<vmem_shared>>
    tpu.enqueue_indirect_dma source(%dma_start3A_245 : memref<102400xf32, #tpu.memory_space<vmem_shared>>) target(%arg15 : memref<5120xf32, #tpu.memory_space<vmem>>) offsets(%arg9 : memref<5120xi32, #tpu.memory_space<vmem>>) semaphore(%arg29 : memref<!tpu.dma_semaphore, #tpu.memory_space<semaphore_mem>>)
    %dma_wait3A_246 = arith.constant 0 : i32
    %dma_wait3A_247 = tpu.memref_slice %arg7[%dma_wait3A_246] : memref<102400xf32, #tpu.memory_space<vmem_shared>> -> memref<102400xf32, #tpu.memory_space<vmem_shared>>
    tpu.wait_indirect_dma semaphore(%arg33 : memref<!tpu.dma_semaphore, #tpu.memory_space<semaphore_mem>>) src(%arg16 : memref<5120xf32, #tpu.memory_space<vmem>>) dst(%dma_wait3A_247 : memref<102400xf32, #tpu.memory_space<vmem_shared>>)
    %dma_wait3A_248 = arith.constant 1 : i32
    %dma_wait3A_249 = arith.constant 0 : i32
    %dma_wait3A_250 = arith.constant 0 : i32
    %dma_wait3A_251 = tpu.memref_slice %arg8[%arg1, %dma_wait3A_248, %dma_wait3A_249, %dma_wait3A_250] : memref<16x3x2x5120xi32, #tpu.memory_space<vmem_shared>> -> memref<1x1x2x5120xi32, #tpu.memory_space<vmem_shared>>
    %dma_wait3A_252 = tpu.memref_squeeze %dma_wait3A_251 : memref<1x1x2x5120xi32, #tpu.memory_space<vmem_shared>> -> memref<2x5120xi32, #tpu.memory_space<vmem_shared>>
    %dma_wait3A_253 = arith.constant 0 : i32
    %dma_wait3A_254 = tpu.memref_slice %arg2[%dma_wait3A_253, %mul3A_170] : memref<2x3200000xi32, #tpu.memory_space<hbm>> -> memref<2x5120xi32, #tpu.memory_space<hbm>>
    tpu.wait_dma2 semaphore(%arg21 : memref<!tpu.dma_semaphore, #tpu.memory_space<semaphore_mem>>) src(%dma_wait3A_254 : memref<2x5120xi32, #tpu.memory_space<hbm>>) dst(%dma_wait3A_252 : memref<2x5120xi32, #tpu.memory_space<vmem_shared>>)
    %dma_start3A_255 = arith.constant 1 : i32
    %dma_start3A_256 = arith.constant 0 : i32
    %dma_start3A_257 = arith.constant 0 : i32
    %dma_start3A_258 = tpu.memref_slice %arg8[%arg1, %dma_start3A_255, %dma_start3A_256, %dma_start3A_257] : memref<16x3x2x5120xi32, #tpu.memory_space<vmem_shared>> -> memref<1x1x1x5120xi32, #tpu.memory_space<vmem_shared>>
    %dma_start3A_259 = tpu.memref_squeeze %dma_start3A_258 : memref<1x1x1x5120xi32, #tpu.memory_space<vmem_shared>> -> memref<5120xi32, #tpu.memory_space<vmem_shared>>
    %dma_start3A_260 = arith.constant 0 : i32
    %dma_start3A_261 = tpu.memref_slice %arg8[%arg1, %dma_start3A_255, %dma_start3A_256, %dma_start3A_260] : memref<16x3x2x5120xi32, #tpu.memory_space<vmem_shared>> -> memref<1x1x1x5120xi32, #tpu.memory_space<vmem_shared>>
    %dma_start3A_262 = tpu.memref_squeeze %dma_start3A_261 : memref<1x1x1x5120xi32, #tpu.memory_space<vmem_shared>> -> memref<5120xi32, #tpu.memory_space<vmem_shared>>
    tpu.enqueue_dma source(%dma_start3A_262 : memref<5120xi32, #tpu.memory_space<vmem_shared>>) target(%arg10 : memref<5120xi32, #tpu.memory_space<vmem>>) target_semaphore(%arg24 : memref<!tpu.dma_semaphore, #tpu.memory_space<semaphore_mem>>)
    %dma_start3A_263 = arith.constant 1 : i32
    %dma_start3A_264 = arith.constant 1 : i32
    %dma_start3A_265 = arith.constant 0 : i32
    %dma_start3A_266 = tpu.memref_slice %arg8[%arg1, %dma_start3A_263, %dma_start3A_264, %dma_start3A_265] : memref<16x3x2x5120xi32, #tpu.memory_space<vmem_shared>> -> memref<1x1x1x5120xi32, #tpu.memory_space<vmem_shared>>
    %dma_start3A_267 = tpu.memref_squeeze %dma_start3A_266 : memref<1x1x1x5120xi32, #tpu.memory_space<vmem_shared>> -> memref<5120xi32, #tpu.memory_space<vmem_shared>>
    %dma_start3A_268 = arith.constant 0 : i32
    %dma_start3A_269 = tpu.memref_slice %arg8[%arg1, %dma_start3A_263, %dma_start3A_264, %dma_start3A_268] : memref<16x3x2x5120xi32, #tpu.memory_space<vmem_shared>> -> memref<1x1x1x5120xi32, #tpu.memory_space<vmem_shared>>
    %dma_start3A_270 = tpu.memref_squeeze %dma_start3A_269 : memref<1x1x1x5120xi32, #tpu.memory_space<vmem_shared>> -> memref<5120xi32, #tpu.memory_space<vmem_shared>>
    tpu.enqueue_dma source(%dma_start3A_270 : memref<5120xi32, #tpu.memory_space<vmem_shared>>) target(%arg13 : memref<5120xi32, #tpu.memory_space<vmem>>) target_semaphore(%arg27 : memref<!tpu.dma_semaphore, #tpu.memory_space<semaphore_mem>>)
    %dma_wait3A_271 = arith.constant 0 : i32
    %dma_wait3A_272 = tpu.memref_slice %arg6[%dma_wait3A_271] : memref<102400xf32, #tpu.memory_space<vmem_shared>> -> memref<102400xf32, #tpu.memory_space<vmem_shared>>
    tpu.wait_indirect_dma semaphore(%arg29 : memref<!tpu.dma_semaphore, #tpu.memory_space<semaphore_mem>>) src(%dma_wait3A_272 : memref<102400xf32, #tpu.memory_space<vmem_shared>>) dst(%arg15 : memref<5120xf32, #tpu.memory_space<vmem>>)
    %dma_wait3A_273 = arith.constant 0 : i32
    %dma_wait3A_274 = arith.constant 1 : i32
    %dma_wait3A_275 = arith.constant 0 : i32
    %dma_wait3A_276 = tpu.memref_slice %arg8[%arg1, %dma_wait3A_273, %dma_wait3A_274, %dma_wait3A_275] : memref<16x3x2x5120xi32, #tpu.memory_space<vmem_shared>> -> memref<1x1x1x5120xi32, #tpu.memory_space<vmem_shared>>
    %dma_wait3A_277 = tpu.memref_squeeze %dma_wait3A_276 : memref<1x1x1x5120xi32, #tpu.memory_space<vmem_shared>> -> memref<5120xi32, #tpu.memory_space<vmem_shared>>
    %dma_wait3A_278 = arith.constant 0 : i32
    %dma_wait3A_279 = tpu.memref_slice %arg8[%arg1, %dma_wait3A_273, %dma_wait3A_274, %dma_wait3A_278] : memref<16x3x2x5120xi32, #tpu.memory_space<vmem_shared>> -> memref<1x1x1x5120xi32, #tpu.memory_space<vmem_shared>>
    %dma_wait3A_280 = tpu.memref_squeeze %dma_wait3A_279 : memref<1x1x1x5120xi32, #tpu.memory_space<vmem_shared>> -> memref<5120xi32, #tpu.memory_space<vmem_shared>>
    tpu.wait_dma2 semaphore(%arg26 : memref<!tpu.dma_semaphore, #tpu.memory_space<semaphore_mem>>) src(%dma_wait3A_280 : memref<5120xi32, #tpu.memory_space<vmem_shared>>) dst(%arg12 : memref<5120xi32, #tpu.memory_space<vmem>>)
    %dma_start3A_281 = arith.constant 0 : i32
    %dma_start3A_282 = tpu.memref_slice %arg7[%dma_start3A_281] : memref<102400xf32, #tpu.memory_space<vmem_shared>> -> memref<102400xf32, #tpu.memory_space<vmem_shared>>
    tpu.enqueue_indirect_dma source(%arg15 : memref<5120xf32, #tpu.memory_space<vmem>>) target(%dma_start3A_282 : memref<102400xf32, #tpu.memory_space<vmem_shared>>) offsets(%arg12 : memref<5120xi32, #tpu.memory_space<vmem>>) semaphore(%arg32 : memref<!tpu.dma_semaphore, #tpu.memory_space<semaphore_mem>>) {add = true}
    %add3A_283 = arith.constant 192 : i32
    %add3A_284 = arith.addi %add3A_283, %add3A : i32
    %mul3A_285 = arith.constant 5120 : i32
    %mul3A_286 = arith.muli %add3A_284, %mul3A_285 : i32
    %dma_start3A_287 = arith.constant 0 : i32
    %dma_start3A_288 = arith.constant 0 : i32
    %dma_start3A_289 = arith.constant 0 : i32
    %dma_start3A_290 = tpu.memref_slice %arg8[%arg1, %dma_start3A_287, %dma_start3A_288, %dma_start3A_289] : memref<16x3x2x5120xi32, #tpu.memory_space<vmem_shared>> -> memref<1x1x2x5120xi32, #tpu.memory_space<vmem_shared>>
    %dma_start3A_291 = tpu.memref_squeeze %dma_start3A_290 : memref<1x1x2x5120xi32, #tpu.memory_space<vmem_shared>> -> memref<2x5120xi32, #tpu.memory_space<vmem_shared>>
    %dma_start3A_292 = arith.constant 0 : i32
    %dma_start3A_293 = tpu.memref_slice %arg2[%dma_start3A_292, %mul3A_286] : memref<2x3200000xi32, #tpu.memory_space<hbm>> -> memref<2x5120xi32, #tpu.memory_space<hbm>>
    tpu.enqueue_dma source(%dma_start3A_293 : memref<2x5120xi32, #tpu.memory_space<hbm>>) target(%dma_start3A_291 : memref<2x5120xi32, #tpu.memory_space<vmem_shared>>) target_semaphore(%arg20 : memref<!tpu.dma_semaphore, #tpu.memory_space<semaphore_mem>>)
    %dma_wait3A_294 = arith.constant 1 : i32
    %dma_wait3A_295 = arith.constant 0 : i32
    %dma_wait3A_296 = arith.constant 0 : i32
    %dma_wait3A_297 = tpu.memref_slice %arg8[%arg1, %dma_wait3A_294, %dma_wait3A_295, %dma_wait3A_296] : memref<16x3x2x5120xi32, #tpu.memory_space<vmem_shared>> -> memref<1x1x1x5120xi32, #tpu.memory_space<vmem_shared>>
    %dma_wait3A_298 = tpu.memref_squeeze %dma_wait3A_297 : memref<1x1x1x5120xi32, #tpu.memory_space<vmem_shared>> -> memref<5120xi32, #tpu.memory_space<vmem_shared>>
    %dma_wait3A_299 = arith.constant 0 : i32
    %dma_wait3A_300 = tpu.memref_slice %arg8[%arg1, %dma_wait3A_294, %dma_wait3A_295, %dma_wait3A_299] : memref<16x3x2x5120xi32, #tpu.memory_space<vmem_shared>> -> memref<1x1x1x5120xi32, #tpu.memory_space<vmem_shared>>
    %dma_wait3A_301 = tpu.memref_squeeze %dma_wait3A_300 : memref<1x1x1x5120xi32, #tpu.memory_space<vmem_shared>> -> memref<5120xi32, #tpu.memory_space<vmem_shared>>
    tpu.wait_dma2 semaphore(%arg24 : memref<!tpu.dma_semaphore, #tpu.memory_space<semaphore_mem>>) src(%dma_wait3A_301 : memref<5120xi32, #tpu.memory_space<vmem_shared>>) dst(%arg10 : memref<5120xi32, #tpu.memory_space<vmem>>)
    %dma_start3A_302 = arith.constant 0 : i32
    %dma_start3A_303 = tpu.memref_slice %arg6[%dma_start3A_302] : memref<102400xf32, #tpu.memory_space<vmem_shared>> -> memref<102400xf32, #tpu.memory_space<vmem_shared>>
    tpu.enqueue_indirect_dma source(%dma_start3A_303 : memref<102400xf32, #tpu.memory_space<vmem_shared>>) target(%arg16 : memref<5120xf32, #tpu.memory_space<vmem>>) offsets(%arg10 : memref<5120xi32, #tpu.memory_space<vmem>>) semaphore(%arg30 : memref<!tpu.dma_semaphore, #tpu.memory_space<semaphore_mem>>)
    %dma_wait3A_304 = arith.constant 0 : i32
    %dma_wait3A_305 = tpu.memref_slice %arg7[%dma_wait3A_304] : memref<102400xf32, #tpu.memory_space<vmem_shared>> -> memref<102400xf32, #tpu.memory_space<vmem_shared>>
    tpu.wait_indirect_dma semaphore(%arg34 : memref<!tpu.dma_semaphore, #tpu.memory_space<semaphore_mem>>) src(%arg17 : memref<5120xf32, #tpu.memory_space<vmem>>) dst(%dma_wait3A_305 : memref<102400xf32, #tpu.memory_space<vmem_shared>>)
    %dma_wait3A_306 = arith.constant 2 : i32
    %dma_wait3A_307 = arith.constant 0 : i32
    %dma_wait3A_308 = arith.constant 0 : i32
    %dma_wait3A_309 = tpu.memref_slice %arg8[%arg1, %dma_wait3A_306, %dma_wait3A_307, %dma_wait3A_308] : memref<16x3x2x5120xi32, #tpu.memory_space<vmem_shared>> -> memref<1x1x2x5120xi32, #tpu.memory_space<vmem_shared>>
    %dma_wait3A_310 = tpu.memref_squeeze %dma_wait3A_309 : memref<1x1x2x5120xi32, #tpu.memory_space<vmem_shared>> -> memref<2x5120xi32, #tpu.memory_space<vmem_shared>>
    %dma_wait3A_311 = arith.constant 0 : i32
    %dma_wait3A_312 = tpu.memref_slice %arg2[%dma_wait3A_311, %mul3A_228] : memref<2x3200000xi32, #tpu.memory_space<hbm>> -> memref<2x5120xi32, #tpu.memory_space<hbm>>
    tpu.wait_dma2 semaphore(%arg22 : memref<!tpu.dma_semaphore, #tpu.memory_space<semaphore_mem>>) src(%dma_wait3A_312 : memref<2x5120xi32, #tpu.memory_space<hbm>>) dst(%dma_wait3A_310 : memref<2x5120xi32, #tpu.memory_space<vmem_shared>>)
    %dma_start3A_313 = arith.constant 2 : i32
    %dma_start3A_314 = arith.constant 0 : i32
    %dma_start3A_315 = arith.constant 0 : i32
    %dma_start3A_316 = tpu.memref_slice %arg8[%arg1, %dma_start3A_313, %dma_start3A_314, %dma_start3A_315] : memref<16x3x2x5120xi32, #tpu.memory_space<vmem_shared>> -> memref<1x1x1x5120xi32, #tpu.memory_space<vmem_shared>>
    %dma_start3A_317 = tpu.memref_squeeze %dma_start3A_316 : memref<1x1x1x5120xi32, #tpu.memory_space<vmem_shared>> -> memref<5120xi32, #tpu.memory_space<vmem_shared>>
    %dma_start3A_318 = arith.constant 0 : i32
    %dma_start3A_319 = tpu.memref_slice %arg8[%arg1, %dma_start3A_313, %dma_start3A_314, %dma_start3A_318] : memref<16x3x2x5120xi32, #tpu.memory_space<vmem_shared>> -> memref<1x1x1x5120xi32, #tpu.memory_space<vmem_shared>>
    %dma_start3A_320 = tpu.memref_squeeze %dma_start3A_319 : memref<1x1x1x5120xi32, #tpu.memory_space<vmem_shared>> -> memref<5120xi32, #tpu.memory_space<vmem_shared>>
    tpu.enqueue_dma source(%dma_start3A_320 : memref<5120xi32, #tpu.memory_space<vmem_shared>>) target(%arg11 : memref<5120xi32, #tpu.memory_space<vmem>>) target_semaphore(%arg25 : memref<!tpu.dma_semaphore, #tpu.memory_space<semaphore_mem>>)
    %dma_start3A_321 = arith.constant 2 : i32
    %dma_start3A_322 = arith.constant 1 : i32
    %dma_start3A_323 = arith.constant 0 : i32
    %dma_start3A_324 = tpu.memref_slice %arg8[%arg1, %dma_start3A_321, %dma_start3A_322, %dma_start3A_323] : memref<16x3x2x5120xi32, #tpu.memory_space<vmem_shared>> -> memref<1x1x1x5120xi32, #tpu.memory_space<vmem_shared>>
    %dma_start3A_325 = tpu.memref_squeeze %dma_start3A_324 : memref<1x1x1x5120xi32, #tpu.memory_space<vmem_shared>> -> memref<5120xi32, #tpu.memory_space<vmem_shared>>
    %dma_start3A_326 = arith.constant 0 : i32
    %dma_start3A_327 = tpu.memref_slice %arg8[%arg1, %dma_start3A_321, %dma_start3A_322, %dma_start3A_326] : memref<16x3x2x5120xi32, #tpu.memory_space<vmem_shared>> -> memref<1x1x1x5120xi32, #tpu.memory_space<vmem_shared>>
    %dma_start3A_328 = tpu.memref_squeeze %dma_start3A_327 : memref<1x1x1x5120xi32, #tpu.memory_space<vmem_shared>> -> memref<5120xi32, #tpu.memory_space<vmem_shared>>
    tpu.enqueue_dma source(%dma_start3A_328 : memref<5120xi32, #tpu.memory_space<vmem_shared>>) target(%arg14 : memref<5120xi32, #tpu.memory_space<vmem>>) target_semaphore(%arg28 : memref<!tpu.dma_semaphore, #tpu.memory_space<semaphore_mem>>)
    %dma_wait3A_329 = arith.constant 0 : i32
    %dma_wait3A_330 = tpu.memref_slice %arg6[%dma_wait3A_329] : memref<102400xf32, #tpu.memory_space<vmem_shared>> -> memref<102400xf32, #tpu.memory_space<vmem_shared>>
    tpu.wait_indirect_dma semaphore(%arg30 : memref<!tpu.dma_semaphore, #tpu.memory_space<semaphore_mem>>) src(%dma_wait3A_330 : memref<102400xf32, #tpu.memory_space<vmem_shared>>) dst(%arg16 : memref<5120xf32, #tpu.memory_space<vmem>>)
    %dma_wait3A_331 = arith.constant 1 : i32
    %dma_wait3A_332 = arith.constant 1 : i32
    %dma_wait3A_333 = arith.constant 0 : i32
    %dma_wait3A_334 = tpu.memref_slice %arg8[%arg1, %dma_wait3A_331, %dma_wait3A_332, %dma_wait3A_333] : memref<16x3x2x5120xi32, #tpu.memory_space<vmem_shared>> -> memref<1x1x1x5120xi32, #tpu.memory_space<vmem_shared>>
    %dma_wait3A_335 = tpu.memref_squeeze %dma_wait3A_334 : memref<1x1x1x5120xi32, #tpu.memory_space<vmem_shared>> -> memref<5120xi32, #tpu.memory_space<vmem_shared>>
    %dma_wait3A_336 = arith.constant 0 : i32
    %dma_wait3A_337 = tpu.memref_slice %arg8[%arg1, %dma_wait3A_331, %dma_wait3A_332, %dma_wait3A_336] : memref<16x3x2x5120xi32, #tpu.memory_space<vmem_shared>> -> memref<1x1x1x5120xi32, #tpu.memory_space<vmem_shared>>
    %dma_wait3A_338 = tpu.memref_squeeze %dma_wait3A_337 : memref<1x1x1x5120xi32, #tpu.memory_space<vmem_shared>> -> memref<5120xi32, #tpu.memory_space<vmem_shared>>
    tpu.wait_dma2 semaphore(%arg27 : memref<!tpu.dma_semaphore, #tpu.memory_space<semaphore_mem>>) src(%dma_wait3A_338 : memref<5120xi32, #tpu.memory_space<vmem_shared>>) dst(%arg13 : memref<5120xi32, #tpu.memory_space<vmem>>)
    %dma_start3A_339 = arith.constant 0 : i32
    %dma_start3A_340 = tpu.memref_slice %arg7[%dma_start3A_339] : memref<102400xf32, #tpu.memory_space<vmem_shared>> -> memref<102400xf32, #tpu.memory_space<vmem_shared>>
    tpu.enqueue_indirect_dma source(%arg16 : memref<5120xf32, #tpu.memory_space<vmem>>) target(%dma_start3A_340 : memref<102400xf32, #tpu.memory_space<vmem_shared>>) offsets(%arg13 : memref<5120xi32, #tpu.memory_space<vmem>>) semaphore(%arg33 : memref<!tpu.dma_semaphore, #tpu.memory_space<semaphore_mem>>) {add = true}
    %add3A_341 = arith.constant 224 : i32
    %add3A_342 = arith.addi %add3A_341, %add3A : i32
    %mul3A_343 = arith.constant 5120 : i32
    %mul3A_344 = arith.muli %add3A_342, %mul3A_343 : i32
    %dma_start3A_345 = arith.constant 1 : i32
    %dma_start3A_346 = arith.constant 0 : i32
    %dma_start3A_347 = arith.constant 0 : i32
    %dma_start3A_348 = tpu.memref_slice %arg8[%arg1, %dma_start3A_345, %dma_start3A_346, %dma_start3A_347] : memref<16x3x2x5120xi32, #tpu.memory_space<vmem_shared>> -> memref<1x1x2x5120xi32, #tpu.memory_space<vmem_shared>>
    %dma_start3A_349 = tpu.memref_squeeze %dma_start3A_348 : memref<1x1x2x5120xi32, #tpu.memory_space<vmem_shared>> -> memref<2x5120xi32, #tpu.memory_space<vmem_shared>>
    %dma_start3A_350 = arith.constant 0 : i32
    %dma_start3A_351 = tpu.memref_slice %arg2[%dma_start3A_350, %mul3A_344] : memref<2x3200000xi32, #tpu.memory_space<hbm>> -> memref<2x5120xi32, #tpu.memory_space<hbm>>
    tpu.enqueue_dma source(%dma_start3A_351 : memref<2x5120xi32, #tpu.memory_space<hbm>>) target(%dma_start3A_349 : memref<2x5120xi32, #tpu.memory_space<vmem_shared>>) target_semaphore(%arg21 : memref<!tpu.dma_semaphore, #tpu.memory_space<semaphore_mem>>)
    %dma_wait3A_352 = arith.constant 2 : i32
    %dma_wait3A_353 = arith.constant 0 : i32
    %dma_wait3A_354 = arith.constant 0 : i32
    %dma_wait3A_355 = tpu.memref_slice %arg8[%arg1, %dma_wait3A_352, %dma_wait3A_353, %dma_wait3A_354] : memref<16x3x2x5120xi32, #tpu.memory_space<vmem_shared>> -> memref<1x1x1x5120xi32, #tpu.memory_space<vmem_shared>>
    %dma_wait3A_356 = tpu.memref_squeeze %dma_wait3A_355 : memref<1x1x1x5120xi32, #tpu.memory_space<vmem_shared>> -> memref<5120xi32, #tpu.memory_space<vmem_shared>>
    %dma_wait3A_357 = arith.constant 0 : i32
    %dma_wait3A_358 = tpu.memref_slice %arg8[%arg1, %dma_wait3A_352, %dma_wait3A_353, %dma_wait3A_357] : memref<16x3x2x5120xi32, #tpu.memory_space<vmem_shared>> -> memref<1x1x1x5120xi32, #tpu.memory_space<vmem_shared>>
    %dma_wait3A_359 = tpu.memref_squeeze %dma_wait3A_358 : memref<1x1x1x5120xi32, #tpu.memory_space<vmem_shared>> -> memref<5120xi32, #tpu.memory_space<vmem_shared>>
    tpu.wait_dma2 semaphore(%arg25 : memref<!tpu.dma_semaphore, #tpu.memory_space<semaphore_mem>>) src(%dma_wait3A_359 : memref<5120xi32, #tpu.memory_space<vmem_shared>>) dst(%arg11 : memref<5120xi32, #tpu.memory_space<vmem>>)
    %dma_start3A_360 = arith.constant 0 : i32
    %dma_start3A_361 = tpu.memref_slice %arg6[%dma_start3A_360] : memref<102400xf32, #tpu.memory_space<vmem_shared>> -> memref<102400xf32, #tpu.memory_space<vmem_shared>>
    tpu.enqueue_indirect_dma source(%dma_start3A_361 : memref<102400xf32, #tpu.memory_space<vmem_shared>>) target(%arg17 : memref<5120xf32, #tpu.memory_space<vmem>>) offsets(%arg11 : memref<5120xi32, #tpu.memory_space<vmem>>) semaphore(%arg31 : memref<!tpu.dma_semaphore, #tpu.memory_space<semaphore_mem>>)
    %dma_wait3A_362 = arith.constant 0 : i32
    %dma_wait3A_363 = tpu.memref_slice %arg7[%dma_wait3A_362] : memref<102400xf32, #tpu.memory_space<vmem_shared>> -> memref<102400xf32, #tpu.memory_space<vmem_shared>>
    tpu.wait_indirect_dma semaphore(%arg32 : memref<!tpu.dma_semaphore, #tpu.memory_space<semaphore_mem>>) src(%arg15 : memref<5120xf32, #tpu.memory_space<vmem>>) dst(%dma_wait3A_363 : memref<102400xf32, #tpu.memory_space<vmem_shared>>)
    %dma_wait3A_364 = arith.constant 0 : i32
    %dma_wait3A_365 = arith.constant 0 : i32
    %dma_wait3A_366 = arith.constant 0 : i32
    %dma_wait3A_367 = tpu.memref_slice %arg8[%arg1, %dma_wait3A_364, %dma_wait3A_365, %dma_wait3A_366] : memref<16x3x2x5120xi32, #tpu.memory_space<vmem_shared>> -> memref<1x1x2x5120xi32, #tpu.memory_space<vmem_shared>>
    %dma_wait3A_368 = tpu.memref_squeeze %dma_wait3A_367 : memref<1x1x2x5120xi32, #tpu.memory_space<vmem_shared>> -> memref<2x5120xi32, #tpu.memory_space<vmem_shared>>
    %dma_wait3A_369 = arith.constant 0 : i32
    %dma_wait3A_370 = tpu.memref_slice %arg2[%dma_wait3A_369, %mul3A_286] : memref<2x3200000xi32, #tpu.memory_space<hbm>> -> memref<2x5120xi32, #tpu.memory_space<hbm>>
    tpu.wait_dma2 semaphore(%arg20 : memref<!tpu.dma_semaphore, #tpu.memory_space<semaphore_mem>>) src(%dma_wait3A_370 : memref<2x5120xi32, #tpu.memory_space<hbm>>) dst(%dma_wait3A_368 : memref<2x5120xi32, #tpu.memory_space<vmem_shared>>)
    %dma_start3A_371 = arith.constant 0 : i32
    %dma_start3A_372 = arith.constant 0 : i32
    %dma_start3A_373 = arith.constant 0 : i32
    %dma_start3A_374 = tpu.memref_slice %arg8[%arg1, %dma_start3A_371, %dma_start3A_372, %dma_start3A_373] : memref<16x3x2x5120xi32, #tpu.memory_space<vmem_shared>> -> memref<1x1x1x5120xi32, #tpu.memory_space<vmem_shared>>
    %dma_start3A_375 = tpu.memref_squeeze %dma_start3A_374 : memref<1x1x1x5120xi32, #tpu.memory_space<vmem_shared>> -> memref<5120xi32, #tpu.memory_space<vmem_shared>>
    %dma_start3A_376 = arith.constant 0 : i32
    %dma_start3A_377 = tpu.memref_slice %arg8[%arg1, %dma_start3A_371, %dma_start3A_372, %dma_start3A_376] : memref<16x3x2x5120xi32, #tpu.memory_space<vmem_shared>> -> memref<1x1x1x5120xi32, #tpu.memory_space<vmem_shared>>
    %dma_start3A_378 = tpu.memref_squeeze %dma_start3A_377 : memref<1x1x1x5120xi32, #tpu.memory_space<vmem_shared>> -> memref<5120xi32, #tpu.memory_space<vmem_shared>>
    tpu.enqueue_dma source(%dma_start3A_378 : memref<5120xi32, #tpu.memory_space<vmem_shared>>) target(%arg9 : memref<5120xi32, #tpu.memory_space<vmem>>) target_semaphore(%arg23 : memref<!tpu.dma_semaphore, #tpu.memory_space<semaphore_mem>>)
    %dma_start3A_379 = arith.constant 0 : i32
    %dma_start3A_380 = arith.constant 1 : i32
    %dma_start3A_381 = arith.constant 0 : i32
    %dma_start3A_382 = tpu.memref_slice %arg8[%arg1, %dma_start3A_379, %dma_start3A_380, %dma_start3A_381] : memref<16x3x2x5120xi32, #tpu.memory_space<vmem_shared>> -> memref<1x1x1x5120xi32, #tpu.memory_space<vmem_shared>>
    %dma_start3A_383 = tpu.memref_squeeze %dma_start3A_382 : memref<1x1x1x5120xi32, #tpu.memory_space<vmem_shared>> -> memref<5120xi32, #tpu.memory_space<vmem_shared>>
    %dma_start3A_384 = arith.constant 0 : i32
    %dma_start3A_385 = tpu.memref_slice %arg8[%arg1, %dma_start3A_379, %dma_start3A_380, %dma_start3A_384] : memref<16x3x2x5120xi32, #tpu.memory_space<vmem_shared>> -> memref<1x1x1x5120xi32, #tpu.memory_space<vmem_shared>>
    %dma_start3A_386 = tpu.memref_squeeze %dma_start3A_385 : memref<1x1x1x5120xi32, #tpu.memory_space<vmem_shared>> -> memref<5120xi32, #tpu.memory_space<vmem_shared>>
    tpu.enqueue_dma source(%dma_start3A_386 : memref<5120xi32, #tpu.memory_space<vmem_shared>>) target(%arg12 : memref<5120xi32, #tpu.memory_space<vmem>>) target_semaphore(%arg26 : memref<!tpu.dma_semaphore, #tpu.memory_space<semaphore_mem>>)
    %dma_wait3A_387 = arith.constant 0 : i32
    %dma_wait3A_388 = tpu.memref_slice %arg6[%dma_wait3A_387] : memref<102400xf32, #tpu.memory_space<vmem_shared>> -> memref<102400xf32, #tpu.memory_space<vmem_shared>>
    tpu.wait_indirect_dma semaphore(%arg31 : memref<!tpu.dma_semaphore, #tpu.memory_space<semaphore_mem>>) src(%dma_wait3A_388 : memref<102400xf32, #tpu.memory_space<vmem_shared>>) dst(%arg17 : memref<5120xf32, #tpu.memory_space<vmem>>)
    %dma_wait3A_389 = arith.constant 2 : i32
    %dma_wait3A_390 = arith.constant 1 : i32
    %dma_wait3A_391 = arith.constant 0 : i32
    %dma_wait3A_392 = tpu.memref_slice %arg8[%arg1, %dma_wait3A_389, %dma_wait3A_390, %dma_wait3A_391] : memref<16x3x2x5120xi32, #tpu.memory_space<vmem_shared>> -> memref<1x1x1x5120xi32, #tpu.memory_space<vmem_shared>>
    %dma_wait3A_393 = tpu.memref_squeeze %dma_wait3A_392 : memref<1x1x1x5120xi32, #tpu.memory_space<vmem_shared>> -> memref<5120xi32, #tpu.memory_space<vmem_shared>>
    %dma_wait3A_394 = arith.constant 0 : i32
    %dma_wait3A_395 = tpu.memref_slice %arg8[%arg1, %dma_wait3A_389, %dma_wait3A_390, %dma_wait3A_394] : memref<16x3x2x5120xi32, #tpu.memory_space<vmem_shared>> -> memref<1x1x1x5120xi32, #tpu.memory_space<vmem_shared>>
    %dma_wait3A_396 = tpu.memref_squeeze %dma_wait3A_395 : memref<1x1x1x5120xi32, #tpu.memory_space<vmem_shared>> -> memref<5120xi32, #tpu.memory_space<vmem_shared>>
    tpu.wait_dma2 semaphore(%arg28 : memref<!tpu.dma_semaphore, #tpu.memory_space<semaphore_mem>>) src(%dma_wait3A_396 : memref<5120xi32, #tpu.memory_space<vmem_shared>>) dst(%arg14 : memref<5120xi32, #tpu.memory_space<vmem>>)
    %dma_start3A_397 = arith.constant 0 : i32
    %dma_start3A_398 = tpu.memref_slice %arg7[%dma_start3A_397] : memref<102400xf32, #tpu.memory_space<vmem_shared>> -> memref<102400xf32, #tpu.memory_space<vmem_shared>>
    tpu.enqueue_indirect_dma source(%arg17 : memref<5120xf32, #tpu.memory_space<vmem>>) target(%dma_start3A_398 : memref<102400xf32, #tpu.memory_space<vmem_shared>>) offsets(%arg14 : memref<5120xi32, #tpu.memory_space<vmem>>) semaphore(%arg34 : memref<!tpu.dma_semaphore, #tpu.memory_space<semaphore_mem>>) {add = true}
    %add3A_399 = arith.constant 256 : i32
    %add3A_400 = arith.addi %add3A_399, %add3A : i32
    %mul3A_401 = arith.constant 5120 : i32
    %mul3A_402 = arith.muli %add3A_400, %mul3A_401 : i32
    %dma_start3A_403 = arith.constant 2 : i32
    %dma_start3A_404 = arith.constant 0 : i32
    %dma_start3A_405 = arith.constant 0 : i32
    %dma_start3A_406 = tpu.memref_slice %arg8[%arg1, %dma_start3A_403, %dma_start3A_404, %dma_start3A_405] : memref<16x3x2x5120xi32, #tpu.memory_space<vmem_shared>> -> memref<1x1x2x5120xi32, #tpu.memory_space<vmem_shared>>
    %dma_start3A_407 = tpu.memref_squeeze %dma_start3A_406 : memref<1x1x2x5120xi32, #tpu.memory_space<vmem_shared>> -> memref<2x5120xi32, #tpu.memory_space<vmem_shared>>
    %dma_start3A_408 = arith.constant 0 : i32
    %dma_start3A_409 = tpu.memref_slice %arg2[%dma_start3A_408, %mul3A_402] : memref<2x3200000xi32, #tpu.memory_space<hbm>> -> memref<2x5120xi32, #tpu.memory_space<hbm>>
    tpu.enqueue_dma source(%dma_start3A_409 : memref<2x5120xi32, #tpu.memory_space<hbm>>) target(%dma_start3A_407 : memref<2x5120xi32, #tpu.memory_space<vmem_shared>>) target_semaphore(%arg22 : memref<!tpu.dma_semaphore, #tpu.memory_space<semaphore_mem>>)
    %dma_wait3A_410 = arith.constant 0 : i32
    %dma_wait3A_411 = arith.constant 0 : i32
    %dma_wait3A_412 = arith.constant 0 : i32
    %dma_wait3A_413 = tpu.memref_slice %arg8[%arg1, %dma_wait3A_410, %dma_wait3A_411, %dma_wait3A_412] : memref<16x3x2x5120xi32, #tpu.memory_space<vmem_shared>> -> memref<1x1x1x5120xi32, #tpu.memory_space<vmem_shared>>
    %dma_wait3A_414 = tpu.memref_squeeze %dma_wait3A_413 : memref<1x1x1x5120xi32, #tpu.memory_space<vmem_shared>> -> memref<5120xi32, #tpu.memory_space<vmem_shared>>
    %dma_wait3A_415 = arith.constant 0 : i32
    %dma_wait3A_416 = tpu.memref_slice %arg8[%arg1, %dma_wait3A_410, %dma_wait3A_411, %dma_wait3A_415] : memref<16x3x2x5120xi32, #tpu.memory_space<vmem_shared>> -> memref<1x1x1x5120xi32, #tpu.memory_space<vmem_shared>>
    %dma_wait3A_417 = tpu.memref_squeeze %dma_wait3A_416 : memref<1x1x1x5120xi32, #tpu.memory_space<vmem_shared>> -> memref<5120xi32, #tpu.memory_space<vmem_shared>>
    tpu.wait_dma2 semaphore(%arg23 : memref<!tpu.dma_semaphore, #tpu.memory_space<semaphore_mem>>) src(%dma_wait3A_417 : memref<5120xi32, #tpu.memory_space<vmem_shared>>) dst(%arg9 : memref<5120xi32, #tpu.memory_space<vmem>>)
    %dma_start3A_418 = arith.constant 0 : i32
    %dma_start3A_419 = tpu.memref_slice %arg6[%dma_start3A_418] : memref<102400xf32, #tpu.memory_space<vmem_shared>> -> memref<102400xf32, #tpu.memory_space<vmem_shared>>
    tpu.enqueue_indirect_dma source(%dma_start3A_419 : memref<102400xf32, #tpu.memory_space<vmem_shared>>) target(%arg15 : memref<5120xf32, #tpu.memory_space<vmem>>) offsets(%arg9 : memref<5120xi32, #tpu.memory_space<vmem>>) semaphore(%arg29 : memref<!tpu.dma_semaphore, #tpu.memory_space<semaphore_mem>>)
    %dma_wait3A_420 = arith.constant 0 : i32
    %dma_wait3A_421 = tpu.memref_slice %arg7[%dma_wait3A_420] : memref<102400xf32, #tpu.memory_space<vmem_shared>> -> memref<102400xf32, #tpu.memory_space<vmem_shared>>
    tpu.wait_indirect_dma semaphore(%arg33 : memref<!tpu.dma_semaphore, #tpu.memory_space<semaphore_mem>>) src(%arg16 : memref<5120xf32, #tpu.memory_space<vmem>>) dst(%dma_wait3A_421 : memref<102400xf32, #tpu.memory_space<vmem_shared>>)
    %dma_wait3A_422 = arith.constant 1 : i32
    %dma_wait3A_423 = arith.constant 0 : i32
    %dma_wait3A_424 = arith.constant 0 : i32
    %dma_wait3A_425 = tpu.memref_slice %arg8[%arg1, %dma_wait3A_422, %dma_wait3A_423, %dma_wait3A_424] : memref<16x3x2x5120xi32, #tpu.memory_space<vmem_shared>> -> memref<1x1x2x5120xi32, #tpu.memory_space<vmem_shared>>
    %dma_wait3A_426 = tpu.memref_squeeze %dma_wait3A_425 : memref<1x1x2x5120xi32, #tpu.memory_space<vmem_shared>> -> memref<2x5120xi32, #tpu.memory_space<vmem_shared>>
    %dma_wait3A_427 = arith.constant 0 : i32
    %dma_wait3A_428 = tpu.memref_slice %arg2[%dma_wait3A_427, %mul3A_344] : memref<2x3200000xi32, #tpu.memory_space<hbm>> -> memref<2x5120xi32, #tpu.memory_space<hbm>>
    tpu.wait_dma2 semaphore(%arg21 : memref<!tpu.dma_semaphore, #tpu.memory_space<semaphore_mem>>) src(%dma_wait3A_428 : memref<2x5120xi32, #tpu.memory_space<hbm>>) dst(%dma_wait3A_426 : memref<2x5120xi32, #tpu.memory_space<vmem_shared>>)
    %dma_start3A_429 = arith.constant 1 : i32
    %dma_start3A_430 = arith.constant 0 : i32
    %dma_start3A_431 = arith.constant 0 : i32
    %dma_start3A_432 = tpu.memref_slice %arg8[%arg1, %dma_start3A_429, %dma_start3A_430, %dma_start3A_431] : memref<16x3x2x5120xi32, #tpu.memory_space<vmem_shared>> -> memref<1x1x1x5120xi32, #tpu.memory_space<vmem_shared>>
    %dma_start3A_433 = tpu.memref_squeeze %dma_start3A_432 : memref<1x1x1x5120xi32, #tpu.memory_space<vmem_shared>> -> memref<5120xi32, #tpu.memory_space<vmem_shared>>
    %dma_start3A_434 = arith.constant 0 : i32
    %dma_start3A_435 = tpu.memref_slice %arg8[%arg1, %dma_start3A_429, %dma_start3A_430, %dma_start3A_434] : memref<16x3x2x5120xi32, #tpu.memory_space<vmem_shared>> -> memref<1x1x1x5120xi32, #tpu.memory_space<vmem_shared>>
    %dma_start3A_436 = tpu.memref_squeeze %dma_start3A_435 : memref<1x1x1x5120xi32, #tpu.memory_space<vmem_shared>> -> memref<5120xi32, #tpu.memory_space<vmem_shared>>
    tpu.enqueue_dma source(%dma_start3A_436 : memref<5120xi32, #tpu.memory_space<vmem_shared>>) target(%arg10 : memref<5120xi32, #tpu.memory_space<vmem>>) target_semaphore(%arg24 : memref<!tpu.dma_semaphore, #tpu.memory_space<semaphore_mem>>)
    %dma_start3A_437 = arith.constant 1 : i32
    %dma_start3A_438 = arith.constant 1 : i32
    %dma_start3A_439 = arith.constant 0 : i32
    %dma_start3A_440 = tpu.memref_slice %arg8[%arg1, %dma_start3A_437, %dma_start3A_438, %dma_start3A_439] : memref<16x3x2x5120xi32, #tpu.memory_space<vmem_shared>> -> memref<1x1x1x5120xi32, #tpu.memory_space<vmem_shared>>
    %dma_start3A_441 = tpu.memref_squeeze %dma_start3A_440 : memref<1x1x1x5120xi32, #tpu.memory_space<vmem_shared>> -> memref<5120xi32, #tpu.memory_space<vmem_shared>>
    %dma_start3A_442 = arith.constant 0 : i32
    %dma_start3A_443 = tpu.memref_slice %arg8[%arg1, %dma_start3A_437, %dma_start3A_438, %dma_start3A_442] : memref<16x3x2x5120xi32, #tpu.memory_space<vmem_shared>> -> memref<1x1x1x5120xi32, #tpu.memory_space<vmem_shared>>
    %dma_start3A_444 = tpu.memref_squeeze %dma_start3A_443 : memref<1x1x1x5120xi32, #tpu.memory_space<vmem_shared>> -> memref<5120xi32, #tpu.memory_space<vmem_shared>>
    tpu.enqueue_dma source(%dma_start3A_444 : memref<5120xi32, #tpu.memory_space<vmem_shared>>) target(%arg13 : memref<5120xi32, #tpu.memory_space<vmem>>) target_semaphore(%arg27 : memref<!tpu.dma_semaphore, #tpu.memory_space<semaphore_mem>>)
    %dma_wait3A_445 = arith.constant 0 : i32
    %dma_wait3A_446 = tpu.memref_slice %arg6[%dma_wait3A_445] : memref<102400xf32, #tpu.memory_space<vmem_shared>> -> memref<102400xf32, #tpu.memory_space<vmem_shared>>
    tpu.wait_indirect_dma semaphore(%arg29 : memref<!tpu.dma_semaphore, #tpu.memory_space<semaphore_mem>>) src(%dma_wait3A_446 : memref<102400xf32, #tpu.memory_space<vmem_shared>>) dst(%arg15 : memref<5120xf32, #tpu.memory_space<vmem>>)
    %dma_wait3A_447 = arith.constant 0 : i32
    %dma_wait3A_448 = arith.constant 1 : i32
    %dma_wait3A_449 = arith.constant 0 : i32
    %dma_wait3A_450 = tpu.memref_slice %arg8[%arg1, %dma_wait3A_447, %dma_wait3A_448, %dma_wait3A_449] : memref<16x3x2x5120xi32, #tpu.memory_space<vmem_shared>> -> memref<1x1x1x5120xi32, #tpu.memory_space<vmem_shared>>
    %dma_wait3A_451 = tpu.memref_squeeze %dma_wait3A_450 : memref<1x1x1x5120xi32, #tpu.memory_space<vmem_shared>> -> memref<5120xi32, #tpu.memory_space<vmem_shared>>
    %dma_wait3A_452 = arith.constant 0 : i32
    %dma_wait3A_453 = tpu.memref_slice %arg8[%arg1, %dma_wait3A_447, %dma_wait3A_448, %dma_wait3A_452] : memref<16x3x2x5120xi32, #tpu.memory_space<vmem_shared>> -> memref<1x1x1x5120xi32, #tpu.memory_space<vmem_shared>>
    %dma_wait3A_454 = tpu.memref_squeeze %dma_wait3A_453 : memref<1x1x1x5120xi32, #tpu.memory_space<vmem_shared>> -> memref<5120xi32, #tpu.memory_space<vmem_shared>>
    tpu.wait_dma2 semaphore(%arg26 : memref<!tpu.dma_semaphore, #tpu.memory_space<semaphore_mem>>) src(%dma_wait3A_454 : memref<5120xi32, #tpu.memory_space<vmem_shared>>) dst(%arg12 : memref<5120xi32, #tpu.memory_space<vmem>>)
    %dma_start3A_455 = arith.constant 0 : i32
    %dma_start3A_456 = tpu.memref_slice %arg7[%dma_start3A_455] : memref<102400xf32, #tpu.memory_space<vmem_shared>> -> memref<102400xf32, #tpu.memory_space<vmem_shared>>
    tpu.enqueue_indirect_dma source(%arg15 : memref<5120xf32, #tpu.memory_space<vmem>>) target(%dma_start3A_456 : memref<102400xf32, #tpu.memory_space<vmem_shared>>) offsets(%arg12 : memref<5120xi32, #tpu.memory_space<vmem>>) semaphore(%arg32 : memref<!tpu.dma_semaphore, #tpu.memory_space<semaphore_mem>>) {add = true}
    %add3A_457 = arith.constant 288 : i32
    %add3A_458 = arith.addi %add3A_457, %add3A : i32
    %mul3A_459 = arith.constant 5120 : i32
    %mul3A_460 = arith.muli %add3A_458, %mul3A_459 : i32
    %dma_start3A_461 = arith.constant 0 : i32
    %dma_start3A_462 = arith.constant 0 : i32
    %dma_start3A_463 = arith.constant 0 : i32
    %dma_start3A_464 = tpu.memref_slice %arg8[%arg1, %dma_start3A_461, %dma_start3A_462, %dma_start3A_463] : memref<16x3x2x5120xi32, #tpu.memory_space<vmem_shared>> -> memref<1x1x2x5120xi32, #tpu.memory_space<vmem_shared>>
    %dma_start3A_465 = tpu.memref_squeeze %dma_start3A_464 : memref<1x1x2x5120xi32, #tpu.memory_space<vmem_shared>> -> memref<2x5120xi32, #tpu.memory_space<vmem_shared>>
    %dma_start3A_466 = arith.constant 0 : i32
    %dma_start3A_467 = tpu.memref_slice %arg2[%dma_start3A_466, %mul3A_460] : memref<2x3200000xi32, #tpu.memory_space<hbm>> -> memref<2x5120xi32, #tpu.memory_space<hbm>>
    tpu.enqueue_dma source(%dma_start3A_467 : memref<2x5120xi32, #tpu.memory_space<hbm>>) target(%dma_start3A_465 : memref<2x5120xi32, #tpu.memory_space<vmem_shared>>) target_semaphore(%arg20 : memref<!tpu.dma_semaphore, #tpu.memory_space<semaphore_mem>>)
    %dma_wait3A_468 = arith.constant 1 : i32
    %dma_wait3A_469 = arith.constant 0 : i32
    %dma_wait3A_470 = arith.constant 0 : i32
    %dma_wait3A_471 = tpu.memref_slice %arg8[%arg1, %dma_wait3A_468, %dma_wait3A_469, %dma_wait3A_470] : memref<16x3x2x5120xi32, #tpu.memory_space<vmem_shared>> -> memref<1x1x1x5120xi32, #tpu.memory_space<vmem_shared>>
    %dma_wait3A_472 = tpu.memref_squeeze %dma_wait3A_471 : memref<1x1x1x5120xi32, #tpu.memory_space<vmem_shared>> -> memref<5120xi32, #tpu.memory_space<vmem_shared>>
    %dma_wait3A_473 = arith.constant 0 : i32
    %dma_wait3A_474 = tpu.memref_slice %arg8[%arg1, %dma_wait3A_468, %dma_wait3A_469, %dma_wait3A_473] : memref<16x3x2x5120xi32, #tpu.memory_space<vmem_shared>> -> memref<1x1x1x5120xi32, #tpu.memory_space<vmem_shared>>
    %dma_wait3A_475 = tpu.memref_squeeze %dma_wait3A_474 : memref<1x1x1x5120xi32, #tpu.memory_space<vmem_shared>> -> memref<5120xi32, #tpu.memory_space<vmem_shared>>
    tpu.wait_dma2 semaphore(%arg24 : memref<!tpu.dma_semaphore, #tpu.memory_space<semaphore_mem>>) src(%dma_wait3A_475 : memref<5120xi32, #tpu.memory_space<vmem_shared>>) dst(%arg10 : memref<5120xi32, #tpu.memory_space<vmem>>)
    %dma_start3A_476 = arith.constant 0 : i32
    %dma_start3A_477 = tpu.memref_slice %arg6[%dma_start3A_476] : memref<102400xf32, #tpu.memory_space<vmem_shared>> -> memref<102400xf32, #tpu.memory_space<vmem_shared>>
    tpu.enqueue_indirect_dma source(%dma_start3A_477 : memref<102400xf32, #tpu.memory_space<vmem_shared>>) target(%arg16 : memref<5120xf32, #tpu.memory_space<vmem>>) offsets(%arg10 : memref<5120xi32, #tpu.memory_space<vmem>>) semaphore(%arg30 : memref<!tpu.dma_semaphore, #tpu.memory_space<semaphore_mem>>)
    %dma_wait3A_478 = arith.constant 0 : i32
    %dma_wait3A_479 = tpu.memref_slice %arg7[%dma_wait3A_478] : memref<102400xf32, #tpu.memory_space<vmem_shared>> -> memref<102400xf32, #tpu.memory_space<vmem_shared>>
    tpu.wait_indirect_dma semaphore(%arg34 : memref<!tpu.dma_semaphore, #tpu.memory_space<semaphore_mem>>) src(%arg17 : memref<5120xf32, #tpu.memory_space<vmem>>) dst(%dma_wait3A_479 : memref<102400xf32, #tpu.memory_space<vmem_shared>>)
    %dma_wait3A_480 = arith.constant 2 : i32
    %dma_wait3A_481 = arith.constant 0 : i32
    %dma_wait3A_482 = arith.constant 0 : i32
    %dma_wait3A_483 = tpu.memref_slice %arg8[%arg1, %dma_wait3A_480, %dma_wait3A_481, %dma_wait3A_482] : memref<16x3x2x5120xi32, #tpu.memory_space<vmem_shared>> -> memref<1x1x2x5120xi32, #tpu.memory_space<vmem_shared>>
    %dma_wait3A_484 = tpu.memref_squeeze %dma_wait3A_483 : memref<1x1x2x5120xi32, #tpu.memory_space<vmem_shared>> -> memref<2x5120xi32, #tpu.memory_space<vmem_shared>>
    %dma_wait3A_485 = arith.constant 0 : i32
    %dma_wait3A_486 = tpu.memref_slice %arg2[%dma_wait3A_485, %mul3A_402] : memref<2x3200000xi32, #tpu.memory_space<hbm>> -> memref<2x5120xi32, #tpu.memory_space<hbm>>
    tpu.wait_dma2 semaphore(%arg22 : memref<!tpu.dma_semaphore, #tpu.memory_space<semaphore_mem>>) src(%dma_wait3A_486 : memref<2x5120xi32, #tpu.memory_space<hbm>>) dst(%dma_wait3A_484 : memref<2x5120xi32, #tpu.memory_space<vmem_shared>>)
    %dma_start3A_487 = arith.constant 2 : i32
    %dma_start3A_488 = arith.constant 0 : i32
    %dma_start3A_489 = arith.constant 0 : i32
    %dma_start3A_490 = tpu.memref_slice %arg8[%arg1, %dma_start3A_487, %dma_start3A_488, %dma_start3A_489] : memref<16x3x2x5120xi32, #tpu.memory_space<vmem_shared>> -> memref<1x1x1x5120xi32, #tpu.memory_space<vmem_shared>>
    %dma_start3A_491 = tpu.memref_squeeze %dma_start3A_490 : memref<1x1x1x5120xi32, #tpu.memory_space<vmem_shared>> -> memref<5120xi32, #tpu.memory_space<vmem_shared>>
    %dma_start3A_492 = arith.constant 0 : i32
    %dma_start3A_493 = tpu.memref_slice %arg8[%arg1, %dma_start3A_487, %dma_start3A_488, %dma_start3A_492] : memref<16x3x2x5120xi32, #tpu.memory_space<vmem_shared>> -> memref<1x1x1x5120xi32, #tpu.memory_space<vmem_shared>>
    %dma_start3A_494 = tpu.memref_squeeze %dma_start3A_493 : memref<1x1x1x5120xi32, #tpu.memory_space<vmem_shared>> -> memref<5120xi32, #tpu.memory_space<vmem_shared>>
    tpu.enqueue_dma source(%dma_start3A_494 : memref<5120xi32, #tpu.memory_space<vmem_shared>>) target(%arg11 : memref<5120xi32, #tpu.memory_space<vmem>>) target_semaphore(%arg25 : memref<!tpu.dma_semaphore, #tpu.memory_space<semaphore_mem>>)
    %dma_start3A_495 = arith.constant 2 : i32
    %dma_start3A_496 = arith.constant 1 : i32
    %dma_start3A_497 = arith.constant 0 : i32
    %dma_start3A_498 = tpu.memref_slice %arg8[%arg1, %dma_start3A_495, %dma_start3A_496, %dma_start3A_497] : memref<16x3x2x5120xi32, #tpu.memory_space<vmem_shared>> -> memref<1x1x1x5120xi32, #tpu.memory_space<vmem_shared>>
    %dma_start3A_499 = tpu.memref_squeeze %dma_start3A_498 : memref<1x1x1x5120xi32, #tpu.memory_space<vmem_shared>> -> memref<5120xi32, #tpu.memory_space<vmem_shared>>
    %dma_start3A_500 = arith.constant 0 : i32
    %dma_start3A_501 = tpu.memref_slice %arg8[%arg1, %dma_start3A_495, %dma_start3A_496, %dma_start3A_500] : memref<16x3x2x5120xi32, #tpu.memory_space<vmem_shared>> -> memref<1x1x1x5120xi32, #tpu.memory_space<vmem_shared>>
    %dma_start3A_502 = tpu.memref_squeeze %dma_start3A_501 : memref<1x1x1x5120xi32, #tpu.memory_space<vmem_shared>> -> memref<5120xi32, #tpu.memory_space<vmem_shared>>
    tpu.enqueue_dma source(%dma_start3A_502 : memref<5120xi32, #tpu.memory_space<vmem_shared>>) target(%arg14 : memref<5120xi32, #tpu.memory_space<vmem>>) target_semaphore(%arg28 : memref<!tpu.dma_semaphore, #tpu.memory_space<semaphore_mem>>)
    %dma_wait3A_503 = arith.constant 0 : i32
    %dma_wait3A_504 = tpu.memref_slice %arg6[%dma_wait3A_503] : memref<102400xf32, #tpu.memory_space<vmem_shared>> -> memref<102400xf32, #tpu.memory_space<vmem_shared>>
    tpu.wait_indirect_dma semaphore(%arg30 : memref<!tpu.dma_semaphore, #tpu.memory_space<semaphore_mem>>) src(%dma_wait3A_504 : memref<102400xf32, #tpu.memory_space<vmem_shared>>) dst(%arg16 : memref<5120xf32, #tpu.memory_space<vmem>>)
    %dma_wait3A_505 = arith.constant 1 : i32
    %dma_wait3A_506 = arith.constant 1 : i32
    %dma_wait3A_507 = arith.constant 0 : i32
    %dma_wait3A_508 = tpu.memref_slice %arg8[%arg1, %dma_wait3A_505, %dma_wait3A_506, %dma_wait3A_507] : memref<16x3x2x5120xi32, #tpu.memory_space<vmem_shared>> -> memref<1x1x1x5120xi32, #tpu.memory_space<vmem_shared>>
    %dma_wait3A_509 = tpu.memref_squeeze %dma_wait3A_508 : memref<1x1x1x5120xi32, #tpu.memory_space<vmem_shared>> -> memref<5120xi32, #tpu.memory_space<vmem_shared>>
    %dma_wait3A_510 = arith.constant 0 : i32
    %dma_wait3A_511 = tpu.memref_slice %arg8[%arg1, %dma_wait3A_505, %dma_wait3A_506, %dma_wait3A_510] : memref<16x3x2x5120xi32, #tpu.memory_space<vmem_shared>> -> memref<1x1x1x5120xi32, #tpu.memory_space<vmem_shared>>
    %dma_wait3A_512 = tpu.memref_squeeze %dma_wait3A_511 : memref<1x1x1x5120xi32, #tpu.memory_space<vmem_shared>> -> memref<5120xi32, #tpu.memory_space<vmem_shared>>
    tpu.wait_dma2 semaphore(%arg27 : memref<!tpu.dma_semaphore, #tpu.memory_space<semaphore_mem>>) src(%dma_wait3A_512 : memref<5120xi32, #tpu.memory_space<vmem_shared>>) dst(%arg13 : memref<5120xi32, #tpu.memory_space<vmem>>)
    %dma_start3A_513 = arith.constant 0 : i32
    %dma_start3A_514 = tpu.memref_slice %arg7[%dma_start3A_513] : memref<102400xf32, #tpu.memory_space<vmem_shared>> -> memref<102400xf32, #tpu.memory_space<vmem_shared>>
    tpu.enqueue_indirect_dma source(%arg16 : memref<5120xf32, #tpu.memory_space<vmem>>) target(%dma_start3A_514 : memref<102400xf32, #tpu.memory_space<vmem_shared>>) offsets(%arg13 : memref<5120xi32, #tpu.memory_space<vmem>>) semaphore(%arg33 : memref<!tpu.dma_semaphore, #tpu.memory_space<semaphore_mem>>) {add = true}
    %add3A_515 = arith.constant 320 : i32
    %add3A_516 = arith.addi %add3A_515, %add3A : i32
    %mul3A_517 = arith.constant 5120 : i32
    %mul3A_518 = arith.muli %add3A_516, %mul3A_517 : i32
    %dma_start3A_519 = arith.constant 1 : i32
    %dma_start3A_520 = arith.constant 0 : i32
    %dma_start3A_521 = arith.constant 0 : i32
    %dma_start3A_522 = tpu.memref_slice %arg8[%arg1, %dma_start3A_519, %dma_start3A_520, %dma_start3A_521] : memref<16x3x2x5120xi32, #tpu.memory_space<vmem_shared>> -> memref<1x1x2x5120xi32, #tpu.memory_space<vmem_shared>>
    %dma_start3A_523 = tpu.memref_squeeze %dma_start3A_522 : memref<1x1x2x5120xi32, #tpu.memory_space<vmem_shared>> -> memref<2x5120xi32, #tpu.memory_space<vmem_shared>>
    %dma_start3A_524 = arith.constant 0 : i32
    %dma_start3A_525 = tpu.memref_slice %arg2[%dma_start3A_524, %mul3A_518] : memref<2x3200000xi32, #tpu.memory_space<hbm>> -> memref<2x5120xi32, #tpu.memory_space<hbm>>
    tpu.enqueue_dma source(%dma_start3A_525 : memref<2x5120xi32, #tpu.memory_space<hbm>>) target(%dma_start3A_523 : memref<2x5120xi32, #tpu.memory_space<vmem_shared>>) target_semaphore(%arg21 : memref<!tpu.dma_semaphore, #tpu.memory_space<semaphore_mem>>)
    %dma_wait3A_526 = arith.constant 2 : i32
    %dma_wait3A_527 = arith.constant 0 : i32
    %dma_wait3A_528 = arith.constant 0 : i32
    %dma_wait3A_529 = tpu.memref_slice %arg8[%arg1, %dma_wait3A_526, %dma_wait3A_527, %dma_wait3A_528] : memref<16x3x2x5120xi32, #tpu.memory_space<vmem_shared>> -> memref<1x1x1x5120xi32, #tpu.memory_space<vmem_shared>>
    %dma_wait3A_530 = tpu.memref_squeeze %dma_wait3A_529 : memref<1x1x1x5120xi32, #tpu.memory_space<vmem_shared>> -> memref<5120xi32, #tpu.memory_space<vmem_shared>>
    %dma_wait3A_531 = arith.constant 0 : i32
    %dma_wait3A_532 = tpu.memref_slice %arg8[%arg1, %dma_wait3A_526, %dma_wait3A_527, %dma_wait3A_531] : memref<16x3x2x5120xi32, #tpu.memory_space<vmem_shared>> -> memref<1x1x1x5120xi32, #tpu.memory_space<vmem_shared>>
    %dma_wait3A_533 = tpu.memref_squeeze %dma_wait3A_532 : memref<1x1x1x5120xi32, #tpu.memory_space<vmem_shared>> -> memref<5120xi32, #tpu.memory_space<vmem_shared>>
    tpu.wait_dma2 semaphore(%arg25 : memref<!tpu.dma_semaphore, #tpu.memory_space<semaphore_mem>>) src(%dma_wait3A_533 : memref<5120xi32, #tpu.memory_space<vmem_shared>>) dst(%arg11 : memref<5120xi32, #tpu.memory_space<vmem>>)
    %dma_start3A_534 = arith.constant 0 : i32
    %dma_start3A_535 = tpu.memref_slice %arg6[%dma_start3A_534] : memref<102400xf32, #tpu.memory_space<vmem_shared>> -> memref<102400xf32, #tpu.memory_space<vmem_shared>>
    tpu.enqueue_indirect_dma source(%dma_start3A_535 : memref<102400xf32, #tpu.memory_space<vmem_shared>>) target(%arg17 : memref<5120xf32, #tpu.memory_space<vmem>>) offsets(%arg11 : memref<5120xi32, #tpu.memory_space<vmem>>) semaphore(%arg31 : memref<!tpu.dma_semaphore, #tpu.memory_space<semaphore_mem>>)
    %dma_wait3A_536 = arith.constant 0 : i32
    %dma_wait3A_537 = tpu.memref_slice %arg7[%dma_wait3A_536] : memref<102400xf32, #tpu.memory_space<vmem_shared>> -> memref<102400xf32, #tpu.memory_space<vmem_shared>>
    tpu.wait_indirect_dma semaphore(%arg32 : memref<!tpu.dma_semaphore, #tpu.memory_space<semaphore_mem>>) src(%arg15 : memref<5120xf32, #tpu.memory_space<vmem>>) dst(%dma_wait3A_537 : memref<102400xf32, #tpu.memory_space<vmem_shared>>)
    %dma_wait3A_538 = arith.constant 0 : i32
    %dma_wait3A_539 = arith.constant 0 : i32
    %dma_wait3A_540 = arith.constant 0 : i32
    %dma_wait3A_541 = tpu.memref_slice %arg8[%arg1, %dma_wait3A_538, %dma_wait3A_539, %dma_wait3A_540] : memref<16x3x2x5120xi32, #tpu.memory_space<vmem_shared>> -> memref<1x1x2x5120xi32, #tpu.memory_space<vmem_shared>>
    %dma_wait3A_542 = tpu.memref_squeeze %dma_wait3A_541 : memref<1x1x2x5120xi32, #tpu.memory_space<vmem_shared>> -> memref<2x5120xi32, #tpu.memory_space<vmem_shared>>
    %dma_wait3A_543 = arith.constant 0 : i32
    %dma_wait3A_544 = tpu.memref_slice %arg2[%dma_wait3A_543, %mul3A_460] : memref<2x3200000xi32, #tpu.memory_space<hbm>> -> memref<2x5120xi32, #tpu.memory_space<hbm>>
    tpu.wait_dma2 semaphore(%arg20 : memref<!tpu.dma_semaphore, #tpu.memory_space<semaphore_mem>>) src(%dma_wait3A_544 : memref<2x5120xi32, #tpu.memory_space<hbm>>) dst(%dma_wait3A_542 : memref<2x5120xi32, #tpu.memory_space<vmem_shared>>)
    %dma_start3A_545 = arith.constant 0 : i32
    %dma_start3A_546 = arith.constant 0 : i32
    %dma_start3A_547 = arith.constant 0 : i32
    %dma_start3A_548 = tpu.memref_slice %arg8[%arg1, %dma_start3A_545, %dma_start3A_546, %dma_start3A_547] : memref<16x3x2x5120xi32, #tpu.memory_space<vmem_shared>> -> memref<1x1x1x5120xi32, #tpu.memory_space<vmem_shared>>
    %dma_start3A_549 = tpu.memref_squeeze %dma_start3A_548 : memref<1x1x1x5120xi32, #tpu.memory_space<vmem_shared>> -> memref<5120xi32, #tpu.memory_space<vmem_shared>>
    %dma_start3A_550 = arith.constant 0 : i32
    %dma_start3A_551 = tpu.memref_slice %arg8[%arg1, %dma_start3A_545, %dma_start3A_546, %dma_start3A_550] : memref<16x3x2x5120xi32, #tpu.memory_space<vmem_shared>> -> memref<1x1x1x5120xi32, #tpu.memory_space<vmem_shared>>
    %dma_start3A_552 = tpu.memref_squeeze %dma_start3A_551 : memref<1x1x1x5120xi32, #tpu.memory_space<vmem_shared>> -> memref<5120xi32, #tpu.memory_space<vmem_shared>>
    tpu.enqueue_dma source(%dma_start3A_552 : memref<5120xi32, #tpu.memory_space<vmem_shared>>) target(%arg9 : memref<5120xi32, #tpu.memory_space<vmem>>) target_semaphore(%arg23 : memref<!tpu.dma_semaphore, #tpu.memory_space<semaphore_mem>>)
    %dma_start3A_553 = arith.constant 0 : i32
    %dma_start3A_554 = arith.constant 1 : i32
    %dma_start3A_555 = arith.constant 0 : i32
    %dma_start3A_556 = tpu.memref_slice %arg8[%arg1, %dma_start3A_553, %dma_start3A_554, %dma_start3A_555] : memref<16x3x2x5120xi32, #tpu.memory_space<vmem_shared>> -> memref<1x1x1x5120xi32, #tpu.memory_space<vmem_shared>>
    %dma_start3A_557 = tpu.memref_squeeze %dma_start3A_556 : memref<1x1x1x5120xi32, #tpu.memory_space<vmem_shared>> -> memref<5120xi32, #tpu.memory_space<vmem_shared>>
    %dma_start3A_558 = arith.constant 0 : i32
    %dma_start3A_559 = tpu.memref_slice %arg8[%arg1, %dma_start3A_553, %dma_start3A_554, %dma_start3A_558] : memref<16x3x2x5120xi32, #tpu.memory_space<vmem_shared>> -> memref<1x1x1x5120xi32, #tpu.memory_space<vmem_shared>>
    %dma_start3A_560 = tpu.memref_squeeze %dma_start3A_559 : memref<1x1x1x5120xi32, #tpu.memory_space<vmem_shared>> -> memref<5120xi32, #tpu.memory_space<vmem_shared>>
    tpu.enqueue_dma source(%dma_start3A_560 : memref<5120xi32, #tpu.memory_space<vmem_shared>>) target(%arg12 : memref<5120xi32, #tpu.memory_space<vmem>>) target_semaphore(%arg26 : memref<!tpu.dma_semaphore, #tpu.memory_space<semaphore_mem>>)
    %dma_wait3A_561 = arith.constant 0 : i32
    %dma_wait3A_562 = tpu.memref_slice %arg6[%dma_wait3A_561] : memref<102400xf32, #tpu.memory_space<vmem_shared>> -> memref<102400xf32, #tpu.memory_space<vmem_shared>>
    tpu.wait_indirect_dma semaphore(%arg31 : memref<!tpu.dma_semaphore, #tpu.memory_space<semaphore_mem>>) src(%dma_wait3A_562 : memref<102400xf32, #tpu.memory_space<vmem_shared>>) dst(%arg17 : memref<5120xf32, #tpu.memory_space<vmem>>)
    %dma_wait3A_563 = arith.constant 2 : i32
    %dma_wait3A_564 = arith.constant 1 : i32
    %dma_wait3A_565 = arith.constant 0 : i32
    %dma_wait3A_566 = tpu.memref_slice %arg8[%arg1, %dma_wait3A_563, %dma_wait3A_564, %dma_wait3A_565] : memref<16x3x2x5120xi32, #tpu.memory_space<vmem_shared>> -> memref<1x1x1x5120xi32, #tpu.memory_space<vmem_shared>>
    %dma_wait3A_567 = tpu.memref_squeeze %dma_wait3A_566 : memref<1x1x1x5120xi32, #tpu.memory_space<vmem_shared>> -> memref<5120xi32, #tpu.memory_space<vmem_shared>>
    %dma_wait3A_568 = arith.constant 0 : i32
    %dma_wait3A_569 = tpu.memref_slice %arg8[%arg1, %dma_wait3A_563, %dma_wait3A_564, %dma_wait3A_568] : memref<16x3x2x5120xi32, #tpu.memory_space<vmem_shared>> -> memref<1x1x1x5120xi32, #tpu.memory_space<vmem_shared>>
    %dma_wait3A_570 = tpu.memref_squeeze %dma_wait3A_569 : memref<1x1x1x5120xi32, #tpu.memory_space<vmem_shared>> -> memref<5120xi32, #tpu.memory_space<vmem_shared>>
    tpu.wait_dma2 semaphore(%arg28 : memref<!tpu.dma_semaphore, #tpu.memory_space<semaphore_mem>>) src(%dma_wait3A_570 : memref<5120xi32, #tpu.memory_space<vmem_shared>>) dst(%arg14 : memref<5120xi32, #tpu.memory_space<vmem>>)
    %dma_start3A_571 = arith.constant 0 : i32
    %dma_start3A_572 = tpu.memref_slice %arg7[%dma_start3A_571] : memref<102400xf32, #tpu.memory_space<vmem_shared>> -> memref<102400xf32, #tpu.memory_space<vmem_shared>>
    tpu.enqueue_indirect_dma source(%arg17 : memref<5120xf32, #tpu.memory_space<vmem>>) target(%dma_start3A_572 : memref<102400xf32, #tpu.memory_space<vmem_shared>>) offsets(%arg14 : memref<5120xi32, #tpu.memory_space<vmem>>) semaphore(%arg34 : memref<!tpu.dma_semaphore, #tpu.memory_space<semaphore_mem>>) {add = true}
    %add3A_573 = arith.constant 352 : i32
    %add3A_574 = arith.addi %add3A_573, %add3A : i32
    %mul3A_575 = arith.constant 5120 : i32
    %mul3A_576 = arith.muli %add3A_574, %mul3A_575 : i32
    %dma_start3A_577 = arith.constant 2 : i32
    %dma_start3A_578 = arith.constant 0 : i32
    %dma_start3A_579 = arith.constant 0 : i32
    %dma_start3A_580 = tpu.memref_slice %arg8[%arg1, %dma_start3A_577, %dma_start3A_578, %dma_start3A_579] : memref<16x3x2x5120xi32, #tpu.memory_space<vmem_shared>> -> memref<1x1x2x5120xi32, #tpu.memory_space<vmem_shared>>
    %dma_start3A_581 = tpu.memref_squeeze %dma_start3A_580 : memref<1x1x2x5120xi32, #tpu.memory_space<vmem_shared>> -> memref<2x5120xi32, #tpu.memory_space<vmem_shared>>
    %dma_start3A_582 = arith.constant 0 : i32
    %dma_start3A_583 = tpu.memref_slice %arg2[%dma_start3A_582, %mul3A_576] : memref<2x3200000xi32, #tpu.memory_space<hbm>> -> memref<2x5120xi32, #tpu.memory_space<hbm>>
    tpu.enqueue_dma source(%dma_start3A_583 : memref<2x5120xi32, #tpu.memory_space<hbm>>) target(%dma_start3A_581 : memref<2x5120xi32, #tpu.memory_space<vmem_shared>>) target_semaphore(%arg22 : memref<!tpu.dma_semaphore, #tpu.memory_space<semaphore_mem>>)
    %dma_wait3A_584 = arith.constant 0 : i32
    %dma_wait3A_585 = arith.constant 0 : i32
    %dma_wait3A_586 = arith.constant 0 : i32
    %dma_wait3A_587 = tpu.memref_slice %arg8[%arg1, %dma_wait3A_584, %dma_wait3A_585, %dma_wait3A_586] : memref<16x3x2x5120xi32, #tpu.memory_space<vmem_shared>> -> memref<1x1x1x5120xi32, #tpu.memory_space<vmem_shared>>
    %dma_wait3A_588 = tpu.memref_squeeze %dma_wait3A_587 : memref<1x1x1x5120xi32, #tpu.memory_space<vmem_shared>> -> memref<5120xi32, #tpu.memory_space<vmem_shared>>
    %dma_wait3A_589 = arith.constant 0 : i32
    %dma_wait3A_590 = tpu.memref_slice %arg8[%arg1, %dma_wait3A_584, %dma_wait3A_585, %dma_wait3A_589] : memref<16x3x2x5120xi32, #tpu.memory_space<vmem_shared>> -> memref<1x1x1x5120xi32, #tpu.memory_space<vmem_shared>>
    %dma_wait3A_591 = tpu.memref_squeeze %dma_wait3A_590 : memref<1x1x1x5120xi32, #tpu.memory_space<vmem_shared>> -> memref<5120xi32, #tpu.memory_space<vmem_shared>>
    tpu.wait_dma2 semaphore(%arg23 : memref<!tpu.dma_semaphore, #tpu.memory_space<semaphore_mem>>) src(%dma_wait3A_591 : memref<5120xi32, #tpu.memory_space<vmem_shared>>) dst(%arg9 : memref<5120xi32, #tpu.memory_space<vmem>>)
    %dma_start3A_592 = arith.constant 0 : i32
    %dma_start3A_593 = tpu.memref_slice %arg6[%dma_start3A_592] : memref<102400xf32, #tpu.memory_space<vmem_shared>> -> memref<102400xf32, #tpu.memory_space<vmem_shared>>
    tpu.enqueue_indirect_dma source(%dma_start3A_593 : memref<102400xf32, #tpu.memory_space<vmem_shared>>) target(%arg15 : memref<5120xf32, #tpu.memory_space<vmem>>) offsets(%arg9 : memref<5120xi32, #tpu.memory_space<vmem>>) semaphore(%arg29 : memref<!tpu.dma_semaphore, #tpu.memory_space<semaphore_mem>>)
    %dma_wait3A_594 = arith.constant 0 : i32
    %dma_wait3A_595 = tpu.memref_slice %arg7[%dma_wait3A_594] : memref<102400xf32, #tpu.memory_space<vmem_shared>> -> memref<102400xf32, #tpu.memory_space<vmem_shared>>
    tpu.wait_indirect_dma semaphore(%arg33 : memref<!tpu.dma_semaphore, #tpu.memory_space<semaphore_mem>>) src(%arg16 : memref<5120xf32, #tpu.memory_space<vmem>>) dst(%dma_wait3A_595 : memref<102400xf32, #tpu.memory_space<vmem_shared>>)
    %dma_wait3A_596 = arith.constant 1 : i32
    %dma_wait3A_597 = arith.constant 0 : i32
    %dma_wait3A_598 = arith.constant 0 : i32
    %dma_wait3A_599 = tpu.memref_slice %arg8[%arg1, %dma_wait3A_596, %dma_wait3A_597, %dma_wait3A_598] : memref<16x3x2x5120xi32, #tpu.memory_space<vmem_shared>> -> memref<1x1x2x5120xi32, #tpu.memory_space<vmem_shared>>
    %dma_wait3A_600 = tpu.memref_squeeze %dma_wait3A_599 : memref<1x1x2x5120xi32, #tpu.memory_space<vmem_shared>> -> memref<2x5120xi32, #tpu.memory_space<vmem_shared>>
    %dma_wait3A_601 = arith.constant 0 : i32
    %dma_wait3A_602 = tpu.memref_slice %arg2[%dma_wait3A_601, %mul3A_518] : memref<2x3200000xi32, #tpu.memory_space<hbm>> -> memref<2x5120xi32, #tpu.memory_space<hbm>>
    tpu.wait_dma2 semaphore(%arg21 : memref<!tpu.dma_semaphore, #tpu.memory_space<semaphore_mem>>) src(%dma_wait3A_602 : memref<2x5120xi32, #tpu.memory_space<hbm>>) dst(%dma_wait3A_600 : memref<2x5120xi32, #tpu.memory_space<vmem_shared>>)
    %dma_start3A_603 = arith.constant 1 : i32
    %dma_start3A_604 = arith.constant 0 : i32
    %dma_start3A_605 = arith.constant 0 : i32
    %dma_start3A_606 = tpu.memref_slice %arg8[%arg1, %dma_start3A_603, %dma_start3A_604, %dma_start3A_605] : memref<16x3x2x5120xi32, #tpu.memory_space<vmem_shared>> -> memref<1x1x1x5120xi32, #tpu.memory_space<vmem_shared>>
    %dma_start3A_607 = tpu.memref_squeeze %dma_start3A_606 : memref<1x1x1x5120xi32, #tpu.memory_space<vmem_shared>> -> memref<5120xi32, #tpu.memory_space<vmem_shared>>
    %dma_start3A_608 = arith.constant 0 : i32
    %dma_start3A_609 = tpu.memref_slice %arg8[%arg1, %dma_start3A_603, %dma_start3A_604, %dma_start3A_608] : memref<16x3x2x5120xi32, #tpu.memory_space<vmem_shared>> -> memref<1x1x1x5120xi32, #tpu.memory_space<vmem_shared>>
    %dma_start3A_610 = tpu.memref_squeeze %dma_start3A_609 : memref<1x1x1x5120xi32, #tpu.memory_space<vmem_shared>> -> memref<5120xi32, #tpu.memory_space<vmem_shared>>
    tpu.enqueue_dma source(%dma_start3A_610 : memref<5120xi32, #tpu.memory_space<vmem_shared>>) target(%arg10 : memref<5120xi32, #tpu.memory_space<vmem>>) target_semaphore(%arg24 : memref<!tpu.dma_semaphore, #tpu.memory_space<semaphore_mem>>)
    %dma_start3A_611 = arith.constant 1 : i32
    %dma_start3A_612 = arith.constant 1 : i32
    %dma_start3A_613 = arith.constant 0 : i32
    %dma_start3A_614 = tpu.memref_slice %arg8[%arg1, %dma_start3A_611, %dma_start3A_612, %dma_start3A_613] : memref<16x3x2x5120xi32, #tpu.memory_space<vmem_shared>> -> memref<1x1x1x5120xi32, #tpu.memory_space<vmem_shared>>
    %dma_start3A_615 = tpu.memref_squeeze %dma_start3A_614 : memref<1x1x1x5120xi32, #tpu.memory_space<vmem_shared>> -> memref<5120xi32, #tpu.memory_space<vmem_shared>>
    %dma_start3A_616 = arith.constant 0 : i32
    %dma_start3A_617 = tpu.memref_slice %arg8[%arg1, %dma_start3A_611, %dma_start3A_612, %dma_start3A_616] : memref<16x3x2x5120xi32, #tpu.memory_space<vmem_shared>> -> memref<1x1x1x5120xi32, #tpu.memory_space<vmem_shared>>
    %dma_start3A_618 = tpu.memref_squeeze %dma_start3A_617 : memref<1x1x1x5120xi32, #tpu.memory_space<vmem_shared>> -> memref<5120xi32, #tpu.memory_space<vmem_shared>>
    tpu.enqueue_dma source(%dma_start3A_618 : memref<5120xi32, #tpu.memory_space<vmem_shared>>) target(%arg13 : memref<5120xi32, #tpu.memory_space<vmem>>) target_semaphore(%arg27 : memref<!tpu.dma_semaphore, #tpu.memory_space<semaphore_mem>>)
    %dma_wait3A_619 = arith.constant 0 : i32
    %dma_wait3A_620 = tpu.memref_slice %arg6[%dma_wait3A_619] : memref<102400xf32, #tpu.memory_space<vmem_shared>> -> memref<102400xf32, #tpu.memory_space<vmem_shared>>
    tpu.wait_indirect_dma semaphore(%arg29 : memref<!tpu.dma_semaphore, #tpu.memory_space<semaphore_mem>>) src(%dma_wait3A_620 : memref<102400xf32, #tpu.memory_space<vmem_shared>>) dst(%arg15 : memref<5120xf32, #tpu.memory_space<vmem>>)
    %dma_wait3A_621 = arith.constant 0 : i32
    %dma_wait3A_622 = arith.constant 1 : i32
    %dma_wait3A_623 = arith.constant 0 : i32
    %dma_wait3A_624 = tpu.memref_slice %arg8[%arg1, %dma_wait3A_621, %dma_wait3A_622, %dma_wait3A_623] : memref<16x3x2x5120xi32, #tpu.memory_space<vmem_shared>> -> memref<1x1x1x5120xi32, #tpu.memory_space<vmem_shared>>
    %dma_wait3A_625 = tpu.memref_squeeze %dma_wait3A_624 : memref<1x1x1x5120xi32, #tpu.memory_space<vmem_shared>> -> memref<5120xi32, #tpu.memory_space<vmem_shared>>
    %dma_wait3A_626 = arith.constant 0 : i32
    %dma_wait3A_627 = tpu.memref_slice %arg8[%arg1, %dma_wait3A_621, %dma_wait3A_622, %dma_wait3A_626] : memref<16x3x2x5120xi32, #tpu.memory_space<vmem_shared>> -> memref<1x1x1x5120xi32, #tpu.memory_space<vmem_shared>>
    %dma_wait3A_628 = tpu.memref_squeeze %dma_wait3A_627 : memref<1x1x1x5120xi32, #tpu.memory_space<vmem_shared>> -> memref<5120xi32, #tpu.memory_space<vmem_shared>>
    tpu.wait_dma2 semaphore(%arg26 : memref<!tpu.dma_semaphore, #tpu.memory_space<semaphore_mem>>) src(%dma_wait3A_628 : memref<5120xi32, #tpu.memory_space<vmem_shared>>) dst(%arg12 : memref<5120xi32, #tpu.memory_space<vmem>>)
    %dma_start3A_629 = arith.constant 0 : i32
    %dma_start3A_630 = tpu.memref_slice %arg7[%dma_start3A_629] : memref<102400xf32, #tpu.memory_space<vmem_shared>> -> memref<102400xf32, #tpu.memory_space<vmem_shared>>
    tpu.enqueue_indirect_dma source(%arg15 : memref<5120xf32, #tpu.memory_space<vmem>>) target(%dma_start3A_630 : memref<102400xf32, #tpu.memory_space<vmem_shared>>) offsets(%arg12 : memref<5120xi32, #tpu.memory_space<vmem>>) semaphore(%arg32 : memref<!tpu.dma_semaphore, #tpu.memory_space<semaphore_mem>>) {add = true}
    %add3A_631 = arith.constant 384 : i32
    %add3A_632 = arith.addi %add3A_631, %add3A : i32
    %mul3A_633 = arith.constant 5120 : i32
    %mul3A_634 = arith.muli %add3A_632, %mul3A_633 : i32
    %dma_start3A_635 = arith.constant 0 : i32
    %dma_start3A_636 = arith.constant 0 : i32
    %dma_start3A_637 = arith.constant 0 : i32
    %dma_start3A_638 = tpu.memref_slice %arg8[%arg1, %dma_start3A_635, %dma_start3A_636, %dma_start3A_637] : memref<16x3x2x5120xi32, #tpu.memory_space<vmem_shared>> -> memref<1x1x2x5120xi32, #tpu.memory_space<vmem_shared>>
    %dma_start3A_639 = tpu.memref_squeeze %dma_start3A_638 : memref<1x1x2x5120xi32, #tpu.memory_space<vmem_shared>> -> memref<2x5120xi32, #tpu.memory_space<vmem_shared>>
    %dma_start3A_640 = arith.constant 0 : i32
    %dma_start3A_641 = tpu.memref_slice %arg2[%dma_start3A_640, %mul3A_634] : memref<2x3200000xi32, #tpu.memory_space<hbm>> -> memref<2x5120xi32, #tpu.memory_space<hbm>>
    tpu.enqueue_dma source(%dma_start3A_641 : memref<2x5120xi32, #tpu.memory_space<hbm>>) target(%dma_start3A_639 : memref<2x5120xi32, #tpu.memory_space<vmem_shared>>) target_semaphore(%arg20 : memref<!tpu.dma_semaphore, #tpu.memory_space<semaphore_mem>>)
    %dma_wait3A_642 = arith.constant 1 : i32
    %dma_wait3A_643 = arith.constant 0 : i32
    %dma_wait3A_644 = arith.constant 0 : i32
    %dma_wait3A_645 = tpu.memref_slice %arg8[%arg1, %dma_wait3A_642, %dma_wait3A_643, %dma_wait3A_644] : memref<16x3x2x5120xi32, #tpu.memory_space<vmem_shared>> -> memref<1x1x1x5120xi32, #tpu.memory_space<vmem_shared>>
    %dma_wait3A_646 = tpu.memref_squeeze %dma_wait3A_645 : memref<1x1x1x5120xi32, #tpu.memory_space<vmem_shared>> -> memref<5120xi32, #tpu.memory_space<vmem_shared>>
    %dma_wait3A_647 = arith.constant 0 : i32
    %dma_wait3A_648 = tpu.memref_slice %arg8[%arg1, %dma_wait3A_642, %dma_wait3A_643, %dma_wait3A_647] : memref<16x3x2x5120xi32, #tpu.memory_space<vmem_shared>> -> memref<1x1x1x5120xi32, #tpu.memory_space<vmem_shared>>
    %dma_wait3A_649 = tpu.memref_squeeze %dma_wait3A_648 : memref<1x1x1x5120xi32, #tpu.memory_space<vmem_shared>> -> memref<5120xi32, #tpu.memory_space<vmem_shared>>
    tpu.wait_dma2 semaphore(%arg24 : memref<!tpu.dma_semaphore, #tpu.memory_space<semaphore_mem>>) src(%dma_wait3A_649 : memref<5120xi32, #tpu.memory_space<vmem_shared>>) dst(%arg10 : memref<5120xi32, #tpu.memory_space<vmem>>)
    %dma_start3A_650 = arith.constant 0 : i32
    %dma_start3A_651 = tpu.memref_slice %arg6[%dma_start3A_650] : memref<102400xf32, #tpu.memory_space<vmem_shared>> -> memref<102400xf32, #tpu.memory_space<vmem_shared>>
    tpu.enqueue_indirect_dma source(%dma_start3A_651 : memref<102400xf32, #tpu.memory_space<vmem_shared>>) target(%arg16 : memref<5120xf32, #tpu.memory_space<vmem>>) offsets(%arg10 : memref<5120xi32, #tpu.memory_space<vmem>>) semaphore(%arg30 : memref<!tpu.dma_semaphore, #tpu.memory_space<semaphore_mem>>)
    %dma_wait3A_652 = arith.constant 0 : i32
    %dma_wait3A_653 = tpu.memref_slice %arg7[%dma_wait3A_652] : memref<102400xf32, #tpu.memory_space<vmem_shared>> -> memref<102400xf32, #tpu.memory_space<vmem_shared>>
    tpu.wait_indirect_dma semaphore(%arg34 : memref<!tpu.dma_semaphore, #tpu.memory_space<semaphore_mem>>) src(%arg17 : memref<5120xf32, #tpu.memory_space<vmem>>) dst(%dma_wait3A_653 : memref<102400xf32, #tpu.memory_space<vmem_shared>>)
    %dma_wait3A_654 = arith.constant 2 : i32
    %dma_wait3A_655 = arith.constant 0 : i32
    %dma_wait3A_656 = arith.constant 0 : i32
    %dma_wait3A_657 = tpu.memref_slice %arg8[%arg1, %dma_wait3A_654, %dma_wait3A_655, %dma_wait3A_656] : memref<16x3x2x5120xi32, #tpu.memory_space<vmem_shared>> -> memref<1x1x2x5120xi32, #tpu.memory_space<vmem_shared>>
    %dma_wait3A_658 = tpu.memref_squeeze %dma_wait3A_657 : memref<1x1x2x5120xi32, #tpu.memory_space<vmem_shared>> -> memref<2x5120xi32, #tpu.memory_space<vmem_shared>>
    %dma_wait3A_659 = arith.constant 0 : i32
    %dma_wait3A_660 = tpu.memref_slice %arg2[%dma_wait3A_659, %mul3A_576] : memref<2x3200000xi32, #tpu.memory_space<hbm>> -> memref<2x5120xi32, #tpu.memory_space<hbm>>
    tpu.wait_dma2 semaphore(%arg22 : memref<!tpu.dma_semaphore, #tpu.memory_space<semaphore_mem>>) src(%dma_wait3A_660 : memref<2x5120xi32, #tpu.memory_space<hbm>>) dst(%dma_wait3A_658 : memref<2x5120xi32, #tpu.memory_space<vmem_shared>>)
    %dma_start3A_661 = arith.constant 2 : i32
    %dma_start3A_662 = arith.constant 0 : i32
    %dma_start3A_663 = arith.constant 0 : i32
    %dma_start3A_664 = tpu.memref_slice %arg8[%arg1, %dma_start3A_661, %dma_start3A_662, %dma_start3A_663] : memref<16x3x2x5120xi32, #tpu.memory_space<vmem_shared>> -> memref<1x1x1x5120xi32, #tpu.memory_space<vmem_shared>>
    %dma_start3A_665 = tpu.memref_squeeze %dma_start3A_664 : memref<1x1x1x5120xi32, #tpu.memory_space<vmem_shared>> -> memref<5120xi32, #tpu.memory_space<vmem_shared>>
    %dma_start3A_666 = arith.constant 0 : i32
    %dma_start3A_667 = tpu.memref_slice %arg8[%arg1, %dma_start3A_661, %dma_start3A_662, %dma_start3A_666] : memref<16x3x2x5120xi32, #tpu.memory_space<vmem_shared>> -> memref<1x1x1x5120xi32, #tpu.memory_space<vmem_shared>>
    %dma_start3A_668 = tpu.memref_squeeze %dma_start3A_667 : memref<1x1x1x5120xi32, #tpu.memory_space<vmem_shared>> -> memref<5120xi32, #tpu.memory_space<vmem_shared>>
    tpu.enqueue_dma source(%dma_start3A_668 : memref<5120xi32, #tpu.memory_space<vmem_shared>>) target(%arg11 : memref<5120xi32, #tpu.memory_space<vmem>>) target_semaphore(%arg25 : memref<!tpu.dma_semaphore, #tpu.memory_space<semaphore_mem>>)
    %dma_start3A_669 = arith.constant 2 : i32
    %dma_start3A_670 = arith.constant 1 : i32
    %dma_start3A_671 = arith.constant 0 : i32
    %dma_start3A_672 = tpu.memref_slice %arg8[%arg1, %dma_start3A_669, %dma_start3A_670, %dma_start3A_671] : memref<16x3x2x5120xi32, #tpu.memory_space<vmem_shared>> -> memref<1x1x1x5120xi32, #tpu.memory_space<vmem_shared>>
    %dma_start3A_673 = tpu.memref_squeeze %dma_start3A_672 : memref<1x1x1x5120xi32, #tpu.memory_space<vmem_shared>> -> memref<5120xi32, #tpu.memory_space<vmem_shared>>
    %dma_start3A_674 = arith.constant 0 : i32
    %dma_start3A_675 = tpu.memref_slice %arg8[%arg1, %dma_start3A_669, %dma_start3A_670, %dma_start3A_674] : memref<16x3x2x5120xi32, #tpu.memory_space<vmem_shared>> -> memref<1x1x1x5120xi32, #tpu.memory_space<vmem_shared>>
    %dma_start3A_676 = tpu.memref_squeeze %dma_start3A_675 : memref<1x1x1x5120xi32, #tpu.memory_space<vmem_shared>> -> memref<5120xi32, #tpu.memory_space<vmem_shared>>
    tpu.enqueue_dma source(%dma_start3A_676 : memref<5120xi32, #tpu.memory_space<vmem_shared>>) target(%arg14 : memref<5120xi32, #tpu.memory_space<vmem>>) target_semaphore(%arg28 : memref<!tpu.dma_semaphore, #tpu.memory_space<semaphore_mem>>)
    %dma_wait3A_677 = arith.constant 0 : i32
    %dma_wait3A_678 = tpu.memref_slice %arg6[%dma_wait3A_677] : memref<102400xf32, #tpu.memory_space<vmem_shared>> -> memref<102400xf32, #tpu.memory_space<vmem_shared>>
    tpu.wait_indirect_dma semaphore(%arg30 : memref<!tpu.dma_semaphore, #tpu.memory_space<semaphore_mem>>) src(%dma_wait3A_678 : memref<102400xf32, #tpu.memory_space<vmem_shared>>) dst(%arg16 : memref<5120xf32, #tpu.memory_space<vmem>>)
    %dma_wait3A_679 = arith.constant 1 : i32
    %dma_wait3A_680 = arith.constant 1 : i32
    %dma_wait3A_681 = arith.constant 0 : i32
    %dma_wait3A_682 = tpu.memref_slice %arg8[%arg1, %dma_wait3A_679, %dma_wait3A_680, %dma_wait3A_681] : memref<16x3x2x5120xi32, #tpu.memory_space<vmem_shared>> -> memref<1x1x1x5120xi32, #tpu.memory_space<vmem_shared>>
    %dma_wait3A_683 = tpu.memref_squeeze %dma_wait3A_682 : memref<1x1x1x5120xi32, #tpu.memory_space<vmem_shared>> -> memref<5120xi32, #tpu.memory_space<vmem_shared>>
    %dma_wait3A_684 = arith.constant 0 : i32
    %dma_wait3A_685 = tpu.memref_slice %arg8[%arg1, %dma_wait3A_679, %dma_wait3A_680, %dma_wait3A_684] : memref<16x3x2x5120xi32, #tpu.memory_space<vmem_shared>> -> memref<1x1x1x5120xi32, #tpu.memory_space<vmem_shared>>
    %dma_wait3A_686 = tpu.memref_squeeze %dma_wait3A_685 : memref<1x1x1x5120xi32, #tpu.memory_space<vmem_shared>> -> memref<5120xi32, #tpu.memory_space<vmem_shared>>
    tpu.wait_dma2 semaphore(%arg27 : memref<!tpu.dma_semaphore, #tpu.memory_space<semaphore_mem>>) src(%dma_wait3A_686 : memref<5120xi32, #tpu.memory_space<vmem_shared>>) dst(%arg13 : memref<5120xi32, #tpu.memory_space<vmem>>)
    %dma_start3A_687 = arith.constant 0 : i32
    %dma_start3A_688 = tpu.memref_slice %arg7[%dma_start3A_687] : memref<102400xf32, #tpu.memory_space<vmem_shared>> -> memref<102400xf32, #tpu.memory_space<vmem_shared>>
    tpu.enqueue_indirect_dma source(%arg16 : memref<5120xf32, #tpu.memory_space<vmem>>) target(%dma_start3A_688 : memref<102400xf32, #tpu.memory_space<vmem_shared>>) offsets(%arg13 : memref<5120xi32, #tpu.memory_space<vmem>>) semaphore(%arg33 : memref<!tpu.dma_semaphore, #tpu.memory_space<semaphore_mem>>) {add = true}
    %add3A_689 = arith.constant 416 : i32
    %add3A_690 = arith.addi %add3A_689, %add3A : i32
    %mul3A_691 = arith.constant 5120 : i32
    %mul3A_692 = arith.muli %add3A_690, %mul3A_691 : i32
    %dma_start3A_693 = arith.constant 1 : i32
    %dma_start3A_694 = arith.constant 0 : i32
    %dma_start3A_695 = arith.constant 0 : i32
    %dma_start3A_696 = tpu.memref_slice %arg8[%arg1, %dma_start3A_693, %dma_start3A_694, %dma_start3A_695] : memref<16x3x2x5120xi32, #tpu.memory_space<vmem_shared>> -> memref<1x1x2x5120xi32, #tpu.memory_space<vmem_shared>>
    %dma_start3A_697 = tpu.memref_squeeze %dma_start3A_696 : memref<1x1x2x5120xi32, #tpu.memory_space<vmem_shared>> -> memref<2x5120xi32, #tpu.memory_space<vmem_shared>>
    %dma_start3A_698 = arith.constant 0 : i32
    %dma_start3A_699 = tpu.memref_slice %arg2[%dma_start3A_698, %mul3A_692] : memref<2x3200000xi32, #tpu.memory_space<hbm>> -> memref<2x5120xi32, #tpu.memory_space<hbm>>
    tpu.enqueue_dma source(%dma_start3A_699 : memref<2x5120xi32, #tpu.memory_space<hbm>>) target(%dma_start3A_697 : memref<2x5120xi32, #tpu.memory_space<vmem_shared>>) target_semaphore(%arg21 : memref<!tpu.dma_semaphore, #tpu.memory_space<semaphore_mem>>)
    %dma_wait3A_700 = arith.constant 2 : i32
    %dma_wait3A_701 = arith.constant 0 : i32
    %dma_wait3A_702 = arith.constant 0 : i32
    %dma_wait3A_703 = tpu.memref_slice %arg8[%arg1, %dma_wait3A_700, %dma_wait3A_701, %dma_wait3A_702] : memref<16x3x2x5120xi32, #tpu.memory_space<vmem_shared>> -> memref<1x1x1x5120xi32, #tpu.memory_space<vmem_shared>>
    %dma_wait3A_704 = tpu.memref_squeeze %dma_wait3A_703 : memref<1x1x1x5120xi32, #tpu.memory_space<vmem_shared>> -> memref<5120xi32, #tpu.memory_space<vmem_shared>>
    %dma_wait3A_705 = arith.constant 0 : i32
    %dma_wait3A_706 = tpu.memref_slice %arg8[%arg1, %dma_wait3A_700, %dma_wait3A_701, %dma_wait3A_705] : memref<16x3x2x5120xi32, #tpu.memory_space<vmem_shared>> -> memref<1x1x1x5120xi32, #tpu.memory_space<vmem_shared>>
    %dma_wait3A_707 = tpu.memref_squeeze %dma_wait3A_706 : memref<1x1x1x5120xi32, #tpu.memory_space<vmem_shared>> -> memref<5120xi32, #tpu.memory_space<vmem_shared>>
    tpu.wait_dma2 semaphore(%arg25 : memref<!tpu.dma_semaphore, #tpu.memory_space<semaphore_mem>>) src(%dma_wait3A_707 : memref<5120xi32, #tpu.memory_space<vmem_shared>>) dst(%arg11 : memref<5120xi32, #tpu.memory_space<vmem>>)
    %dma_start3A_708 = arith.constant 0 : i32
    %dma_start3A_709 = tpu.memref_slice %arg6[%dma_start3A_708] : memref<102400xf32, #tpu.memory_space<vmem_shared>> -> memref<102400xf32, #tpu.memory_space<vmem_shared>>
    tpu.enqueue_indirect_dma source(%dma_start3A_709 : memref<102400xf32, #tpu.memory_space<vmem_shared>>) target(%arg17 : memref<5120xf32, #tpu.memory_space<vmem>>) offsets(%arg11 : memref<5120xi32, #tpu.memory_space<vmem>>) semaphore(%arg31 : memref<!tpu.dma_semaphore, #tpu.memory_space<semaphore_mem>>)
    %dma_wait3A_710 = arith.constant 0 : i32
    %dma_wait3A_711 = tpu.memref_slice %arg7[%dma_wait3A_710] : memref<102400xf32, #tpu.memory_space<vmem_shared>> -> memref<102400xf32, #tpu.memory_space<vmem_shared>>
    tpu.wait_indirect_dma semaphore(%arg32 : memref<!tpu.dma_semaphore, #tpu.memory_space<semaphore_mem>>) src(%arg15 : memref<5120xf32, #tpu.memory_space<vmem>>) dst(%dma_wait3A_711 : memref<102400xf32, #tpu.memory_space<vmem_shared>>)
    %dma_wait3A_712 = arith.constant 0 : i32
    %dma_wait3A_713 = arith.constant 0 : i32
    %dma_wait3A_714 = arith.constant 0 : i32
    %dma_wait3A_715 = tpu.memref_slice %arg8[%arg1, %dma_wait3A_712, %dma_wait3A_713, %dma_wait3A_714] : memref<16x3x2x5120xi32, #tpu.memory_space<vmem_shared>> -> memref<1x1x2x5120xi32, #tpu.memory_space<vmem_shared>>
    %dma_wait3A_716 = tpu.memref_squeeze %dma_wait3A_715 : memref<1x1x2x5120xi32, #tpu.memory_space<vmem_shared>> -> memref<2x5120xi32, #tpu.memory_space<vmem_shared>>
    %dma_wait3A_717 = arith.constant 0 : i32
    %dma_wait3A_718 = tpu.memref_slice %arg2[%dma_wait3A_717, %mul3A_634] : memref<2x3200000xi32, #tpu.memory_space<hbm>> -> memref<2x5120xi32, #tpu.memory_space<hbm>>
    tpu.wait_dma2 semaphore(%arg20 : memref<!tpu.dma_semaphore, #tpu.memory_space<semaphore_mem>>) src(%dma_wait3A_718 : memref<2x5120xi32, #tpu.memory_space<hbm>>) dst(%dma_wait3A_716 : memref<2x5120xi32, #tpu.memory_space<vmem_shared>>)
    %dma_start3A_719 = arith.constant 0 : i32
    %dma_start3A_720 = arith.constant 0 : i32
    %dma_start3A_721 = arith.constant 0 : i32
    %dma_start3A_722 = tpu.memref_slice %arg8[%arg1, %dma_start3A_719, %dma_start3A_720, %dma_start3A_721] : memref<16x3x2x5120xi32, #tpu.memory_space<vmem_shared>> -> memref<1x1x1x5120xi32, #tpu.memory_space<vmem_shared>>
    %dma_start3A_723 = tpu.memref_squeeze %dma_start3A_722 : memref<1x1x1x5120xi32, #tpu.memory_space<vmem_shared>> -> memref<5120xi32, #tpu.memory_space<vmem_shared>>
    %dma_start3A_724 = arith.constant 0 : i32
    %dma_start3A_725 = tpu.memref_slice %arg8[%arg1, %dma_start3A_719, %dma_start3A_720, %dma_start3A_724] : memref<16x3x2x5120xi32, #tpu.memory_space<vmem_shared>> -> memref<1x1x1x5120xi32, #tpu.memory_space<vmem_shared>>
    %dma_start3A_726 = tpu.memref_squeeze %dma_start3A_725 : memref<1x1x1x5120xi32, #tpu.memory_space<vmem_shared>> -> memref<5120xi32, #tpu.memory_space<vmem_shared>>
    tpu.enqueue_dma source(%dma_start3A_726 : memref<5120xi32, #tpu.memory_space<vmem_shared>>) target(%arg9 : memref<5120xi32, #tpu.memory_space<vmem>>) target_semaphore(%arg23 : memref<!tpu.dma_semaphore, #tpu.memory_space<semaphore_mem>>)
    %dma_start3A_727 = arith.constant 0 : i32
    %dma_start3A_728 = arith.constant 1 : i32
    %dma_start3A_729 = arith.constant 0 : i32
    %dma_start3A_730 = tpu.memref_slice %arg8[%arg1, %dma_start3A_727, %dma_start3A_728, %dma_start3A_729] : memref<16x3x2x5120xi32, #tpu.memory_space<vmem_shared>> -> memref<1x1x1x5120xi32, #tpu.memory_space<vmem_shared>>
    %dma_start3A_731 = tpu.memref_squeeze %dma_start3A_730 : memref<1x1x1x5120xi32, #tpu.memory_space<vmem_shared>> -> memref<5120xi32, #tpu.memory_space<vmem_shared>>
    %dma_start3A_732 = arith.constant 0 : i32
    %dma_start3A_733 = tpu.memref_slice %arg8[%arg1, %dma_start3A_727, %dma_start3A_728, %dma_start3A_732] : memref<16x3x2x5120xi32, #tpu.memory_space<vmem_shared>> -> memref<1x1x1x5120xi32, #tpu.memory_space<vmem_shared>>
    %dma_start3A_734 = tpu.memref_squeeze %dma_start3A_733 : memref<1x1x1x5120xi32, #tpu.memory_space<vmem_shared>> -> memref<5120xi32, #tpu.memory_space<vmem_shared>>
    tpu.enqueue_dma source(%dma_start3A_734 : memref<5120xi32, #tpu.memory_space<vmem_shared>>) target(%arg12 : memref<5120xi32, #tpu.memory_space<vmem>>) target_semaphore(%arg26 : memref<!tpu.dma_semaphore, #tpu.memory_space<semaphore_mem>>)
    %dma_wait3A_735 = arith.constant 0 : i32
    %dma_wait3A_736 = tpu.memref_slice %arg6[%dma_wait3A_735] : memref<102400xf32, #tpu.memory_space<vmem_shared>> -> memref<102400xf32, #tpu.memory_space<vmem_shared>>
    tpu.wait_indirect_dma semaphore(%arg31 : memref<!tpu.dma_semaphore, #tpu.memory_space<semaphore_mem>>) src(%dma_wait3A_736 : memref<102400xf32, #tpu.memory_space<vmem_shared>>) dst(%arg17 : memref<5120xf32, #tpu.memory_space<vmem>>)
    %dma_wait3A_737 = arith.constant 2 : i32
    %dma_wait3A_738 = arith.constant 1 : i32
    %dma_wait3A_739 = arith.constant 0 : i32
    %dma_wait3A_740 = tpu.memref_slice %arg8[%arg1, %dma_wait3A_737, %dma_wait3A_738, %dma_wait3A_739] : memref<16x3x2x5120xi32, #tpu.memory_space<vmem_shared>> -> memref<1x1x1x5120xi32, #tpu.memory_space<vmem_shared>>
    %dma_wait3A_741 = tpu.memref_squeeze %dma_wait3A_740 : memref<1x1x1x5120xi32, #tpu.memory_space<vmem_shared>> -> memref<5120xi32, #tpu.memory_space<vmem_shared>>
    %dma_wait3A_742 = arith.constant 0 : i32
    %dma_wait3A_743 = tpu.memref_slice %arg8[%arg1, %dma_wait3A_737, %dma_wait3A_738, %dma_wait3A_742] : memref<16x3x2x5120xi32, #tpu.memory_space<vmem_shared>> -> memref<1x1x1x5120xi32, #tpu.memory_space<vmem_shared>>
    %dma_wait3A_744 = tpu.memref_squeeze %dma_wait3A_743 : memref<1x1x1x5120xi32, #tpu.memory_space<vmem_shared>> -> memref<5120xi32, #tpu.memory_space<vmem_shared>>
    tpu.wait_dma2 semaphore(%arg28 : memref<!tpu.dma_semaphore, #tpu.memory_space<semaphore_mem>>) src(%dma_wait3A_744 : memref<5120xi32, #tpu.memory_space<vmem_shared>>) dst(%arg14 : memref<5120xi32, #tpu.memory_space<vmem>>)
    %dma_start3A_745 = arith.constant 0 : i32
    %dma_start3A_746 = tpu.memref_slice %arg7[%dma_start3A_745] : memref<102400xf32, #tpu.memory_space<vmem_shared>> -> memref<102400xf32, #tpu.memory_space<vmem_shared>>
    tpu.enqueue_indirect_dma source(%arg17 : memref<5120xf32, #tpu.memory_space<vmem>>) target(%dma_start3A_746 : memref<102400xf32, #tpu.memory_space<vmem_shared>>) offsets(%arg14 : memref<5120xi32, #tpu.memory_space<vmem>>) semaphore(%arg34 : memref<!tpu.dma_semaphore, #tpu.memory_space<semaphore_mem>>) {add = true}
    %add3A_747 = arith.constant 448 : i32
    %add3A_748 = arith.addi %add3A_747, %add3A : i32
    %mul3A_749 = arith.constant 5120 : i32
    %mul3A_750 = arith.muli %add3A_748, %mul3A_749 : i32
    %dma_start3A_751 = arith.constant 2 : i32
    %dma_start3A_752 = arith.constant 0 : i32
    %dma_start3A_753 = arith.constant 0 : i32
    %dma_start3A_754 = tpu.memref_slice %arg8[%arg1, %dma_start3A_751, %dma_start3A_752, %dma_start3A_753] : memref<16x3x2x5120xi32, #tpu.memory_space<vmem_shared>> -> memref<1x1x2x5120xi32, #tpu.memory_space<vmem_shared>>
    %dma_start3A_755 = tpu.memref_squeeze %dma_start3A_754 : memref<1x1x2x5120xi32, #tpu.memory_space<vmem_shared>> -> memref<2x5120xi32, #tpu.memory_space<vmem_shared>>
    %dma_start3A_756 = arith.constant 0 : i32
    %dma_start3A_757 = tpu.memref_slice %arg2[%dma_start3A_756, %mul3A_750] : memref<2x3200000xi32, #tpu.memory_space<hbm>> -> memref<2x5120xi32, #tpu.memory_space<hbm>>
    tpu.enqueue_dma source(%dma_start3A_757 : memref<2x5120xi32, #tpu.memory_space<hbm>>) target(%dma_start3A_755 : memref<2x5120xi32, #tpu.memory_space<vmem_shared>>) target_semaphore(%arg22 : memref<!tpu.dma_semaphore, #tpu.memory_space<semaphore_mem>>)
    %dma_wait3A_758 = arith.constant 0 : i32
    %dma_wait3A_759 = arith.constant 0 : i32
    %dma_wait3A_760 = arith.constant 0 : i32
    %dma_wait3A_761 = tpu.memref_slice %arg8[%arg1, %dma_wait3A_758, %dma_wait3A_759, %dma_wait3A_760] : memref<16x3x2x5120xi32, #tpu.memory_space<vmem_shared>> -> memref<1x1x1x5120xi32, #tpu.memory_space<vmem_shared>>
    %dma_wait3A_762 = tpu.memref_squeeze %dma_wait3A_761 : memref<1x1x1x5120xi32, #tpu.memory_space<vmem_shared>> -> memref<5120xi32, #tpu.memory_space<vmem_shared>>
    %dma_wait3A_763 = arith.constant 0 : i32
    %dma_wait3A_764 = tpu.memref_slice %arg8[%arg1, %dma_wait3A_758, %dma_wait3A_759, %dma_wait3A_763] : memref<16x3x2x5120xi32, #tpu.memory_space<vmem_shared>> -> memref<1x1x1x5120xi32, #tpu.memory_space<vmem_shared>>
    %dma_wait3A_765 = tpu.memref_squeeze %dma_wait3A_764 : memref<1x1x1x5120xi32, #tpu.memory_space<vmem_shared>> -> memref<5120xi32, #tpu.memory_space<vmem_shared>>
    tpu.wait_dma2 semaphore(%arg23 : memref<!tpu.dma_semaphore, #tpu.memory_space<semaphore_mem>>) src(%dma_wait3A_765 : memref<5120xi32, #tpu.memory_space<vmem_shared>>) dst(%arg9 : memref<5120xi32, #tpu.memory_space<vmem>>)
    %dma_start3A_766 = arith.constant 0 : i32
    %dma_start3A_767 = tpu.memref_slice %arg6[%dma_start3A_766] : memref<102400xf32, #tpu.memory_space<vmem_shared>> -> memref<102400xf32, #tpu.memory_space<vmem_shared>>
    tpu.enqueue_indirect_dma source(%dma_start3A_767 : memref<102400xf32, #tpu.memory_space<vmem_shared>>) target(%arg15 : memref<5120xf32, #tpu.memory_space<vmem>>) offsets(%arg9 : memref<5120xi32, #tpu.memory_space<vmem>>) semaphore(%arg29 : memref<!tpu.dma_semaphore, #tpu.memory_space<semaphore_mem>>)
    %dma_wait3A_768 = arith.constant 0 : i32
    %dma_wait3A_769 = tpu.memref_slice %arg7[%dma_wait3A_768] : memref<102400xf32, #tpu.memory_space<vmem_shared>> -> memref<102400xf32, #tpu.memory_space<vmem_shared>>
    tpu.wait_indirect_dma semaphore(%arg33 : memref<!tpu.dma_semaphore, #tpu.memory_space<semaphore_mem>>) src(%arg16 : memref<5120xf32, #tpu.memory_space<vmem>>) dst(%dma_wait3A_769 : memref<102400xf32, #tpu.memory_space<vmem_shared>>)
    %dma_wait3A_770 = arith.constant 1 : i32
    %dma_wait3A_771 = arith.constant 0 : i32
    %dma_wait3A_772 = arith.constant 0 : i32
    %dma_wait3A_773 = tpu.memref_slice %arg8[%arg1, %dma_wait3A_770, %dma_wait3A_771, %dma_wait3A_772] : memref<16x3x2x5120xi32, #tpu.memory_space<vmem_shared>> -> memref<1x1x2x5120xi32, #tpu.memory_space<vmem_shared>>
    %dma_wait3A_774 = tpu.memref_squeeze %dma_wait3A_773 : memref<1x1x2x5120xi32, #tpu.memory_space<vmem_shared>> -> memref<2x5120xi32, #tpu.memory_space<vmem_shared>>
    %dma_wait3A_775 = arith.constant 0 : i32
    %dma_wait3A_776 = tpu.memref_slice %arg2[%dma_wait3A_775, %mul3A_692] : memref<2x3200000xi32, #tpu.memory_space<hbm>> -> memref<2x5120xi32, #tpu.memory_space<hbm>>
    tpu.wait_dma2 semaphore(%arg21 : memref<!tpu.dma_semaphore, #tpu.memory_space<semaphore_mem>>) src(%dma_wait3A_776 : memref<2x5120xi32, #tpu.memory_space<hbm>>) dst(%dma_wait3A_774 : memref<2x5120xi32, #tpu.memory_space<vmem_shared>>)
    %dma_start3A_777 = arith.constant 1 : i32
    %dma_start3A_778 = arith.constant 0 : i32
    %dma_start3A_779 = arith.constant 0 : i32
    %dma_start3A_780 = tpu.memref_slice %arg8[%arg1, %dma_start3A_777, %dma_start3A_778, %dma_start3A_779] : memref<16x3x2x5120xi32, #tpu.memory_space<vmem_shared>> -> memref<1x1x1x5120xi32, #tpu.memory_space<vmem_shared>>
    %dma_start3A_781 = tpu.memref_squeeze %dma_start3A_780 : memref<1x1x1x5120xi32, #tpu.memory_space<vmem_shared>> -> memref<5120xi32, #tpu.memory_space<vmem_shared>>
    %dma_start3A_782 = arith.constant 0 : i32
    %dma_start3A_783 = tpu.memref_slice %arg8[%arg1, %dma_start3A_777, %dma_start3A_778, %dma_start3A_782] : memref<16x3x2x5120xi32, #tpu.memory_space<vmem_shared>> -> memref<1x1x1x5120xi32, #tpu.memory_space<vmem_shared>>
    %dma_start3A_784 = tpu.memref_squeeze %dma_start3A_783 : memref<1x1x1x5120xi32, #tpu.memory_space<vmem_shared>> -> memref<5120xi32, #tpu.memory_space<vmem_shared>>
    tpu.enqueue_dma source(%dma_start3A_784 : memref<5120xi32, #tpu.memory_space<vmem_shared>>) target(%arg10 : memref<5120xi32, #tpu.memory_space<vmem>>) target_semaphore(%arg24 : memref<!tpu.dma_semaphore, #tpu.memory_space<semaphore_mem>>)
    %dma_start3A_785 = arith.constant 1 : i32
    %dma_start3A_786 = arith.constant 1 : i32
    %dma_start3A_787 = arith.constant 0 : i32
    %dma_start3A_788 = tpu.memref_slice %arg8[%arg1, %dma_start3A_785, %dma_start3A_786, %dma_start3A_787] : memref<16x3x2x5120xi32, #tpu.memory_space<vmem_shared>> -> memref<1x1x1x5120xi32, #tpu.memory_space<vmem_shared>>
    %dma_start3A_789 = tpu.memref_squeeze %dma_start3A_788 : memref<1x1x1x5120xi32, #tpu.memory_space<vmem_shared>> -> memref<5120xi32, #tpu.memory_space<vmem_shared>>
    %dma_start3A_790 = arith.constant 0 : i32
    %dma_start3A_791 = tpu.memref_slice %arg8[%arg1, %dma_start3A_785, %dma_start3A_786, %dma_start3A_790] : memref<16x3x2x5120xi32, #tpu.memory_space<vmem_shared>> -> memref<1x1x1x5120xi32, #tpu.memory_space<vmem_shared>>
    %dma_start3A_792 = tpu.memref_squeeze %dma_start3A_791 : memref<1x1x1x5120xi32, #tpu.memory_space<vmem_shared>> -> memref<5120xi32, #tpu.memory_space<vmem_shared>>
    tpu.enqueue_dma source(%dma_start3A_792 : memref<5120xi32, #tpu.memory_space<vmem_shared>>) target(%arg13 : memref<5120xi32, #tpu.memory_space<vmem>>) target_semaphore(%arg27 : memref<!tpu.dma_semaphore, #tpu.memory_space<semaphore_mem>>)
    %dma_wait3A_793 = arith.constant 0 : i32
    %dma_wait3A_794 = tpu.memref_slice %arg6[%dma_wait3A_793] : memref<102400xf32, #tpu.memory_space<vmem_shared>> -> memref<102400xf32, #tpu.memory_space<vmem_shared>>
    tpu.wait_indirect_dma semaphore(%arg29 : memref<!tpu.dma_semaphore, #tpu.memory_space<semaphore_mem>>) src(%dma_wait3A_794 : memref<102400xf32, #tpu.memory_space<vmem_shared>>) dst(%arg15 : memref<5120xf32, #tpu.memory_space<vmem>>)
    %dma_wait3A_795 = arith.constant 0 : i32
    %dma_wait3A_796 = arith.constant 1 : i32
    %dma_wait3A_797 = arith.constant 0 : i32
    %dma_wait3A_798 = tpu.memref_slice %arg8[%arg1, %dma_wait3A_795, %dma_wait3A_796, %dma_wait3A_797] : memref<16x3x2x5120xi32, #tpu.memory_space<vmem_shared>> -> memref<1x1x1x5120xi32, #tpu.memory_space<vmem_shared>>
    %dma_wait3A_799 = tpu.memref_squeeze %dma_wait3A_798 : memref<1x1x1x5120xi32, #tpu.memory_space<vmem_shared>> -> memref<5120xi32, #tpu.memory_space<vmem_shared>>
    %dma_wait3A_800 = arith.constant 0 : i32
    %dma_wait3A_801 = tpu.memref_slice %arg8[%arg1, %dma_wait3A_795, %dma_wait3A_796, %dma_wait3A_800] : memref<16x3x2x5120xi32, #tpu.memory_space<vmem_shared>> -> memref<1x1x1x5120xi32, #tpu.memory_space<vmem_shared>>
    %dma_wait3A_802 = tpu.memref_squeeze %dma_wait3A_801 : memref<1x1x1x5120xi32, #tpu.memory_space<vmem_shared>> -> memref<5120xi32, #tpu.memory_space<vmem_shared>>
    tpu.wait_dma2 semaphore(%arg26 : memref<!tpu.dma_semaphore, #tpu.memory_space<semaphore_mem>>) src(%dma_wait3A_802 : memref<5120xi32, #tpu.memory_space<vmem_shared>>) dst(%arg12 : memref<5120xi32, #tpu.memory_space<vmem>>)
    %dma_start3A_803 = arith.constant 0 : i32
    %dma_start3A_804 = tpu.memref_slice %arg7[%dma_start3A_803] : memref<102400xf32, #tpu.memory_space<vmem_shared>> -> memref<102400xf32, #tpu.memory_space<vmem_shared>>
    tpu.enqueue_indirect_dma source(%arg15 : memref<5120xf32, #tpu.memory_space<vmem>>) target(%dma_start3A_804 : memref<102400xf32, #tpu.memory_space<vmem_shared>>) offsets(%arg12 : memref<5120xi32, #tpu.memory_space<vmem>>) semaphore(%arg32 : memref<!tpu.dma_semaphore, #tpu.memory_space<semaphore_mem>>) {add = true}
    %add3A_805 = arith.constant 480 : i32
    %add3A_806 = arith.addi %add3A_805, %add3A : i32
    %mul3A_807 = arith.constant 5120 : i32
    %mul3A_808 = arith.muli %add3A_806, %mul3A_807 : i32
    %dma_start3A_809 = arith.constant 0 : i32
    %dma_start3A_810 = arith.constant 0 : i32
    %dma_start3A_811 = arith.constant 0 : i32
    %dma_start3A_812 = tpu.memref_slice %arg8[%arg1, %dma_start3A_809, %dma_start3A_810, %dma_start3A_811] : memref<16x3x2x5120xi32, #tpu.memory_space<vmem_shared>> -> memref<1x1x2x5120xi32, #tpu.memory_space<vmem_shared>>
    %dma_start3A_813 = tpu.memref_squeeze %dma_start3A_812 : memref<1x1x2x5120xi32, #tpu.memory_space<vmem_shared>> -> memref<2x5120xi32, #tpu.memory_space<vmem_shared>>
    %dma_start3A_814 = arith.constant 0 : i32
    %dma_start3A_815 = tpu.memref_slice %arg2[%dma_start3A_814, %mul3A_808] : memref<2x3200000xi32, #tpu.memory_space<hbm>> -> memref<2x5120xi32, #tpu.memory_space<hbm>>
    tpu.enqueue_dma source(%dma_start3A_815 : memref<2x5120xi32, #tpu.memory_space<hbm>>) target(%dma_start3A_813 : memref<2x5120xi32, #tpu.memory_space<vmem_shared>>) target_semaphore(%arg20 : memref<!tpu.dma_semaphore, #tpu.memory_space<semaphore_mem>>)
    %dma_wait3A_816 = arith.constant 1 : i32
    %dma_wait3A_817 = arith.constant 0 : i32
    %dma_wait3A_818 = arith.constant 0 : i32
    %dma_wait3A_819 = tpu.memref_slice %arg8[%arg1, %dma_wait3A_816, %dma_wait3A_817, %dma_wait3A_818] : memref<16x3x2x5120xi32, #tpu.memory_space<vmem_shared>> -> memref<1x1x1x5120xi32, #tpu.memory_space<vmem_shared>>
    %dma_wait3A_820 = tpu.memref_squeeze %dma_wait3A_819 : memref<1x1x1x5120xi32, #tpu.memory_space<vmem_shared>> -> memref<5120xi32, #tpu.memory_space<vmem_shared>>
    %dma_wait3A_821 = arith.constant 0 : i32
    %dma_wait3A_822 = tpu.memref_slice %arg8[%arg1, %dma_wait3A_816, %dma_wait3A_817, %dma_wait3A_821] : memref<16x3x2x5120xi32, #tpu.memory_space<vmem_shared>> -> memref<1x1x1x5120xi32, #tpu.memory_space<vmem_shared>>
    %dma_wait3A_823 = tpu.memref_squeeze %dma_wait3A_822 : memref<1x1x1x5120xi32, #tpu.memory_space<vmem_shared>> -> memref<5120xi32, #tpu.memory_space<vmem_shared>>
    tpu.wait_dma2 semaphore(%arg24 : memref<!tpu.dma_semaphore, #tpu.memory_space<semaphore_mem>>) src(%dma_wait3A_823 : memref<5120xi32, #tpu.memory_space<vmem_shared>>) dst(%arg10 : memref<5120xi32, #tpu.memory_space<vmem>>)
    %dma_start3A_824 = arith.constant 0 : i32
    %dma_start3A_825 = tpu.memref_slice %arg6[%dma_start3A_824] : memref<102400xf32, #tpu.memory_space<vmem_shared>> -> memref<102400xf32, #tpu.memory_space<vmem_shared>>
    tpu.enqueue_indirect_dma source(%dma_start3A_825 : memref<102400xf32, #tpu.memory_space<vmem_shared>>) target(%arg16 : memref<5120xf32, #tpu.memory_space<vmem>>) offsets(%arg10 : memref<5120xi32, #tpu.memory_space<vmem>>) semaphore(%arg30 : memref<!tpu.dma_semaphore, #tpu.memory_space<semaphore_mem>>)
    %dma_wait3A_826 = arith.constant 0 : i32
    %dma_wait3A_827 = tpu.memref_slice %arg7[%dma_wait3A_826] : memref<102400xf32, #tpu.memory_space<vmem_shared>> -> memref<102400xf32, #tpu.memory_space<vmem_shared>>
    tpu.wait_indirect_dma semaphore(%arg34 : memref<!tpu.dma_semaphore, #tpu.memory_space<semaphore_mem>>) src(%arg17 : memref<5120xf32, #tpu.memory_space<vmem>>) dst(%dma_wait3A_827 : memref<102400xf32, #tpu.memory_space<vmem_shared>>)
    %dma_wait3A_828 = arith.constant 2 : i32
    %dma_wait3A_829 = arith.constant 0 : i32
    %dma_wait3A_830 = arith.constant 0 : i32
    %dma_wait3A_831 = tpu.memref_slice %arg8[%arg1, %dma_wait3A_828, %dma_wait3A_829, %dma_wait3A_830] : memref<16x3x2x5120xi32, #tpu.memory_space<vmem_shared>> -> memref<1x1x2x5120xi32, #tpu.memory_space<vmem_shared>>
    %dma_wait3A_832 = tpu.memref_squeeze %dma_wait3A_831 : memref<1x1x2x5120xi32, #tpu.memory_space<vmem_shared>> -> memref<2x5120xi32, #tpu.memory_space<vmem_shared>>
    %dma_wait3A_833 = arith.constant 0 : i32
    %dma_wait3A_834 = tpu.memref_slice %arg2[%dma_wait3A_833, %mul3A_750] : memref<2x3200000xi32, #tpu.memory_space<hbm>> -> memref<2x5120xi32, #tpu.memory_space<hbm>>
    tpu.wait_dma2 semaphore(%arg22 : memref<!tpu.dma_semaphore, #tpu.memory_space<semaphore_mem>>) src(%dma_wait3A_834 : memref<2x5120xi32, #tpu.memory_space<hbm>>) dst(%dma_wait3A_832 : memref<2x5120xi32, #tpu.memory_space<vmem_shared>>)
    %dma_start3A_835 = arith.constant 2 : i32
    %dma_start3A_836 = arith.constant 0 : i32
    %dma_start3A_837 = arith.constant 0 : i32
    %dma_start3A_838 = tpu.memref_slice %arg8[%arg1, %dma_start3A_835, %dma_start3A_836, %dma_start3A_837] : memref<16x3x2x5120xi32, #tpu.memory_space<vmem_shared>> -> memref<1x1x1x5120xi32, #tpu.memory_space<vmem_shared>>
    %dma_start3A_839 = tpu.memref_squeeze %dma_start3A_838 : memref<1x1x1x5120xi32, #tpu.memory_space<vmem_shared>> -> memref<5120xi32, #tpu.memory_space<vmem_shared>>
    %dma_start3A_840 = arith.constant 0 : i32
    %dma_start3A_841 = tpu.memref_slice %arg8[%arg1, %dma_start3A_835, %dma_start3A_836, %dma_start3A_840] : memref<16x3x2x5120xi32, #tpu.memory_space<vmem_shared>> -> memref<1x1x1x5120xi32, #tpu.memory_space<vmem_shared>>
    %dma_start3A_842 = tpu.memref_squeeze %dma_start3A_841 : memref<1x1x1x5120xi32, #tpu.memory_space<vmem_shared>> -> memref<5120xi32, #tpu.memory_space<vmem_shared>>
    tpu.enqueue_dma source(%dma_start3A_842 : memref<5120xi32, #tpu.memory_space<vmem_shared>>) target(%arg11 : memref<5120xi32, #tpu.memory_space<vmem>>) target_semaphore(%arg25 : memref<!tpu.dma_semaphore, #tpu.memory_space<semaphore_mem>>)
    %dma_start3A_843 = arith.constant 2 : i32
    %dma_start3A_844 = arith.constant 1 : i32
    %dma_start3A_845 = arith.constant 0 : i32
    %dma_start3A_846 = tpu.memref_slice %arg8[%arg1, %dma_start3A_843, %dma_start3A_844, %dma_start3A_845] : memref<16x3x2x5120xi32, #tpu.memory_space<vmem_shared>> -> memref<1x1x1x5120xi32, #tpu.memory_space<vmem_shared>>
    %dma_start3A_847 = tpu.memref_squeeze %dma_start3A_846 : memref<1x1x1x5120xi32, #tpu.memory_space<vmem_shared>> -> memref<5120xi32, #tpu.memory_space<vmem_shared>>
    %dma_start3A_848 = arith.constant 0 : i32
    %dma_start3A_849 = tpu.memref_slice %arg8[%arg1, %dma_start3A_843, %dma_start3A_844, %dma_start3A_848] : memref<16x3x2x5120xi32, #tpu.memory_space<vmem_shared>> -> memref<1x1x1x5120xi32, #tpu.memory_space<vmem_shared>>
    %dma_start3A_850 = tpu.memref_squeeze %dma_start3A_849 : memref<1x1x1x5120xi32, #tpu.memory_space<vmem_shared>> -> memref<5120xi32, #tpu.memory_space<vmem_shared>>
    tpu.enqueue_dma source(%dma_start3A_850 : memref<5120xi32, #tpu.memory_space<vmem_shared>>) target(%arg14 : memref<5120xi32, #tpu.memory_space<vmem>>) target_semaphore(%arg28 : memref<!tpu.dma_semaphore, #tpu.memory_space<semaphore_mem>>)
    %dma_wait3A_851 = arith.constant 0 : i32
    %dma_wait3A_852 = tpu.memref_slice %arg6[%dma_wait3A_851] : memref<102400xf32, #tpu.memory_space<vmem_shared>> -> memref<102400xf32, #tpu.memory_space<vmem_shared>>
    tpu.wait_indirect_dma semaphore(%arg30 : memref<!tpu.dma_semaphore, #tpu.memory_space<semaphore_mem>>) src(%dma_wait3A_852 : memref<102400xf32, #tpu.memory_space<vmem_shared>>) dst(%arg16 : memref<5120xf32, #tpu.memory_space<vmem>>)
    %dma_wait3A_853 = arith.constant 1 : i32
    %dma_wait3A_854 = arith.constant 1 : i32
    %dma_wait3A_855 = arith.constant 0 : i32
    %dma_wait3A_856 = tpu.memref_slice %arg8[%arg1, %dma_wait3A_853, %dma_wait3A_854, %dma_wait3A_855] : memref<16x3x2x5120xi32, #tpu.memory_space<vmem_shared>> -> memref<1x1x1x5120xi32, #tpu.memory_space<vmem_shared>>
    %dma_wait3A_857 = tpu.memref_squeeze %dma_wait3A_856 : memref<1x1x1x5120xi32, #tpu.memory_space<vmem_shared>> -> memref<5120xi32, #tpu.memory_space<vmem_shared>>
    %dma_wait3A_858 = arith.constant 0 : i32
    %dma_wait3A_859 = tpu.memref_slice %arg8[%arg1, %dma_wait3A_853, %dma_wait3A_854, %dma_wait3A_858] : memref<16x3x2x5120xi32, #tpu.memory_space<vmem_shared>> -> memref<1x1x1x5120xi32, #tpu.memory_space<vmem_shared>>
    %dma_wait3A_860 = tpu.memref_squeeze %dma_wait3A_859 : memref<1x1x1x5120xi32, #tpu.memory_space<vmem_shared>> -> memref<5120xi32, #tpu.memory_space<vmem_shared>>
    tpu.wait_dma2 semaphore(%arg27 : memref<!tpu.dma_semaphore, #tpu.memory_space<semaphore_mem>>) src(%dma_wait3A_860 : memref<5120xi32, #tpu.memory_space<vmem_shared>>) dst(%arg13 : memref<5120xi32, #tpu.memory_space<vmem>>)
    %dma_start3A_861 = arith.constant 0 : i32
    %dma_start3A_862 = tpu.memref_slice %arg7[%dma_start3A_861] : memref<102400xf32, #tpu.memory_space<vmem_shared>> -> memref<102400xf32, #tpu.memory_space<vmem_shared>>
    tpu.enqueue_indirect_dma source(%arg16 : memref<5120xf32, #tpu.memory_space<vmem>>) target(%dma_start3A_862 : memref<102400xf32, #tpu.memory_space<vmem_shared>>) offsets(%arg13 : memref<5120xi32, #tpu.memory_space<vmem>>) semaphore(%arg33 : memref<!tpu.dma_semaphore, #tpu.memory_space<semaphore_mem>>) {add = true}
    %add3A_863 = arith.constant 512 : i32
    %add3A_864 = arith.addi %add3A_863, %add3A : i32
    %mul3A_865 = arith.constant 5120 : i32
    %mul3A_866 = arith.muli %add3A_864, %mul3A_865 : i32
    %dma_start3A_867 = arith.constant 1 : i32
    %dma_start3A_868 = arith.constant 0 : i32
    %dma_start3A_869 = arith.constant 0 : i32
    %dma_start3A_870 = tpu.memref_slice %arg8[%arg1, %dma_start3A_867, %dma_start3A_868, %dma_start3A_869] : memref<16x3x2x5120xi32, #tpu.memory_space<vmem_shared>> -> memref<1x1x2x5120xi32, #tpu.memory_space<vmem_shared>>
    %dma_start3A_871 = tpu.memref_squeeze %dma_start3A_870 : memref<1x1x2x5120xi32, #tpu.memory_space<vmem_shared>> -> memref<2x5120xi32, #tpu.memory_space<vmem_shared>>
    %dma_start3A_872 = arith.constant 0 : i32
    %dma_start3A_873 = tpu.memref_slice %arg2[%dma_start3A_872, %mul3A_866] : memref<2x3200000xi32, #tpu.memory_space<hbm>> -> memref<2x5120xi32, #tpu.memory_space<hbm>>
    tpu.enqueue_dma source(%dma_start3A_873 : memref<2x5120xi32, #tpu.memory_space<hbm>>) target(%dma_start3A_871 : memref<2x5120xi32, #tpu.memory_space<vmem_shared>>) target_semaphore(%arg21 : memref<!tpu.dma_semaphore, #tpu.memory_space<semaphore_mem>>)
    %dma_wait3A_874 = arith.constant 2 : i32
    %dma_wait3A_875 = arith.constant 0 : i32
    %dma_wait3A_876 = arith.constant 0 : i32
    %dma_wait3A_877 = tpu.memref_slice %arg8[%arg1, %dma_wait3A_874, %dma_wait3A_875, %dma_wait3A_876] : memref<16x3x2x5120xi32, #tpu.memory_space<vmem_shared>> -> memref<1x1x1x5120xi32, #tpu.memory_space<vmem_shared>>
    %dma_wait3A_878 = tpu.memref_squeeze %dma_wait3A_877 : memref<1x1x1x5120xi32, #tpu.memory_space<vmem_shared>> -> memref<5120xi32, #tpu.memory_space<vmem_shared>>
    %dma_wait3A_879 = arith.constant 0 : i32
    %dma_wait3A_880 = tpu.memref_slice %arg8[%arg1, %dma_wait3A_874, %dma_wait3A_875, %dma_wait3A_879] : memref<16x3x2x5120xi32, #tpu.memory_space<vmem_shared>> -> memref<1x1x1x5120xi32, #tpu.memory_space<vmem_shared>>
    %dma_wait3A_881 = tpu.memref_squeeze %dma_wait3A_880 : memref<1x1x1x5120xi32, #tpu.memory_space<vmem_shared>> -> memref<5120xi32, #tpu.memory_space<vmem_shared>>
    tpu.wait_dma2 semaphore(%arg25 : memref<!tpu.dma_semaphore, #tpu.memory_space<semaphore_mem>>) src(%dma_wait3A_881 : memref<5120xi32, #tpu.memory_space<vmem_shared>>) dst(%arg11 : memref<5120xi32, #tpu.memory_space<vmem>>)
    %dma_start3A_882 = arith.constant 0 : i32
    %dma_start3A_883 = tpu.memref_slice %arg6[%dma_start3A_882] : memref<102400xf32, #tpu.memory_space<vmem_shared>> -> memref<102400xf32, #tpu.memory_space<vmem_shared>>
    tpu.enqueue_indirect_dma source(%dma_start3A_883 : memref<102400xf32, #tpu.memory_space<vmem_shared>>) target(%arg17 : memref<5120xf32, #tpu.memory_space<vmem>>) offsets(%arg11 : memref<5120xi32, #tpu.memory_space<vmem>>) semaphore(%arg31 : memref<!tpu.dma_semaphore, #tpu.memory_space<semaphore_mem>>)
    %dma_wait3A_884 = arith.constant 0 : i32
    %dma_wait3A_885 = tpu.memref_slice %arg7[%dma_wait3A_884] : memref<102400xf32, #tpu.memory_space<vmem_shared>> -> memref<102400xf32, #tpu.memory_space<vmem_shared>>
    tpu.wait_indirect_dma semaphore(%arg32 : memref<!tpu.dma_semaphore, #tpu.memory_space<semaphore_mem>>) src(%arg15 : memref<5120xf32, #tpu.memory_space<vmem>>) dst(%dma_wait3A_885 : memref<102400xf32, #tpu.memory_space<vmem_shared>>)
    %dma_wait3A_886 = arith.constant 0 : i32
    %dma_wait3A_887 = arith.constant 0 : i32
    %dma_wait3A_888 = arith.constant 0 : i32
    %dma_wait3A_889 = tpu.memref_slice %arg8[%arg1, %dma_wait3A_886, %dma_wait3A_887, %dma_wait3A_888] : memref<16x3x2x5120xi32, #tpu.memory_space<vmem_shared>> -> memref<1x1x2x5120xi32, #tpu.memory_space<vmem_shared>>
    %dma_wait3A_890 = tpu.memref_squeeze %dma_wait3A_889 : memref<1x1x2x5120xi32, #tpu.memory_space<vmem_shared>> -> memref<2x5120xi32, #tpu.memory_space<vmem_shared>>
    %dma_wait3A_891 = arith.constant 0 : i32
    %dma_wait3A_892 = tpu.memref_slice %arg2[%dma_wait3A_891, %mul3A_808] : memref<2x3200000xi32, #tpu.memory_space<hbm>> -> memref<2x5120xi32, #tpu.memory_space<hbm>>
    tpu.wait_dma2 semaphore(%arg20 : memref<!tpu.dma_semaphore, #tpu.memory_space<semaphore_mem>>) src(%dma_wait3A_892 : memref<2x5120xi32, #tpu.memory_space<hbm>>) dst(%dma_wait3A_890 : memref<2x5120xi32, #tpu.memory_space<vmem_shared>>)
    %dma_start3A_893 = arith.constant 0 : i32
    %dma_start3A_894 = arith.constant 0 : i32
    %dma_start3A_895 = arith.constant 0 : i32
    %dma_start3A_896 = tpu.memref_slice %arg8[%arg1, %dma_start3A_893, %dma_start3A_894, %dma_start3A_895] : memref<16x3x2x5120xi32, #tpu.memory_space<vmem_shared>> -> memref<1x1x1x5120xi32, #tpu.memory_space<vmem_shared>>
    %dma_start3A_897 = tpu.memref_squeeze %dma_start3A_896 : memref<1x1x1x5120xi32, #tpu.memory_space<vmem_shared>> -> memref<5120xi32, #tpu.memory_space<vmem_shared>>
    %dma_start3A_898 = arith.constant 0 : i32
    %dma_start3A_899 = tpu.memref_slice %arg8[%arg1, %dma_start3A_893, %dma_start3A_894, %dma_start3A_898] : memref<16x3x2x5120xi32, #tpu.memory_space<vmem_shared>> -> memref<1x1x1x5120xi32, #tpu.memory_space<vmem_shared>>
    %dma_start3A_900 = tpu.memref_squeeze %dma_start3A_899 : memref<1x1x1x5120xi32, #tpu.memory_space<vmem_shared>> -> memref<5120xi32, #tpu.memory_space<vmem_shared>>
    tpu.enqueue_dma source(%dma_start3A_900 : memref<5120xi32, #tpu.memory_space<vmem_shared>>) target(%arg9 : memref<5120xi32, #tpu.memory_space<vmem>>) target_semaphore(%arg23 : memref<!tpu.dma_semaphore, #tpu.memory_space<semaphore_mem>>)
    %dma_start3A_901 = arith.constant 0 : i32
    %dma_start3A_902 = arith.constant 1 : i32
    %dma_start3A_903 = arith.constant 0 : i32
    %dma_start3A_904 = tpu.memref_slice %arg8[%arg1, %dma_start3A_901, %dma_start3A_902, %dma_start3A_903] : memref<16x3x2x5120xi32, #tpu.memory_space<vmem_shared>> -> memref<1x1x1x5120xi32, #tpu.memory_space<vmem_shared>>
    %dma_start3A_905 = tpu.memref_squeeze %dma_start3A_904 : memref<1x1x1x5120xi32, #tpu.memory_space<vmem_shared>> -> memref<5120xi32, #tpu.memory_space<vmem_shared>>
    %dma_start3A_906 = arith.constant 0 : i32
    %dma_start3A_907 = tpu.memref_slice %arg8[%arg1, %dma_start3A_901, %dma_start3A_902, %dma_start3A_906] : memref<16x3x2x5120xi32, #tpu.memory_space<vmem_shared>> -> memref<1x1x1x5120xi32, #tpu.memory_space<vmem_shared>>
    %dma_start3A_908 = tpu.memref_squeeze %dma_start3A_907 : memref<1x1x1x5120xi32, #tpu.memory_space<vmem_shared>> -> memref<5120xi32, #tpu.memory_space<vmem_shared>>
    tpu.enqueue_dma source(%dma_start3A_908 : memref<5120xi32, #tpu.memory_space<vmem_shared>>) target(%arg12 : memref<5120xi32, #tpu.memory_space<vmem>>) target_semaphore(%arg26 : memref<!tpu.dma_semaphore, #tpu.memory_space<semaphore_mem>>)
    %dma_wait3A_909 = arith.constant 0 : i32
    %dma_wait3A_910 = tpu.memref_slice %arg6[%dma_wait3A_909] : memref<102400xf32, #tpu.memory_space<vmem_shared>> -> memref<102400xf32, #tpu.memory_space<vmem_shared>>
    tpu.wait_indirect_dma semaphore(%arg31 : memref<!tpu.dma_semaphore, #tpu.memory_space<semaphore_mem>>) src(%dma_wait3A_910 : memref<102400xf32, #tpu.memory_space<vmem_shared>>) dst(%arg17 : memref<5120xf32, #tpu.memory_space<vmem>>)
    %dma_wait3A_911 = arith.constant 2 : i32
    %dma_wait3A_912 = arith.constant 1 : i32
    %dma_wait3A_913 = arith.constant 0 : i32
    %dma_wait3A_914 = tpu.memref_slice %arg8[%arg1, %dma_wait3A_911, %dma_wait3A_912, %dma_wait3A_913] : memref<16x3x2x5120xi32, #tpu.memory_space<vmem_shared>> -> memref<1x1x1x5120xi32, #tpu.memory_space<vmem_shared>>
    %dma_wait3A_915 = tpu.memref_squeeze %dma_wait3A_914 : memref<1x1x1x5120xi32, #tpu.memory_space<vmem_shared>> -> memref<5120xi32, #tpu.memory_space<vmem_shared>>
    %dma_wait3A_916 = arith.constant 0 : i32
    %dma_wait3A_917 = tpu.memref_slice %arg8[%arg1, %dma_wait3A_911, %dma_wait3A_912, %dma_wait3A_916] : memref<16x3x2x5120xi32, #tpu.memory_space<vmem_shared>> -> memref<1x1x1x5120xi32, #tpu.memory_space<vmem_shared>>
    %dma_wait3A_918 = tpu.memref_squeeze %dma_wait3A_917 : memref<1x1x1x5120xi32, #tpu.memory_space<vmem_shared>> -> memref<5120xi32, #tpu.memory_space<vmem_shared>>
    tpu.wait_dma2 semaphore(%arg28 : memref<!tpu.dma_semaphore, #tpu.memory_space<semaphore_mem>>) src(%dma_wait3A_918 : memref<5120xi32, #tpu.memory_space<vmem_shared>>) dst(%arg14 : memref<5120xi32, #tpu.memory_space<vmem>>)
    %dma_start3A_919 = arith.constant 0 : i32
    %dma_start3A_920 = tpu.memref_slice %arg7[%dma_start3A_919] : memref<102400xf32, #tpu.memory_space<vmem_shared>> -> memref<102400xf32, #tpu.memory_space<vmem_shared>>
    tpu.enqueue_indirect_dma source(%arg17 : memref<5120xf32, #tpu.memory_space<vmem>>) target(%dma_start3A_920 : memref<102400xf32, #tpu.memory_space<vmem_shared>>) offsets(%arg14 : memref<5120xi32, #tpu.memory_space<vmem>>) semaphore(%arg34 : memref<!tpu.dma_semaphore, #tpu.memory_space<semaphore_mem>>) {add = true}
    %add3A_921 = arith.constant 544 : i32
    %add3A_922 = arith.addi %add3A_921, %add3A : i32
    %mul3A_923 = arith.constant 5120 : i32
    %mul3A_924 = arith.muli %add3A_922, %mul3A_923 : i32
    %dma_start3A_925 = arith.constant 2 : i32
    %dma_start3A_926 = arith.constant 0 : i32
    %dma_start3A_927 = arith.constant 0 : i32
    %dma_start3A_928 = tpu.memref_slice %arg8[%arg1, %dma_start3A_925, %dma_start3A_926, %dma_start3A_927] : memref<16x3x2x5120xi32, #tpu.memory_space<vmem_shared>> -> memref<1x1x2x5120xi32, #tpu.memory_space<vmem_shared>>
    %dma_start3A_929 = tpu.memref_squeeze %dma_start3A_928 : memref<1x1x2x5120xi32, #tpu.memory_space<vmem_shared>> -> memref<2x5120xi32, #tpu.memory_space<vmem_shared>>
    %dma_start3A_930 = arith.constant 0 : i32
    %dma_start3A_931 = tpu.memref_slice %arg2[%dma_start3A_930, %mul3A_924] : memref<2x3200000xi32, #tpu.memory_space<hbm>> -> memref<2x5120xi32, #tpu.memory_space<hbm>>
    tpu.enqueue_dma source(%dma_start3A_931 : memref<2x5120xi32, #tpu.memory_space<hbm>>) target(%dma_start3A_929 : memref<2x5120xi32, #tpu.memory_space<vmem_shared>>) target_semaphore(%arg22 : memref<!tpu.dma_semaphore, #tpu.memory_space<semaphore_mem>>)
    %dma_wait3A_932 = arith.constant 0 : i32
    %dma_wait3A_933 = arith.constant 0 : i32
    %dma_wait3A_934 = arith.constant 0 : i32
    %dma_wait3A_935 = tpu.memref_slice %arg8[%arg1, %dma_wait3A_932, %dma_wait3A_933, %dma_wait3A_934] : memref<16x3x2x5120xi32, #tpu.memory_space<vmem_shared>> -> memref<1x1x1x5120xi32, #tpu.memory_space<vmem_shared>>
    %dma_wait3A_936 = tpu.memref_squeeze %dma_wait3A_935 : memref<1x1x1x5120xi32, #tpu.memory_space<vmem_shared>> -> memref<5120xi32, #tpu.memory_space<vmem_shared>>
    %dma_wait3A_937 = arith.constant 0 : i32
    %dma_wait3A_938 = tpu.memref_slice %arg8[%arg1, %dma_wait3A_932, %dma_wait3A_933, %dma_wait3A_937] : memref<16x3x2x5120xi32, #tpu.memory_space<vmem_shared>> -> memref<1x1x1x5120xi32, #tpu.memory_space<vmem_shared>>
    %dma_wait3A_939 = tpu.memref_squeeze %dma_wait3A_938 : memref<1x1x1x5120xi32, #tpu.memory_space<vmem_shared>> -> memref<5120xi32, #tpu.memory_space<vmem_shared>>
    tpu.wait_dma2 semaphore(%arg23 : memref<!tpu.dma_semaphore, #tpu.memory_space<semaphore_mem>>) src(%dma_wait3A_939 : memref<5120xi32, #tpu.memory_space<vmem_shared>>) dst(%arg9 : memref<5120xi32, #tpu.memory_space<vmem>>)
    %dma_start3A_940 = arith.constant 0 : i32
    %dma_start3A_941 = tpu.memref_slice %arg6[%dma_start3A_940] : memref<102400xf32, #tpu.memory_space<vmem_shared>> -> memref<102400xf32, #tpu.memory_space<vmem_shared>>
    tpu.enqueue_indirect_dma source(%dma_start3A_941 : memref<102400xf32, #tpu.memory_space<vmem_shared>>) target(%arg15 : memref<5120xf32, #tpu.memory_space<vmem>>) offsets(%arg9 : memref<5120xi32, #tpu.memory_space<vmem>>) semaphore(%arg29 : memref<!tpu.dma_semaphore, #tpu.memory_space<semaphore_mem>>)
    %dma_wait3A_942 = arith.constant 0 : i32
    %dma_wait3A_943 = tpu.memref_slice %arg7[%dma_wait3A_942] : memref<102400xf32, #tpu.memory_space<vmem_shared>> -> memref<102400xf32, #tpu.memory_space<vmem_shared>>
    tpu.wait_indirect_dma semaphore(%arg33 : memref<!tpu.dma_semaphore, #tpu.memory_space<semaphore_mem>>) src(%arg16 : memref<5120xf32, #tpu.memory_space<vmem>>) dst(%dma_wait3A_943 : memref<102400xf32, #tpu.memory_space<vmem_shared>>)
    %dma_wait3A_944 = arith.constant 1 : i32
    %dma_wait3A_945 = arith.constant 0 : i32
    %dma_wait3A_946 = arith.constant 0 : i32
    %dma_wait3A_947 = tpu.memref_slice %arg8[%arg1, %dma_wait3A_944, %dma_wait3A_945, %dma_wait3A_946] : memref<16x3x2x5120xi32, #tpu.memory_space<vmem_shared>> -> memref<1x1x2x5120xi32, #tpu.memory_space<vmem_shared>>
    %dma_wait3A_948 = tpu.memref_squeeze %dma_wait3A_947 : memref<1x1x2x5120xi32, #tpu.memory_space<vmem_shared>> -> memref<2x5120xi32, #tpu.memory_space<vmem_shared>>
    %dma_wait3A_949 = arith.constant 0 : i32
    %dma_wait3A_950 = tpu.memref_slice %arg2[%dma_wait3A_949, %mul3A_866] : memref<2x3200000xi32, #tpu.memory_space<hbm>> -> memref<2x5120xi32, #tpu.memory_space<hbm>>
    tpu.wait_dma2 semaphore(%arg21 : memref<!tpu.dma_semaphore, #tpu.memory_space<semaphore_mem>>) src(%dma_wait3A_950 : memref<2x5120xi32, #tpu.memory_space<hbm>>) dst(%dma_wait3A_948 : memref<2x5120xi32, #tpu.memory_space<vmem_shared>>)
    %dma_start3A_951 = arith.constant 1 : i32
    %dma_start3A_952 = arith.constant 0 : i32
    %dma_start3A_953 = arith.constant 0 : i32
    %dma_start3A_954 = tpu.memref_slice %arg8[%arg1, %dma_start3A_951, %dma_start3A_952, %dma_start3A_953] : memref<16x3x2x5120xi32, #tpu.memory_space<vmem_shared>> -> memref<1x1x1x5120xi32, #tpu.memory_space<vmem_shared>>
    %dma_start3A_955 = tpu.memref_squeeze %dma_start3A_954 : memref<1x1x1x5120xi32, #tpu.memory_space<vmem_shared>> -> memref<5120xi32, #tpu.memory_space<vmem_shared>>
    %dma_start3A_956 = arith.constant 0 : i32
    %dma_start3A_957 = tpu.memref_slice %arg8[%arg1, %dma_start3A_951, %dma_start3A_952, %dma_start3A_956] : memref<16x3x2x5120xi32, #tpu.memory_space<vmem_shared>> -> memref<1x1x1x5120xi32, #tpu.memory_space<vmem_shared>>
    %dma_start3A_958 = tpu.memref_squeeze %dma_start3A_957 : memref<1x1x1x5120xi32, #tpu.memory_space<vmem_shared>> -> memref<5120xi32, #tpu.memory_space<vmem_shared>>
    tpu.enqueue_dma source(%dma_start3A_958 : memref<5120xi32, #tpu.memory_space<vmem_shared>>) target(%arg10 : memref<5120xi32, #tpu.memory_space<vmem>>) target_semaphore(%arg24 : memref<!tpu.dma_semaphore, #tpu.memory_space<semaphore_mem>>)
    %dma_start3A_959 = arith.constant 1 : i32
    %dma_start3A_960 = arith.constant 1 : i32
    %dma_start3A_961 = arith.constant 0 : i32
    %dma_start3A_962 = tpu.memref_slice %arg8[%arg1, %dma_start3A_959, %dma_start3A_960, %dma_start3A_961] : memref<16x3x2x5120xi32, #tpu.memory_space<vmem_shared>> -> memref<1x1x1x5120xi32, #tpu.memory_space<vmem_shared>>
    %dma_start3A_963 = tpu.memref_squeeze %dma_start3A_962 : memref<1x1x1x5120xi32, #tpu.memory_space<vmem_shared>> -> memref<5120xi32, #tpu.memory_space<vmem_shared>>
    %dma_start3A_964 = arith.constant 0 : i32
    %dma_start3A_965 = tpu.memref_slice %arg8[%arg1, %dma_start3A_959, %dma_start3A_960, %dma_start3A_964] : memref<16x3x2x5120xi32, #tpu.memory_space<vmem_shared>> -> memref<1x1x1x5120xi32, #tpu.memory_space<vmem_shared>>
    %dma_start3A_966 = tpu.memref_squeeze %dma_start3A_965 : memref<1x1x1x5120xi32, #tpu.memory_space<vmem_shared>> -> memref<5120xi32, #tpu.memory_space<vmem_shared>>
    tpu.enqueue_dma source(%dma_start3A_966 : memref<5120xi32, #tpu.memory_space<vmem_shared>>) target(%arg13 : memref<5120xi32, #tpu.memory_space<vmem>>) target_semaphore(%arg27 : memref<!tpu.dma_semaphore, #tpu.memory_space<semaphore_mem>>)
    %dma_wait3A_967 = arith.constant 0 : i32
    %dma_wait3A_968 = tpu.memref_slice %arg6[%dma_wait3A_967] : memref<102400xf32, #tpu.memory_space<vmem_shared>> -> memref<102400xf32, #tpu.memory_space<vmem_shared>>
    tpu.wait_indirect_dma semaphore(%arg29 : memref<!tpu.dma_semaphore, #tpu.memory_space<semaphore_mem>>) src(%dma_wait3A_968 : memref<102400xf32, #tpu.memory_space<vmem_shared>>) dst(%arg15 : memref<5120xf32, #tpu.memory_space<vmem>>)
    %dma_wait3A_969 = arith.constant 0 : i32
    %dma_wait3A_970 = arith.constant 1 : i32
    %dma_wait3A_971 = arith.constant 0 : i32
    %dma_wait3A_972 = tpu.memref_slice %arg8[%arg1, %dma_wait3A_969, %dma_wait3A_970, %dma_wait3A_971] : memref<16x3x2x5120xi32, #tpu.memory_space<vmem_shared>> -> memref<1x1x1x5120xi32, #tpu.memory_space<vmem_shared>>
    %dma_wait3A_973 = tpu.memref_squeeze %dma_wait3A_972 : memref<1x1x1x5120xi32, #tpu.memory_space<vmem_shared>> -> memref<5120xi32, #tpu.memory_space<vmem_shared>>
    %dma_wait3A_974 = arith.constant 0 : i32
    %dma_wait3A_975 = tpu.memref_slice %arg8[%arg1, %dma_wait3A_969, %dma_wait3A_970, %dma_wait3A_974] : memref<16x3x2x5120xi32, #tpu.memory_space<vmem_shared>> -> memref<1x1x1x5120xi32, #tpu.memory_space<vmem_shared>>
    %dma_wait3A_976 = tpu.memref_squeeze %dma_wait3A_975 : memref<1x1x1x5120xi32, #tpu.memory_space<vmem_shared>> -> memref<5120xi32, #tpu.memory_space<vmem_shared>>
    tpu.wait_dma2 semaphore(%arg26 : memref<!tpu.dma_semaphore, #tpu.memory_space<semaphore_mem>>) src(%dma_wait3A_976 : memref<5120xi32, #tpu.memory_space<vmem_shared>>) dst(%arg12 : memref<5120xi32, #tpu.memory_space<vmem>>)
    %dma_start3A_977 = arith.constant 0 : i32
    %dma_start3A_978 = tpu.memref_slice %arg7[%dma_start3A_977] : memref<102400xf32, #tpu.memory_space<vmem_shared>> -> memref<102400xf32, #tpu.memory_space<vmem_shared>>
    tpu.enqueue_indirect_dma source(%arg15 : memref<5120xf32, #tpu.memory_space<vmem>>) target(%dma_start3A_978 : memref<102400xf32, #tpu.memory_space<vmem_shared>>) offsets(%arg12 : memref<5120xi32, #tpu.memory_space<vmem>>) semaphore(%arg32 : memref<!tpu.dma_semaphore, #tpu.memory_space<semaphore_mem>>) {add = true}
    %add3A_979 = arith.constant 576 : i32
    %add3A_980 = arith.addi %add3A_979, %add3A : i32
    %mul3A_981 = arith.constant 5120 : i32
    %mul3A_982 = arith.muli %add3A_980, %mul3A_981 : i32
    %dma_start3A_983 = arith.constant 0 : i32
    %dma_start3A_984 = arith.constant 0 : i32
    %dma_start3A_985 = arith.constant 0 : i32
    %dma_start3A_986 = tpu.memref_slice %arg8[%arg1, %dma_start3A_983, %dma_start3A_984, %dma_start3A_985] : memref<16x3x2x5120xi32, #tpu.memory_space<vmem_shared>> -> memref<1x1x2x5120xi32, #tpu.memory_space<vmem_shared>>
    %dma_start3A_987 = tpu.memref_squeeze %dma_start3A_986 : memref<1x1x2x5120xi32, #tpu.memory_space<vmem_shared>> -> memref<2x5120xi32, #tpu.memory_space<vmem_shared>>
    %dma_start3A_988 = arith.constant 0 : i32
    %dma_start3A_989 = tpu.memref_slice %arg2[%dma_start3A_988, %mul3A_982] : memref<2x3200000xi32, #tpu.memory_space<hbm>> -> memref<2x5120xi32, #tpu.memory_space<hbm>>
    tpu.enqueue_dma source(%dma_start3A_989 : memref<2x5120xi32, #tpu.memory_space<hbm>>) target(%dma_start3A_987 : memref<2x5120xi32, #tpu.memory_space<vmem_shared>>) target_semaphore(%arg20 : memref<!tpu.dma_semaphore, #tpu.memory_space<semaphore_mem>>)
    %dma_wait3A_990 = arith.constant 1 : i32
    %dma_wait3A_991 = arith.constant 0 : i32
    %dma_wait3A_992 = arith.constant 0 : i32
    %dma_wait3A_993 = tpu.memref_slice %arg8[%arg1, %dma_wait3A_990, %dma_wait3A_991, %dma_wait3A_992] : memref<16x3x2x5120xi32, #tpu.memory_space<vmem_shared>> -> memref<1x1x1x5120xi32, #tpu.memory_space<vmem_shared>>
    %dma_wait3A_994 = tpu.memref_squeeze %dma_wait3A_993 : memref<1x1x1x5120xi32, #tpu.memory_space<vmem_shared>> -> memref<5120xi32, #tpu.memory_space<vmem_shared>>
    %dma_wait3A_995 = arith.constant 0 : i32
    %dma_wait3A_996 = tpu.memref_slice %arg8[%arg1, %dma_wait3A_990, %dma_wait3A_991, %dma_wait3A_995] : memref<16x3x2x5120xi32, #tpu.memory_space<vmem_shared>> -> memref<1x1x1x5120xi32, #tpu.memory_space<vmem_shared>>
    %dma_wait3A_997 = tpu.memref_squeeze %dma_wait3A_996 : memref<1x1x1x5120xi32, #tpu.memory_space<vmem_shared>> -> memref<5120xi32, #tpu.memory_space<vmem_shared>>
    tpu.wait_dma2 semaphore(%arg24 : memref<!tpu.dma_semaphore, #tpu.memory_space<semaphore_mem>>) src(%dma_wait3A_997 : memref<5120xi32, #tpu.memory_space<vmem_shared>>) dst(%arg10 : memref<5120xi32, #tpu.memory_space<vmem>>)
    %dma_start3A_998 = arith.constant 0 : i32
    %dma_start3A_999 = tpu.memref_slice %arg6[%dma_start3A_998] : memref<102400xf32, #tpu.memory_space<vmem_shared>> -> memref<102400xf32, #tpu.memory_space<vmem_shared>>
    tpu.enqueue_indirect_dma source(%dma_start3A_999 : memref<102400xf32, #tpu.memory_space<vmem_shared>>) target(%arg16 : memref<5120xf32, #tpu.memory_space<vmem>>) offsets(%arg10 : memref<5120xi32, #tpu.memory_space<vmem>>) semaphore(%arg30 : memref<!tpu.dma_semaphore, #tpu.memory_space<semaphore_mem>>)
    %dma_wait3A_1000 = arith.constant 0 : i32
    %dma_wait3A_1001 = tpu.memref_slice %arg7[%dma_wait3A_1000] : memref<102400xf32, #tpu.memory_space<vmem_shared>> -> memref<102400xf32, #tpu.memory_space<vmem_shared>>
    tpu.wait_indirect_dma semaphore(%arg34 : memref<!tpu.dma_semaphore, #tpu.memory_space<semaphore_mem>>) src(%arg17 : memref<5120xf32, #tpu.memory_space<vmem>>) dst(%dma_wait3A_1001 : memref<102400xf32, #tpu.memory_space<vmem_shared>>)
    %dma_wait3A_1002 = arith.constant 2 : i32
    %dma_wait3A_1003 = arith.constant 0 : i32
    %dma_wait3A_1004 = arith.constant 0 : i32
    %dma_wait3A_1005 = tpu.memref_slice %arg8[%arg1, %dma_wait3A_1002, %dma_wait3A_1003, %dma_wait3A_1004] : memref<16x3x2x5120xi32, #tpu.memory_space<vmem_shared>> -> memref<1x1x2x5120xi32, #tpu.memory_space<vmem_shared>>
    %dma_wait3A_1006 = tpu.memref_squeeze %dma_wait3A_1005 : memref<1x1x2x5120xi32, #tpu.memory_space<vmem_shared>> -> memref<2x5120xi32, #tpu.memory_space<vmem_shared>>
    %dma_wait3A_1007 = arith.constant 0 : i32
    %dma_wait3A_1008 = tpu.memref_slice %arg2[%dma_wait3A_1007, %mul3A_924] : memref<2x3200000xi32, #tpu.memory_space<hbm>> -> memref<2x5120xi32, #tpu.memory_space<hbm>>
    tpu.wait_dma2 semaphore(%arg22 : memref<!tpu.dma_semaphore, #tpu.memory_space<semaphore_mem>>) src(%dma_wait3A_1008 : memref<2x5120xi32, #tpu.memory_space<hbm>>) dst(%dma_wait3A_1006 : memref<2x5120xi32, #tpu.memory_space<vmem_shared>>)
    %dma_start3A_1009 = arith.constant 2 : i32
    %dma_start3A_1010 = arith.constant 0 : i32
    %dma_start3A_1011 = arith.constant 0 : i32
    %dma_start3A_1012 = tpu.memref_slice %arg8[%arg1, %dma_start3A_1009, %dma_start3A_1010, %dma_start3A_1011] : memref<16x3x2x5120xi32, #tpu.memory_space<vmem_shared>> -> memref<1x1x1x5120xi32, #tpu.memory_space<vmem_shared>>
    %dma_start3A_1013 = tpu.memref_squeeze %dma_start3A_1012 : memref<1x1x1x5120xi32, #tpu.memory_space<vmem_shared>> -> memref<5120xi32, #tpu.memory_space<vmem_shared>>
    %dma_start3A_1014 = arith.constant 0 : i32
    %dma_start3A_1015 = tpu.memref_slice %arg8[%arg1, %dma_start3A_1009, %dma_start3A_1010, %dma_start3A_1014] : memref<16x3x2x5120xi32, #tpu.memory_space<vmem_shared>> -> memref<1x1x1x5120xi32, #tpu.memory_space<vmem_shared>>
    %dma_start3A_1016 = tpu.memref_squeeze %dma_start3A_1015 : memref<1x1x1x5120xi32, #tpu.memory_space<vmem_shared>> -> memref<5120xi32, #tpu.memory_space<vmem_shared>>
    tpu.enqueue_dma source(%dma_start3A_1016 : memref<5120xi32, #tpu.memory_space<vmem_shared>>) target(%arg11 : memref<5120xi32, #tpu.memory_space<vmem>>) target_semaphore(%arg25 : memref<!tpu.dma_semaphore, #tpu.memory_space<semaphore_mem>>)
    %dma_start3A_1017 = arith.constant 2 : i32
    %dma_start3A_1018 = arith.constant 1 : i32
    %dma_start3A_1019 = arith.constant 0 : i32
    %dma_start3A_1020 = tpu.memref_slice %arg8[%arg1, %dma_start3A_1017, %dma_start3A_1018, %dma_start3A_1019] : memref<16x3x2x5120xi32, #tpu.memory_space<vmem_shared>> -> memref<1x1x1x5120xi32, #tpu.memory_space<vmem_shared>>
    %dma_start3A_1021 = tpu.memref_squeeze %dma_start3A_1020 : memref<1x1x1x5120xi32, #tpu.memory_space<vmem_shared>> -> memref<5120xi32, #tpu.memory_space<vmem_shared>>
    %dma_start3A_1022 = arith.constant 0 : i32
    %dma_start3A_1023 = tpu.memref_slice %arg8[%arg1, %dma_start3A_1017, %dma_start3A_1018, %dma_start3A_1022] : memref<16x3x2x5120xi32, #tpu.memory_space<vmem_shared>> -> memref<1x1x1x5120xi32, #tpu.memory_space<vmem_shared>>
    %dma_start3A_1024 = tpu.memref_squeeze %dma_start3A_1023 : memref<1x1x1x5120xi32, #tpu.memory_space<vmem_shared>> -> memref<5120xi32, #tpu.memory_space<vmem_shared>>
    tpu.enqueue_dma source(%dma_start3A_1024 : memref<5120xi32, #tpu.memory_space<vmem_shared>>) target(%arg14 : memref<5120xi32, #tpu.memory_space<vmem>>) target_semaphore(%arg28 : memref<!tpu.dma_semaphore, #tpu.memory_space<semaphore_mem>>)
    %dma_wait3A_1025 = arith.constant 0 : i32
    %dma_wait3A_1026 = tpu.memref_slice %arg6[%dma_wait3A_1025] : memref<102400xf32, #tpu.memory_space<vmem_shared>> -> memref<102400xf32, #tpu.memory_space<vmem_shared>>
    tpu.wait_indirect_dma semaphore(%arg30 : memref<!tpu.dma_semaphore, #tpu.memory_space<semaphore_mem>>) src(%dma_wait3A_1026 : memref<102400xf32, #tpu.memory_space<vmem_shared>>) dst(%arg16 : memref<5120xf32, #tpu.memory_space<vmem>>)
    %dma_wait3A_1027 = arith.constant 1 : i32
    %dma_wait3A_1028 = arith.constant 1 : i32
    %dma_wait3A_1029 = arith.constant 0 : i32
    %dma_wait3A_1030 = tpu.memref_slice %arg8[%arg1, %dma_wait3A_1027, %dma_wait3A_1028, %dma_wait3A_1029] : memref<16x3x2x5120xi32, #tpu.memory_space<vmem_shared>> -> memref<1x1x1x5120xi32, #tpu.memory_space<vmem_shared>>
    %dma_wait3A_1031 = tpu.memref_squeeze %dma_wait3A_1030 : memref<1x1x1x5120xi32, #tpu.memory_space<vmem_shared>> -> memref<5120xi32, #tpu.memory_space<vmem_shared>>
    %dma_wait3A_1032 = arith.constant 0 : i32
    %dma_wait3A_1033 = tpu.memref_slice %arg8[%arg1, %dma_wait3A_1027, %dma_wait3A_1028, %dma_wait3A_1032] : memref<16x3x2x5120xi32, #tpu.memory_space<vmem_shared>> -> memref<1x1x1x5120xi32, #tpu.memory_space<vmem_shared>>
    %dma_wait3A_1034 = tpu.memref_squeeze %dma_wait3A_1033 : memref<1x1x1x5120xi32, #tpu.memory_space<vmem_shared>> -> memref<5120xi32, #tpu.memory_space<vmem_shared>>
    tpu.wait_dma2 semaphore(%arg27 : memref<!tpu.dma_semaphore, #tpu.memory_space<semaphore_mem>>) src(%dma_wait3A_1034 : memref<5120xi32, #tpu.memory_space<vmem_shared>>) dst(%arg13 : memref<5120xi32, #tpu.memory_space<vmem>>)
    %dma_start3A_1035 = arith.constant 0 : i32
    %dma_start3A_1036 = tpu.memref_slice %arg7[%dma_start3A_1035] : memref<102400xf32, #tpu.memory_space<vmem_shared>> -> memref<102400xf32, #tpu.memory_space<vmem_shared>>
    tpu.enqueue_indirect_dma source(%arg16 : memref<5120xf32, #tpu.memory_space<vmem>>) target(%dma_start3A_1036 : memref<102400xf32, #tpu.memory_space<vmem_shared>>) offsets(%arg13 : memref<5120xi32, #tpu.memory_space<vmem>>) semaphore(%arg33 : memref<!tpu.dma_semaphore, #tpu.memory_space<semaphore_mem>>) {add = true}
    %dma_wait3A_1037 = arith.constant 2 : i32
    %dma_wait3A_1038 = arith.constant 0 : i32
    %dma_wait3A_1039 = arith.constant 0 : i32
    %dma_wait3A_1040 = tpu.memref_slice %arg8[%arg1, %dma_wait3A_1037, %dma_wait3A_1038, %dma_wait3A_1039] : memref<16x3x2x5120xi32, #tpu.memory_space<vmem_shared>> -> memref<1x1x1x5120xi32, #tpu.memory_space<vmem_shared>>
    %dma_wait3A_1041 = tpu.memref_squeeze %dma_wait3A_1040 : memref<1x1x1x5120xi32, #tpu.memory_space<vmem_shared>> -> memref<5120xi32, #tpu.memory_space<vmem_shared>>
    %dma_wait3A_1042 = arith.constant 0 : i32
    %dma_wait3A_1043 = tpu.memref_slice %arg8[%arg1, %dma_wait3A_1037, %dma_wait3A_1038, %dma_wait3A_1042] : memref<16x3x2x5120xi32, #tpu.memory_space<vmem_shared>> -> memref<1x1x1x5120xi32, #tpu.memory_space<vmem_shared>>
    %dma_wait3A_1044 = tpu.memref_squeeze %dma_wait3A_1043 : memref<1x1x1x5120xi32, #tpu.memory_space<vmem_shared>> -> memref<5120xi32, #tpu.memory_space<vmem_shared>>
    tpu.wait_dma2 semaphore(%arg25 : memref<!tpu.dma_semaphore, #tpu.memory_space<semaphore_mem>>) src(%dma_wait3A_1044 : memref<5120xi32, #tpu.memory_space<vmem_shared>>) dst(%arg11 : memref<5120xi32, #tpu.memory_space<vmem>>)
    %dma_start3A_1045 = arith.constant 0 : i32
    %dma_start3A_1046 = tpu.memref_slice %arg6[%dma_start3A_1045] : memref<102400xf32, #tpu.memory_space<vmem_shared>> -> memref<102400xf32, #tpu.memory_space<vmem_shared>>
    tpu.enqueue_indirect_dma source(%dma_start3A_1046 : memref<102400xf32, #tpu.memory_space<vmem_shared>>) target(%arg17 : memref<5120xf32, #tpu.memory_space<vmem>>) offsets(%arg11 : memref<5120xi32, #tpu.memory_space<vmem>>) semaphore(%arg31 : memref<!tpu.dma_semaphore, #tpu.memory_space<semaphore_mem>>)
    %dma_wait3A_1047 = arith.constant 0 : i32
    %dma_wait3A_1048 = tpu.memref_slice %arg7[%dma_wait3A_1047] : memref<102400xf32, #tpu.memory_space<vmem_shared>> -> memref<102400xf32, #tpu.memory_space<vmem_shared>>
    tpu.wait_indirect_dma semaphore(%arg32 : memref<!tpu.dma_semaphore, #tpu.memory_space<semaphore_mem>>) src(%arg15 : memref<5120xf32, #tpu.memory_space<vmem>>) dst(%dma_wait3A_1048 : memref<102400xf32, #tpu.memory_space<vmem_shared>>)
    %dma_wait3A_1049 = arith.constant 0 : i32
    %dma_wait3A_1050 = arith.constant 0 : i32
    %dma_wait3A_1051 = arith.constant 0 : i32
    %dma_wait3A_1052 = tpu.memref_slice %arg8[%arg1, %dma_wait3A_1049, %dma_wait3A_1050, %dma_wait3A_1051] : memref<16x3x2x5120xi32, #tpu.memory_space<vmem_shared>> -> memref<1x1x2x5120xi32, #tpu.memory_space<vmem_shared>>
    %dma_wait3A_1053 = tpu.memref_squeeze %dma_wait3A_1052 : memref<1x1x2x5120xi32, #tpu.memory_space<vmem_shared>> -> memref<2x5120xi32, #tpu.memory_space<vmem_shared>>
    %dma_wait3A_1054 = arith.constant 0 : i32
    %dma_wait3A_1055 = tpu.memref_slice %arg2[%dma_wait3A_1054, %mul3A_982] : memref<2x3200000xi32, #tpu.memory_space<hbm>> -> memref<2x5120xi32, #tpu.memory_space<hbm>>
    tpu.wait_dma2 semaphore(%arg20 : memref<!tpu.dma_semaphore, #tpu.memory_space<semaphore_mem>>) src(%dma_wait3A_1055 : memref<2x5120xi32, #tpu.memory_space<hbm>>) dst(%dma_wait3A_1053 : memref<2x5120xi32, #tpu.memory_space<vmem_shared>>)
    %dma_start3A_1056 = arith.constant 0 : i32
    %dma_start3A_1057 = arith.constant 0 : i32
    %dma_start3A_1058 = arith.constant 0 : i32
    %dma_start3A_1059 = tpu.memref_slice %arg8[%arg1, %dma_start3A_1056, %dma_start3A_1057, %dma_start3A_1058] : memref<16x3x2x5120xi32, #tpu.memory_space<vmem_shared>> -> memref<1x1x1x5120xi32, #tpu.memory_space<vmem_shared>>
    %dma_start3A_1060 = tpu.memref_squeeze %dma_start3A_1059 : memref<1x1x1x5120xi32, #tpu.memory_space<vmem_shared>> -> memref<5120xi32, #tpu.memory_space<vmem_shared>>
    %dma_start3A_1061 = arith.constant 0 : i32
    %dma_start3A_1062 = tpu.memref_slice %arg8[%arg1, %dma_start3A_1056, %dma_start3A_1057, %dma_start3A_1061] : memref<16x3x2x5120xi32, #tpu.memory_space<vmem_shared>> -> memref<1x1x1x5120xi32, #tpu.memory_space<vmem_shared>>
    %dma_start3A_1063 = tpu.memref_squeeze %dma_start3A_1062 : memref<1x1x1x5120xi32, #tpu.memory_space<vmem_shared>> -> memref<5120xi32, #tpu.memory_space<vmem_shared>>
    tpu.enqueue_dma source(%dma_start3A_1063 : memref<5120xi32, #tpu.memory_space<vmem_shared>>) target(%arg9 : memref<5120xi32, #tpu.memory_space<vmem>>) target_semaphore(%arg23 : memref<!tpu.dma_semaphore, #tpu.memory_space<semaphore_mem>>)
    %dma_start3A_1064 = arith.constant 0 : i32
    %dma_start3A_1065 = arith.constant 1 : i32
    %dma_start3A_1066 = arith.constant 0 : i32
    %dma_start3A_1067 = tpu.memref_slice %arg8[%arg1, %dma_start3A_1064, %dma_start3A_1065, %dma_start3A_1066] : memref<16x3x2x5120xi32, #tpu.memory_space<vmem_shared>> -> memref<1x1x1x5120xi32, #tpu.memory_space<vmem_shared>>
    %dma_start3A_1068 = tpu.memref_squeeze %dma_start3A_1067 : memref<1x1x1x5120xi32, #tpu.memory_space<vmem_shared>> -> memref<5120xi32, #tpu.memory_space<vmem_shared>>
    %dma_start3A_1069 = arith.constant 0 : i32
    %dma_start3A_1070 = tpu.memref_slice %arg8[%arg1, %dma_start3A_1064, %dma_start3A_1065, %dma_start3A_1069] : memref<16x3x2x5120xi32, #tpu.memory_space<vmem_shared>> -> memref<1x1x1x5120xi32, #tpu.memory_space<vmem_shared>>
    %dma_start3A_1071 = tpu.memref_squeeze %dma_start3A_1070 : memref<1x1x1x5120xi32, #tpu.memory_space<vmem_shared>> -> memref<5120xi32, #tpu.memory_space<vmem_shared>>
    tpu.enqueue_dma source(%dma_start3A_1071 : memref<5120xi32, #tpu.memory_space<vmem_shared>>) target(%arg12 : memref<5120xi32, #tpu.memory_space<vmem>>) target_semaphore(%arg26 : memref<!tpu.dma_semaphore, #tpu.memory_space<semaphore_mem>>)
    %dma_wait3A_1072 = arith.constant 0 : i32
    %dma_wait3A_1073 = tpu.memref_slice %arg6[%dma_wait3A_1072] : memref<102400xf32, #tpu.memory_space<vmem_shared>> -> memref<102400xf32, #tpu.memory_space<vmem_shared>>
    tpu.wait_indirect_dma semaphore(%arg31 : memref<!tpu.dma_semaphore, #tpu.memory_space<semaphore_mem>>) src(%dma_wait3A_1073 : memref<102400xf32, #tpu.memory_space<vmem_shared>>) dst(%arg17 : memref<5120xf32, #tpu.memory_space<vmem>>)
    %dma_wait3A_1074 = arith.constant 2 : i32
    %dma_wait3A_1075 = arith.constant 1 : i32
    %dma_wait3A_1076 = arith.constant 0 : i32
    %dma_wait3A_1077 = tpu.memref_slice %arg8[%arg1, %dma_wait3A_1074, %dma_wait3A_1075, %dma_wait3A_1076] : memref<16x3x2x5120xi32, #tpu.memory_space<vmem_shared>> -> memref<1x1x1x5120xi32, #tpu.memory_space<vmem_shared>>
    %dma_wait3A_1078 = tpu.memref_squeeze %dma_wait3A_1077 : memref<1x1x1x5120xi32, #tpu.memory_space<vmem_shared>> -> memref<5120xi32, #tpu.memory_space<vmem_shared>>
    %dma_wait3A_1079 = arith.constant 0 : i32
    %dma_wait3A_1080 = tpu.memref_slice %arg8[%arg1, %dma_wait3A_1074, %dma_wait3A_1075, %dma_wait3A_1079] : memref<16x3x2x5120xi32, #tpu.memory_space<vmem_shared>> -> memref<1x1x1x5120xi32, #tpu.memory_space<vmem_shared>>
    %dma_wait3A_1081 = tpu.memref_squeeze %dma_wait3A_1080 : memref<1x1x1x5120xi32, #tpu.memory_space<vmem_shared>> -> memref<5120xi32, #tpu.memory_space<vmem_shared>>
    tpu.wait_dma2 semaphore(%arg28 : memref<!tpu.dma_semaphore, #tpu.memory_space<semaphore_mem>>) src(%dma_wait3A_1081 : memref<5120xi32, #tpu.memory_space<vmem_shared>>) dst(%arg14 : memref<5120xi32, #tpu.memory_space<vmem>>)
    %dma_start3A_1082 = arith.constant 0 : i32
    %dma_start3A_1083 = tpu.memref_slice %arg7[%dma_start3A_1082] : memref<102400xf32, #tpu.memory_space<vmem_shared>> -> memref<102400xf32, #tpu.memory_space<vmem_shared>>
    tpu.enqueue_indirect_dma source(%arg17 : memref<5120xf32, #tpu.memory_space<vmem>>) target(%dma_start3A_1083 : memref<102400xf32, #tpu.memory_space<vmem_shared>>) offsets(%arg14 : memref<5120xi32, #tpu.memory_space<vmem>>) semaphore(%arg34 : memref<!tpu.dma_semaphore, #tpu.memory_space<semaphore_mem>>) {add = true}
    %dma_wait3A_1084 = arith.constant 0 : i32
    %dma_wait3A_1085 = arith.constant 0 : i32
    %dma_wait3A_1086 = arith.constant 0 : i32
    %dma_wait3A_1087 = tpu.memref_slice %arg8[%arg1, %dma_wait3A_1084, %dma_wait3A_1085, %dma_wait3A_1086] : memref<16x3x2x5120xi32, #tpu.memory_space<vmem_shared>> -> memref<1x1x1x5120xi32, #tpu.memory_space<vmem_shared>>
    %dma_wait3A_1088 = tpu.memref_squeeze %dma_wait3A_1087 : memref<1x1x1x5120xi32, #tpu.memory_space<vmem_shared>> -> memref<5120xi32, #tpu.memory_space<vmem_shared>>
    %dma_wait3A_1089 = arith.constant 0 : i32
    %dma_wait3A_1090 = tpu.memref_slice %arg8[%arg1, %dma_wait3A_1084, %dma_wait3A_1085, %dma_wait3A_1089] : memref<16x3x2x5120xi32, #tpu.memory_space<vmem_shared>> -> memref<1x1x1x5120xi32, #tpu.memory_space<vmem_shared>>
    %dma_wait3A_1091 = tpu.memref_squeeze %dma_wait3A_1090 : memref<1x1x1x5120xi32, #tpu.memory_space<vmem_shared>> -> memref<5120xi32, #tpu.memory_space<vmem_shared>>
    tpu.wait_dma2 semaphore(%arg23 : memref<!tpu.dma_semaphore, #tpu.memory_space<semaphore_mem>>) src(%dma_wait3A_1091 : memref<5120xi32, #tpu.memory_space<vmem_shared>>) dst(%arg9 : memref<5120xi32, #tpu.memory_space<vmem>>)
    %dma_start3A_1092 = arith.constant 0 : i32
    %dma_start3A_1093 = tpu.memref_slice %arg6[%dma_start3A_1092] : memref<102400xf32, #tpu.memory_space<vmem_shared>> -> memref<102400xf32, #tpu.memory_space<vmem_shared>>
    tpu.enqueue_indirect_dma source(%dma_start3A_1093 : memref<102400xf32, #tpu.memory_space<vmem_shared>>) target(%arg15 : memref<5120xf32, #tpu.memory_space<vmem>>) offsets(%arg9 : memref<5120xi32, #tpu.memory_space<vmem>>) semaphore(%arg29 : memref<!tpu.dma_semaphore, #tpu.memory_space<semaphore_mem>>)
    %dma_wait3A_1094 = arith.constant 0 : i32
    %dma_wait3A_1095 = tpu.memref_slice %arg6[%dma_wait3A_1094] : memref<102400xf32, #tpu.memory_space<vmem_shared>> -> memref<102400xf32, #tpu.memory_space<vmem_shared>>
    tpu.wait_indirect_dma semaphore(%arg29 : memref<!tpu.dma_semaphore, #tpu.memory_space<semaphore_mem>>) src(%dma_wait3A_1095 : memref<102400xf32, #tpu.memory_space<vmem_shared>>) dst(%arg15 : memref<5120xf32, #tpu.memory_space<vmem>>)
    %dma_wait3A_1096 = arith.constant 0 : i32
    %dma_wait3A_1097 = arith.constant 1 : i32
    %dma_wait3A_1098 = arith.constant 0 : i32
    %dma_wait3A_1099 = tpu.memref_slice %arg8[%arg1, %dma_wait3A_1096, %dma_wait3A_1097, %dma_wait3A_1098] : memref<16x3x2x5120xi32, #tpu.memory_space<vmem_shared>> -> memref<1x1x1x5120xi32, #tpu.memory_space<vmem_shared>>
    %dma_wait3A_1100 = tpu.memref_squeeze %dma_wait3A_1099 : memref<1x1x1x5120xi32, #tpu.memory_space<vmem_shared>> -> memref<5120xi32, #tpu.memory_space<vmem_shared>>
    %dma_wait3A_1101 = arith.constant 0 : i32
    %dma_wait3A_1102 = tpu.memref_slice %arg8[%arg1, %dma_wait3A_1096, %dma_wait3A_1097, %dma_wait3A_1101] : memref<16x3x2x5120xi32, #tpu.memory_space<vmem_shared>> -> memref<1x1x1x5120xi32, #tpu.memory_space<vmem_shared>>
    %dma_wait3A_1103 = tpu.memref_squeeze %dma_wait3A_1102 : memref<1x1x1x5120xi32, #tpu.memory_space<vmem_shared>> -> memref<5120xi32, #tpu.memory_space<vmem_shared>>
    tpu.wait_dma2 semaphore(%arg26 : memref<!tpu.dma_semaphore, #tpu.memory_space<semaphore_mem>>) src(%dma_wait3A_1103 : memref<5120xi32, #tpu.memory_space<vmem_shared>>) dst(%arg12 : memref<5120xi32, #tpu.memory_space<vmem>>)
    %dma_start3A_1104 = arith.constant 0 : i32
    %dma_start3A_1105 = tpu.memref_slice %arg7[%dma_start3A_1104] : memref<102400xf32, #tpu.memory_space<vmem_shared>> -> memref<102400xf32, #tpu.memory_space<vmem_shared>>
    tpu.enqueue_indirect_dma source(%arg15 : memref<5120xf32, #tpu.memory_space<vmem>>) target(%dma_start3A_1105 : memref<102400xf32, #tpu.memory_space<vmem_shared>>) offsets(%arg12 : memref<5120xi32, #tpu.memory_space<vmem>>) semaphore(%arg32 : memref<!tpu.dma_semaphore, #tpu.memory_space<semaphore_mem>>) {add = true}
    %dma_wait3A_1106 = arith.constant 0 : i32
    %dma_wait3A_1107 = tpu.memref_slice %arg7[%dma_wait3A_1106] : memref<102400xf32, #tpu.memory_space<vmem_shared>> -> memref<102400xf32, #tpu.memory_space<vmem_shared>>
    tpu.wait_indirect_dma semaphore(%arg34 : memref<!tpu.dma_semaphore, #tpu.memory_space<semaphore_mem>>) src(%arg17 : memref<5120xf32, #tpu.memory_space<vmem>>) dst(%dma_wait3A_1107 : memref<102400xf32, #tpu.memory_space<vmem_shared>>)
    %dma_wait3A_1108 = arith.constant 0 : i32
    %dma_wait3A_1109 = tpu.memref_slice %arg7[%dma_wait3A_1108] : memref<102400xf32, #tpu.memory_space<vmem_shared>> -> memref<102400xf32, #tpu.memory_space<vmem_shared>>
    tpu.wait_indirect_dma semaphore(%arg32 : memref<!tpu.dma_semaphore, #tpu.memory_space<semaphore_mem>>) src(%arg15 : memref<5120xf32, #tpu.memory_space<vmem>>) dst(%dma_wait3A_1109 : memref<102400xf32, #tpu.memory_space<vmem_shared>>)
    %add3A_1110 = arith.constant 608 : i32
    %add3A_1111 = arith.addi %add3A_1110, %add3A : i32
    %lt3A = arith.constant 625 : i32
    %lt3A_1112 = arith.cmpi slt, %add3A_1111, %lt3A : i32
    %convert_element_type3A = arith.extui %lt3A_1112 : i1 to i32
    %cond3A = arith.constant 0 : i32
    %cond3A_1113 = arith.cmpi ne, %convert_element_type3A, %cond3A : i32
    scf.if %cond3A_1113 {
      %add3A_1124 = arith.constant 608 : i32
      %add3A_1125 = arith.addi %add3A_1124, %add3A : i32
      %mul3A_1126 = arith.constant 5120 : i32
      %mul3A_1127 = arith.muli %add3A_1125, %mul3A_1126 : i32
      %run_scoped3A = arith.constant 0 : i32
      "tpu.region"() ({
        %run_scoped3A_1136 = tpu.sem_alloc : memref<!tpu.dma_semaphore, #tpu.memory_space<semaphore_mem>>
        %dma_start3A_1137 = arith.constant 0 : i32
        %dma_start3A_1138 = arith.constant 0 : i32
        %dma_start3A_1139 = tpu.memref_slice %arg8[%arg1, %run_scoped3A, %dma_start3A_1137, %dma_start3A_1138] : memref<16x3x2x5120xi32, #tpu.memory_space<vmem_shared>> -> memref<1x1x2x5120xi32, #tpu.memory_space<vmem_shared>>
        %dma_start3A_1140 = tpu.memref_squeeze %dma_start3A_1139 : memref<1x1x2x5120xi32, #tpu.memory_space<vmem_shared>> -> memref<2x5120xi32, #tpu.memory_space<vmem_shared>>
        %dma_start3A_1141 = arith.constant 0 : i32
        %dma_start3A_1142 = tpu.memref_slice %arg2[%dma_start3A_1141, %mul3A_1127] : memref<2x3200000xi32, #tpu.memory_space<hbm>> -> memref<2x5120xi32, #tpu.memory_space<hbm>>
        tpu.enqueue_dma source(%dma_start3A_1142 : memref<2x5120xi32, #tpu.memory_space<hbm>>) target(%dma_start3A_1140 : memref<2x5120xi32, #tpu.memory_space<vmem_shared>>) target_semaphore(%run_scoped3A_1136 : memref<!tpu.dma_semaphore, #tpu.memory_space<semaphore_mem>>)
        %dma_wait3A_1143 = arith.constant 0 : i32
        %dma_wait3A_1144 = arith.constant 0 : i32
        %dma_wait3A_1145 = tpu.memref_slice %arg8[%arg1, %run_scoped3A, %dma_wait3A_1143, %dma_wait3A_1144] : memref<16x3x2x5120xi32, #tpu.memory_space<vmem_shared>> -> memref<1x1x2x5120xi32, #tpu.memory_space<vmem_shared>>
        %dma_wait3A_1146 = tpu.memref_squeeze %dma_wait3A_1145 : memref<1x1x2x5120xi32, #tpu.memory_space<vmem_shared>> -> memref<2x5120xi32, #tpu.memory_space<vmem_shared>>
        %dma_wait3A_1147 = arith.constant 0 : i32
        %dma_wait3A_1148 = tpu.memref_slice %arg2[%dma_wait3A_1147, %mul3A_1127] : memref<2x3200000xi32, #tpu.memory_space<hbm>> -> memref<2x5120xi32, #tpu.memory_space<hbm>>
        tpu.wait_dma2 semaphore(%run_scoped3A_1136 : memref<!tpu.dma_semaphore, #tpu.memory_space<semaphore_mem>>) src(%dma_wait3A_1148 : memref<2x5120xi32, #tpu.memory_space<hbm>>) dst(%dma_wait3A_1146 : memref<2x5120xi32, #tpu.memory_space<vmem_shared>>)
        tpu.yield
      }) : () -> ()
      %run_scoped3A_1128 = arith.constant 0 : i32
      %run_scoped3A_1129 = arith.constant 0 : i32
      "tpu.region"() ({
        %run_scoped3A_1136 = tpu.sem_alloc : memref<!tpu.dma_semaphore, #tpu.memory_space<semaphore_mem>>
        %dma_start3A_1137 = arith.constant 0 : i32
        %dma_start3A_1138 = tpu.memref_slice %arg8[%arg1, %run_scoped3A_1128, %run_scoped3A_1129, %dma_start3A_1137] : memref<16x3x2x5120xi32, #tpu.memory_space<vmem_shared>> -> memref<1x1x1x5120xi32, #tpu.memory_space<vmem_shared>>
        %dma_start3A_1139 = tpu.memref_squeeze %dma_start3A_1138 : memref<1x1x1x5120xi32, #tpu.memory_space<vmem_shared>> -> memref<5120xi32, #tpu.memory_space<vmem_shared>>
        %dma_start3A_1140 = arith.constant 0 : i32
        %dma_start3A_1141 = tpu.memref_slice %arg8[%arg1, %run_scoped3A_1128, %run_scoped3A_1129, %dma_start3A_1140] : memref<16x3x2x5120xi32, #tpu.memory_space<vmem_shared>> -> memref<1x1x1x5120xi32, #tpu.memory_space<vmem_shared>>
        %dma_start3A_1142 = tpu.memref_squeeze %dma_start3A_1141 : memref<1x1x1x5120xi32, #tpu.memory_space<vmem_shared>> -> memref<5120xi32, #tpu.memory_space<vmem_shared>>
        tpu.enqueue_dma source(%dma_start3A_1142 : memref<5120xi32, #tpu.memory_space<vmem_shared>>) target(%arg9 : memref<5120xi32, #tpu.memory_space<vmem>>) target_semaphore(%run_scoped3A_1136 : memref<!tpu.dma_semaphore, #tpu.memory_space<semaphore_mem>>)
        %dma_wait3A_1143 = arith.constant 0 : i32
        %dma_wait3A_1144 = tpu.memref_slice %arg8[%arg1, %run_scoped3A_1128, %run_scoped3A_1129, %dma_wait3A_1143] : memref<16x3x2x5120xi32, #tpu.memory_space<vmem_shared>> -> memref<1x1x1x5120xi32, #tpu.memory_space<vmem_shared>>
        %dma_wait3A_1145 = tpu.memref_squeeze %dma_wait3A_1144 : memref<1x1x1x5120xi32, #tpu.memory_space<vmem_shared>> -> memref<5120xi32, #tpu.memory_space<vmem_shared>>
        %dma_wait3A_1146 = arith.constant 0 : i32
        %dma_wait3A_1147 = tpu.memref_slice %arg8[%arg1, %run_scoped3A_1128, %run_scoped3A_1129, %dma_wait3A_1146] : memref<16x3x2x5120xi32, #tpu.memory_space<vmem_shared>> -> memref<1x1x1x5120xi32, #tpu.memory_space<vmem_shared>>
        %dma_wait3A_1148 = tpu.memref_squeeze %dma_wait3A_1147 : memref<1x1x1x5120xi32, #tpu.memory_space<vmem_shared>> -> memref<5120xi32, #tpu.memory_space<vmem_shared>>
        tpu.wait_dma2 semaphore(%run_scoped3A_1136 : memref<!tpu.dma_semaphore, #tpu.memory_space<semaphore_mem>>) src(%dma_wait3A_1148 : memref<5120xi32, #tpu.memory_space<vmem_shared>>) dst(%arg9 : memref<5120xi32, #tpu.memory_space<vmem>>)
        tpu.yield
      }) : () -> ()
      %run_scoped3A_1130 = arith.constant 0 : i32
      %run_scoped3A_1131 = arith.constant 1 : i32
      "tpu.region"() ({
        %run_scoped3A_1136 = tpu.sem_alloc : memref<!tpu.dma_semaphore, #tpu.memory_space<semaphore_mem>>
        %dma_start3A_1137 = arith.constant 0 : i32
        %dma_start3A_1138 = tpu.memref_slice %arg8[%arg1, %run_scoped3A_1130, %run_scoped3A_1131, %dma_start3A_1137] : memref<16x3x2x5120xi32, #tpu.memory_space<vmem_shared>> -> memref<1x1x1x5120xi32, #tpu.memory_space<vmem_shared>>
        %dma_start3A_1139 = tpu.memref_squeeze %dma_start3A_1138 : memref<1x1x1x5120xi32, #tpu.memory_space<vmem_shared>> -> memref<5120xi32, #tpu.memory_space<vmem_shared>>
        %dma_start3A_1140 = arith.constant 0 : i32
        %dma_start3A_1141 = tpu.memref_slice %arg8[%arg1, %run_scoped3A_1130, %run_scoped3A_1131, %dma_start3A_1140] : memref<16x3x2x5120xi32, #tpu.memory_space<vmem_shared>> -> memref<1x1x1x5120xi32, #tpu.memory_space<vmem_shared>>
        %dma_start3A_1142 = tpu.memref_squeeze %dma_start3A_1141 : memref<1x1x1x5120xi32, #tpu.memory_space<vmem_shared>> -> memref<5120xi32, #tpu.memory_space<vmem_shared>>
        tpu.enqueue_dma source(%dma_start3A_1142 : memref<5120xi32, #tpu.memory_space<vmem_shared>>) target(%arg12 : memref<5120xi32, #tpu.memory_space<vmem>>) target_semaphore(%run_scoped3A_1136 : memref<!tpu.dma_semaphore, #tpu.memory_space<semaphore_mem>>)
        %dma_wait3A_1143 = arith.constant 0 : i32
        %dma_wait3A_1144 = tpu.memref_slice %arg8[%arg1, %run_scoped3A_1130, %run_scoped3A_1131, %dma_wait3A_1143] : memref<16x3x2x5120xi32, #tpu.memory_space<vmem_shared>> -> memref<1x1x1x5120xi32, #tpu.memory_space<vmem_shared>>
        %dma_wait3A_1145 = tpu.memref_squeeze %dma_wait3A_1144 : memref<1x1x1x5120xi32, #tpu.memory_space<vmem_shared>> -> memref<5120xi32, #tpu.memory_space<vmem_shared>>
        %dma_wait3A_1146 = arith.constant 0 : i32
        %dma_wait3A_1147 = tpu.memref_slice %arg8[%arg1, %run_scoped3A_1130, %run_scoped3A_1131, %dma_wait3A_1146] : memref<16x3x2x5120xi32, #tpu.memory_space<vmem_shared>> -> memref<1x1x1x5120xi32, #tpu.memory_space<vmem_shared>>
        %dma_wait3A_1148 = tpu.memref_squeeze %dma_wait3A_1147 : memref<1x1x1x5120xi32, #tpu.memory_space<vmem_shared>> -> memref<5120xi32, #tpu.memory_space<vmem_shared>>
        tpu.wait_dma2 semaphore(%run_scoped3A_1136 : memref<!tpu.dma_semaphore, #tpu.memory_space<semaphore_mem>>) src(%dma_wait3A_1148 : memref<5120xi32, #tpu.memory_space<vmem_shared>>) dst(%arg12 : memref<5120xi32, #tpu.memory_space<vmem>>)
        tpu.yield
      }) : () -> ()
      %dma_start3A_1132 = arith.constant 0 : i32
      %dma_start3A_1133 = tpu.memref_slice %arg6[%dma_start3A_1132] : memref<102400xf32, #tpu.memory_space<vmem_shared>> -> memref<102400xf32, #tpu.memory_space<vmem_shared>>
      tpu.enqueue_indirect_dma source(%dma_start3A_1133 : memref<102400xf32, #tpu.memory_space<vmem_shared>>) target(%arg15 : memref<5120xf32, #tpu.memory_space<vmem>>) offsets(%arg9 : memref<5120xi32, #tpu.memory_space<vmem>>) semaphore(%arg29 : memref<!tpu.dma_semaphore, #tpu.memory_space<semaphore_mem>>)
      %dma_wait3A_1134 = arith.constant 0 : i32
      %dma_wait3A_1135 = tpu.memref_slice %arg6[%dma_wait3A_1134] : memref<102400xf32, #tpu.memory_space<vmem_shared>> -> memref<102400xf32, #tpu.memory_space<vmem_shared>>
      tpu.wait_indirect_dma semaphore(%arg29 : memref<!tpu.dma_semaphore, #tpu.memory_space<semaphore_mem>>) src(%dma_wait3A_1135 : memref<102400xf32, #tpu.memory_space<vmem_shared>>) dst(%arg15 : memref<5120xf32, #tpu.memory_space<vmem>>)
      "tpu.region"() ({
        %run_scoped3A_1136 = tpu.sem_alloc : memref<!tpu.dma_semaphore, #tpu.memory_space<semaphore_mem>>
        %dma_start3A_1137 = arith.constant 0 : i32
        %dma_start3A_1138 = tpu.memref_slice %arg7[%dma_start3A_1137] : memref<102400xf32, #tpu.memory_space<vmem_shared>> -> memref<102400xf32, #tpu.memory_space<vmem_shared>>
        tpu.enqueue_indirect_dma source(%arg15 : memref<5120xf32, #tpu.memory_space<vmem>>) target(%dma_start3A_1138 : memref<102400xf32, #tpu.memory_space<vmem_shared>>) offsets(%arg12 : memref<5120xi32, #tpu.memory_space<vmem>>) semaphore(%run_scoped3A_1136 : memref<!tpu.dma_semaphore, #tpu.memory_space<semaphore_mem>>) {add = true}
        %dma_wait3A_1139 = arith.constant 0 : i32
        %dma_wait3A_1140 = tpu.memref_slice %arg7[%dma_wait3A_1139] : memref<102400xf32, #tpu.memory_space<vmem_shared>> -> memref<102400xf32, #tpu.memory_space<vmem_shared>>
        tpu.wait_indirect_dma semaphore(%run_scoped3A_1136 : memref<!tpu.dma_semaphore, #tpu.memory_space<semaphore_mem>>) src(%arg15 : memref<5120xf32, #tpu.memory_space<vmem>>) dst(%dma_wait3A_1140 : memref<102400xf32, #tpu.memory_space<vmem_shared>>)
        tpu.yield
      }) : () -> ()
    } else {
    }
    %barrier3A_1114 = arith.constant 0 : index
    tpu.barrier barrier_id(%barrier3A_1114)
    %eq3A = arith.constant 0 : i32
    %eq3A_1115 = arith.cmpi eq, %arg0, %eq3A : i32
    %convert_element_type3A_1116 = arith.extui %eq3A_1115 : i1 to i32
    %cond3A_1117 = arith.constant 0 : i32
    %cond3A_1118 = arith.cmpi ne, %convert_element_type3A_1116, %cond3A_1117 : i32
    scf.if %cond3A_1118 {
      "tpu.region"() ({
        %run_scoped3A = tpu.sem_alloc : memref<!tpu.dma_semaphore, #tpu.memory_space<semaphore_mem>>
        %dma_start3A_1124 = tpu.memref_slice %arg4[%mul3A_2] : memref<102400xf32, #tpu.memory_space<hbm>> -> memref<6400xf32, #tpu.memory_space<hbm>>
        %dma_start3A_1125 = tpu.memref_slice %arg7[%mul3A_2] : memref<102400xf32, #tpu.memory_space<vmem_shared>> -> memref<6400xf32, #tpu.memory_space<vmem_shared>>
        tpu.enqueue_dma source(%dma_start3A_1125 : memref<6400xf32, #tpu.memory_space<vmem_shared>>) target(%dma_start3A_1124 : memref<6400xf32, #tpu.memory_space<hbm>>) target_semaphore(%run_scoped3A : memref<!tpu.dma_semaphore, #tpu.memory_space<semaphore_mem>>)
        %dma_wait3A_1126 = tpu.memref_slice %arg4[%mul3A_2] : memref<102400xf32, #tpu.memory_space<hbm>> -> memref<6400xf32, #tpu.memory_space<hbm>>
        %dma_wait3A_1127 = tpu.memref_slice %arg7[%mul3A_2] : memref<102400xf32, #tpu.memory_space<vmem_shared>> -> memref<6400xf32, #tpu.memory_space<vmem_shared>>
        tpu.wait_dma2 semaphore(%run_scoped3A : memref<!tpu.dma_semaphore, #tpu.memory_space<semaphore_mem>>) src(%dma_wait3A_1127 : memref<6400xf32, #tpu.memory_space<vmem_shared>>) dst(%dma_wait3A_1126 : memref<6400xf32, #tpu.memory_space<hbm>>)
        tpu.yield
      }) : () -> ()
    } else {
    }
    %eq3A_1119 = arith.constant 1 : i32
    %eq3A_1120 = arith.cmpi eq, %arg0, %eq3A_1119 : i32
    %convert_element_type3A_1121 = arith.extui %eq3A_1120 : i1 to i32
    %cond3A_1122 = arith.constant 0 : i32
    %cond3A_1123 = arith.cmpi ne, %convert_element_type3A_1121, %cond3A_1122 : i32
    scf.if %cond3A_1123 {
      "tpu.region"() ({
        %run_scoped3A = tpu.sem_alloc : memref<!tpu.dma_semaphore, #tpu.memory_space<semaphore_mem>>
        %dma_start3A_1124 = tpu.memref_slice %arg5[%mul3A_2] : memref<102400xf32, #tpu.memory_space<hbm>> -> memref<6400xf32, #tpu.memory_space<hbm>>
        %dma_start3A_1125 = tpu.memref_slice %arg7[%mul3A_2] : memref<102400xf32, #tpu.memory_space<vmem_shared>> -> memref<6400xf32, #tpu.memory_space<vmem_shared>>
        tpu.enqueue_dma source(%dma_start3A_1125 : memref<6400xf32, #tpu.memory_space<vmem_shared>>) target(%dma_start3A_1124 : memref<6400xf32, #tpu.memory_space<hbm>>) target_semaphore(%run_scoped3A : memref<!tpu.dma_semaphore, #tpu.memory_space<semaphore_mem>>)
        %dma_wait3A_1126 = tpu.memref_slice %arg5[%mul3A_2] : memref<102400xf32, #tpu.memory_space<hbm>> -> memref<6400xf32, #tpu.memory_space<hbm>>
        %dma_wait3A_1127 = tpu.memref_slice %arg7[%mul3A_2] : memref<102400xf32, #tpu.memory_space<vmem_shared>> -> memref<6400xf32, #tpu.memory_space<vmem_shared>>
        tpu.wait_dma2 semaphore(%run_scoped3A : memref<!tpu.dma_semaphore, #tpu.memory_space<semaphore_mem>>) src(%dma_wait3A_1127 : memref<6400xf32, #tpu.memory_space<vmem_shared>>) dst(%dma_wait3A_1126 : memref<6400xf32, #tpu.memory_space<hbm>>)
        tpu.yield
      }) : () -> ()
    } else {
    }
    return
  }
}

module attributes {stable_mosaic.version = 14 : i64} {
  func.func @_prep_body(%arg0: i32, %arg1: memref<5120xf32, #tpu.memory_space<vmem>>, %arg2: memref<5120xf32, #tpu.memory_space<vmem>>, %arg3: memref<5120xf32, #tpu.memory_space<vmem>>, %arg4: memref<5120xf32, #tpu.memory_space<vmem>>) attributes {dimension_semantics = [#tpu.dimension_semantics<arbitrary>], iteration_bounds = array<i64: 20>, scalar_prefetch = 0 : i64, scratch_operands = 0 : i64, tpu.core_type = #tpu.core_type<tc>, window_params = [{transform_indices = @transform_0, window_bounds = array<i64: 5120>}, {transform_indices = @transform_1, window_bounds = array<i64: 5120>}, {transform_indices = @transform_2, window_bounds = array<i64: 5120>}, {transform_indices = @transform_3, window_bounds = array<i64: 5120>}]} {
    %get3A = arith.constant 0 : index
    %get3A_0 = vector.load %arg1[%get3A] : memref<5120xf32, #tpu.memory_space<vmem>>, vector<5120xf32>
    %get3A_1 = arith.constant 0 : index
    %get3A_2 = vector.load %arg2[%get3A_1] : memref<5120xf32, #tpu.memory_space<vmem>>, vector<5120xf32>
    %add3A = arith.addf %get3A_0, %get3A_2 : vector<5120xf32>
    %add3A_3 = arith.constant 1.000000e+00 : f32
    %add3A_4 = vector.broadcast %add3A_3 : f32 to vector<5120xf32>
    %add3A_5 = arith.addf %add3A, %add3A_4 : vector<5120xf32>
    %rsqrt3A = math.rsqrt %add3A_5 : vector<5120xf32>
    %get3A_6 = arith.constant 0 : index
    %get3A_7 = vector.load %arg3[%get3A_6] : memref<5120xf32, #tpu.memory_space<vmem>>, vector<5120xf32>
    %mul3A = arith.mulf %rsqrt3A, %get3A_7 : vector<5120xf32>
    %swap3A = arith.constant 0 : index
    %swap3A_8 = vector.load %arg4[%swap3A] : memref<5120xf32, #tpu.memory_space<vmem>>, vector<5120xf32>
    tpu.vector_store %arg4[%swap3A], %mul3A {strides = array<i32>} : memref<5120xf32, #tpu.memory_space<vmem>>, vector<5120xf32>,
    return
  }
  func.func @transform_0(%arg0: i32) -> i32 {
    %c0_i32 = arith.constant 0 : i32
    return %arg0 : i32
  }
  func.func @transform_1(%arg0: i32) -> i32 {
    %c0_i32 = arith.constant 0 : i32
    return %arg0 : i32
  }
  func.func @transform_2(%arg0: i32) -> i32 {
    %c0_i32 = arith.constant 0 : i32
    return %arg0 : i32
  }
  func.func @transform_3(%arg0: i32) -> i32 {
    %c0_i32 = arith.constant 0 : i32
    return %arg0 : i32
  }
}

module attributes {stable_mosaic.version = 14 : i64} {
  func.func @_fin_body(%arg0: i32, %arg1: memref<5120xf32, #tpu.memory_space<vmem>>, %arg2: memref<5120xf32, #tpu.memory_space<vmem>>, %arg3: memref<5120xf32, #tpu.memory_space<vmem>>, %arg4: memref<5120xf32, #tpu.memory_space<vmem>>, %arg5: memref<5120xf32, #tpu.memory_space<vmem>>, %arg6: memref<1x16xf32, #tpu.memory_space<vmem>>, %arg7: memref<16xf32, #tpu.memory_space<vmem>>, %arg8: memref<32x16xf32, #tpu.memory_space<vmem>>, %arg9: memref<16xf32, #tpu.memory_space<vmem>>, %arg10: memref<1x16xf32, #tpu.memory_space<vmem>>, %arg11: memref<16xf32, #tpu.memory_space<vmem>>, %arg12: memref<32x16xf32, #tpu.memory_space<vmem>>, %arg13: memref<16xf32, #tpu.memory_space<vmem>>, %arg14: memref<5120xf32, #tpu.memory_space<vmem>>, %arg15: memref<5120xf32, #tpu.memory_space<vmem>>, %arg16: memref<5120xf32, #tpu.memory_space<vmem>>, %arg17: memref<5120xf32, #tpu.memory_space<vmem>>, %arg18: memref<5120xf32, #tpu.memory_space<vmem>>, %arg19: memref<5120xf32, #tpu.memory_space<vmem>>, %arg20: memref<5120xf32, #tpu.memory_space<vmem>>, %arg21: memref<5120xf32, #tpu.memory_space<vmem>>, %arg22: memref<5120xf32, #tpu.memory_space<vmem>>, %arg23: memref<5120xf32, #tpu.memory_space<vmem>>, %arg24: memref<5120xf32, #tpu.memory_space<vmem>>, %arg25: memref<5120xf32, #tpu.memory_space<vmem>>, %arg26: memref<5120xf32, #tpu.memory_space<vmem>>, %arg27: memref<5120xf32, #tpu.memory_space<vmem>>, %arg28: memref<5120xf32, #tpu.memory_space<vmem>>, %arg29: memref<5120xf32, #tpu.memory_space<vmem>>) attributes {dimension_semantics = [#tpu.dimension_semantics<arbitrary>], iteration_bounds = array<i64: 20>, scalar_prefetch = 0 : i64, scratch_operands = 0 : i64, tpu.core_type = #tpu.core_type<tc>, window_params = [{transform_indices = @transform_0, window_bounds = array<i64: 5120>}, {transform_indices = @transform_1, window_bounds = array<i64: 5120>}, {transform_indices = @transform_2, window_bounds = array<i64: 5120>}, {transform_indices = @transform_3, window_bounds = array<i64: 5120>}, {transform_indices = @transform_4, window_bounds = array<i64: 5120>}, {pipeline_mode = #tpu.pipeline_mode<synchronous>, transform_indices = @transform_5, window_bounds = array<i64: 1, 16>}, {pipeline_mode = #tpu.pipeline_mode<synchronous>, transform_indices = @transform_6, window_bounds = array<i64: 16>}, {pipeline_mode = #tpu.pipeline_mode<synchronous>, transform_indices = @transform_7, window_bounds = array<i64: 32, 16>}, {pipeline_mode = #tpu.pipeline_mode<synchronous>, transform_indices = @transform_8, window_bounds = array<i64: 16>}, {pipeline_mode = #tpu.pipeline_mode<synchronous>, transform_indices = @transform_9, window_bounds = array<i64: 1, 16>}, {pipeline_mode = #tpu.pipeline_mode<synchronous>, transform_indices = @transform_10, window_bounds = array<i64: 16>}, {pipeline_mode = #tpu.pipeline_mode<synchronous>, transform_indices = @transform_11, window_bounds = array<i64: 32, 16>}, {pipeline_mode = #tpu.pipeline_mode<synchronous>, transform_indices = @transform_12, window_bounds = array<i64: 16>}, {transform_indices = @transform_13, window_bounds = array<i64: 5120>}, {transform_indices = @transform_14, window_bounds = array<i64: 5120>}, {transform_indices = @transform_15, window_bounds = array<i64: 5120>}, {transform_indices = @transform_16, window_bounds = array<i64: 5120>}, {transform_indices = @transform_17, window_bounds = array<i64: 5120>}, {transform_indices = @transform_18, window_bounds = array<i64: 5120>}, {transform_indices = @transform_19, window_bounds = array<i64: 5120>}, {transform_indices = @transform_20, window_bounds = array<i64: 5120>}, {transform_indices = @transform_21, window_bounds = array<i64: 5120>}, {transform_indices = @transform_22, window_bounds = array<i64: 5120>}, {transform_indices = @transform_23, window_bounds = array<i64: 5120>}, {transform_indices = @transform_24, window_bounds = array<i64: 5120>}, {transform_indices = @transform_25, window_bounds = array<i64: 5120>}, {transform_indices = @transform_26, window_bounds = array<i64: 5120>}, {transform_indices = @transform_27, window_bounds = array<i64: 5120>}, {transform_indices = @transform_28, window_bounds = array<i64: 5120>}]} {
    %get3A = arith.constant 0 : index
    %get3A_0 = arith.constant 0 : index
    %get3A_1 = vector.load %arg8[%get3A, %get3A_0] : memref<32x16xf32, #tpu.memory_space<vmem>>, vector<16x16xf32>
    %get3A_2 = arith.constant 0 : index
    %get3A_3 = arith.constant 0 : index
    %get3A_4 = vector.load %arg6[%get3A_2, %get3A_3] : memref<1x16xf32, #tpu.memory_space<vmem>>, vector<1x16xf32>
    %get3A_5 = vector.shape_cast %get3A_4 : vector<1x16xf32> to vector<16xf32>
    %broadcast_in_dim3A = vector.shape_cast %get3A_5 : vector<16xf32> to vector<16x1xf32>
    %mul3A = vector.broadcast %broadcast_in_dim3A : vector<16x1xf32> to vector<16x16xf32>
    %mul3A_6 = arith.mulf %mul3A, %get3A_1 : vector<16x16xf32>
    %reduce_sum3A = arith.constant dense<0.000000e+00> : vector<16xf32>
    %reduce_sum3A_7 = vector.multi_reduction <add>, %mul3A_6, %reduce_sum3A [0] : vector<16x16xf32> to vector<16xf32>
    %get3A_8 = arith.constant 0 : index
    %get3A_9 = vector.load %arg7[%get3A_8] : memref<16xf32, #tpu.memory_space<vmem>>, vector<16xf32>
    %broadcast_in_dim3A_10 = vector.shape_cast %get3A_9 : vector<16xf32> to vector<16x1xf32>
    %mul3A_11 = vector.broadcast %broadcast_in_dim3A_10 : vector<16x1xf32> to vector<16x16xf32>
    %mul3A_12 = arith.mulf %mul3A_11, %get3A_1 : vector<16x16xf32>
    %reduce_sum3A_13 = arith.constant dense<0.000000e+00> : vector<16xf32>
    %reduce_sum3A_14 = vector.multi_reduction <add>, %mul3A_12, %reduce_sum3A_13 [0] : vector<16x16xf32> to vector<16xf32>
    %get3A_15 = arith.constant 0 : index
    %get3A_16 = vector.load %arg9[%get3A_15] : memref<16xf32, #tpu.memory_space<vmem>>, vector<16xf32>
    %add3A = arith.addf %reduce_sum3A_14, %get3A_16 : vector<16xf32>
    %get3A_17 = arith.constant 0 : index
    %get3A_18 = arith.constant 0 : index
    %get3A_19 = vector.load %arg12[%get3A_17, %get3A_18] : memref<32x16xf32, #tpu.memory_space<vmem>>, vector<16x16xf32>
    %get3A_20 = arith.constant 0 : index
    %get3A_21 = arith.constant 0 : index
    %get3A_22 = vector.load %arg10[%get3A_20, %get3A_21] : memref<1x16xf32, #tpu.memory_space<vmem>>, vector<1x16xf32>
    %get3A_23 = vector.shape_cast %get3A_22 : vector<1x16xf32> to vector<16xf32>
    %broadcast_in_dim3A_24 = vector.shape_cast %get3A_23 : vector<16xf32> to vector<16x1xf32>
    %mul3A_25 = vector.broadcast %broadcast_in_dim3A_24 : vector<16x1xf32> to vector<16x16xf32>
    %mul3A_26 = arith.mulf %mul3A_25, %get3A_19 : vector<16x16xf32>
    %reduce_sum3A_27 = arith.constant dense<0.000000e+00> : vector<16xf32>
    %reduce_sum3A_28 = vector.multi_reduction <add>, %mul3A_26, %reduce_sum3A_27 [0] : vector<16x16xf32> to vector<16xf32>
    %get3A_29 = arith.constant 0 : index
    %get3A_30 = vector.load %arg11[%get3A_29] : memref<16xf32, #tpu.memory_space<vmem>>, vector<16xf32>
    %broadcast_in_dim3A_31 = vector.shape_cast %get3A_30 : vector<16xf32> to vector<16x1xf32>
    %mul3A_32 = vector.broadcast %broadcast_in_dim3A_31 : vector<16x1xf32> to vector<16x16xf32>
    %mul3A_33 = arith.mulf %mul3A_32, %get3A_19 : vector<16x16xf32>
    %reduce_sum3A_34 = arith.constant dense<0.000000e+00> : vector<16xf32>
    %reduce_sum3A_35 = vector.multi_reduction <add>, %mul3A_33, %reduce_sum3A_34 [0] : vector<16x16xf32> to vector<16xf32>
    %get3A_36 = arith.constant 0 : index
    %get3A_37 = vector.load %arg13[%get3A_36] : memref<16xf32, #tpu.memory_space<vmem>>, vector<16xf32>
    %add3A_38 = arith.addf %reduce_sum3A_35, %get3A_37 : vector<16xf32>
    %get3A_39 = arith.constant 0 : index
    %get3A_40 = vector.load %arg1[%get3A_39] : memref<5120xf32, #tpu.memory_space<vmem>>, vector<5120xf32>
    %get3A_41 = arith.constant 0 : index
    %get3A_42 = vector.load %arg2[%get3A_41] : memref<5120xf32, #tpu.memory_space<vmem>>, vector<5120xf32>
    %add3A_43 = arith.addf %get3A_40, %get3A_42 : vector<5120xf32>
    %add3A_44 = arith.constant 1.000000e+00 : f32
    %add3A_45 = vector.broadcast %add3A_44 : f32 to vector<5120xf32>
    %add3A_46 = arith.addf %add3A_43, %add3A_45 : vector<5120xf32>
    %rsqrt3A = math.rsqrt %add3A_46 : vector<5120xf32>
    %get3A_47 = arith.constant 0 : index
    %get3A_48 = vector.load %arg3[%get3A_47] : memref<5120xf32, #tpu.memory_space<vmem>>, vector<5120xf32>
    %get3A_49 = arith.constant 0 : index
    %get3A_50 = vector.load %arg4[%get3A_49] : memref<5120xf32, #tpu.memory_space<vmem>>, vector<5120xf32>
    %add3A_51 = arith.addf %get3A_48, %get3A_50 : vector<5120xf32>
    %mul3A_52 = arith.mulf %rsqrt3A, %add3A_51 : vector<5120xf32>
    %get3A_53 = arith.constant 0 : index
    %get3A_54 = vector.load %arg5[%get3A_53] : memref<5120xf32, #tpu.memory_space<vmem>>, vector<5120xf32>
    %mul3A_55 = arith.mulf %rsqrt3A, %get3A_54 : vector<5120xf32>
    %add3A_56 = arith.addf %mul3A_52, %mul3A_55 : vector<5120xf32>
    %slice3A = vector.extract_strided_slice %reduce_sum3A_7 {offsets = [0], sizes = [1], strides = [1]} : vector<16xf32> to vector<1xf32>
    %squeeze3A = vector.extract %slice3A[0] : f32 from vector<1xf32>
    %mul3A_57 = vector.broadcast %squeeze3A : f32 to vector<5120xf32>
    %mul3A_58 = arith.mulf %add3A_56, %mul3A_57 : vector<5120xf32>
    %slice3A_59 = vector.extract_strided_slice %add3A {offsets = [0], sizes = [1], strides = [1]} : vector<16xf32> to vector<1xf32>
    %squeeze3A_60 = vector.extract %slice3A_59[0] : f32 from vector<1xf32>
    %add3A_61 = vector.broadcast %squeeze3A_60 : f32 to vector<5120xf32>
    %add3A_62 = arith.addf %mul3A_58, %add3A_61 : vector<5120xf32>
    %logistic3A = arith.negf %add3A_62 : vector<5120xf32>
    %logistic3A_63 = math.exp %logistic3A : vector<5120xf32>
    %logistic3A_64 = arith.constant 1.000000e+00 : f32
    %logistic3A_65 = vector.broadcast %logistic3A_64 : f32 to vector<5120xf32>
    %logistic3A_66 = arith.addf %logistic3A_65, %logistic3A_63 : vector<5120xf32>
    %logistic3A_67 = arith.divf %logistic3A_65, %logistic3A_66 : vector<5120xf32>
    %slice3A_68 = vector.extract_strided_slice %reduce_sum3A_28 {offsets = [0], sizes = [1], strides = [1]} : vector<16xf32> to vector<1xf32>
    %squeeze3A_69 = vector.extract %slice3A_68[0] : f32 from vector<1xf32>
    %mul3A_70 = vector.broadcast %squeeze3A_69 : f32 to vector<5120xf32>
    %mul3A_71 = arith.mulf %add3A_56, %mul3A_70 : vector<5120xf32>
    %slice3A_72 = vector.extract_strided_slice %add3A_38 {offsets = [0], sizes = [1], strides = [1]} : vector<16xf32> to vector<1xf32>
    %squeeze3A_73 = vector.extract %slice3A_72[0] : f32 from vector<1xf32>
    %add3A_74 = vector.broadcast %squeeze3A_73 : f32 to vector<5120xf32>
    %add3A_75 = arith.addf %mul3A_71, %add3A_74 : vector<5120xf32>
    %tanh3A = math.tanh %add3A_75 : vector<5120xf32>
    %sub3A = arith.constant 1.000000e+00 : f32
    %sub3A_76 = vector.broadcast %sub3A : f32 to vector<5120xf32>
    %sub3A_77 = arith.subf %sub3A_76, %logistic3A_67 : vector<5120xf32>
    %mul3A_78 = arith.mulf %sub3A_77, %tanh3A : vector<5120xf32>
    %swap3A = arith.constant 0 : index
    %swap3A_79 = vector.load %arg14[%swap3A] : memref<5120xf32, #tpu.memory_space<vmem>>, vector<5120xf32>
    tpu.vector_store %arg14[%swap3A], %mul3A_78 {strides = array<i32>} : memref<5120xf32, #tpu.memory_space<vmem>>, vector<5120xf32>,
    %slice3A_80 = vector.extract_strided_slice %reduce_sum3A_7 {offsets = [1], sizes = [1], strides = [1]} : vector<16xf32> to vector<1xf32>
    %squeeze3A_81 = vector.extract %slice3A_80[0] : f32 from vector<1xf32>
    %mul3A_82 = vector.broadcast %squeeze3A_81 : f32 to vector<5120xf32>
    %mul3A_83 = arith.mulf %add3A_56, %mul3A_82 : vector<5120xf32>
    %slice3A_84 = vector.extract_strided_slice %add3A {offsets = [1], sizes = [1], strides = [1]} : vector<16xf32> to vector<1xf32>
    %squeeze3A_85 = vector.extract %slice3A_84[0] : f32 from vector<1xf32>
    %add3A_86 = vector.broadcast %squeeze3A_85 : f32 to vector<5120xf32>
    %add3A_87 = arith.addf %mul3A_83, %add3A_86 : vector<5120xf32>
    %logistic3A_88 = arith.negf %add3A_87 : vector<5120xf32>
    %logistic3A_89 = math.exp %logistic3A_88 : vector<5120xf32>
    %logistic3A_90 = arith.constant 1.000000e+00 : f32
    %logistic3A_91 = vector.broadcast %logistic3A_90 : f32 to vector<5120xf32>
    %logistic3A_92 = arith.addf %logistic3A_91, %logistic3A_89 : vector<5120xf32>
    %logistic3A_93 = arith.divf %logistic3A_91, %logistic3A_92 : vector<5120xf32>
    %slice3A_94 = vector.extract_strided_slice %reduce_sum3A_28 {offsets = [1], sizes = [1], strides = [1]} : vector<16xf32> to vector<1xf32>
    %squeeze3A_95 = vector.extract %slice3A_94[0] : f32 from vector<1xf32>
    %mul3A_96 = vector.broadcast %squeeze3A_95 : f32 to vector<5120xf32>
    %mul3A_97 = arith.mulf %add3A_56, %mul3A_96 : vector<5120xf32>
    %slice3A_98 = vector.extract_strided_slice %add3A_38 {offsets = [1], sizes = [1], strides = [1]} : vector<16xf32> to vector<1xf32>
    %squeeze3A_99 = vector.extract %slice3A_98[0] : f32 from vector<1xf32>
    %add3A_100 = vector.broadcast %squeeze3A_99 : f32 to vector<5120xf32>
    %add3A_101 = arith.addf %mul3A_97, %add3A_100 : vector<5120xf32>
    %tanh3A_102 = math.tanh %add3A_101 : vector<5120xf32>
    %sub3A_103 = arith.constant 1.000000e+00 : f32
    %sub3A_104 = vector.broadcast %sub3A_103 : f32 to vector<5120xf32>
    %sub3A_105 = arith.subf %sub3A_104, %logistic3A_93 : vector<5120xf32>
    %mul3A_106 = arith.mulf %sub3A_105, %tanh3A_102 : vector<5120xf32>
    %swap3A_107 = arith.constant 0 : index
    %swap3A_108 = vector.load %arg15[%swap3A_107] : memref<5120xf32, #tpu.memory_space<vmem>>, vector<5120xf32>
    tpu.vector_store %arg15[%swap3A_107], %mul3A_106 {strides = array<i32>} : memref<5120xf32, #tpu.memory_space<vmem>>, vector<5120xf32>,
    %slice3A_109 = vector.extract_strided_slice %reduce_sum3A_7 {offsets = [2], sizes = [1], strides = [1]} : vector<16xf32> to vector<1xf32>
    %squeeze3A_110 = vector.extract %slice3A_109[0] : f32 from vector<1xf32>
    %mul3A_111 = vector.broadcast %squeeze3A_110 : f32 to vector<5120xf32>
    %mul3A_112 = arith.mulf %add3A_56, %mul3A_111 : vector<5120xf32>
    %slice3A_113 = vector.extract_strided_slice %add3A {offsets = [2], sizes = [1], strides = [1]} : vector<16xf32> to vector<1xf32>
    %squeeze3A_114 = vector.extract %slice3A_113[0] : f32 from vector<1xf32>
    %add3A_115 = vector.broadcast %squeeze3A_114 : f32 to vector<5120xf32>
    %add3A_116 = arith.addf %mul3A_112, %add3A_115 : vector<5120xf32>
    %logistic3A_117 = arith.negf %add3A_116 : vector<5120xf32>
    %logistic3A_118 = math.exp %logistic3A_117 : vector<5120xf32>
    %logistic3A_119 = arith.constant 1.000000e+00 : f32
    %logistic3A_120 = vector.broadcast %logistic3A_119 : f32 to vector<5120xf32>
    %logistic3A_121 = arith.addf %logistic3A_120, %logistic3A_118 : vector<5120xf32>
    %logistic3A_122 = arith.divf %logistic3A_120, %logistic3A_121 : vector<5120xf32>
    %slice3A_123 = vector.extract_strided_slice %reduce_sum3A_28 {offsets = [2], sizes = [1], strides = [1]} : vector<16xf32> to vector<1xf32>
    %squeeze3A_124 = vector.extract %slice3A_123[0] : f32 from vector<1xf32>
    %mul3A_125 = vector.broadcast %squeeze3A_124 : f32 to vector<5120xf32>
    %mul3A_126 = arith.mulf %add3A_56, %mul3A_125 : vector<5120xf32>
    %slice3A_127 = vector.extract_strided_slice %add3A_38 {offsets = [2], sizes = [1], strides = [1]} : vector<16xf32> to vector<1xf32>
    %squeeze3A_128 = vector.extract %slice3A_127[0] : f32 from vector<1xf32>
    %add3A_129 = vector.broadcast %squeeze3A_128 : f32 to vector<5120xf32>
    %add3A_130 = arith.addf %mul3A_126, %add3A_129 : vector<5120xf32>
    %tanh3A_131 = math.tanh %add3A_130 : vector<5120xf32>
    %sub3A_132 = arith.constant 1.000000e+00 : f32
    %sub3A_133 = vector.broadcast %sub3A_132 : f32 to vector<5120xf32>
    %sub3A_134 = arith.subf %sub3A_133, %logistic3A_122 : vector<5120xf32>
    %mul3A_135 = arith.mulf %sub3A_134, %tanh3A_131 : vector<5120xf32>
    %swap3A_136 = arith.constant 0 : index
    %swap3A_137 = vector.load %arg16[%swap3A_136] : memref<5120xf32, #tpu.memory_space<vmem>>, vector<5120xf32>
    tpu.vector_store %arg16[%swap3A_136], %mul3A_135 {strides = array<i32>} : memref<5120xf32, #tpu.memory_space<vmem>>, vector<5120xf32>,
    %slice3A_138 = vector.extract_strided_slice %reduce_sum3A_7 {offsets = [3], sizes = [1], strides = [1]} : vector<16xf32> to vector<1xf32>
    %squeeze3A_139 = vector.extract %slice3A_138[0] : f32 from vector<1xf32>
    %mul3A_140 = vector.broadcast %squeeze3A_139 : f32 to vector<5120xf32>
    %mul3A_141 = arith.mulf %add3A_56, %mul3A_140 : vector<5120xf32>
    %slice3A_142 = vector.extract_strided_slice %add3A {offsets = [3], sizes = [1], strides = [1]} : vector<16xf32> to vector<1xf32>
    %squeeze3A_143 = vector.extract %slice3A_142[0] : f32 from vector<1xf32>
    %add3A_144 = vector.broadcast %squeeze3A_143 : f32 to vector<5120xf32>
    %add3A_145 = arith.addf %mul3A_141, %add3A_144 : vector<5120xf32>
    %logistic3A_146 = arith.negf %add3A_145 : vector<5120xf32>
    %logistic3A_147 = math.exp %logistic3A_146 : vector<5120xf32>
    %logistic3A_148 = arith.constant 1.000000e+00 : f32
    %logistic3A_149 = vector.broadcast %logistic3A_148 : f32 to vector<5120xf32>
    %logistic3A_150 = arith.addf %logistic3A_149, %logistic3A_147 : vector<5120xf32>
    %logistic3A_151 = arith.divf %logistic3A_149, %logistic3A_150 : vector<5120xf32>
    %slice3A_152 = vector.extract_strided_slice %reduce_sum3A_28 {offsets = [3], sizes = [1], strides = [1]} : vector<16xf32> to vector<1xf32>
    %squeeze3A_153 = vector.extract %slice3A_152[0] : f32 from vector<1xf32>
    %mul3A_154 = vector.broadcast %squeeze3A_153 : f32 to vector<5120xf32>
    %mul3A_155 = arith.mulf %add3A_56, %mul3A_154 : vector<5120xf32>
    %slice3A_156 = vector.extract_strided_slice %add3A_38 {offsets = [3], sizes = [1], strides = [1]} : vector<16xf32> to vector<1xf32>
    %squeeze3A_157 = vector.extract %slice3A_156[0] : f32 from vector<1xf32>
    %add3A_158 = vector.broadcast %squeeze3A_157 : f32 to vector<5120xf32>
    %add3A_159 = arith.addf %mul3A_155, %add3A_158 : vector<5120xf32>
    %tanh3A_160 = math.tanh %add3A_159 : vector<5120xf32>
    %sub3A_161 = arith.constant 1.000000e+00 : f32
    %sub3A_162 = vector.broadcast %sub3A_161 : f32 to vector<5120xf32>
    %sub3A_163 = arith.subf %sub3A_162, %logistic3A_151 : vector<5120xf32>
    %mul3A_164 = arith.mulf %sub3A_163, %tanh3A_160 : vector<5120xf32>
    %swap3A_165 = arith.constant 0 : index
    %swap3A_166 = vector.load %arg17[%swap3A_165] : memref<5120xf32, #tpu.memory_space<vmem>>, vector<5120xf32>
    tpu.vector_store %arg17[%swap3A_165], %mul3A_164 {strides = array<i32>} : memref<5120xf32, #tpu.memory_space<vmem>>, vector<5120xf32>,
    %slice3A_167 = vector.extract_strided_slice %reduce_sum3A_7 {offsets = [4], sizes = [1], strides = [1]} : vector<16xf32> to vector<1xf32>
    %squeeze3A_168 = vector.extract %slice3A_167[0] : f32 from vector<1xf32>
    %mul3A_169 = vector.broadcast %squeeze3A_168 : f32 to vector<5120xf32>
    %mul3A_170 = arith.mulf %add3A_56, %mul3A_169 : vector<5120xf32>
    %slice3A_171 = vector.extract_strided_slice %add3A {offsets = [4], sizes = [1], strides = [1]} : vector<16xf32> to vector<1xf32>
    %squeeze3A_172 = vector.extract %slice3A_171[0] : f32 from vector<1xf32>
    %add3A_173 = vector.broadcast %squeeze3A_172 : f32 to vector<5120xf32>
    %add3A_174 = arith.addf %mul3A_170, %add3A_173 : vector<5120xf32>
    %logistic3A_175 = arith.negf %add3A_174 : vector<5120xf32>
    %logistic3A_176 = math.exp %logistic3A_175 : vector<5120xf32>
    %logistic3A_177 = arith.constant 1.000000e+00 : f32
    %logistic3A_178 = vector.broadcast %logistic3A_177 : f32 to vector<5120xf32>
    %logistic3A_179 = arith.addf %logistic3A_178, %logistic3A_176 : vector<5120xf32>
    %logistic3A_180 = arith.divf %logistic3A_178, %logistic3A_179 : vector<5120xf32>
    %slice3A_181 = vector.extract_strided_slice %reduce_sum3A_28 {offsets = [4], sizes = [1], strides = [1]} : vector<16xf32> to vector<1xf32>
    %squeeze3A_182 = vector.extract %slice3A_181[0] : f32 from vector<1xf32>
    %mul3A_183 = vector.broadcast %squeeze3A_182 : f32 to vector<5120xf32>
    %mul3A_184 = arith.mulf %add3A_56, %mul3A_183 : vector<5120xf32>
    %slice3A_185 = vector.extract_strided_slice %add3A_38 {offsets = [4], sizes = [1], strides = [1]} : vector<16xf32> to vector<1xf32>
    %squeeze3A_186 = vector.extract %slice3A_185[0] : f32 from vector<1xf32>
    %add3A_187 = vector.broadcast %squeeze3A_186 : f32 to vector<5120xf32>
    %add3A_188 = arith.addf %mul3A_184, %add3A_187 : vector<5120xf32>
    %tanh3A_189 = math.tanh %add3A_188 : vector<5120xf32>
    %sub3A_190 = arith.constant 1.000000e+00 : f32
    %sub3A_191 = vector.broadcast %sub3A_190 : f32 to vector<5120xf32>
    %sub3A_192 = arith.subf %sub3A_191, %logistic3A_180 : vector<5120xf32>
    %mul3A_193 = arith.mulf %sub3A_192, %tanh3A_189 : vector<5120xf32>
    %swap3A_194 = arith.constant 0 : index
    %swap3A_195 = vector.load %arg18[%swap3A_194] : memref<5120xf32, #tpu.memory_space<vmem>>, vector<5120xf32>
    tpu.vector_store %arg18[%swap3A_194], %mul3A_193 {strides = array<i32>} : memref<5120xf32, #tpu.memory_space<vmem>>, vector<5120xf32>,
    %slice3A_196 = vector.extract_strided_slice %reduce_sum3A_7 {offsets = [5], sizes = [1], strides = [1]} : vector<16xf32> to vector<1xf32>
    %squeeze3A_197 = vector.extract %slice3A_196[0] : f32 from vector<1xf32>
    %mul3A_198 = vector.broadcast %squeeze3A_197 : f32 to vector<5120xf32>
    %mul3A_199 = arith.mulf %add3A_56, %mul3A_198 : vector<5120xf32>
    %slice3A_200 = vector.extract_strided_slice %add3A {offsets = [5], sizes = [1], strides = [1]} : vector<16xf32> to vector<1xf32>
    %squeeze3A_201 = vector.extract %slice3A_200[0] : f32 from vector<1xf32>
    %add3A_202 = vector.broadcast %squeeze3A_201 : f32 to vector<5120xf32>
    %add3A_203 = arith.addf %mul3A_199, %add3A_202 : vector<5120xf32>
    %logistic3A_204 = arith.negf %add3A_203 : vector<5120xf32>
    %logistic3A_205 = math.exp %logistic3A_204 : vector<5120xf32>
    %logistic3A_206 = arith.constant 1.000000e+00 : f32
    %logistic3A_207 = vector.broadcast %logistic3A_206 : f32 to vector<5120xf32>
    %logistic3A_208 = arith.addf %logistic3A_207, %logistic3A_205 : vector<5120xf32>
    %logistic3A_209 = arith.divf %logistic3A_207, %logistic3A_208 : vector<5120xf32>
    %slice3A_210 = vector.extract_strided_slice %reduce_sum3A_28 {offsets = [5], sizes = [1], strides = [1]} : vector<16xf32> to vector<1xf32>
    %squeeze3A_211 = vector.extract %slice3A_210[0] : f32 from vector<1xf32>
    %mul3A_212 = vector.broadcast %squeeze3A_211 : f32 to vector<5120xf32>
    %mul3A_213 = arith.mulf %add3A_56, %mul3A_212 : vector<5120xf32>
    %slice3A_214 = vector.extract_strided_slice %add3A_38 {offsets = [5], sizes = [1], strides = [1]} : vector<16xf32> to vector<1xf32>
    %squeeze3A_215 = vector.extract %slice3A_214[0] : f32 from vector<1xf32>
    %add3A_216 = vector.broadcast %squeeze3A_215 : f32 to vector<5120xf32>
    %add3A_217 = arith.addf %mul3A_213, %add3A_216 : vector<5120xf32>
    %tanh3A_218 = math.tanh %add3A_217 : vector<5120xf32>
    %sub3A_219 = arith.constant 1.000000e+00 : f32
    %sub3A_220 = vector.broadcast %sub3A_219 : f32 to vector<5120xf32>
    %sub3A_221 = arith.subf %sub3A_220, %logistic3A_209 : vector<5120xf32>
    %mul3A_222 = arith.mulf %sub3A_221, %tanh3A_218 : vector<5120xf32>
    %swap3A_223 = arith.constant 0 : index
    %swap3A_224 = vector.load %arg19[%swap3A_223] : memref<5120xf32, #tpu.memory_space<vmem>>, vector<5120xf32>
    tpu.vector_store %arg19[%swap3A_223], %mul3A_222 {strides = array<i32>} : memref<5120xf32, #tpu.memory_space<vmem>>, vector<5120xf32>,
    %slice3A_225 = vector.extract_strided_slice %reduce_sum3A_7 {offsets = [6], sizes = [1], strides = [1]} : vector<16xf32> to vector<1xf32>
    %squeeze3A_226 = vector.extract %slice3A_225[0] : f32 from vector<1xf32>
    %mul3A_227 = vector.broadcast %squeeze3A_226 : f32 to vector<5120xf32>
    %mul3A_228 = arith.mulf %add3A_56, %mul3A_227 : vector<5120xf32>
    %slice3A_229 = vector.extract_strided_slice %add3A {offsets = [6], sizes = [1], strides = [1]} : vector<16xf32> to vector<1xf32>
    %squeeze3A_230 = vector.extract %slice3A_229[0] : f32 from vector<1xf32>
    %add3A_231 = vector.broadcast %squeeze3A_230 : f32 to vector<5120xf32>
    %add3A_232 = arith.addf %mul3A_228, %add3A_231 : vector<5120xf32>
    %logistic3A_233 = arith.negf %add3A_232 : vector<5120xf32>
    %logistic3A_234 = math.exp %logistic3A_233 : vector<5120xf32>
    %logistic3A_235 = arith.constant 1.000000e+00 : f32
    %logistic3A_236 = vector.broadcast %logistic3A_235 : f32 to vector<5120xf32>
    %logistic3A_237 = arith.addf %logistic3A_236, %logistic3A_234 : vector<5120xf32>
    %logistic3A_238 = arith.divf %logistic3A_236, %logistic3A_237 : vector<5120xf32>
    %slice3A_239 = vector.extract_strided_slice %reduce_sum3A_28 {offsets = [6], sizes = [1], strides = [1]} : vector<16xf32> to vector<1xf32>
    %squeeze3A_240 = vector.extract %slice3A_239[0] : f32 from vector<1xf32>
    %mul3A_241 = vector.broadcast %squeeze3A_240 : f32 to vector<5120xf32>
    %mul3A_242 = arith.mulf %add3A_56, %mul3A_241 : vector<5120xf32>
    %slice3A_243 = vector.extract_strided_slice %add3A_38 {offsets = [6], sizes = [1], strides = [1]} : vector<16xf32> to vector<1xf32>
    %squeeze3A_244 = vector.extract %slice3A_243[0] : f32 from vector<1xf32>
    %add3A_245 = vector.broadcast %squeeze3A_244 : f32 to vector<5120xf32>
    %add3A_246 = arith.addf %mul3A_242, %add3A_245 : vector<5120xf32>
    %tanh3A_247 = math.tanh %add3A_246 : vector<5120xf32>
    %sub3A_248 = arith.constant 1.000000e+00 : f32
    %sub3A_249 = vector.broadcast %sub3A_248 : f32 to vector<5120xf32>
    %sub3A_250 = arith.subf %sub3A_249, %logistic3A_238 : vector<5120xf32>
    %mul3A_251 = arith.mulf %sub3A_250, %tanh3A_247 : vector<5120xf32>
    %swap3A_252 = arith.constant 0 : index
    %swap3A_253 = vector.load %arg20[%swap3A_252] : memref<5120xf32, #tpu.memory_space<vmem>>, vector<5120xf32>
    tpu.vector_store %arg20[%swap3A_252], %mul3A_251 {strides = array<i32>} : memref<5120xf32, #tpu.memory_space<vmem>>, vector<5120xf32>,
    %slice3A_254 = vector.extract_strided_slice %reduce_sum3A_7 {offsets = [7], sizes = [1], strides = [1]} : vector<16xf32> to vector<1xf32>
    %squeeze3A_255 = vector.extract %slice3A_254[0] : f32 from vector<1xf32>
    %mul3A_256 = vector.broadcast %squeeze3A_255 : f32 to vector<5120xf32>
    %mul3A_257 = arith.mulf %add3A_56, %mul3A_256 : vector<5120xf32>
    %slice3A_258 = vector.extract_strided_slice %add3A {offsets = [7], sizes = [1], strides = [1]} : vector<16xf32> to vector<1xf32>
    %squeeze3A_259 = vector.extract %slice3A_258[0] : f32 from vector<1xf32>
    %add3A_260 = vector.broadcast %squeeze3A_259 : f32 to vector<5120xf32>
    %add3A_261 = arith.addf %mul3A_257, %add3A_260 : vector<5120xf32>
    %logistic3A_262 = arith.negf %add3A_261 : vector<5120xf32>
    %logistic3A_263 = math.exp %logistic3A_262 : vector<5120xf32>
    %logistic3A_264 = arith.constant 1.000000e+00 : f32
    %logistic3A_265 = vector.broadcast %logistic3A_264 : f32 to vector<5120xf32>
    %logistic3A_266 = arith.addf %logistic3A_265, %logistic3A_263 : vector<5120xf32>
    %logistic3A_267 = arith.divf %logistic3A_265, %logistic3A_266 : vector<5120xf32>
    %slice3A_268 = vector.extract_strided_slice %reduce_sum3A_28 {offsets = [7], sizes = [1], strides = [1]} : vector<16xf32> to vector<1xf32>
    %squeeze3A_269 = vector.extract %slice3A_268[0] : f32 from vector<1xf32>
    %mul3A_270 = vector.broadcast %squeeze3A_269 : f32 to vector<5120xf32>
    %mul3A_271 = arith.mulf %add3A_56, %mul3A_270 : vector<5120xf32>
    %slice3A_272 = vector.extract_strided_slice %add3A_38 {offsets = [7], sizes = [1], strides = [1]} : vector<16xf32> to vector<1xf32>
    %squeeze3A_273 = vector.extract %slice3A_272[0] : f32 from vector<1xf32>
    %add3A_274 = vector.broadcast %squeeze3A_273 : f32 to vector<5120xf32>
    %add3A_275 = arith.addf %mul3A_271, %add3A_274 : vector<5120xf32>
    %tanh3A_276 = math.tanh %add3A_275 : vector<5120xf32>
    %sub3A_277 = arith.constant 1.000000e+00 : f32
    %sub3A_278 = vector.broadcast %sub3A_277 : f32 to vector<5120xf32>
    %sub3A_279 = arith.subf %sub3A_278, %logistic3A_267 : vector<5120xf32>
    %mul3A_280 = arith.mulf %sub3A_279, %tanh3A_276 : vector<5120xf32>
    %swap3A_281 = arith.constant 0 : index
    %swap3A_282 = vector.load %arg21[%swap3A_281] : memref<5120xf32, #tpu.memory_space<vmem>>, vector<5120xf32>
    tpu.vector_store %arg21[%swap3A_281], %mul3A_280 {strides = array<i32>} : memref<5120xf32, #tpu.memory_space<vmem>>, vector<5120xf32>,
    %slice3A_283 = vector.extract_strided_slice %reduce_sum3A_7 {offsets = [8], sizes = [1], strides = [1]} : vector<16xf32> to vector<1xf32>
    %squeeze3A_284 = vector.extract %slice3A_283[0] : f32 from vector<1xf32>
    %mul3A_285 = vector.broadcast %squeeze3A_284 : f32 to vector<5120xf32>
    %mul3A_286 = arith.mulf %add3A_56, %mul3A_285 : vector<5120xf32>
    %slice3A_287 = vector.extract_strided_slice %add3A {offsets = [8], sizes = [1], strides = [1]} : vector<16xf32> to vector<1xf32>
    %squeeze3A_288 = vector.extract %slice3A_287[0] : f32 from vector<1xf32>
    %add3A_289 = vector.broadcast %squeeze3A_288 : f32 to vector<5120xf32>
    %add3A_290 = arith.addf %mul3A_286, %add3A_289 : vector<5120xf32>
    %logistic3A_291 = arith.negf %add3A_290 : vector<5120xf32>
    %logistic3A_292 = math.exp %logistic3A_291 : vector<5120xf32>
    %logistic3A_293 = arith.constant 1.000000e+00 : f32
    %logistic3A_294 = vector.broadcast %logistic3A_293 : f32 to vector<5120xf32>
    %logistic3A_295 = arith.addf %logistic3A_294, %logistic3A_292 : vector<5120xf32>
    %logistic3A_296 = arith.divf %logistic3A_294, %logistic3A_295 : vector<5120xf32>
    %slice3A_297 = vector.extract_strided_slice %reduce_sum3A_28 {offsets = [8], sizes = [1], strides = [1]} : vector<16xf32> to vector<1xf32>
    %squeeze3A_298 = vector.extract %slice3A_297[0] : f32 from vector<1xf32>
    %mul3A_299 = vector.broadcast %squeeze3A_298 : f32 to vector<5120xf32>
    %mul3A_300 = arith.mulf %add3A_56, %mul3A_299 : vector<5120xf32>
    %slice3A_301 = vector.extract_strided_slice %add3A_38 {offsets = [8], sizes = [1], strides = [1]} : vector<16xf32> to vector<1xf32>
    %squeeze3A_302 = vector.extract %slice3A_301[0] : f32 from vector<1xf32>
    %add3A_303 = vector.broadcast %squeeze3A_302 : f32 to vector<5120xf32>
    %add3A_304 = arith.addf %mul3A_300, %add3A_303 : vector<5120xf32>
    %tanh3A_305 = math.tanh %add3A_304 : vector<5120xf32>
    %sub3A_306 = arith.constant 1.000000e+00 : f32
    %sub3A_307 = vector.broadcast %sub3A_306 : f32 to vector<5120xf32>
    %sub3A_308 = arith.subf %sub3A_307, %logistic3A_296 : vector<5120xf32>
    %mul3A_309 = arith.mulf %sub3A_308, %tanh3A_305 : vector<5120xf32>
    %swap3A_310 = arith.constant 0 : index
    %swap3A_311 = vector.load %arg22[%swap3A_310] : memref<5120xf32, #tpu.memory_space<vmem>>, vector<5120xf32>
    tpu.vector_store %arg22[%swap3A_310], %mul3A_309 {strides = array<i32>} : memref<5120xf32, #tpu.memory_space<vmem>>, vector<5120xf32>,
    %slice3A_312 = vector.extract_strided_slice %reduce_sum3A_7 {offsets = [9], sizes = [1], strides = [1]} : vector<16xf32> to vector<1xf32>
    %squeeze3A_313 = vector.extract %slice3A_312[0] : f32 from vector<1xf32>
    %mul3A_314 = vector.broadcast %squeeze3A_313 : f32 to vector<5120xf32>
    %mul3A_315 = arith.mulf %add3A_56, %mul3A_314 : vector<5120xf32>
    %slice3A_316 = vector.extract_strided_slice %add3A {offsets = [9], sizes = [1], strides = [1]} : vector<16xf32> to vector<1xf32>
    %squeeze3A_317 = vector.extract %slice3A_316[0] : f32 from vector<1xf32>
    %add3A_318 = vector.broadcast %squeeze3A_317 : f32 to vector<5120xf32>
    %add3A_319 = arith.addf %mul3A_315, %add3A_318 : vector<5120xf32>
    %logistic3A_320 = arith.negf %add3A_319 : vector<5120xf32>
    %logistic3A_321 = math.exp %logistic3A_320 : vector<5120xf32>
    %logistic3A_322 = arith.constant 1.000000e+00 : f32
    %logistic3A_323 = vector.broadcast %logistic3A_322 : f32 to vector<5120xf32>
    %logistic3A_324 = arith.addf %logistic3A_323, %logistic3A_321 : vector<5120xf32>
    %logistic3A_325 = arith.divf %logistic3A_323, %logistic3A_324 : vector<5120xf32>
    %slice3A_326 = vector.extract_strided_slice %reduce_sum3A_28 {offsets = [9], sizes = [1], strides = [1]} : vector<16xf32> to vector<1xf32>
    %squeeze3A_327 = vector.extract %slice3A_326[0] : f32 from vector<1xf32>
    %mul3A_328 = vector.broadcast %squeeze3A_327 : f32 to vector<5120xf32>
    %mul3A_329 = arith.mulf %add3A_56, %mul3A_328 : vector<5120xf32>
    %slice3A_330 = vector.extract_strided_slice %add3A_38 {offsets = [9], sizes = [1], strides = [1]} : vector<16xf32> to vector<1xf32>
    %squeeze3A_331 = vector.extract %slice3A_330[0] : f32 from vector<1xf32>
    %add3A_332 = vector.broadcast %squeeze3A_331 : f32 to vector<5120xf32>
    %add3A_333 = arith.addf %mul3A_329, %add3A_332 : vector<5120xf32>
    %tanh3A_334 = math.tanh %add3A_333 : vector<5120xf32>
    %sub3A_335 = arith.constant 1.000000e+00 : f32
    %sub3A_336 = vector.broadcast %sub3A_335 : f32 to vector<5120xf32>
    %sub3A_337 = arith.subf %sub3A_336, %logistic3A_325 : vector<5120xf32>
    %mul3A_338 = arith.mulf %sub3A_337, %tanh3A_334 : vector<5120xf32>
    %swap3A_339 = arith.constant 0 : index
    %swap3A_340 = vector.load %arg23[%swap3A_339] : memref<5120xf32, #tpu.memory_space<vmem>>, vector<5120xf32>
    tpu.vector_store %arg23[%swap3A_339], %mul3A_338 {strides = array<i32>} : memref<5120xf32, #tpu.memory_space<vmem>>, vector<5120xf32>,
    %slice3A_341 = vector.extract_strided_slice %reduce_sum3A_7 {offsets = [10], sizes = [1], strides = [1]} : vector<16xf32> to vector<1xf32>
    %squeeze3A_342 = vector.extract %slice3A_341[0] : f32 from vector<1xf32>
    %mul3A_343 = vector.broadcast %squeeze3A_342 : f32 to vector<5120xf32>
    %mul3A_344 = arith.mulf %add3A_56, %mul3A_343 : vector<5120xf32>
    %slice3A_345 = vector.extract_strided_slice %add3A {offsets = [10], sizes = [1], strides = [1]} : vector<16xf32> to vector<1xf32>
    %squeeze3A_346 = vector.extract %slice3A_345[0] : f32 from vector<1xf32>
    %add3A_347 = vector.broadcast %squeeze3A_346 : f32 to vector<5120xf32>
    %add3A_348 = arith.addf %mul3A_344, %add3A_347 : vector<5120xf32>
    %logistic3A_349 = arith.negf %add3A_348 : vector<5120xf32>
    %logistic3A_350 = math.exp %logistic3A_349 : vector<5120xf32>
    %logistic3A_351 = arith.constant 1.000000e+00 : f32
    %logistic3A_352 = vector.broadcast %logistic3A_351 : f32 to vector<5120xf32>
    %logistic3A_353 = arith.addf %logistic3A_352, %logistic3A_350 : vector<5120xf32>
    %logistic3A_354 = arith.divf %logistic3A_352, %logistic3A_353 : vector<5120xf32>
    %slice3A_355 = vector.extract_strided_slice %reduce_sum3A_28 {offsets = [10], sizes = [1], strides = [1]} : vector<16xf32> to vector<1xf32>
    %squeeze3A_356 = vector.extract %slice3A_355[0] : f32 from vector<1xf32>
    %mul3A_357 = vector.broadcast %squeeze3A_356 : f32 to vector<5120xf32>
    %mul3A_358 = arith.mulf %add3A_56, %mul3A_357 : vector<5120xf32>
    %slice3A_359 = vector.extract_strided_slice %add3A_38 {offsets = [10], sizes = [1], strides = [1]} : vector<16xf32> to vector<1xf32>
    %squeeze3A_360 = vector.extract %slice3A_359[0] : f32 from vector<1xf32>
    %add3A_361 = vector.broadcast %squeeze3A_360 : f32 to vector<5120xf32>
    %add3A_362 = arith.addf %mul3A_358, %add3A_361 : vector<5120xf32>
    %tanh3A_363 = math.tanh %add3A_362 : vector<5120xf32>
    %sub3A_364 = arith.constant 1.000000e+00 : f32
    %sub3A_365 = vector.broadcast %sub3A_364 : f32 to vector<5120xf32>
    %sub3A_366 = arith.subf %sub3A_365, %logistic3A_354 : vector<5120xf32>
    %mul3A_367 = arith.mulf %sub3A_366, %tanh3A_363 : vector<5120xf32>
    %swap3A_368 = arith.constant 0 : index
    %swap3A_369 = vector.load %arg24[%swap3A_368] : memref<5120xf32, #tpu.memory_space<vmem>>, vector<5120xf32>
    tpu.vector_store %arg24[%swap3A_368], %mul3A_367 {strides = array<i32>} : memref<5120xf32, #tpu.memory_space<vmem>>, vector<5120xf32>,
    %slice3A_370 = vector.extract_strided_slice %reduce_sum3A_7 {offsets = [11], sizes = [1], strides = [1]} : vector<16xf32> to vector<1xf32>
    %squeeze3A_371 = vector.extract %slice3A_370[0] : f32 from vector<1xf32>
    %mul3A_372 = vector.broadcast %squeeze3A_371 : f32 to vector<5120xf32>
    %mul3A_373 = arith.mulf %add3A_56, %mul3A_372 : vector<5120xf32>
    %slice3A_374 = vector.extract_strided_slice %add3A {offsets = [11], sizes = [1], strides = [1]} : vector<16xf32> to vector<1xf32>
    %squeeze3A_375 = vector.extract %slice3A_374[0] : f32 from vector<1xf32>
    %add3A_376 = vector.broadcast %squeeze3A_375 : f32 to vector<5120xf32>
    %add3A_377 = arith.addf %mul3A_373, %add3A_376 : vector<5120xf32>
    %logistic3A_378 = arith.negf %add3A_377 : vector<5120xf32>
    %logistic3A_379 = math.exp %logistic3A_378 : vector<5120xf32>
    %logistic3A_380 = arith.constant 1.000000e+00 : f32
    %logistic3A_381 = vector.broadcast %logistic3A_380 : f32 to vector<5120xf32>
    %logistic3A_382 = arith.addf %logistic3A_381, %logistic3A_379 : vector<5120xf32>
    %logistic3A_383 = arith.divf %logistic3A_381, %logistic3A_382 : vector<5120xf32>
    %slice3A_384 = vector.extract_strided_slice %reduce_sum3A_28 {offsets = [11], sizes = [1], strides = [1]} : vector<16xf32> to vector<1xf32>
    %squeeze3A_385 = vector.extract %slice3A_384[0] : f32 from vector<1xf32>
    %mul3A_386 = vector.broadcast %squeeze3A_385 : f32 to vector<5120xf32>
    %mul3A_387 = arith.mulf %add3A_56, %mul3A_386 : vector<5120xf32>
    %slice3A_388 = vector.extract_strided_slice %add3A_38 {offsets = [11], sizes = [1], strides = [1]} : vector<16xf32> to vector<1xf32>
    %squeeze3A_389 = vector.extract %slice3A_388[0] : f32 from vector<1xf32>
    %add3A_390 = vector.broadcast %squeeze3A_389 : f32 to vector<5120xf32>
    %add3A_391 = arith.addf %mul3A_387, %add3A_390 : vector<5120xf32>
    %tanh3A_392 = math.tanh %add3A_391 : vector<5120xf32>
    %sub3A_393 = arith.constant 1.000000e+00 : f32
    %sub3A_394 = vector.broadcast %sub3A_393 : f32 to vector<5120xf32>
    %sub3A_395 = arith.subf %sub3A_394, %logistic3A_383 : vector<5120xf32>
    %mul3A_396 = arith.mulf %sub3A_395, %tanh3A_392 : vector<5120xf32>
    %swap3A_397 = arith.constant 0 : index
    %swap3A_398 = vector.load %arg25[%swap3A_397] : memref<5120xf32, #tpu.memory_space<vmem>>, vector<5120xf32>
    tpu.vector_store %arg25[%swap3A_397], %mul3A_396 {strides = array<i32>} : memref<5120xf32, #tpu.memory_space<vmem>>, vector<5120xf32>,
    %slice3A_399 = vector.extract_strided_slice %reduce_sum3A_7 {offsets = [12], sizes = [1], strides = [1]} : vector<16xf32> to vector<1xf32>
    %squeeze3A_400 = vector.extract %slice3A_399[0] : f32 from vector<1xf32>
    %mul3A_401 = vector.broadcast %squeeze3A_400 : f32 to vector<5120xf32>
    %mul3A_402 = arith.mulf %add3A_56, %mul3A_401 : vector<5120xf32>
    %slice3A_403 = vector.extract_strided_slice %add3A {offsets = [12], sizes = [1], strides = [1]} : vector<16xf32> to vector<1xf32>
    %squeeze3A_404 = vector.extract %slice3A_403[0] : f32 from vector<1xf32>
    %add3A_405 = vector.broadcast %squeeze3A_404 : f32 to vector<5120xf32>
    %add3A_406 = arith.addf %mul3A_402, %add3A_405 : vector<5120xf32>
    %logistic3A_407 = arith.negf %add3A_406 : vector<5120xf32>
    %logistic3A_408 = math.exp %logistic3A_407 : vector<5120xf32>
    %logistic3A_409 = arith.constant 1.000000e+00 : f32
    %logistic3A_410 = vector.broadcast %logistic3A_409 : f32 to vector<5120xf32>
    %logistic3A_411 = arith.addf %logistic3A_410, %logistic3A_408 : vector<5120xf32>
    %logistic3A_412 = arith.divf %logistic3A_410, %logistic3A_411 : vector<5120xf32>
    %slice3A_413 = vector.extract_strided_slice %reduce_sum3A_28 {offsets = [12], sizes = [1], strides = [1]} : vector<16xf32> to vector<1xf32>
    %squeeze3A_414 = vector.extract %slice3A_413[0] : f32 from vector<1xf32>
    %mul3A_415 = vector.broadcast %squeeze3A_414 : f32 to vector<5120xf32>
    %mul3A_416 = arith.mulf %add3A_56, %mul3A_415 : vector<5120xf32>
    %slice3A_417 = vector.extract_strided_slice %add3A_38 {offsets = [12], sizes = [1], strides = [1]} : vector<16xf32> to vector<1xf32>
    %squeeze3A_418 = vector.extract %slice3A_417[0] : f32 from vector<1xf32>
    %add3A_419 = vector.broadcast %squeeze3A_418 : f32 to vector<5120xf32>
    %add3A_420 = arith.addf %mul3A_416, %add3A_419 : vector<5120xf32>
    %tanh3A_421 = math.tanh %add3A_420 : vector<5120xf32>
    %sub3A_422 = arith.constant 1.000000e+00 : f32
    %sub3A_423 = vector.broadcast %sub3A_422 : f32 to vector<5120xf32>
    %sub3A_424 = arith.subf %sub3A_423, %logistic3A_412 : vector<5120xf32>
    %mul3A_425 = arith.mulf %sub3A_424, %tanh3A_421 : vector<5120xf32>
    %swap3A_426 = arith.constant 0 : index
    %swap3A_427 = vector.load %arg26[%swap3A_426] : memref<5120xf32, #tpu.memory_space<vmem>>, vector<5120xf32>
    tpu.vector_store %arg26[%swap3A_426], %mul3A_425 {strides = array<i32>} : memref<5120xf32, #tpu.memory_space<vmem>>, vector<5120xf32>,
    %slice3A_428 = vector.extract_strided_slice %reduce_sum3A_7 {offsets = [13], sizes = [1], strides = [1]} : vector<16xf32> to vector<1xf32>
    %squeeze3A_429 = vector.extract %slice3A_428[0] : f32 from vector<1xf32>
    %mul3A_430 = vector.broadcast %squeeze3A_429 : f32 to vector<5120xf32>
    %mul3A_431 = arith.mulf %add3A_56, %mul3A_430 : vector<5120xf32>
    %slice3A_432 = vector.extract_strided_slice %add3A {offsets = [13], sizes = [1], strides = [1]} : vector<16xf32> to vector<1xf32>
    %squeeze3A_433 = vector.extract %slice3A_432[0] : f32 from vector<1xf32>
    %add3A_434 = vector.broadcast %squeeze3A_433 : f32 to vector<5120xf32>
    %add3A_435 = arith.addf %mul3A_431, %add3A_434 : vector<5120xf32>
    %logistic3A_436 = arith.negf %add3A_435 : vector<5120xf32>
    %logistic3A_437 = math.exp %logistic3A_436 : vector<5120xf32>
    %logistic3A_438 = arith.constant 1.000000e+00 : f32
    %logistic3A_439 = vector.broadcast %logistic3A_438 : f32 to vector<5120xf32>
    %logistic3A_440 = arith.addf %logistic3A_439, %logistic3A_437 : vector<5120xf32>
    %logistic3A_441 = arith.divf %logistic3A_439, %logistic3A_440 : vector<5120xf32>
    %slice3A_442 = vector.extract_strided_slice %reduce_sum3A_28 {offsets = [13], sizes = [1], strides = [1]} : vector<16xf32> to vector<1xf32>
    %squeeze3A_443 = vector.extract %slice3A_442[0] : f32 from vector<1xf32>
    %mul3A_444 = vector.broadcast %squeeze3A_443 : f32 to vector<5120xf32>
    %mul3A_445 = arith.mulf %add3A_56, %mul3A_444 : vector<5120xf32>
    %slice3A_446 = vector.extract_strided_slice %add3A_38 {offsets = [13], sizes = [1], strides = [1]} : vector<16xf32> to vector<1xf32>
    %squeeze3A_447 = vector.extract %slice3A_446[0] : f32 from vector<1xf32>
    %add3A_448 = vector.broadcast %squeeze3A_447 : f32 to vector<5120xf32>
    %add3A_449 = arith.addf %mul3A_445, %add3A_448 : vector<5120xf32>
    %tanh3A_450 = math.tanh %add3A_449 : vector<5120xf32>
    %sub3A_451 = arith.constant 1.000000e+00 : f32
    %sub3A_452 = vector.broadcast %sub3A_451 : f32 to vector<5120xf32>
    %sub3A_453 = arith.subf %sub3A_452, %logistic3A_441 : vector<5120xf32>
    %mul3A_454 = arith.mulf %sub3A_453, %tanh3A_450 : vector<5120xf32>
    %swap3A_455 = arith.constant 0 : index
    %swap3A_456 = vector.load %arg27[%swap3A_455] : memref<5120xf32, #tpu.memory_space<vmem>>, vector<5120xf32>
    tpu.vector_store %arg27[%swap3A_455], %mul3A_454 {strides = array<i32>} : memref<5120xf32, #tpu.memory_space<vmem>>, vector<5120xf32>,
    %slice3A_457 = vector.extract_strided_slice %reduce_sum3A_7 {offsets = [14], sizes = [1], strides = [1]} : vector<16xf32> to vector<1xf32>
    %squeeze3A_458 = vector.extract %slice3A_457[0] : f32 from vector<1xf32>
    %mul3A_459 = vector.broadcast %squeeze3A_458 : f32 to vector<5120xf32>
    %mul3A_460 = arith.mulf %add3A_56, %mul3A_459 : vector<5120xf32>
    %slice3A_461 = vector.extract_strided_slice %add3A {offsets = [14], sizes = [1], strides = [1]} : vector<16xf32> to vector<1xf32>
    %squeeze3A_462 = vector.extract %slice3A_461[0] : f32 from vector<1xf32>
    %add3A_463 = vector.broadcast %squeeze3A_462 : f32 to vector<5120xf32>
    %add3A_464 = arith.addf %mul3A_460, %add3A_463 : vector<5120xf32>
    %logistic3A_465 = arith.negf %add3A_464 : vector<5120xf32>
    %logistic3A_466 = math.exp %logistic3A_465 : vector<5120xf32>
    %logistic3A_467 = arith.constant 1.000000e+00 : f32
    %logistic3A_468 = vector.broadcast %logistic3A_467 : f32 to vector<5120xf32>
    %logistic3A_469 = arith.addf %logistic3A_468, %logistic3A_466 : vector<5120xf32>
    %logistic3A_470 = arith.divf %logistic3A_468, %logistic3A_469 : vector<5120xf32>
    %slice3A_471 = vector.extract_strided_slice %reduce_sum3A_28 {offsets = [14], sizes = [1], strides = [1]} : vector<16xf32> to vector<1xf32>
    %squeeze3A_472 = vector.extract %slice3A_471[0] : f32 from vector<1xf32>
    %mul3A_473 = vector.broadcast %squeeze3A_472 : f32 to vector<5120xf32>
    %mul3A_474 = arith.mulf %add3A_56, %mul3A_473 : vector<5120xf32>
    %slice3A_475 = vector.extract_strided_slice %add3A_38 {offsets = [14], sizes = [1], strides = [1]} : vector<16xf32> to vector<1xf32>
    %squeeze3A_476 = vector.extract %slice3A_475[0] : f32 from vector<1xf32>
    %add3A_477 = vector.broadcast %squeeze3A_476 : f32 to vector<5120xf32>
    %add3A_478 = arith.addf %mul3A_474, %add3A_477 : vector<5120xf32>
    %tanh3A_479 = math.tanh %add3A_478 : vector<5120xf32>
    %sub3A_480 = arith.constant 1.000000e+00 : f32
    %sub3A_481 = vector.broadcast %sub3A_480 : f32 to vector<5120xf32>
    %sub3A_482 = arith.subf %sub3A_481, %logistic3A_470 : vector<5120xf32>
    %mul3A_483 = arith.mulf %sub3A_482, %tanh3A_479 : vector<5120xf32>
    %swap3A_484 = arith.constant 0 : index
    %swap3A_485 = vector.load %arg28[%swap3A_484] : memref<5120xf32, #tpu.memory_space<vmem>>, vector<5120xf32>
    tpu.vector_store %arg28[%swap3A_484], %mul3A_483 {strides = array<i32>} : memref<5120xf32, #tpu.memory_space<vmem>>, vector<5120xf32>,
    %slice3A_486 = vector.extract_strided_slice %reduce_sum3A_7 {offsets = [15], sizes = [1], strides = [1]} : vector<16xf32> to vector<1xf32>
    %squeeze3A_487 = vector.extract %slice3A_486[0] : f32 from vector<1xf32>
    %mul3A_488 = vector.broadcast %squeeze3A_487 : f32 to vector<5120xf32>
    %mul3A_489 = arith.mulf %add3A_56, %mul3A_488 : vector<5120xf32>
    %slice3A_490 = vector.extract_strided_slice %add3A {offsets = [15], sizes = [1], strides = [1]} : vector<16xf32> to vector<1xf32>
    %squeeze3A_491 = vector.extract %slice3A_490[0] : f32 from vector<1xf32>
    %add3A_492 = vector.broadcast %squeeze3A_491 : f32 to vector<5120xf32>
    %add3A_493 = arith.addf %mul3A_489, %add3A_492 : vector<5120xf32>
    %logistic3A_494 = arith.negf %add3A_493 : vector<5120xf32>
    %logistic3A_495 = math.exp %logistic3A_494 : vector<5120xf32>
    %logistic3A_496 = arith.constant 1.000000e+00 : f32
    %logistic3A_497 = vector.broadcast %logistic3A_496 : f32 to vector<5120xf32>
    %logistic3A_498 = arith.addf %logistic3A_497, %logistic3A_495 : vector<5120xf32>
    %logistic3A_499 = arith.divf %logistic3A_497, %logistic3A_498 : vector<5120xf32>
    %slice3A_500 = vector.extract_strided_slice %reduce_sum3A_28 {offsets = [15], sizes = [1], strides = [1]} : vector<16xf32> to vector<1xf32>
    %squeeze3A_501 = vector.extract %slice3A_500[0] : f32 from vector<1xf32>
    %mul3A_502 = vector.broadcast %squeeze3A_501 : f32 to vector<5120xf32>
    %mul3A_503 = arith.mulf %add3A_56, %mul3A_502 : vector<5120xf32>
    %slice3A_504 = vector.extract_strided_slice %add3A_38 {offsets = [15], sizes = [1], strides = [1]} : vector<16xf32> to vector<1xf32>
    %squeeze3A_505 = vector.extract %slice3A_504[0] : f32 from vector<1xf32>
    %add3A_506 = vector.broadcast %squeeze3A_505 : f32 to vector<5120xf32>
    %add3A_507 = arith.addf %mul3A_503, %add3A_506 : vector<5120xf32>
    %tanh3A_508 = math.tanh %add3A_507 : vector<5120xf32>
    %sub3A_509 = arith.constant 1.000000e+00 : f32
    %sub3A_510 = vector.broadcast %sub3A_509 : f32 to vector<5120xf32>
    %sub3A_511 = arith.subf %sub3A_510, %logistic3A_499 : vector<5120xf32>
    %mul3A_512 = arith.mulf %sub3A_511, %tanh3A_508 : vector<5120xf32>
    %swap3A_513 = arith.constant 0 : index
    %swap3A_514 = vector.load %arg29[%swap3A_513] : memref<5120xf32, #tpu.memory_space<vmem>>, vector<5120xf32>
    tpu.vector_store %arg29[%swap3A_513], %mul3A_512 {strides = array<i32>} : memref<5120xf32, #tpu.memory_space<vmem>>, vector<5120xf32>,
    return
  }
  func.func @transform_0(%arg0: i32) -> i32 {
    %c0_i32 = arith.constant 0 : i32
    return %arg0 : i32
  }
  func.func @transform_1(%arg0: i32) -> i32 {
    %c0_i32 = arith.constant 0 : i32
    return %arg0 : i32
  }
  func.func @transform_2(%arg0: i32) -> i32 {
    %c0_i32 = arith.constant 0 : i32
    return %arg0 : i32
  }
  func.func @transform_3(%arg0: i32) -> i32 {
    %c0_i32 = arith.constant 0 : i32
    return %arg0 : i32
  }
  func.func @transform_4(%arg0: i32) -> i32 {
    %c0_i32 = arith.constant 0 : i32
    return %arg0 : i32
  }
  func.func @transform_5(%arg0: i32) -> (i32, i32) {
    %c0_i32 = arith.constant 0 : i32
    %c0_i32_0 = arith.constant 0 : i32
    %c0_i32_1 = arith.constant 0 : i32
    return %c0_i32, %c0_i32_0 : i32, i32
  }
  func.func @transform_6(%arg0: i32) -> i32 {
    %c0_i32 = arith.constant 0 : i32
    %c0_i32_0 = arith.constant 0 : i32
    return %c0_i32 : i32
  }
  func.func @transform_7(%arg0: i32) -> (i32, i32) {
    %c0_i32 = arith.constant 0 : i32
    %c0_i32_0 = arith.constant 0 : i32
    %c0_i32_1 = arith.constant 0 : i32
    return %c0_i32, %c0_i32_0 : i32, i32
  }
  func.func @transform_8(%arg0: i32) -> i32 {
    %c0_i32 = arith.constant 0 : i32
    %c0_i32_0 = arith.constant 0 : i32
    return %c0_i32 : i32
  }
  func.func @transform_9(%arg0: i32) -> (i32, i32) {
    %c0_i32 = arith.constant 0 : i32
    %c0_i32_0 = arith.constant 0 : i32
    %c0_i32_1 = arith.constant 0 : i32
    return %c0_i32, %c0_i32_0 : i32, i32
  }
  func.func @transform_10(%arg0: i32) -> i32 {
    %c0_i32 = arith.constant 0 : i32
    %c0_i32_0 = arith.constant 0 : i32
    return %c0_i32 : i32
  }
  func.func @transform_11(%arg0: i32) -> (i32, i32) {
    %c0_i32 = arith.constant 0 : i32
    %c0_i32_0 = arith.constant 0 : i32
    %c0_i32_1 = arith.constant 0 : i32
    return %c0_i32, %c0_i32_0 : i32, i32
  }
  func.func @transform_12(%arg0: i32) -> i32 {
    %c0_i32 = arith.constant 0 : i32
    %c0_i32_0 = arith.constant 0 : i32
    return %c0_i32 : i32
  }
  func.func @transform_13(%arg0: i32) -> i32 {
    %c0_i32 = arith.constant 0 : i32
    return %arg0 : i32
  }
  func.func @transform_14(%arg0: i32) -> i32 {
    %c0_i32 = arith.constant 0 : i32
    return %arg0 : i32
  }
  func.func @transform_15(%arg0: i32) -> i32 {
    %c0_i32 = arith.constant 0 : i32
    return %arg0 : i32
  }
  func.func @transform_16(%arg0: i32) -> i32 {
    %c0_i32 = arith.constant 0 : i32
    return %arg0 : i32
  }
  func.func @transform_17(%arg0: i32) -> i32 {
    %c0_i32 = arith.constant 0 : i32
    return %arg0 : i32
  }
  func.func @transform_18(%arg0: i32) -> i32 {
    %c0_i32 = arith.constant 0 : i32
    return %arg0 : i32
  }
  func.func @transform_19(%arg0: i32) -> i32 {
    %c0_i32 = arith.constant 0 : i32
    return %arg0 : i32
  }
  func.func @transform_20(%arg0: i32) -> i32 {
    %c0_i32 = arith.constant 0 : i32
    return %arg0 : i32
  }
  func.func @transform_21(%arg0: i32) -> i32 {
    %c0_i32 = arith.constant 0 : i32
    return %arg0 : i32
  }
  func.func @transform_22(%arg0: i32) -> i32 {
    %c0_i32 = arith.constant 0 : i32
    return %arg0 : i32
  }
  func.func @transform_23(%arg0: i32) -> i32 {
    %c0_i32 = arith.constant 0 : i32
    return %arg0 : i32
  }
  func.func @transform_24(%arg0: i32) -> i32 {
    %c0_i32 = arith.constant 0 : i32
    return %arg0 : i32
  }
  func.func @transform_25(%arg0: i32) -> i32 {
    %c0_i32 = arith.constant 0 : i32
    return %arg0 : i32
  }
  func.func @transform_26(%arg0: i32) -> i32 {
    %c0_i32 = arith.constant 0 : i32
    return %arg0 : i32
  }
  func.func @transform_27(%arg0: i32) -> i32 {
    %c0_i32 = arith.constant 0 : i32
    return %arg0 : i32
  }
  func.func @transform_28(%arg0: i32) -> i32 {
    %c0_i32 = arith.constant 0 : i32
    return %arg0 : i32
  }
}

</mosaic_0001>

<sc_bundles>
// kernel: kernel.6.cloned.1.call-start
scs
__scs_entry_jumppad:
0x0: {  	(pc) =	sbr.rel $0x88, $3  }
0x1: {  	(tag) =	ssettag $0x0;
	lr =	simm.s32 $0x1  }
0x2: {  	[smem:$0x3F97] =	sst lr;
	_ =	strace $0xD0000000  }
0x3: {  	_ = 	snop  }
0x4: {  	_ = 	snop  }
0x5: {  	_ = 	snop  }
0x6: {  	_ = 	snop  }
0x7: {  	_ = 	snop  }
__scs_overlays_trampoline_lowered:
0x8: {  	[smem:$0x3FA6] =	sst s0  }
0x9: {  	[smem:$0x3FA7] =	sst s1  }
0xa: {  	[smem:$0x3FA8] =	sst s2  }
0xb: {  	[smem:$0x3FA9] =	sst s3  }
0xc: {  	[smem:$0x3FAA] =	sst s4  }
0xd: {  	[smem:$0x3FAB] =	sst s5  }
0xe: {  	[smem:$0x3FAC] =	sst s6  }
0xf: {  	[smem:$0x3FAD] =	sst s7  }
0x10: {  	[smem:$0x3FAE] =	sst s8  }
0x11: {  	[smem:$0x3FAF] =	sst s9;
	s0 =	simm.s32 @!p0 $0x0  }
0x12: {  	s1 =	sld [smem:$0x3F95];
	s0 =	simm.s32 @p0 $0x1  }
0x13: {  	[smem:$0x3FB0] =	sst s0;
	s0 =	simm.s32 @!p1 $0x0  }
0x14: {  	s2 =	sld [smem:$0x3F94];
	s0 =	simm.s32 @p1 $0x1  }
0x15: {  	[smem:$0x3FB1] =	sst s0;
	s0 =	simm.s32 @!p2 $0x0  }
0x16: {  	s3 =	sld [smem:$0x3FDB];
	s0 =	simm.s32 @p2 $0x1  }
0x17: {  	s4 =	simm.s32 $0x1BF5;
	[smem:$0x3FB3] =	sst s0  }
0x18: {  	s0 =	sld [smem:$0x3F96];
	_ =	swait.ge [sflag:s4], $0x0  }
0x19: {  	s7 =	sld [smem:$0x3F97]  }
0x1a: {  	s8 =	sadd.s32 $0xFFFFE003, lr  }
0x1b: {  	s9 =	sadd.s32 $0xFFFFFEF7, lr;
	s5 =	simm.s32 $0xFFFFFFFF;
	p2 =	slt.u32 s8, $0xFFFFF086  }
0x1c: {  	p1 =	slt.u32 s9, $0xF7A;
	s5 =	simm.s32 @!p2 $0x0  }
0x1d: {  	s5 =	simm.s32 @p1 $0x1;
	p0 =	seq.s32 s7, s2  }
0x1e: {  	s7 =	smul.u32 @!p0 $0xF7A, s2;
	p2 =	seq.s32 @!p0 s5, $0x0  }
0x1f: {  	s9 =	smul.u32 $0xF7A, s1;
	s8 =	simm.s32 @!p0 $0x1BF5;
	p2 =	por !p2, p0  }
0x20: {  	[sflag:s8] =	ssyncset.s32 @!p0 $0xFFFFF086;
	s6 =	sadd.s32 @!p0 s3, s7;
	s7 =	simm.s32 @!p0 $0x108  }
0x21: {  	s3 =	sadd.s32 s3, s9;
	s6 =	sadd.s32 @!p0 $0x88, s6;
	s7 =	simm.s32 @p2 $0x1082  }
0x22: {  	[simem:s7], [sflag:s8] =	dma.local @!p0 [hbm:s6], $0xF7A  }
0x23: {  	s9 =	sor.u32 $0xD0000000, s2;
	s6 =	simm.s32 $0x108;
	_ =	swait.ge @!p0 [sflag:s8], $0x0  }
0x24: {  	s3 =	sadd.s32 $0x88, s3;
	s6 =	simm.s32 @!p1 $0x1082;
	[sflag:s4] =	ssyncset.s32 $0xFFFFF086  }
0x25: {  	[simem:s6], [sflag:s4] =	dma.local [hbm:s3], $0xF7A  }
0x26: {  	[smem:$0x3F97] =	sst s1;
	(tag) =	ssettag s2;
	_ =	strace s9  }
0x27: {  	s1 =	sld [smem:$0x3FA7]  }
0x28: {  	s2 =	sld [smem:$0x3FA8]  }
0x29: {  	s4 =	sld [smem:$0x3FAA]  }
0x2a: {  	p0 =	seq.s32 s5, $0x0;
	s5 =	sld [smem:$0x3FAB]  }
0x2b: {  	s6 =	sld [smem:$0x3FAC]  }
0x2c: {  	s7 =	sld [smem:$0x3FAD]  }
0x2d: {  	s3 =	simm.s32 $0x108;
	s8 =	sld [smem:$0x3FAE]  }
0x2e: {  	s3 =	simm.s32 @!p0 $0x1082;
	s9 =	sld [smem:$0x3FAF]  }
0x2f: {  	lr =	sadd.s32 s0, s3;
	s0 =	sld [smem:$0x3FA6]  }
0x30: {  	s3 =	sld [smem:$0x3FA9]  }
0x31: {  	[smem:$0x3FB2] =	sst s10  }
0x32: {  	s10 =	sld [smem:$0x3FB0];
	_ =	sdelay $0x3  }
0x33: {  	p0 =	seq.s32 s10, $0x1;
	s10 =	sld [smem:$0x3FB2];
	_ =	sdelay $0x3  }
0x34: {  	[smem:$0x3FB2] =	sst s10  }
0x35: {  	s10 =	sld [smem:$0x3FB1];
	_ =	sdelay $0x3  }
0x36: {  	p1 =	seq.s32 s10, $0x1;
	s10 =	sld [smem:$0x3FB2];
	_ =	sdelay $0x3  }
0x37: {  	[smem:$0x3FB2] =	sst s10  }
0x38: {  	s10 =	sld [smem:$0x3FB3]  }
0x39: {  	_ = 	snop;
	(pc) =	sbr.ind lr, $3  }
0x3a: {  	_ = 	snop  }
0x3b: {  	_ = 	snop  }
0x3c: {  	p2 =	seq.s32 s10, $0x1;
	s10 =	sld [smem:$0x3FB2]  }
0x3d: {  	_ =	shalt  }
0x3e: {  	_ =	shalt  }
0x3f: {  	_ =	shalt  }
0x40: {  	_ =	shalt  }
0x41: {  	_ =	shalt  }
0x42: {  	_ =	shalt  }
0x43: {  	_ =	shalt  }
0x44: {  	_ =	shalt  }
0x45: {  	_ =	shalt  }
0x46: {  	_ =	shalt  }
0x47: {  	_ =	shalt  }
0x48: {  	_ =	shalt  }
0x49: {  	_ =	shalt  }
0x4a: {  	_ =	shalt  }
0x4b: {  	_ =	shalt  }
0x4c: {  	_ =	shalt  }
0x4d: {  	_ =	shalt  }
0x4e: {  	_ =	shalt  }
0x4f: {  	_ =	shalt  }
0x50: {  	_ =	shalt  }
0x51: {  	_ =	shalt  }
0x52: {  	_ =	shalt  }
0x53: {  	_ =	shalt  }
0x54: {  	_ =	shalt  }
0x55: {  	_ =	shalt  }
0x56: {  	_ =	shalt  }
0x57: {  	_ =	shalt  }
0x58: {  	_ =	shalt  }
0x59: {  	_ =	shalt  }
0x5a: {  	_ =	shalt  }
0x5b: {  	_ =	shalt  }
0x5c: {  	_ =	shalt  }
0x5d: {  	_ =	shalt  }
0x5e: {  	_ =	shalt  }
0x5f: {  	_ =	shalt  }
0x60: {  	_ =	shalt  }
0x61: {  	_ =	shalt  }
0x62: {  	_ =	shalt  }
0x63: {  	_ =	shalt  }
0x64: {  	_ =	shalt  }
0x65: {  	_ =	shalt  }
0x66: {  	_ =	shalt  }
0x67: {  	_ =	shalt  }
0x68: {  	_ =	shalt  }
0x69: {  	_ =	shalt  }
0x6a: {  	_ =	shalt  }
0x6b: {  	_ =	shalt  }
0x6c: {  	_ =	shalt  }
0x6d: {  	_ =	shalt  }
0x6e: {  	_ =	shalt  }
0x6f: {  	_ =	shalt  }
0x70: {  	_ =	shalt  }
0x71: {  	_ =	shalt  }
0x72: {  	_ =	shalt  }
0x73: {  	_ =	shalt  }
0x74: {  	_ =	shalt  }
0x75: {  	_ =	shalt  }
0x76: {  	_ =	shalt  }
0x77: {  	_ =	shalt  }
0x78: {  	_ =	shalt  }
0x79: {  	_ =	shalt  }
0x7a: {  	_ =	shalt  }
0x7b: {  	_ =	shalt  }
0x7c: {  	_ =	shalt  }
0x7d: {  	_ =	shalt  }
0x7e: {  	_ =	shalt  }
0x7f: {  	_ =	shalt  }
0x80: {  	_ =	shalt  }
0x81: {  	_ =	shalt  }
0x82: {  	_ =	shalt  }
0x83: {  	_ =	shalt  }
0x84: {  	_ =	shalt  }
0x85: {  	_ =	shalt  }
0x86: {  	_ =	shalt  }
0x87: {  	_ =	shalt  }
.Lfunc_end0:
.L_simem_size_0:
called_computation_lowered:
.L_overlay_start_0:
0x88: {  	s2 =	sld [smem:$0x3FD9]  }
0x89: {  	s3 =	sld [smem:$0x3FFE];
	_ =	sdelay $0x1  }
0x8a: {  	s1 =	srdreg.scid  }
0x8b: {  	s0 =	sand.u32 $0x1, s1  }
0x8c: {  	s17 =	sshll.u32 s0, $0xA;
	s2 =	sadd.s32 s3, s2  }
0x8d: {  	s2 =	sadd.s32 s2, s17  }
0x8e: {  	[smem:$0x3FBE] =	sst s2  }
0x8f: {  	_ = 	snop  }
0x90: {  	s2 =	sld [smem:$0x3FC8]  }
0x91: {  	s18 =	sld [smem:$0x3FD0];
	(tm) =	ssettm $0x1  }
0x92: {  	s4 =	sld [smem:$0x3FFB];
	_ =	sdelay $0x3  }
0x93: {  	_ =	strace s4  }
0x94: {  	s4 =	sld [smem:$0x3FFC];
	_ =	sdelay $0x3  }
0x95: {  	_ =	strace s4  }
0x96: {  	s4 =	sld [smem:$0x3FFD];
	_ =	sdelay $0x3  }
0x97: {  	_ =	strace s4  }
0x98: {  	_ =	strace $0x8FFFFFFF  }
0x99: {  	s19 =	sld [smem:$0x3FDB];
	_ =	sdelay $0x1  }
0x9a: {  	s5 =	simm.s32 $_scs_section_size  }
0x9b: {  	s6 =	simm.s32 $_size__tile_overlayer_lowered;
	s7 =	simm.s32 $_tile_overlayer_lowered  }
0x9c: {  	s22 =	simm.s32 $0x1BFF;
	s21 =	sshll.u32 s7, $0x1;
	s4 =	sadd.s32 s5, s19  }
0x9d: {  	s8 =	simm.s32 $0x0;
	s20 =	sshll.u32 s6, $0x1;
	s6 =	sadd.s32 s21, s4  }
0x9e: {  	[timem:s8], [sflag:s22] =	dma.local [hbm:s6], s20  }
0x9f: {  	_ =	swait.ge [sflag:s22], s20  }
0xa0: {  	s5 =	ssub.s32 $0x0, s20;
	[sflag:s22] =	ssyncset.done $0x0  }
0xa1: {  	[sflag:s22] =	ssyncadd.s32 s5;
	_ =	sdelay $0x1  }
0xa2: {  	s23 =	simm.s32 $0x1B8B  }
0xa3: {  	_ =	swait.ge [sflag:s23], $0x1  }
0xa4: {  	[sflag:s23] =	ssyncset.done $0x0  }
0xa5: {  	s25 =	simm.s32 $0x1B8E;
	s24 =	sld [smem:$0x3FFE];
	[sflag:s23] =	ssyncadd.s32 $0xFFFFFFFF  }
0xa6: {  	s26 =	simm.s32 $execute0_lowered;
	[smem:$0x3FD2] =	sst s25  }
0xa7: {  	s6 =	sshll.u32 s26, $0x1;
	_ =	strace $0x80000046;
	[dreg:$0x1] =	wrdreg $0xFFFFFFFF  }
0xa8: {  	s28 =	simm.s32 $_size_execute0_lowered;
	s4 =	sadd.s32 s4, s6;
	[dreg:$0x0] =	wrdreg $0x0  }
0xa9: {  	s6 =	sshll.u32 s28, $0x1;
	[dreg:$0x2] =	wrdreg s4  }
0xaa: {  	[dreg:$0x3] =	wrdreg s6  }
0xab: {  	[dreg:$0x4] =	wrdreg $0xC0  }
0xac: {  	_ =	task [dreg:s8], $0x5FFFF  }
0xad: {  	[dreg:$0x1] =	wrdreg $0xFFFFFFFF  }
0xae: {  	[dreg:$0x0] =	wrdreg $0x60  }
0xaf: {  	[dreg:$0x2] =	wrdreg s2  }
0xb0: {  	[dreg:$0x3] =	wrdreg s18  }
0xb1: {  	[dreg:$0x4] =	wrdreg s24  }
0xb2: {  	[dreg:$0x5] =	wrdreg $0x0  }
0xb3: {  	[dreg:$0x6] =	wrdreg $0x19000  }
0xb4: {  	[dreg:$0x7] =	wrdreg $0x9  }
0xb5: {  	_ =	task.clear_ibuf [dreg:s8], $0x8FFFF;
	_ =	strace $0x90000046  }
0xb6: {  	s29 =	simm.s32 $0x9;
	_ =	strace $0x80000048  }
0xb7: {  	_ =	swait.ge [sflag:s29], $0x1  }
0xb8: {  	[sflag:s29] =	ssyncadd.s32 $0xFFFFFFFF  }
0xb9: {  	_ =	strace $0x90000048  }
0xba: {  	_ =	sfence  }
0xbb: {  	s30 =	sld [smem:$0x0];
	_ =	sdelay $0x2  }
0xbc: {  	s31 =	sshll.u32 s1, $0xD;
	s1 =	sshrl.u32 s1, $0x2  }
0xbd: {  	s3 =	sand.u32 $0x4000, s31;
	s1 =	sadd.s32 s1, s30  }
0xbe: {  	s0 =	sor.u32 s3, s0;
	s1 =	sshll.u32 s1, $0x11  }
0xbf: {  	s0 =	sor.u32 s1, s0  }
0xc0: {  	s0 =	sadd.s32 $0x8F2B, s0  }
0xc1: {  	[sflag:s0] =	ssyncadd.remote.s32 $0x1  }
0xc2: {  	_ =	sfence.sel $0xFFFF  }
0xc3: {  	[dreg:$0x0] =	wrdreg $0xFFFFFFFF;
	(pc) =	sbr.abs _section_cstart, $3  }
0xc4: {  	[dreg:$0x1] =	wrdreg $0xFFFFFFFF  }
0xc5: {  	_ =	task.clear_ibuf [dreg:s8], $0x2FFFF;
	_ =	strace $0x9FFFFFFF  }
0xc6: {  	(tm) =	ssettm $0x7FFFFFFF  }
0xc7: {  	_ =	shalt  }
tec
execute0_lowered:
.L_overlay_start_1:
0x0: {  	(tag) =	ssettag $0x1  }
0x1: {  	s0 =	rddreg [dreg:$0x0]  }
0x2: {  	s2 =	rddreg [dreg:$0x1]  }
0x3: {  	s4 =	rddreg [dreg:$0x2]  }
0x4: {  	s1 =	rddreg [dreg:$0x3];
	s6 =	srdreg.scid  }
0x5: {  	s5 =	rddreg [dreg:$0x4];
	s13 =	stileid.u32;
	s6 =	sand.u32 $0x1, s6  }
0x6: {  	s3 =	simm.s32 $0x0;
	s9 =	smul.u32 $0x1E000, s13;
	s7 =	sshll.u32 s6, $0x4  }
0x7: {  	[smem:$0x7FF] =	sst s3;
	s19 =	smul.u32 $0x1900, s13;
	s7 =	sor.u32 s13, s7  }
0x8: {  	s12 =	sadd.s32 $0x2E00, s4;
	_ =	strace $0x80000047;
	s11 =	smul.u32 $0x2800, s7  }
0x9: {  	s9 =	sshrl.u32 s9, $0x2;
	s21 =	sadd.s32 s19, s1;
	s20 =	smul.u32 $0x500, s7  }
0xa: {  	[dreg:$0x6] =	wrdreg s21;
	s4 =	sadd.s32 s9, s5;
	s11 =	sshrl.u32 s11, $0x3  }
0xb: {  	[dreg:$0x7] =	wrdreg s4;
	s9 =	sadd.s32 s0, s11;
	s0 =	sadd.s32 s0, s20  }
0xc: {  	[dreg:$0x8] =	wrdreg s0;
	s22 =	sadd.s32 $0xA000, s9  }
0xd: {  	s23 =	sadd.s32 $0x14000, s9;
	[dreg:$0x9] =	wrdreg s22  }
0xe: {  	s24 =	sadd.s32 $0x1E000, s9;
	[dreg:$0xa] =	wrdreg s23  }
0xf: {  	s25 =	sadd.s32 $0x28000, s9;
	[dreg:$0xb] =	wrdreg s24  }
0x10: {  	s26 =	sadd.s32 $0x32000, s9;
	[dreg:$0xc] =	wrdreg s25  }
0x11: {  	s8 =	ssub.s32 $0x2, s6;
	s28 =	sadd.s32 $0x3C000, s9;
	[dreg:$0xd] =	wrdreg s26  }
0x12: {  	p0 =	seq.s32 s6, $0x1;
	s5 =	sadd.s32 $0x46000, s9;
	[dreg:$0xe] =	wrdreg s28  }
0x13: {  	s10 =	sshrl.u32 s8, $0x1;
	s11 =	sadd.s32 $0x50000, s9;
	[dreg:$0xf] =	wrdreg s5  }
0x14: {  	s2 =	smov.u32 @p0 s12;
	s13 =	sadd.s32 $0x5A000, s9;
	[dreg:$0x10] =	wrdreg s11  }
0x15: {  	s19 =	sshrl.u32 s19, $0x3;
	s14 =	sadd.s32 $0x64000, s9;
	[dreg:$0x11] =	wrdreg s13  }
0x16: {  	s12 =	simm.s32 $0x1400;
	s15 =	sadd.s32 $0x6E000, s9;
	[dreg:$0x12] =	wrdreg s14  }
0x17: {  	s8 =	ssub.s32 s8, s10;
	s16 =	sadd.s32 $0x78000, s9;
	[dreg:$0x13] =	wrdreg s15  }
0x18: {  	p0 =	sgt.u32 s7, $0x10;
	s17 =	sadd.s32 $0x82000, s9;
	[dreg:$0x14] =	wrdreg s16  }
0x19: {  	s7 =	simm.s32 $0x1;
	s18 =	sadd.s32 $0x8C000, s9;
	[dreg:$0x15] =	wrdreg s17  }
0x1a: {  	s10 =	simm.s32 $0x9100;
	s0 =	sadd.s32 s2, s19;
	[dreg:$0x16] =	wrdreg s18  }
0x1b: {  	s31 =	sadd.s32 $0x80, s4;
	s20 =	sadd.s32 $0x96000, s9;
	[dreg:$0x17] =	wrdreg s0  }
0x1c: {  	s21 =	sadd.s32 $0xA0000, s9;
	s2 =	sadd.s32 $0x5080, s4;
	[dreg:$0x18] =	wrdreg s20  }
0x1d: {  	s19 =	simm.s32 $0x6;
	[dreg:$0x19] =	wrdreg s21;
	s22 =	sadd.s32 $0xAA000, s9  }
0x1e: {  	s23 =	sadd.s32 $0xB4000, s9;
	s24 =	sadd.s32 $0xBE000, s9;
	s25 =	sadd.s32 $0x2800, s4  }
0x1f: {  	s26 =	sadd.s32 $0x5000, s4;
	s28 =	smax.u32 s8, $0x1;
	s0 =	sadd.s32 $0x2880, s4  }
0x20: {  	s8 =	simm.s32 $0x80;
	s9 =	simm.s32 $0x100;
	s11 =	simm.s32 $0x4  }
0x21: {  	s13 =	simm.s32 $0xCD00;
	s14 =	simm.s32 $0x2;
	[dreg:$0x1a] =	wrdreg s22  }
0x22: {  	s15 =	simm.s32 $0xA500;
	s16 =	simm.s32 $0x5;
	[dreg:$0x1b] =	wrdreg s23  }
0x23: {  	s17 =	simm.s32 $0x3;
	s18 =	simm.s32 $0xB900;
	[dreg:$0x1c] =	wrdreg s24  }
0x24: {  	s20 =	simm.s32 $0x7;
	s21 =	simm.s32 $0x8;
	[dreg:$0x1d] =	wrdreg s28  }
0x25: {  	v0 =	vimm.f32 $1.000000000e+00;
	v1 =	vimm.f32 $0.0e+00;
	s29 =	sshrl.u32 s25, $0x3;
	s30 =	sshrl.u32 s26, $0x3;
	s22 =	simm.s32 $0x9  }
.LBB2_1:
0x26: {  	s23 =	simm.s32 $0x0  }
.LBB2_2:
0x27: {  	p1 =	sne.s32 s23, $0x4FC0  }
.Ltmp0:
0x28: {  	_ = 	snop;
	(pc) =	sbr.rel @p1 .LBB2_2-.Ltmp0, $3  }
0x29: {  	_ =	sdelay $0x1  }
0x2a: {  	s24 =	sshra.s32 s23, $0x2  }
0x2b: {  	s23 =	sadd.s32 $0x40, s23;
	[tilespmem:s24+$0xCD00] =	vst v0  }
0x2c: {  	s23 =	simm.s32 $0x40;
	s24 =	simm.s32 $0x0  }
.LBB2_4:
0x2d: {  	p1 =	sne.s32 s23, $0x63C0;
	[tilespmem:s24+$0xE100] =	vst v1;
	s24 =	smov.u32 s23;
	s23 =	sadd.s32 $0x40, s23  }
.Ltmp1:
0x2e: {  	(pc) =	sbr.rel @p1 .LBB2_4-.Ltmp1, $2  }
0x2f: {  	_ =	sdelay $0x2  }
0x30: {  	s24 =	sshra.s32 s24, $0x2  }
0x31: {  	[tilespmem:s24+$0xE100] =	vst v1;
	s4 =	rddreg [dreg:$0x6];
	s5 =	simm.s32 $0xE100;
	s24 =	simm.s32 $0xA  }
0x32: {  	[spmem:s4] =	stream.linear.scatter [tilespmem:s5], [sflag:$0xA], $0x1900, $0x38;
	[tilespmem:$0xFA00] =	vst v63  }
0x33: {  	_ =	swait.ge [sflag:s24], $0x1900  }
0x34: {  	[sflag:s24] =	ssyncset.done $0x0  }
0x35: {  	[sflag:s24] =	ssyncadd.s32 $0xFFFFE700  }
0x36: {  	s25 =	stileid.u32;
	[bflag:$0x0] =	sbarrier.arrive $0xFFFF  }
0x37: {  	s23 =	sshll.u32 s25, $0x6;
	s6 =	rddreg [dreg:$0x7]  }
0x38: {  	s24 =	sor.u32 $0x1C01, s23;
	s26 =	rddreg [dreg:$0x8];
	s25 =	sshrl.u32 s6, $0x3  }
0x39: {  	[spmem:s25], [sflag:s24] =	dma.local [hbm:s26], $0x500  }
0x3a: {  	s28 =	sor.u32 $0x1C02, s23;
	s5 =	rddreg [dreg:$0x9]  }
0x3b: {  	[spmem:s29], [sflag:s28] =	dma.local [hbm:s5], $0x500  }
0x3c: {  	_ =	swait.ge [sflag:s7], $0x500  }
0x3d: {  	[sflag:s7] =	ssyncset.done $0x0  }
0x3e: {  	s26 =	sor.u32 $0x1C03, s23;
	s5 =	rddreg [dreg:$0xa];
	[sflag:s7] =	ssyncadd.s32 $0xFFFFFB00  }
0x3f: {  	[tilespmem:s10], [sflag:$0x4] =	stream.strided.gather [spmem:s31], $0x1400, s9, s8, $0x38;
	[tilespmem:$0xFA00] =	vst v63  }
0x40: {  	[spmem:s30], [sflag:s26] =	dma.local [hbm:s5], $0x500  }
0x41: {  	_ =	swait.ge [sflag:s11], $0x1400  }
0x42: {  	[sflag:s11] =	ssyncset.done $0x0  }
0x43: {  	[sflag:s11] =	ssyncadd.s32 $0xFFFFEC00  }
0x44: {  	[spmem:s1] =	stream.indirect.scatter.add.f32 [tilespmem:s13], [sflag:$0x7], $0x1, s10, s12, $0xb8;
	[tilespmem:$0xFA00] =	vst v63  }
0x45: {  	_ =	swait.ge [sflag:s14], $0x500  }
0x46: {  	[sflag:s14] =	ssyncset.done $0x0  }
0x47: {  	s5 =	rddreg [dreg:$0xb];
	[sflag:s14] =	ssyncadd.s32 $0xFFFFFB00  }
0x48: {  	[tilespmem:s15], [sflag:$0x5] =	stream.strided.gather [spmem:s0], $0x1400, s9, s8, $0x38;
	[tilespmem:$0xFA00] =	vst v63  }
0x49: {  	[spmem:s25], [sflag:s24] =	dma.local [hbm:s5], $0x500  }
0x4a: {  	_ =	swait.ge [sflag:s16], $0x1400  }
0x4b: {  	[sflag:s16] =	ssyncset.done $0x0  }
0x4c: {  	[sflag:s16] =	ssyncadd.s32 $0xFFFFEC00  }
0x4d: {  	[spmem:s1] =	stream.indirect.scatter.add.f32 [tilespmem:s13], [sflag:$0x8], $0x1, s15, s12, $0xb8;
	[tilespmem:$0xFA00] =	vst v63  }
0x4e: {  	_ =	swait.ge [sflag:s17], $0x500  }
0x4f: {  	[sflag:s17] =	ssyncset.done $0x0  }
0x50: {  	s5 =	rddreg [dreg:$0xc];
	[sflag:s17] =	ssyncadd.s32 $0xFFFFFB00  }
0x51: {  	[tilespmem:s18], [sflag:$0x6] =	stream.strided.gather [spmem:s2], $0x1400, s9, s8, $0x38;
	[tilespmem:$0xFA00] =	vst v63  }
0x52: {  	[spmem:s29], [sflag:s28] =	dma.local [hbm:s5], $0x500  }
0x53: {  	_ =	swait.ge [sflag:s19], $0x1400  }
0x54: {  	[sflag:s19] =	ssyncset.done $0x0  }
0x55: {  	[sflag:s19] =	ssyncadd.s32 $0xFFFFEC00  }
0x56: {  	[spmem:s1] =	stream.indirect.scatter.add.f32 [tilespmem:s13], [sflag:$0x9], $0x1, s18, s12, $0xb8;
	[tilespmem:$0xFA00] =	vst v63  }
0x57: {  	_ =	swait.ge [sflag:s20], $0x1400  }
0x58: {  	[sflag:s20] =	ssyncset.done $0x0  }
0x59: {  	[sflag:s20] =	ssyncadd.s32 $0xFFFFEC00  }
0x5a: {  	_ =	swait.ge [sflag:s7], $0x500  }
0x5b: {  	[sflag:s7] =	ssyncset.done $0x0  }
0x5c: {  	s5 =	rddreg [dreg:$0xd];
	[sflag:s7] =	ssyncadd.s32 $0xFFFFFB00  }
0x5d: {  	[tilespmem:s10], [sflag:$0x4] =	stream.strided.gather [spmem:s31], $0x1400, s9, s8, $0x38;
	[tilespmem:$0xFA00] =	vst v63  }
0x5e: {  	[spmem:s30], [sflag:s26] =	dma.local [hbm:s5], $0x500  }
0x5f: {  	_ =	swait.ge [sflag:s11], $0x1400  }
0x60: {  	[sflag:s11] =	ssyncset.done $0x0  }
0x61: {  	[sflag:s11] =	ssyncadd.s32 $0xFFFFEC00  }
0x62: {  	[spmem:s1] =	stream.indirect.scatter.add.f32 [tilespmem:s13], [sflag:$0x7], $0x1, s10, s12, $0xb8;
	[tilespmem:$0xFA00] =	vst v63  }
0x63: {  	_ =	swait.ge [sflag:s21], $0x1400  }
0x64: {  	[sflag:s21] =	ssyncset.done $0x0  }
0x65: {  	[sflag:s21] =	ssyncadd.s32 $0xFFFFEC00  }
0x66: {  	_ =	swait.ge [sflag:s14], $0x500  }
0x67: {  	[sflag:s14] =	ssyncset.done $0x0  }
0x68: {  	s5 =	rddreg [dreg:$0xe];
	[sflag:s14] =	ssyncadd.s32 $0xFFFFFB00  }
0x69: {  	[tilespmem:s15], [sflag:$0x5] =	stream.strided.gather [spmem:s0], $0x1400, s9, s8, $0x38;
	[tilespmem:$0xFA00] =	vst v63  }
0x6a: {  	[spmem:s25], [sflag:s24] =	dma.local [hbm:s5], $0x500  }
0x6b: {  	_ =	swait.ge [sflag:s16], $0x1400  }
0x6c: {  	[sflag:s16] =	ssyncset.done $0x0  }
0x6d: {  	[sflag:s16] =	ssyncadd.s32 $0xFFFFEC00  }
0x6e: {  	[spmem:s1] =	stream.indirect.scatter.add.f32 [tilespmem:s13], [sflag:$0x8], $0x1, s15, s12, $0xb8;
	[tilespmem:$0xFA00] =	vst v63  }
0x6f: {  	_ =	swait.ge [sflag:s22], $0x1400  }
0x70: {  	[sflag:s22] =	ssyncset.done $0x0  }
0x71: {  	[sflag:s22] =	ssyncadd.s32 $0xFFFFEC00  }
0x72: {  	_ =	swait.ge [sflag:s17], $0x500  }
0x73: {  	[sflag:s17] =	ssyncset.done $0x0  }
0x74: {  	s5 =	rddreg [dreg:$0xf];
	[sflag:s17] =	ssyncadd.s32 $0xFFFFFB00  }
0x75: {  	[tilespmem:s18], [sflag:$0x6] =	stream.strided.gather [spmem:s2], $0x1400, s9, s8, $0x38;
	[tilespmem:$0xFA00] =	vst v63  }
0x76: {  	[spmem:s29], [sflag:s28] =	dma.local [hbm:s5], $0x500  }
0x77: {  	_ =	swait.ge [sflag:s19], $0x1400  }
0x78: {  	[sflag:s19] =	ssyncset.done $0x0  }
0x79: {  	[sflag:s19] =	ssyncadd.s32 $0xFFFFEC00  }
0x7a: {  	[spmem:s1] =	stream.indirect.scatter.add.f32 [tilespmem:s13], [sflag:$0x9], $0x1, s18, s12, $0xb8;
	[tilespmem:$0xFA00] =	vst v63  }
0x7b: {  	_ =	swait.ge [sflag:s20], $0x1400  }
0x7c: {  	[sflag:s20] =	ssyncset.done $0x0  }
0x7d: {  	[sflag:s20] =	ssyncadd.s32 $0xFFFFEC00  }
0x7e: {  	_ =	swait.ge [sflag:s7], $0x500  }
0x7f: {  	[sflag:s7] =	ssyncset.done $0x0  }
0x80: {  	s5 =	rddreg [dreg:$0x10];
	[sflag:s7] =	ssyncadd.s32 $0xFFFFFB00  }
0x81: {  	[tilespmem:s10], [sflag:$0x4] =	stream.strided.gather [spmem:s31], $0x1400, s9, s8, $0x38;
	[tilespmem:$0xFA00] =	vst v63  }
0x82: {  	[spmem:s30], [sflag:s26] =	dma.local [hbm:s5], $0x500  }
0x83: {  	_ =	swait.ge [sflag:s11], $0x1400  }
0x84: {  	[sflag:s11] =	ssyncset.done $0x0  }
0x85: {  	[sflag:s11] =	ssyncadd.s32 $0xFFFFEC00  }
0x86: {  	[spmem:s1] =	stream.indirect.scatter.add.f32 [tilespmem:s13], [sflag:$0x7], $0x1, s10, s12, $0xb8;
	[tilespmem:$0xFA00] =	vst v63  }
0x87: {  	_ =	swait.ge [sflag:s21], $0x1400  }
0x88: {  	[sflag:s21] =	ssyncset.done $0x0  }
0x89: {  	[sflag:s21] =	ssyncadd.s32 $0xFFFFEC00  }
0x8a: {  	_ =	swait.ge [sflag:s14], $0x500  }
0x8b: {  	[sflag:s14] =	ssyncset.done $0x0  }
0x8c: {  	s5 =	rddreg [dreg:$0x11];
	[sflag:s14] =	ssyncadd.s32 $0xFFFFFB00  }
0x8d: {  	[tilespmem:s15], [sflag:$0x5] =	stream.strided.gather [spmem:s0], $0x1400, s9, s8, $0x38;
	[tilespmem:$0xFA00] =	vst v63  }
0x8e: {  	[spmem:s25], [sflag:s24] =	dma.local [hbm:s5], $0x500  }
0x8f: {  	_ =	swait.ge [sflag:s16], $0x1400  }
0x90: {  	[sflag:s16] =	ssyncset.done $0x0  }
0x91: {  	[sflag:s16] =	ssyncadd.s32 $0xFFFFEC00  }
0x92: {  	[spmem:s1] =	stream.indirect.scatter.add.f32 [tilespmem:s13], [sflag:$0x8], $0x1, s15, s12, $0xb8;
	[tilespmem:$0xFA00] =	vst v63  }
0x93: {  	_ =	swait.ge [sflag:s22], $0x1400  }
0x94: {  	[sflag:s22] =	ssyncset.done $0x0  }
0x95: {  	[sflag:s22] =	ssyncadd.s32 $0xFFFFEC00  }
0x96: {  	_ =	swait.ge [sflag:s17], $0x500  }
0x97: {  	[sflag:s17] =	ssyncset.done $0x0  }
0x98: {  	s5 =	rddreg [dreg:$0x12];
	[sflag:s17] =	ssyncadd.s32 $0xFFFFFB00  }
0x99: {  	[tilespmem:s18], [sflag:$0x6] =	stream.strided.gather [spmem:s2], $0x1400, s9, s8, $0x38;
	[tilespmem:$0xFA00] =	vst v63  }
0x9a: {  	[spmem:s29], [sflag:s28] =	dma.local [hbm:s5], $0x500  }
0x9b: {  	_ =	swait.ge [sflag:s19], $0x1400  }
0x9c: {  	[sflag:s19] =	ssyncset.done $0x0  }
0x9d: {  	[sflag:s19] =	ssyncadd.s32 $0xFFFFEC00  }
0x9e: {  	[spmem:s1] =	stream.indirect.scatter.add.f32 [tilespmem:s13], [sflag:$0x9], $0x1, s18, s12, $0xb8;
	[tilespmem:$0xFA00] =	vst v63  }
0x9f: {  	_ =	swait.ge [sflag:s20], $0x1400  }
0xa0: {  	[sflag:s20] =	ssyncset.done $0x0  }
0xa1: {  	[sflag:s20] =	ssyncadd.s32 $0xFFFFEC00  }
0xa2: {  	_ =	swait.ge [sflag:s7], $0x500  }
0xa3: {  	[sflag:s7] =	ssyncset.done $0x0  }
0xa4: {  	s5 =	rddreg [dreg:$0x13];
	[sflag:s7] =	ssyncadd.s32 $0xFFFFFB00  }
0xa5: {  	[tilespmem:s10], [sflag:$0x4] =	stream.strided.gather [spmem:s31], $0x1400, s9, s8, $0x38;
	[tilespmem:$0xFA00] =	vst v63  }
0xa6: {  	[spmem:s30], [sflag:s26] =	dma.local [hbm:s5], $0x500  }
0xa7: {  	_ =	swait.ge [sflag:s11], $0x1400  }
0xa8: {  	[sflag:s11] =	ssyncset.done $0x0  }
0xa9: {  	[sflag:s11] =	ssyncadd.s32 $0xFFFFEC00  }
0xaa: {  	[spmem:s1] =	stream.indirect.scatter.add.f32 [tilespmem:s13], [sflag:$0x7], $0x1, s10, s12, $0xb8;
	[tilespmem:$0xFA00] =	vst v63  }
0xab: {  	_ =	swait.ge [sflag:s21], $0x1400  }
0xac: {  	[sflag:s21] =	ssyncset.done $0x0  }
0xad: {  	[sflag:s21] =	ssyncadd.s32 $0xFFFFEC00  }
0xae: {  	_ =	swait.ge [sflag:s14], $0x500  }
0xaf: {  	[sflag:s14] =	ssyncset.done $0x0  }
0xb0: {  	s5 =	rddreg [dreg:$0x14];
	[sflag:s14] =	ssyncadd.s32 $0xFFFFFB00  }
0xb1: {  	[tilespmem:s15], [sflag:$0x5] =	stream.strided.gather [spmem:s0], $0x1400, s9, s8, $0x38;
	[tilespmem:$0xFA00] =	vst v63  }
0xb2: {  	[spmem:s25], [sflag:s24] =	dma.local [hbm:s5], $0x500  }
0xb3: {  	_ =	swait.ge [sflag:s16], $0x1400  }
0xb4: {  	[sflag:s16] =	ssyncset.done $0x0  }
0xb5: {  	[sflag:s16] =	ssyncadd.s32 $0xFFFFEC00  }
0xb6: {  	[spmem:s1] =	stream.indirect.scatter.add.f32 [tilespmem:s13], [sflag:$0x8], $0x1, s15, s12, $0xb8;
	[tilespmem:$0xFA00] =	vst v63  }
0xb7: {  	_ =	swait.ge [sflag:s22], $0x1400  }
0xb8: {  	[sflag:s22] =	ssyncset.done $0x0  }
0xb9: {  	[sflag:s22] =	ssyncadd.s32 $0xFFFFEC00  }
0xba: {  	_ =	swait.ge [sflag:s17], $0x500  }
0xbb: {  	[sflag:s17] =	ssyncset.done $0x0  }
0xbc: {  	s5 =	rddreg [dreg:$0x15];
	[sflag:s17] =	ssyncadd.s32 $0xFFFFFB00  }
0xbd: {  	[tilespmem:s18], [sflag:$0x6] =	stream.strided.gather [spmem:s2], $0x1400, s9, s8, $0x38;
	[tilespmem:$0xFA00] =	vst v63  }
0xbe: {  	[spmem:s29], [sflag:s28] =	dma.local [hbm:s5], $0x500  }
0xbf: {  	_ =	swait.ge [sflag:s19], $0x1400  }
0xc0: {  	[sflag:s19] =	ssyncset.done $0x0  }
0xc1: {  	[sflag:s19] =	ssyncadd.s32 $0xFFFFEC00  }
0xc2: {  	[spmem:s1] =	stream.indirect.scatter.add.f32 [tilespmem:s13], [sflag:$0x9], $0x1, s18, s12, $0xb8;
	[tilespmem:$0xFA00] =	vst v63  }
0xc3: {  	_ =	swait.ge [sflag:s20], $0x1400  }
0xc4: {  	[sflag:s20] =	ssyncset.done $0x0  }
0xc5: {  	[sflag:s20] =	ssyncadd.s32 $0xFFFFEC00  }
0xc6: {  	_ =	swait.ge [sflag:s7], $0x500  }
0xc7: {  	[sflag:s7] =	ssyncset.done $0x0  }
0xc8: {  	s5 =	rddreg [dreg:$0x16];
	[sflag:s7] =	ssyncadd.s32 $0xFFFFFB00  }
0xc9: {  	[tilespmem:s10], [sflag:$0x4] =	stream.strided.gather [spmem:s31], $0x1400, s9, s8, $0x38;
	[tilespmem:$0xFA00] =	vst v63  }
0xca: {  	[spmem:s30], [sflag:s26] =	dma.local [hbm:s5], $0x500  }
0xcb: {  	_ =	swait.ge [sflag:s11], $0x1400  }
0xcc: {  	[sflag:s11] =	ssyncset.done $0x0  }
0xcd: {  	[sflag:s11] =	ssyncadd.s32 $0xFFFFEC00  }
0xce: {  	[spmem:s1] =	stream.indirect.scatter.add.f32 [tilespmem:s13], [sflag:$0x7], $0x1, s10, s12, $0xb8;
	[tilespmem:$0xFA00] =	vst v63  }
0xcf: {  	_ =	swait.ge [sflag:s21], $0x1400  }
0xd0: {  	[sflag:s21] =	ssyncset.done $0x0  }
0xd1: {  	[sflag:s21] =	ssyncadd.s32 $0xFFFFEC00  }
0xd2: {  	_ =	swait.ge [sflag:s14], $0x500  }
0xd3: {  	[sflag:s14] =	ssyncset.done $0x0  }
0xd4: {  	s5 =	rddreg [dreg:$0x18];
	[sflag:s14] =	ssyncadd.s32 $0xFFFFFB00  }
0xd5: {  	[tilespmem:s15], [sflag:$0x5] =	stream.strided.gather [spmem:s0], $0x1400, s9, s8, $0x38;
	[tilespmem:$0xFA00] =	vst v63  }
0xd6: {  	[spmem:s25], [sflag:s24] =	dma.local [hbm:s5], $0x500  }
0xd7: {  	_ =	swait.ge [sflag:s16], $0x1400  }
0xd8: {  	[sflag:s16] =	ssyncset.done $0x0  }
0xd9: {  	[sflag:s16] =	ssyncadd.s32 $0xFFFFEC00  }
0xda: {  	[spmem:s1] =	stream.indirect.scatter.add.f32 [tilespmem:s13], [sflag:$0x8], $0x1, s15, s12, $0xb8;
	[tilespmem:$0xFA00] =	vst v63  }
0xdb: {  	_ =	swait.ge [sflag:s22], $0x1400  }
0xdc: {  	[sflag:s22] =	ssyncset.done $0x0  }
0xdd: {  	[sflag:s22] =	ssyncadd.s32 $0xFFFFEC00  }
0xde: {  	_ =	swait.ge [sflag:s17], $0x500  }
0xdf: {  	[sflag:s17] =	ssyncset.done $0x0  }
0xe0: {  	s5 =	rddreg [dreg:$0x19];
	[sflag:s17] =	ssyncadd.s32 $0xFFFFFB00  }
0xe1: {  	[tilespmem:s18], [sflag:$0x6] =	stream.strided.gather [spmem:s2], $0x1400, s9, s8, $0x38;
	[tilespmem:$0xFA00] =	vst v63  }
0xe2: {  	[spmem:s29], [sflag:s28] =	dma.local [hbm:s5], $0x500  }
0xe3: {  	_ =	swait.ge [sflag:s19], $0x1400  }
0xe4: {  	[sflag:s19] =	ssyncset.done $0x0  }
0xe5: {  	[sflag:s19] =	ssyncadd.s32 $0xFFFFEC00  }
0xe6: {  	[spmem:s1] =	stream.indirect.scatter.add.f32 [tilespmem:s13], [sflag:$0x9], $0x1, s18, s12, $0xb8;
	[tilespmem:$0xFA00] =	vst v63  }
0xe7: {  	_ =	swait.ge [sflag:s20], $0x1400  }
0xe8: {  	[sflag:s20] =	ssyncset.done $0x0  }
0xe9: {  	[sflag:s20] =	ssyncadd.s32 $0xFFFFEC00  }
0xea: {  	_ =	swait.ge [sflag:s7], $0x500  }
0xeb: {  	[sflag:s7] =	ssyncset.done $0x0  }
0xec: {  	s28 =	rddreg [dreg:$0x1a];
	[sflag:s7] =	ssyncadd.s32 $0xFFFFFB00  }
0xed: {  	[tilespmem:s10], [sflag:$0x4] =	stream.strided.gather [spmem:s31], $0x1400, s9, s8, $0x38;
	[tilespmem:$0xFA00] =	vst v63  }
0xee: {  	[spmem:s30], [sflag:s26] =	dma.local [hbm:s28], $0x500  }
0xef: {  	_ =	swait.ge [sflag:s11], $0x1400  }
0xf0: {  	[sflag:s11] =	ssyncset.done $0x0  }
0xf1: {  	[sflag:s11] =	ssyncadd.s32 $0xFFFFEC00  }
0xf2: {  	[spmem:s1] =	stream.indirect.scatter.add.f32 [tilespmem:s13], [sflag:$0x7], $0x1, s10, s12, $0xb8;
	[tilespmem:$0xFA00] =	vst v63  }
0xf3: {  	_ =	swait.ge [sflag:s21], $0x1400  }
0xf4: {  	[sflag:s21] =	ssyncset.done $0x0  }
0xf5: {  	[sflag:s21] =	ssyncadd.s32 $0xFFFFEC00  }
0xf6: {  	_ =	swait.ge [sflag:s14], $0x500  }
0xf7: {  	[sflag:s14] =	ssyncset.done $0x0  }
0xf8: {  	s28 =	rddreg [dreg:$0x1b];
	[sflag:s14] =	ssyncadd.s32 $0xFFFFFB00  }
0xf9: {  	[tilespmem:s15], [sflag:$0x5] =	stream.strided.gather [spmem:s0], $0x1400, s9, s8, $0x38;
	[tilespmem:$0xFA00] =	vst v63  }
0xfa: {  	[spmem:s25], [sflag:s24] =	dma.local [hbm:s28], $0x500  }
0xfb: {  	_ =	swait.ge [sflag:s16], $0x1400  }
0xfc: {  	[sflag:s16] =	ssyncset.done $0x0  }
0xfd: {  	[sflag:s16] =	ssyncadd.s32 $0xFFFFEC00  }
0xfe: {  	[spmem:s1] =	stream.indirect.scatter.add.f32 [tilespmem:s13], [sflag:$0x8], $0x1, s15, s12, $0xb8;
	[tilespmem:$0xFA00] =	vst v63  }
0xff: {  	_ =	swait.ge [sflag:s22], $0x1400  }
0x100: {  	[sflag:s22] =	ssyncset.done $0x0  }
0x101: {  	[sflag:s22] =	ssyncadd.s32 $0xFFFFEC00  }
0x102: {  	_ =	swait.ge [sflag:s17], $0x500  }
0x103: {  	[sflag:s17] =	ssyncset.done $0x0  }
0x104: {  	[sflag:s17] =	ssyncadd.s32 $0xFFFFFB00  }
0x105: {  	[tilespmem:s18], [sflag:$0x6] =	stream.strided.gather [spmem:s2], $0x1400, s9, s8, $0x38;
	[tilespmem:$0xFA00] =	vst v63  }
0x106: {  	_ =	swait.ge [sflag:s19], $0x1400  }
0x107: {  	[sflag:s19] =	ssyncset.done $0x0  }
0x108: {  	[sflag:s19] =	ssyncadd.s32 $0xFFFFEC00  }
0x109: {  	[spmem:s1] =	stream.indirect.scatter.add.f32 [tilespmem:s13], [sflag:$0x9], $0x1, s18, s12, $0xb8;
	[tilespmem:$0xFA00] =	vst v63  }
0x10a: {  	_ =	swait.ge [sflag:s20], $0x1400  }
0x10b: {  	[sflag:s20] =	ssyncset.done $0x0  }
0x10c: {  	[sflag:s20] =	ssyncadd.s32 $0xFFFFEC00  }
0x10d: {  	_ =	swait.ge [sflag:s7], $0x500  }
0x10e: {  	[sflag:s7] =	ssyncset.done $0x0  }
0x10f: {  	[sflag:s7] =	ssyncadd.s32 $0xFFFFFB00  }
0x110: {  	[tilespmem:s10], [sflag:$0x4] =	stream.strided.gather [spmem:s31], $0x1400, s9, s8, $0x38;
	[tilespmem:$0xFA00] =	vst v63  }
0x111: {  	_ =	swait.ge [sflag:s11], $0x1400  }
0x112: {  	[sflag:s11] =	ssyncset.done $0x0  }
0x113: {  	[sflag:s11] =	ssyncadd.s32 $0xFFFFEC00  }
0x114: {  	[spmem:s1] =	stream.indirect.scatter.add.f32 [tilespmem:s13], [sflag:$0x7], $0x1, s10, s12, $0xb8;
	[tilespmem:$0xFA00] =	vst v63  }
0x115: {  	_ =	swait.ge [sflag:s22], $0x1400  }
0x116: {  	[sflag:s22] =	ssyncset.done $0x0  }
0x117: {  	[sflag:s22] =	ssyncadd.s32 $0xFFFFEC00  }
0x118: {  	s24 =	stileid.u32;
	_ =	swait.ge [sflag:s20], $0x1400  }
0x119: {  	s25 =	sshrl.u32 @!p0 s6, $0x3;
	s24 =	sshll.u32 @!p0 s24, $0x6;
	[sflag:s20] =	ssyncset.done $0x0  }
0x11a: {  	s24 =	sor.u32 @!p0 $0x1C0A, s24;
	s6 =	rddreg [dreg:$0x1c];
	[sflag:s20] =	ssyncadd.s32 $0xFFFFEC00  }
0x11b: {  	[spmem:s25], [sflag:s24] =	dma.local @!p0 [hbm:s6], $0x500  }
0x11c: {  	s24 =	simm.s32 @!p0 $0xA  }
0x11d: {  	_ =	swait.ge @!p0 [sflag:s24], $0x500  }
0x11e: {  	s26 =	simm.s32 @!p0 $0x100;
	[sflag:s24] =	ssyncset.done @!p0 $0x0  }
0x11f: {  	s28 =	simm.s32 @!p0 $0x9100;
	s25 =	simm.s32 @!p0 $0x80;
	[sflag:s24] =	ssyncadd.s32 @!p0 $0xFFFFFB00  }
0x120: {  	[tilespmem:s28], [sflag:$0xA] =	stream.strided.gather @!p0 [spmem:s31], $0x1400, s26, s25, $0x38;
	[tilespmem:$0xFA00] =	vst v63  }
0x121: {  	_ =	swait.ge @!p0 [sflag:s24], $0x1400  }
0x122: {  	[sflag:s24] =	ssyncset.done @!p0 $0x0  }
0x123: {  	s25 =	simm.s32 @!p0 $0x1400;
	s26 =	simm.s32 @!p0 $0xCD00;
	[sflag:s24] =	ssyncadd.s32 @!p0 $0xFFFFEC00  }
0x124: {  	[spmem:s1] =	stream.indirect.scatter.add.f32 @!p0 [tilespmem:s26], [sflag:$0xA], $0x1, s28, s25, $0xb8;
	[tilespmem:$0xFA00] =	vst v63  }
0x125: {  	_ =	swait.ge @!p0 [sflag:s24], $0x1400  }
0x126: {  	[sflag:s24] =	ssyncset.done @!p0 $0x0  }
0x127: {  	[sflag:s24] =	ssyncadd.s32 @!p0 $0xFFFFEC00  }
0x128: {  	s4 =	sshrl.u32 s4, $0x3;
	[bflag:$0x0] =	sbarrier.arrive $0xFFFF  }
0x129: {  	s23 =	sor.u32 $0x1C0A, s23;
	s25 =	simm.s32 $0xA;
	s6 =	rddreg [dreg:$0x17]  }
0x12a: {  	[hbm:s6], [sflag:s23] =	dma.local [spmem:s4], $0x320  }
0x12b: {  	_ =	swait.ge [sflag:s25], $0x320  }
0x12c: {  	s3 =	sadd.s32 $0x1, s3;
	s28 =	rddreg [dreg:$0x1d]  }
0x12d: {  	p1 =	sne.s32 s3, s28  }
.Ltmp2:
0x12e: {  	_ = 	snop;
	(pc) =	sbr.rel @p1 .LBB2_1-.Ltmp2, $3  }
0x12f: {  	_ =	sdelay $0x1  }
0x130: {  	s26 =	simm.s32 $0xA;
	[sflag:s25] =	ssyncset.done $0x0  }
0x131: {  	s5 =	stileid.u32;
	[sflag:s26] =	ssyncadd.s32 $0xFFFFFCE0  }
0x132: {  	_ =	sfence.sel $0x180000  }
0x133: {  	[bflag:$0x0] =	sbarrier.arrive $0xFFFF  }
0x134: {  	_ =	strace $0x90000047  }
0x135: {  	[bflag:$0x2] =	sbarrier.arrive $0xFFFF  }
0x136: {  	p0 =	sne.s32 s5, $0x0;
	s0 =	rddreg [dreg:$0x5]  }
0x137: {  	s0 =	sadd.s32 @!p0 $0x100000, s0  }
0x138: {  	[sflag:s0] =	ssyncadd.tile.s32 @!p0 $0x1;
	_ =	shalt  }
.Lfunc_end2:
_tile_overlayer_lowered:
.L_overlay_start_2:
0x139: {  	(tag) =	ssettag $0x2  }
0x13a: {  	s0 =	rddreg [dreg:$0x0];
	s2 =	stileid.u32  }
0x13b: {  	s1 =	rddreg [dreg:$0x1];
	p0 =	sne.s32 s2, $0x0  }
0x13c: {  	s3 =	rddreg [dreg:$0x2];
	[bflag:$0x3] =	sbarrier.arrive $0xFFFF;
	s2 =	simm.s32 @!p0 $0x1C0A  }
0x13d: {  	[timem:s3], [sflag:s2] =	dma.local @!p0 [hbm:s0], s1  }
0x13e: {  	s0 =	simm.s32 @!p0 $0xA  }
0x13f: {  	_ =	swait.ge @!p0 [sflag:s0], s1  }
0x140: {  	s1 =	ssub.s32 @!p0 $0x0, s1;
	[sflag:s0] =	ssyncset.done @!p0 $0x0  }
0x141: {  	[sflag:s0] =	ssyncadd.s32 @!p0 s1  }
0x142: {  	[bflag:$0x3] =	sbarrier.arrive $0xFFFF  }
0x143: {  	_ =	shalt  }

// kernel: kernel.9.cloned.1.call-start
scs
__scs_entry_jumppad:
0x0: {  	(pc) =	sbr.rel $0x88, $3  }
0x1: {  	(tag) =	ssettag $0x0;
	lr =	simm.s32 $0x1  }
0x2: {  	[smem:$0x3F97] =	sst lr;
	_ =	strace $0xD0000000  }
0x3: {  	_ = 	snop  }
0x4: {  	_ = 	snop  }
0x5: {  	_ = 	snop  }
0x6: {  	_ = 	snop  }
0x7: {  	_ = 	snop  }
__scs_overlays_trampoline_lowered:
0x8: {  	[smem:$0x3FA6] =	sst s0  }
0x9: {  	[smem:$0x3FA7] =	sst s1  }
0xa: {  	[smem:$0x3FA8] =	sst s2  }
0xb: {  	[smem:$0x3FA9] =	sst s3  }
0xc: {  	[smem:$0x3FAA] =	sst s4  }
0xd: {  	[smem:$0x3FAB] =	sst s5  }
0xe: {  	[smem:$0x3FAC] =	sst s6  }
0xf: {  	[smem:$0x3FAD] =	sst s7  }
0x10: {  	[smem:$0x3FAE] =	sst s8  }
0x11: {  	[smem:$0x3FAF] =	sst s9;
	s0 =	simm.s32 @!p0 $0x0  }
0x12: {  	s1 =	sld [smem:$0x3F95];
	s0 =	simm.s32 @p0 $0x1  }
0x13: {  	[smem:$0x3FB0] =	sst s0;
	s0 =	simm.s32 @!p1 $0x0  }
0x14: {  	s2 =	sld [smem:$0x3F94];
	s0 =	simm.s32 @p1 $0x1  }
0x15: {  	[smem:$0x3FB1] =	sst s0;
	s0 =	simm.s32 @!p2 $0x0  }
0x16: {  	s3 =	sld [smem:$0x3FDB];
	s0 =	simm.s32 @p2 $0x1  }
0x17: {  	s4 =	simm.s32 $0x1BF5;
	[smem:$0x3FB3] =	sst s0  }
0x18: {  	s0 =	sld [smem:$0x3F96];
	_ =	swait.ge [sflag:s4], $0x0  }
0x19: {  	s7 =	sld [smem:$0x3F97]  }
0x1a: {  	s8 =	sadd.s32 $0xFFFFE003, lr  }
0x1b: {  	s9 =	sadd.s32 $0xFFFFFEF7, lr;
	s5 =	simm.s32 $0xFFFFFFFF;
	p2 =	slt.u32 s8, $0xFFFFF086  }
0x1c: {  	p1 =	slt.u32 s9, $0xF7A;
	s5 =	simm.s32 @!p2 $0x0  }
0x1d: {  	s5 =	simm.s32 @p1 $0x1;
	p0 =	seq.s32 s7, s2  }
0x1e: {  	s7 =	smul.u32 @!p0 $0xF7A, s2;
	p2 =	seq.s32 @!p0 s5, $0x0  }
0x1f: {  	s9 =	smul.u32 $0xF7A, s1;
	s8 =	simm.s32 @!p0 $0x1BF5;
	p2 =	por !p2, p0  }
0x20: {  	[sflag:s8] =	ssyncset.s32 @!p0 $0xFFFFF086;
	s6 =	sadd.s32 @!p0 s3, s7;
	s7 =	simm.s32 @!p0 $0x108  }
0x21: {  	s3 =	sadd.s32 s3, s9;
	s6 =	sadd.s32 @!p0 $0x88, s6;
	s7 =	simm.s32 @p2 $0x1082  }
0x22: {  	[simem:s7], [sflag:s8] =	dma.local @!p0 [hbm:s6], $0xF7A  }
0x23: {  	s9 =	sor.u32 $0xD0000000, s2;
	s6 =	simm.s32 $0x108;
	_ =	swait.ge @!p0 [sflag:s8], $0x0  }
0x24: {  	s3 =	sadd.s32 $0x88, s3;
	s6 =	simm.s32 @!p1 $0x1082;
	[sflag:s4] =	ssyncset.s32 $0xFFFFF086  }
0x25: {  	[simem:s6], [sflag:s4] =	dma.local [hbm:s3], $0xF7A  }
0x26: {  	[smem:$0x3F97] =	sst s1;
	(tag) =	ssettag s2;
	_ =	strace s9  }
0x27: {  	s1 =	sld [smem:$0x3FA7]  }
0x28: {  	s2 =	sld [smem:$0x3FA8]  }
0x29: {  	s4 =	sld [smem:$0x3FAA]  }
0x2a: {  	p0 =	seq.s32 s5, $0x0;
	s5 =	sld [smem:$0x3FAB]  }
0x2b: {  	s6 =	sld [smem:$0x3FAC]  }
0x2c: {  	s7 =	sld [smem:$0x3FAD]  }
0x2d: {  	s3 =	simm.s32 $0x108;
	s8 =	sld [smem:$0x3FAE]  }
0x2e: {  	s3 =	simm.s32 @!p0 $0x1082;
	s9 =	sld [smem:$0x3FAF]  }
0x2f: {  	lr =	sadd.s32 s0, s3;
	s0 =	sld [smem:$0x3FA6]  }
0x30: {  	s3 =	sld [smem:$0x3FA9]  }
0x31: {  	[smem:$0x3FB2] =	sst s10  }
0x32: {  	s10 =	sld [smem:$0x3FB0];
	_ =	sdelay $0x3  }
0x33: {  	p0 =	seq.s32 s10, $0x1;
	s10 =	sld [smem:$0x3FB2];
	_ =	sdelay $0x3  }
0x34: {  	[smem:$0x3FB2] =	sst s10  }
0x35: {  	s10 =	sld [smem:$0x3FB1];
	_ =	sdelay $0x3  }
0x36: {  	p1 =	seq.s32 s10, $0x1;
	s10 =	sld [smem:$0x3FB2];
	_ =	sdelay $0x3  }
0x37: {  	[smem:$0x3FB2] =	sst s10  }
0x38: {  	s10 =	sld [smem:$0x3FB3]  }
0x39: {  	_ = 	snop;
	(pc) =	sbr.ind lr, $3  }
0x3a: {  	_ = 	snop  }
0x3b: {  	_ = 	snop  }
0x3c: {  	p2 =	seq.s32 s10, $0x1;
	s10 =	sld [smem:$0x3FB2]  }
0x3d: {  	_ =	shalt  }
0x3e: {  	_ =	shalt  }
0x3f: {  	_ =	shalt  }
0x40: {  	_ =	shalt  }
0x41: {  	_ =	shalt  }
0x42: {  	_ =	shalt  }
0x43: {  	_ =	shalt  }
0x44: {  	_ =	shalt  }
0x45: {  	_ =	shalt  }
0x46: {  	_ =	shalt  }
0x47: {  	_ =	shalt  }
0x48: {  	_ =	shalt  }
0x49: {  	_ =	shalt  }
0x4a: {  	_ =	shalt  }
0x4b: {  	_ =	shalt  }
0x4c: {  	_ =	shalt  }
0x4d: {  	_ =	shalt  }
0x4e: {  	_ =	shalt  }
0x4f: {  	_ =	shalt  }
0x50: {  	_ =	shalt  }
0x51: {  	_ =	shalt  }
0x52: {  	_ =	shalt  }
0x53: {  	_ =	shalt  }
0x54: {  	_ =	shalt  }
0x55: {  	_ =	shalt  }
0x56: {  	_ =	shalt  }
0x57: {  	_ =	shalt  }
0x58: {  	_ =	shalt  }
0x59: {  	_ =	shalt  }
0x5a: {  	_ =	shalt  }
0x5b: {  	_ =	shalt  }
0x5c: {  	_ =	shalt  }
0x5d: {  	_ =	shalt  }
0x5e: {  	_ =	shalt  }
0x5f: {  	_ =	shalt  }
0x60: {  	_ =	shalt  }
0x61: {  	_ =	shalt  }
0x62: {  	_ =	shalt  }
0x63: {  	_ =	shalt  }
0x64: {  	_ =	shalt  }
0x65: {  	_ =	shalt  }
0x66: {  	_ =	shalt  }
0x67: {  	_ =	shalt  }
0x68: {  	_ =	shalt  }
0x69: {  	_ =	shalt  }
0x6a: {  	_ =	shalt  }
0x6b: {  	_ =	shalt  }
0x6c: {  	_ =	shalt  }
0x6d: {  	_ =	shalt  }
0x6e: {  	_ =	shalt  }
0x6f: {  	_ =	shalt  }
0x70: {  	_ =	shalt  }
0x71: {  	_ =	shalt  }
0x72: {  	_ =	shalt  }
0x73: {  	_ =	shalt  }
0x74: {  	_ =	shalt  }
0x75: {  	_ =	shalt  }
0x76: {  	_ =	shalt  }
0x77: {  	_ =	shalt  }
0x78: {  	_ =	shalt  }
0x79: {  	_ =	shalt  }
0x7a: {  	_ =	shalt  }
0x7b: {  	_ =	shalt  }
0x7c: {  	_ =	shalt  }
0x7d: {  	_ =	shalt  }
0x7e: {  	_ =	shalt  }
0x7f: {  	_ =	shalt  }
0x80: {  	_ =	shalt  }
0x81: {  	_ =	shalt  }
0x82: {  	_ =	shalt  }
0x83: {  	_ =	shalt  }
0x84: {  	_ =	shalt  }
0x85: {  	_ =	shalt  }
0x86: {  	_ =	shalt  }
0x87: {  	_ =	shalt  }
.Lfunc_end0:
.L_simem_size_0:
called_computation.1_lowered:
.L_overlay_start_0:
0x88: {  	s2 =	sld [smem:$0x3FD9]  }
0x89: {  	s3 =	sld [smem:$0x3FFE];
	_ =	sdelay $0x1  }
0x8a: {  	s1 =	srdreg.scid  }
0x8b: {  	s0 =	sand.u32 $0x1, s1  }
0x8c: {  	s17 =	sshll.u32 s0, $0xA;
	s2 =	sadd.s32 s3, s2  }
0x8d: {  	s2 =	sadd.s32 s2, s17  }
0x8e: {  	[smem:$0x3FBE] =	sst s2  }
0x8f: {  	_ = 	snop  }
0x90: {  	s2 =	sld [smem:$0x3FC8]  }
0x91: {  	s18 =	sld [smem:$0x3FD0];
	(tm) =	ssettm $0x1  }
0x92: {  	s4 =	sld [smem:$0x3FFB];
	_ =	sdelay $0x3  }
0x93: {  	_ =	strace s4  }
0x94: {  	s4 =	sld [smem:$0x3FFC];
	_ =	sdelay $0x3  }
0x95: {  	_ =	strace s4  }
0x96: {  	s4 =	sld [smem:$0x3FFD];
	_ =	sdelay $0x3  }
0x97: {  	_ =	strace s4  }
0x98: {  	_ =	strace $0x8FFFFFFF  }
0x99: {  	s19 =	sld [smem:$0x3FDB];
	_ =	sdelay $0x1  }
0x9a: {  	s5 =	simm.s32 $_scs_section_size  }
0x9b: {  	s6 =	simm.s32 $_size__tile_overlayer_lowered;
	s7 =	simm.s32 $_tile_overlayer_lowered  }
0x9c: {  	s22 =	simm.s32 $0x1BFF;
	s21 =	sshll.u32 s7, $0x1;
	s4 =	sadd.s32 s5, s19  }
0x9d: {  	s8 =	simm.s32 $0x0;
	s20 =	sshll.u32 s6, $0x1;
	s6 =	sadd.s32 s21, s4  }
0x9e: {  	[timem:s8], [sflag:s22] =	dma.local [hbm:s6], s20  }
0x9f: {  	_ =	swait.ge [sflag:s22], s20  }
0xa0: {  	s5 =	ssub.s32 $0x0, s20;
	[sflag:s22] =	ssyncset.done $0x0  }
0xa1: {  	[sflag:s22] =	ssyncadd.s32 s5;
	_ =	sdelay $0x1  }
0xa2: {  	s23 =	simm.s32 $0x1B8B  }
0xa3: {  	_ =	swait.ge [sflag:s23], $0x1  }
0xa4: {  	[sflag:s23] =	ssyncset.done $0x0  }
0xa5: {  	s25 =	simm.s32 $0x1B8E;
	s24 =	sld [smem:$0x3FFE];
	[sflag:s23] =	ssyncadd.s32 $0xFFFFFFFF  }
0xa6: {  	s26 =	simm.s32 $execute0_lowered;
	[smem:$0x3FD2] =	sst s25  }
0xa7: {  	s6 =	sshll.u32 s26, $0x1;
	_ =	strace $0x80000049;
	[dreg:$0x1] =	wrdreg $0xFFFFFFFF  }
0xa8: {  	s28 =	simm.s32 $_size_execute0_lowered;
	s4 =	sadd.s32 s4, s6;
	[dreg:$0x0] =	wrdreg $0x0  }
0xa9: {  	s6 =	sshll.u32 s28, $0x1;
	[dreg:$0x2] =	wrdreg s4  }
0xaa: {  	[dreg:$0x3] =	wrdreg s6  }
0xab: {  	[dreg:$0x4] =	wrdreg $0xC0  }
0xac: {  	_ =	task [dreg:s8], $0x5FFFF  }
0xad: {  	[dreg:$0x1] =	wrdreg $0xFFFFFFFF  }
0xae: {  	[dreg:$0x0] =	wrdreg $0x60  }
0xaf: {  	[dreg:$0x2] =	wrdreg s2  }
0xb0: {  	[dreg:$0x3] =	wrdreg s18  }
0xb1: {  	[dreg:$0x4] =	wrdreg s24  }
0xb2: {  	[dreg:$0x5] =	wrdreg $0x0  }
0xb3: {  	[dreg:$0x6] =	wrdreg $0x19000  }
0xb4: {  	[dreg:$0x7] =	wrdreg $0x32000  }
0xb5: {  	[dreg:$0x8] =	wrdreg $0x9  }
0xb6: {  	_ =	task.clear_ibuf [dreg:s8], $0x9FFFF;
	_ =	strace $0x90000049  }
0xb7: {  	s29 =	simm.s32 $0x9;
	_ =	strace $0x8000004B  }
0xb8: {  	_ =	swait.ge [sflag:s29], $0x1  }
0xb9: {  	[sflag:s29] =	ssyncadd.s32 $0xFFFFFFFF  }
0xba: {  	_ =	strace $0x9000004B  }
0xbb: {  	_ =	sfence  }
0xbc: {  	s30 =	sld [smem:$0x0];
	_ =	sdelay $0x2  }
0xbd: {  	s31 =	sshll.u32 s1, $0xD;
	s1 =	sshrl.u32 s1, $0x2  }
0xbe: {  	s3 =	sand.u32 $0x4000, s31;
	s1 =	sadd.s32 s1, s30  }
0xbf: {  	s0 =	sor.u32 s3, s0;
	s1 =	sshll.u32 s1, $0x11  }
0xc0: {  	s0 =	sor.u32 s1, s0  }
0xc1: {  	s0 =	sadd.s32 $0x8F2B, s0  }
0xc2: {  	[sflag:s0] =	ssyncadd.remote.s32 $0x1  }
0xc3: {  	_ =	sfence.sel $0xFFFF  }
0xc4: {  	[dreg:$0x0] =	wrdreg $0xFFFFFFFF;
	(pc) =	sbr.abs _section_cstart, $3  }
0xc5: {  	[dreg:$0x1] =	wrdreg $0xFFFFFFFF  }
0xc6: {  	_ =	task.clear_ibuf [dreg:s8], $0x2FFFF;
	_ =	strace $0x9FFFFFFF  }
0xc7: {  	(tm) =	ssettm $0x7FFFFFFF  }
tec
execute0_lowered:
.L_overlay_start_1:
0x0: {  	(tag) =	ssettag $0x1  }
0x1: {  	s0 =	rddreg [dreg:$0x0]  }
0x2: {  	s3 =	rddreg [dreg:$0x1]  }
0x3: {  	s4 =	rddreg [dreg:$0x2]  }
0x4: {  	s1 =	rddreg [dreg:$0x3]  }
0x5: {  	s2 =	rddreg [dreg:$0x4]  }
0x6: {  	s5 =	rddreg [dreg:$0x5]  }
0x7: {  	s31 =	simm.s32 $0x0;
	s6 =	srdreg.scid;
	s14 =	stileid.u32  }
0x8: {  	[smem:$0x7FF] =	sst s31;
	s6 =	sand.u32 $0x1, s6;
	s10 =	smul.u32 $0x1900, s14  }
0x9: {  	s13 =	smul.u32 $0x1E000, s14;
	s7 =	ssub.s32 $0x2, s6;
	s8 =	sshll.u32 s6, $0x4  }
0xa: {  	_ =	strace $0x8000004A;
	s9 =	sshrl.u32 s7, $0x1;
	s8 =	sor.u32 s14, s8  }
0xb: {  	s11 =	sadd.s32 s10, s1;
	s12 =	sshrl.u32 s10, $0x3;
	s10 =	sadd.s32 s10, s2  }
0xc: {  	s18 =	sshrl.u32 s13, $0x2;
	s9 =	ssub.s32 s7, s9;
	s16 =	smul.u32 $0x2800, s8  }
0xd: {  	s3 =	sadd.s32 s3, s12;
	s17 =	smul.u32 $0x500, s8;
	[dreg:$0x9] =	wrdreg s10  }
0xe: {  	s1 =	sadd.s32 s18, s5;
	[dreg:$0x8] =	wrdreg s3;
	s7 =	sshrl.u32 s16, $0x3  }
0xf: {  	[smem:$0x7FC] =	sst s1;
	s19 =	sadd.s32 s0, s7;
	s0 =	sadd.s32 s0, s17  }
0x10: {  	[dreg:$0xa] =	wrdreg s0;
	s20 =	sadd.s32 $0xA000, s19  }
0x11: {  	s21 =	sadd.s32 $0x14000, s19;
	[dreg:$0xb] =	wrdreg s20  }
0x12: {  	s22 =	sadd.s32 $0x1E000, s19;
	[dreg:$0xc] =	wrdreg s21  }
0x13: {  	s23 =	sadd.s32 $0x28000, s19;
	[dreg:$0xd] =	wrdreg s22  }
0x14: {  	s24 =	sadd.s32 $0x32000, s19;
	[dreg:$0xe] =	wrdreg s23  }
0x15: {  	s25 =	sadd.s32 $0x3C000, s19;
	[dreg:$0xf] =	wrdreg s24  }
0x16: {  	s26 =	sadd.s32 $0x46000, s19;
	[dreg:$0x10] =	wrdreg s25  }
0x17: {  	s28 =	sadd.s32 $0x50000, s19;
	[dreg:$0x11] =	wrdreg s26  }
0x18: {  	s2 =	sadd.s32 $0x5A000, s19;
	[dreg:$0x12] =	wrdreg s28  }
0x19: {  	s5 =	sadd.s32 $0x64000, s19;
	[dreg:$0x13] =	wrdreg s2  }
0x1a: {  	p0 =	seq.s32 s6, $0x1;
	s6 =	sadd.s32 $0x6E000, s19;
	[dreg:$0x14] =	wrdreg s5  }
0x1b: {  	s7 =	sadd.s32 $0x78000, s19;
	[dreg:$0x15] =	wrdreg s6  }
0x1c: {  	s10 =	sadd.s32 $0x82000, s19;
	[dreg:$0x17] =	wrdreg s7  }
0x1d: {  	s15 =	sadd.s32 $0x96000, s19;
	[dreg:$0x18] =	wrdreg s10  }
0x1e: {  	s16 =	sadd.s32 $0xA0000, s19;
	[dreg:$0x1a] =	wrdreg s15  }
0x1f: {  	s17 =	sadd.s32 $0xAA000, s19;
	[dreg:$0x1b] =	wrdreg s16  }
0x20: {  	s18 =	sadd.s32 $0xB4000, s19;
	[dreg:$0x1c] =	wrdreg s17  }
0x21: {  	s29 =	simm.s32 $0x4;
	[dreg:$0x1d] =	wrdreg s18;
	s20 =	smax.u32 s9, $0x1  }
0x22: {  	s30 =	simm.s32 $0x7;
	s21 =	sshrl.u32 s11, $0x3;
	[dreg:$0x1f] =	wrdreg s20  }
0x23: {  	s0 =	simm.s32 $0x6000;
	s22 =	sshll.u32 s14, $0x6;
	[smem:$0x7F5] =	sst s21  }
0x24: {  	s0 =	simm.s32 @!p0 $0x2E00;
	s23 =	sadd.s32 $0x2800, s1;
	[smem:$0x7F6] =	sst s22  }
0x25: {  	p0 =	sgt.u32 s8, $0x10;
	s24 =	sadd.s32 $0x80, s1;
	[smem:$0x7F8] =	sst s23  }
0x26: {  	s25 =	sadd.s32 $0x5000, s1;
	s26 =	sadd.s32 $0x2880, s1;
	[smem:$0x7F9] =	sst s24  }
0x27: {  	s28 =	sadd.s32 $0x5080, s1;
	s15 =	simm.s32 $0x80;
	[smem:$0x7FA] =	sst s25  }
0x28: {  	s16 =	simm.s32 $0x100;
	s0 =	sadd.s32 s0, s4;
	[smem:$0x7FB] =	sst s26  }
0x29: {  	s14 =	simm.s32 $0x8;
	[smem:$0x7FD] =	sst s28;
	s0 =	sadd.s32 s0, s12  }
0x2a: {  	s20 =	simm.s32 $0x1400;
	s12 =	sadd.s32 $0x8C000, s19;
	[dreg:$0x16] =	wrdreg s0  }
0x2b: {  	s23 =	simm.s32 $0x3;
	s19 =	sadd.s32 $0xBE000, s19;
	[dreg:$0x19] =	wrdreg s12  }
0x2c: {  	s26 =	simm.s32 $0xB;
	[dreg:$0x1e] =	wrdreg s19;
	s0 =	sor.u32 $0x1C01, s22  }
0x2d: {  	v0 =	vimm.f32 $0.0e+00;
	s25 =	simm.s32 $0xD;
	s19 =	simm.s32 $0x2;
	[smem:$0x7F7] =	sst s0  }
.LBB2_1:
0x2e: {  	s3 =	sld [smem:$0x7F5]  }
0x2f: {  	s4 =	sld [smem:$0x7F7]  }
0x30: {  	[dreg:$0x7] =	wrdreg s31  }
0x31: {  	s0 =	rddreg [dreg:$0x8]  }
0x32: {  	[spmem:s3], [sflag:s4] =	dma.local [hbm:s0], $0x320  }
0x33: {  	s0 =	simm.s32 $0x40;
	s3 =	simm.s32 $0x0  }
.LBB2_2:
0x34: {  	p1 =	sne.s32 s0, $0x63C0;
	[tilespmem:s3+$0x15E00] =	vst v0;
	s3 =	smov.u32 s0;
	s0 =	sadd.s32 $0x40, s0  }
.Ltmp0:
0x35: {  	(pc) =	sbr.rel @p1 .LBB2_2-.Ltmp0, $2  }
0x36: {  	_ =	sdelay $0x2  }
0x37: {  	s3 =	sshra.s32 s3, $0x2  }
0x38: {  	[tilespmem:s3+$0x15E00] =	vst v0;
	s1 =	rddreg [dreg:$0x9];
	s0 =	simm.s32 $0x15E00;
	s28 =	simm.s32 $0x11  }
0x39: {  	[spmem:s1] =	stream.linear.scatter [tilespmem:s0], [sflag:$0x11], $0x1900, $0x38;
	[tilespmem:$0x17700] =	vst v63  }
0x3a: {  	_ =	swait.ge [sflag:s28], $0x1900  }
0x3b: {  	[sflag:s28] =	ssyncset.done $0x0  }
0x3c: {  	s1 =	simm.s32 $0x1;
	[sflag:s28] =	ssyncadd.s32 $0xFFFFE700  }
0x3d: {  	_ =	swait.ge [sflag:s1], $0x320  }
0x3e: {  	[sflag:s1] =	ssyncset.done $0x0  }
0x3f: {  	[sflag:s1] =	ssyncadd.s32 $0xFFFFFCE0  }
0x40: {  	[bflag:$0x0] =	sbarrier.arrive $0xFFFF  }
0x41: {  	s2 =	sld [smem:$0x7F6]  }
0x42: {  	s28 =	sld [smem:$0x7FC];
	_ =	sdelay $0x2  }
0x43: {  	s3 =	rddreg [dreg:$0xa];
	s18 =	sor.u32 $0x1C02, s2;
	s24 =	sshrl.u32 s28, $0x3  }
0x44: {  	[spmem:s24], [sflag:s18] =	dma.local [hbm:s3], $0x500  }
0x45: {  	s7 =	sld [smem:$0x7F8];
	_ =	sdelay $0x2  }
0x46: {  	s5 =	sor.u32 $0x1C03, s2;
	s0 =	rddreg [dreg:$0xb];
	s21 =	sshrl.u32 s7, $0x3  }
0x47: {  	[spmem:s21], [sflag:s5] =	dma.local [hbm:s0], $0x500  }
0x48: {  	[smem:$0x7F0] =	sst s21  }
0x49: {  	[smem:$0x7EF] =	sst s5  }
0x4a: {  	_ =	swait.ge [sflag:s19], $0x500  }
0x4b: {  	[sflag:s19] =	ssyncset.done $0x0;
	s3 =	sld [smem:$0x7F9]  }
0x4c: {  	s6 =	simm.s32 $0xAA00;
	s9 =	sld [smem:$0x7FA];
	[sflag:s19] =	ssyncadd.s32 $0xFFFFFB00  }
0x4d: {  	[tilespmem:s6], [sflag:$0x5] =	stream.strided.gather [spmem:s28], $0x1400, s16, s15, $0x38;
	[tilespmem:$0x17700] =	vst v63  }
0x4e: {  	s4 =	simm.s32 $0xE600  }
0x4f: {  	[tilespmem:s4], [sflag:$0x8] =	stream.strided.gather [spmem:s3], $0x1400, s16, s15, $0x38;
	[tilespmem:$0x17700] =	vst v63  }
0x50: {  	s17 =	rddreg [dreg:$0xc];
	s12 =	sshrl.u32 s9, $0x3;
	s4 =	sor.u32 $0x1C04, s2  }
0x51: {  	[spmem:s12], [sflag:s4] =	dma.local [hbm:s17], $0x500  }
0x52: {  	[smem:$0x7F1] =	sst s12  }
0x53: {  	s8 =	simm.s32 $0x5;
	[smem:$0x7F2] =	sst s4  }
0x54: {  	_ =	swait.ge [sflag:s8], $0x1400  }
0x55: {  	[sflag:s8] =	ssyncset.done $0x0  }
0x56: {  	[sflag:s8] =	ssyncadd.s32 $0xFFFFEC00  }
0x57: {  	s10 =	simm.s32 $0x12200;
	s31 =	rddreg [dreg:$0x3]  }
0x58: {  	[tilespmem:s10], [sflag:$0xB] =	stream.indirect.gather [spmem:s31], $0x1, s6, s20, $0xb8;
	[tilespmem:$0x17700] =	vst v63  }
0x59: {  	_ =	swait.ge [sflag:s23], $0x500  }
0x5a: {  	[sflag:s23] =	ssyncset.done $0x0  }
0x5b: {  	s11 =	simm.s32 $0xBE00;
	s8 =	sld [smem:$0x7FB];
	[sflag:s23] =	ssyncadd.s32 $0xFFFFFB00  }
0x5c: {  	[tilespmem:s11], [sflag:$0x6] =	stream.strided.gather [spmem:s7], $0x1400, s16, s15, $0x38;
	[tilespmem:$0x17700] =	vst v63  }
0x5d: {  	s6 =	simm.s32 $0xFA00  }
0x5e: {  	[tilespmem:s6], [sflag:$0x9] =	stream.strided.gather [spmem:s8], $0x1400, s16, s15, $0x38;
	[tilespmem:$0x17700] =	vst v63  }
0x5f: {  	_ =	swait.ge [sflag:s26], $0x1400  }
0x60: {  	[sflag:s26] =	ssyncset.done $0x0  }
0x61: {  	[sflag:s26] =	ssyncadd.s32 $0xFFFFEC00  }
0x62: {  	_ =	swait.ge [sflag:s14], $0x1400  }
0x63: {  	[sflag:s14] =	ssyncset.done $0x0  }
0x64: {  	[sflag:s14] =	ssyncadd.s32 $0xFFFFEC00  }
0x65: {  	s0 =	simm.s32 $0xE600;
	s2 =	simm.s32 $0x12200;
	s22 =	rddreg [dreg:$0x4]  }
0x66: {  	[spmem:s22] =	stream.indirect.scatter.add.f32 [tilespmem:s2], [sflag:$0xE], $0x1, s0, s20, $0xb8;
	[tilespmem:$0x17700] =	vst v63  }
0x67: {  	s10 =	rddreg [dreg:$0xd];
	s2 =	smov.u32 s22;
	s22 =	simm.s32 $0x6  }
0x68: {  	[spmem:s24], [sflag:s18] =	dma.local [hbm:s10], $0x500  }
0x69: {  	_ =	swait.ge [sflag:s22], $0x1400  }
0x6a: {  	[sflag:s22] =	ssyncset.done $0x0  }
0x6b: {  	s13 =	simm.s32 $0xBE00;
	s11 =	simm.s32 $0x13600;
	[sflag:s22] =	ssyncadd.s32 $0xFFFFEC00  }
0x6c: {  	[tilespmem:s11], [sflag:$0xC] =	stream.indirect.gather [spmem:s31], $0x1, s13, s20, $0xb8;
	[tilespmem:$0x17700] =	vst v63  }
0x6d: {  	_ =	swait.ge [sflag:s29], $0x500  }
0x6e: {  	[sflag:s29] =	ssyncset.done $0x0  }
0x6f: {  	s13 =	simm.s32 $0xD200;
	s7 =	sld [smem:$0x7FD];
	[sflag:s29] =	ssyncadd.s32 $0xFFFFFB00  }
0x70: {  	[tilespmem:s13], [sflag:$0x7] =	stream.strided.gather [spmem:s9], $0x1400, s16, s15, $0x38;
	[tilespmem:$0x17700] =	vst v63  }
0x71: {  	s17 =	simm.s32 $0x10E00;
	s11 =	simm.s32 $0xC  }
0x72: {  	[tilespmem:s17], [sflag:$0xA] =	stream.strided.gather [spmem:s7], $0x1400, s16, s15, $0x38;
	[tilespmem:$0x17700] =	vst v63  }
0x73: {  	_ =	swait.ge [sflag:s11], $0x1400  }
0x74: {  	[sflag:s11] =	ssyncset.done $0x0  }
0x75: {  	s17 =	simm.s32 $0x9;
	[sflag:s11] =	ssyncadd.s32 $0xFFFFEC00  }
0x76: {  	_ =	swait.ge [sflag:s17], $0x1400  }
0x77: {  	[sflag:s17] =	ssyncset.done $0x0  }
0x78: {  	s6 =	simm.s32 $0xFA00;
	s10 =	simm.s32 $0x13600;
	[sflag:s17] =	ssyncadd.s32 $0xFFFFEC00  }
0x79: {  	[spmem:s2] =	stream.indirect.scatter.add.f32 [tilespmem:s10], [sflag:$0xF], $0x1, s6, s20, $0xb8;
	[tilespmem:$0x17700] =	vst v63  }
0x7a: {  	s10 =	rddreg [dreg:$0xe]  }
0x7b: {  	[spmem:s21], [sflag:s5] =	dma.local [hbm:s10], $0x500  }
0x7c: {  	_ =	swait.ge [sflag:s30], $0x1400  }
0x7d: {  	s13 =	simm.s32 $0xD200;
	[sflag:s30] =	ssyncset.done $0x0  }
0x7e: {  	s11 =	simm.s32 $0x14A00;
	s10 =	simm.s32 $0xE;
	[sflag:s30] =	ssyncadd.s32 $0xFFFFEC00  }
0x7f: {  	[tilespmem:s11], [sflag:$0xD] =	stream.indirect.gather [spmem:s31], $0x1, s13, s20, $0xb8;
	[tilespmem:$0x17700] =	vst v63  }
0x80: {  	_ =	swait.ge [sflag:s10], $0x1400  }
0x81: {  	[sflag:s10] =	ssyncset.done $0x0  }
0x82: {  	[sflag:s10] =	ssyncadd.s32 $0xFFFFEC00  }
0x83: {  	_ =	swait.ge [sflag:s19], $0x500  }
0x84: {  	[sflag:s19] =	ssyncset.done $0x0  }
0x85: {  	s5 =	simm.s32 $0xAA00;
	[sflag:s19] =	ssyncadd.s32 $0xFFFFFB00  }
0x86: {  	[tilespmem:s5], [sflag:$0x5] =	stream.strided.gather [spmem:s28], $0x1400, s16, s15, $0x38;
	[tilespmem:$0x17700] =	vst v63  }
0x87: {  	_ = 	snop  }
0x88: {  	[tilespmem:s0], [sflag:$0x8] =	stream.strided.gather [spmem:s3], $0x1400, s16, s15, $0x38;
	[tilespmem:$0x17700] =	vst v63  }
0x89: {  	_ =	swait.ge [sflag:s25], $0x1400  }
0x8a: {  	[sflag:s25] =	ssyncset.done $0x0  }
0x8b: {  	s6 =	smov.u32 s28;
	s28 =	simm.s32 $0xA;
	[sflag:s25] =	ssyncadd.s32 $0xFFFFEC00  }
0x8c: {  	_ =	swait.ge [sflag:s28], $0x1400  }
0x8d: {  	s1 =	simm.s32 $0x5;
	s17 =	simm.s32 $0x14A00;
	[sflag:s28] =	ssyncset.done $0x0  }
0x8e: {  	s21 =	simm.s32 $0x10E00;
	s0 =	rddreg [dreg:$0xf];
	[sflag:s28] =	ssyncadd.s32 $0xFFFFEC00  }
0x8f: {  	[spmem:s2] =	stream.indirect.scatter.add.f32 [tilespmem:s17], [sflag:$0x10], $0x1, s21, s20, $0xb8;
	[tilespmem:$0x17700] =	vst v63  }
0x90: {  	[spmem:s12], [sflag:s4] =	dma.local [hbm:s0], $0x500  }
0x91: {  	_ =	swait.ge [sflag:s1], $0x1400  }
0x92: {  	[sflag:s1] =	ssyncset.done $0x0  }
0x93: {  	s13 =	simm.s32 $0xF;
	s4 =	simm.s32 $0x12200;
	[sflag:s1] =	ssyncadd.s32 $0xFFFFEC00  }
0x94: {  	[tilespmem:s4], [sflag:$0xB] =	stream.indirect.gather [spmem:s31], $0x1, s5, s20, $0xb8;
	[tilespmem:$0x17700] =	vst v63  }
0x95: {  	_ =	swait.ge [sflag:s13], $0x1400  }
0x96: {  	[sflag:s13] =	ssyncset.done $0x0  }
0x97: {  	[sflag:s13] =	ssyncadd.s32 $0xFFFFEC00  }
0x98: {  	_ =	swait.ge [sflag:s23], $0x500  }
0x99: {  	s21 =	sld [smem:$0x7F8]  }
0x9a: {  	[sflag:s23] =	ssyncset.done $0x0  }
0x9b: {  	s12 =	simm.s32 $0xBE00;
	[sflag:s23] =	ssyncadd.s32 $0xFFFFFB00  }
0x9c: {  	[tilespmem:s12], [sflag:$0x6] =	stream.strided.gather [spmem:s21], $0x1400, s16, s15, $0x38;
	[tilespmem:$0x17700] =	vst v63  }
0x9d: {  	s5 =	simm.s32 $0xFA00  }
0x9e: {  	[tilespmem:s5], [sflag:$0x9] =	stream.strided.gather [spmem:s8], $0x1400, s16, s15, $0x38;
	[tilespmem:$0x17700] =	vst v63  }
0x9f: {  	_ =	swait.ge [sflag:s26], $0x1400  }
0xa0: {  	[sflag:s26] =	ssyncset.done $0x0  }
0xa1: {  	[sflag:s26] =	ssyncadd.s32 $0xFFFFEC00  }
0xa2: {  	_ =	swait.ge [sflag:s14], $0x1400  }
0xa3: {  	[sflag:s14] =	ssyncset.done $0x0  }
0xa4: {  	s11 =	simm.s32 $0xE600;
	[sflag:s14] =	ssyncadd.s32 $0xFFFFEC00  }
0xa5: {  	[spmem:s2] =	stream.indirect.scatter.add.f32 [tilespmem:s4], [sflag:$0xE], $0x1, s11, s20, $0xb8;
	[tilespmem:$0x17700] =	vst v63  }
0xa6: {  	s11 =	rddreg [dreg:$0x10]  }
0xa7: {  	[spmem:s24], [sflag:s18] =	dma.local [hbm:s11], $0x500  }
0xa8: {  	[smem:$0x7F4] =	sst s18  }
0xa9: {  	_ =	swait.ge [sflag:s22], $0x1400  }
0xaa: {  	[sflag:s22] =	ssyncset.done $0x0  }
0xab: {  	s17 =	simm.s32 $0x13600;
	s11 =	simm.s32 $0x10;
	[sflag:s22] =	ssyncadd.s32 $0xFFFFEC00  }
0xac: {  	[tilespmem:s17], [sflag:$0xC] =	stream.indirect.gather [spmem:s31], $0x1, s12, s20, $0xb8;
	[tilespmem:$0x17700] =	vst v63  }
0xad: {  	_ =	swait.ge [sflag:s11], $0x1400  }
0xae: {  	[sflag:s11] =	ssyncset.done $0x0  }
0xaf: {  	[sflag:s11] =	ssyncadd.s32 $0xFFFFEC00  }
0xb0: {  	_ =	swait.ge [sflag:s29], $0x500  }
0xb1: {  	[sflag:s29] =	ssyncset.done $0x0  }
0xb2: {  	s0 =	simm.s32 $0xD200;
	s4 =	smov.u32 s2;
	[sflag:s29] =	ssyncadd.s32 $0xFFFFFB00  }
0xb3: {  	[tilespmem:s0], [sflag:$0x7] =	stream.strided.gather [spmem:s9], $0x1400, s16, s15, $0x38;
	[tilespmem:$0x17700] =	vst v63  }
0xb4: {  	s2 =	smov.u32 s9;
	s12 =	simm.s32 $0x10E00;
	s9 =	simm.s32 $0xC  }
0xb5: {  	[tilespmem:s12], [sflag:$0xA] =	stream.strided.gather [spmem:s7], $0x1400, s16, s15, $0x38;
	[tilespmem:$0x17700] =	vst v63  }
0xb6: {  	_ =	swait.ge [sflag:s9], $0x1400  }
0xb7: {  	[sflag:s9] =	ssyncset.done $0x0  }
0xb8: {  	s12 =	simm.s32 $0x9;
	[sflag:s9] =	ssyncadd.s32 $0xFFFFEC00  }
0xb9: {  	_ =	swait.ge [sflag:s12], $0x1400  }
0xba: {  	[sflag:s12] =	ssyncset.done $0x0;
	s9 =	sld [smem:$0x7EF]  }
0xbb: {  	s1 =	smov.u32 s31;
	s31 =	sld [smem:$0x7F0];
	[sflag:s12] =	ssyncadd.s32 $0xFFFFEC00  }
0xbc: {  	[spmem:s4] =	stream.indirect.scatter.add.f32 [tilespmem:s17], [sflag:$0xF], $0x1, s5, s20, $0xb8;
	[tilespmem:$0x17700] =	vst v63  }
0xbd: {  	s5 =	smov.u32 s4;
	s4 =	rddreg [dreg:$0x11]  }
0xbe: {  	[spmem:s31], [sflag:s9] =	dma.local [hbm:s4], $0x500  }
0xbf: {  	_ =	swait.ge [sflag:s30], $0x1400  }
0xc0: {  	[sflag:s30] =	ssyncset.done $0x0  }
0xc1: {  	s4 =	simm.s32 $0x14A00;
	[sflag:s30] =	ssyncadd.s32 $0xFFFFEC00  }
0xc2: {  	[tilespmem:s4], [sflag:$0xD] =	stream.indirect.gather [spmem:s1], $0x1, s0, s20, $0xb8;
	[tilespmem:$0x17700] =	vst v63  }
0xc3: {  	_ =	swait.ge [sflag:s10], $0x1400  }
0xc4: {  	[sflag:s10] =	ssyncset.done $0x0  }
0xc5: {  	[sflag:s10] =	ssyncadd.s32 $0xFFFFEC00  }
0xc6: {  	_ =	swait.ge [sflag:s19], $0x500  }
0xc7: {  	[sflag:s19] =	ssyncset.done $0x0  }
0xc8: {  	s0 =	simm.s32 $0xAA00;
	[sflag:s19] =	ssyncadd.s32 $0xFFFFFB00  }
0xc9: {  	[tilespmem:s0], [sflag:$0x5] =	stream.strided.gather [spmem:s6], $0x1400, s16, s15, $0x38;
	[tilespmem:$0x17700] =	vst v63  }
0xca: {  	s6 =	simm.s32 $0xE600  }
0xcb: {  	[tilespmem:s6], [sflag:$0x8] =	stream.strided.gather [spmem:s3], $0x1400, s16, s15, $0x38;
	[tilespmem:$0x17700] =	vst v63  }
0xcc: {  	_ =	swait.ge [sflag:s25], $0x1400  }
0xcd: {  	[sflag:s25] =	ssyncset.done $0x0  }
0xce: {  	[sflag:s25] =	ssyncadd.s32 $0xFFFFEC00  }
0xcf: {  	_ =	swait.ge [sflag:s28], $0x1400  }
0xd0: {  	[sflag:s28] =	ssyncset.done $0x0  }
0xd1: {  	s17 =	simm.s32 $0x10E00;
	[sflag:s28] =	ssyncadd.s32 $0xFFFFEC00  }
0xd2: {  	[spmem:s5] =	stream.indirect.scatter.add.f32 [tilespmem:s4], [sflag:$0x10], $0x1, s17, s20, $0xb8;
	[tilespmem:$0x17700] =	vst v63  }
0xd3: {  	s4 =	sld [smem:$0x7F1]  }
0xd4: {  	s6 =	smov.u32 s5;
	s5 =	sld [smem:$0x7F2]  }
0xd5: {  	s7 =	smov.u32 s1  }
0xd6: {  	s1 =	smov.u32 s3;
	s3 =	rddreg [dreg:$0x12];
	s17 =	simm.s32 $0x5  }
0xd7: {  	[spmem:s4], [sflag:s5] =	dma.local [hbm:s3], $0x500  }
0xd8: {  	_ =	swait.ge [sflag:s17], $0x1400  }
0xd9: {  	[sflag:s17] =	ssyncset.done $0x0  }
0xda: {  	[sflag:s17] =	ssyncadd.s32 $0xFFFFEC00;
	s17 =	simm.s32 $0x12200  }
0xdb: {  	[tilespmem:s17], [sflag:$0xB] =	stream.indirect.gather [spmem:s7], $0x1, s0, s20, $0xb8;
	[tilespmem:$0x17700] =	vst v63  }
0xdc: {  	_ =	swait.ge [sflag:s13], $0x1400  }
0xdd: {  	[sflag:s13] =	ssyncset.done $0x0  }
0xde: {  	[sflag:s13] =	ssyncadd.s32 $0xFFFFEC00  }
0xdf: {  	_ =	swait.ge [sflag:s23], $0x500  }
0xe0: {  	[sflag:s23] =	ssyncset.done $0x0  }
0xe1: {  	s0 =	simm.s32 $0xBE00;
	[sflag:s23] =	ssyncadd.s32 $0xFFFFFB00  }
0xe2: {  	[tilespmem:s0], [sflag:$0x6] =	stream.strided.gather [spmem:s21], $0x1400, s16, s15, $0x38;
	[tilespmem:$0x17700] =	vst v63  }
0xe3: {  	s3 =	smov.u32 s8;
	s21 =	simm.s32 $0xFA00  }
0xe4: {  	[tilespmem:s21], [sflag:$0x9] =	stream.strided.gather [spmem:s3], $0x1400, s16, s15, $0x38;
	[tilespmem:$0x17700] =	vst v63  }
0xe5: {  	_ =	swait.ge [sflag:s26], $0x1400  }
0xe6: {  	[sflag:s26] =	ssyncset.done $0x0  }
0xe7: {  	[sflag:s26] =	ssyncadd.s32 $0xFFFFEC00  }
0xe8: {  	_ =	swait.ge [sflag:s14], $0x1400  }
0xe9: {  	[sflag:s14] =	ssyncset.done $0x0  }
0xea: {  	s21 =	simm.s32 $0xE600;
	[sflag:s14] =	ssyncadd.s32 $0xFFFFEC00  }
0xeb: {  	[spmem:s6] =	stream.indirect.scatter.add.f32 [tilespmem:s17], [sflag:$0xE], $0x1, s21, s20, $0xb8;
	[tilespmem:$0x17700] =	vst v63  }
0xec: {  	s8 =	smov.u32 s6;
	s6 =	rddreg [dreg:$0x13]  }
0xed: {  	[spmem:s24], [sflag:s18] =	dma.local [hbm:s6], $0x500  }
0xee: {  	_ =	swait.ge [sflag:s22], $0x1400  }
0xef: {  	[sflag:s22] =	ssyncset.done $0x0  }
0xf0: {  	s17 =	simm.s32 $0x13600;
	[sflag:s22] =	ssyncadd.s32 $0xFFFFEC00  }
0xf1: {  	[tilespmem:s17], [sflag:$0xC] =	stream.indirect.gather [spmem:s7], $0x1, s0, s20, $0xb8;
	[tilespmem:$0x17700] =	vst v63  }
0xf2: {  	_ =	swait.ge [sflag:s11], $0x1400  }
0xf3: {  	[sflag:s11] =	ssyncset.done $0x0  }
0xf4: {  	[sflag:s11] =	ssyncadd.s32 $0xFFFFEC00  }
0xf5: {  	_ =	swait.ge [sflag:s29], $0x500  }
0xf6: {  	[sflag:s29] =	ssyncset.done $0x0  }
0xf7: {  	s0 =	simm.s32 $0xD200;
	[sflag:s29] =	ssyncadd.s32 $0xFFFFFB00  }
0xf8: {  	[tilespmem:s0], [sflag:$0x7] =	stream.strided.gather [spmem:s2], $0x1400, s16, s15, $0x38;
	[tilespmem:$0x17700] =	vst v63  }
0xf9: {  	s2 =	sld [smem:$0x7FD];
	_ =	sdelay $0x1  }
0xfa: {  	s6 =	smov.u32 s7;
	s18 =	simm.s32 $0x10E00;
	s7 =	simm.s32 $0xC  }
0xfb: {  	[tilespmem:s18], [sflag:$0xA] =	stream.strided.gather [spmem:s2], $0x1400, s16, s15, $0x38;
	[tilespmem:$0x17700] =	vst v63  }
0xfc: {  	_ =	swait.ge [sflag:s7], $0x1400  }
0xfd: {  	[sflag:s7] =	ssyncset.done $0x0  }
0xfe: {  	s12 =	simm.s32 $0x9;
	[sflag:s7] =	ssyncadd.s32 $0xFFFFEC00  }
0xff: {  	_ =	swait.ge [sflag:s12], $0x1400  }
0x100: {  	[sflag:s12] =	ssyncset.done $0x0  }
0x101: {  	[sflag:s12] =	ssyncadd.s32 $0xFFFFEC00;
	s12 =	simm.s32 $0xFA00  }
0x102: {  	[spmem:s8] =	stream.indirect.scatter.add.f32 [tilespmem:s17], [sflag:$0xF], $0x1, s12, s20, $0xb8;
	[tilespmem:$0x17700] =	vst v63  }
0x103: {  	s12 =	rddreg [dreg:$0x14]  }
0x104: {  	[spmem:s31], [sflag:s9] =	dma.local [hbm:s12], $0x500  }
0x105: {  	_ =	swait.ge [sflag:s30], $0x1400  }
0x106: {  	[sflag:s30] =	ssyncset.done $0x0  }
0x107: {  	s17 =	simm.s32 $0x14A00;
	[sflag:s30] =	ssyncadd.s32 $0xFFFFEC00  }
0x108: {  	[tilespmem:s17], [sflag:$0xD] =	stream.indirect.gather [spmem:s6], $0x1, s0, s20, $0xb8;
	[tilespmem:$0x17700] =	vst v63  }
0x109: {  	_ =	swait.ge [sflag:s10], $0x1400  }
0x10a: {  	[sflag:s10] =	ssyncset.done $0x0  }
0x10b: {  	[sflag:s10] =	ssyncadd.s32 $0xFFFFEC00  }
0x10c: {  	_ =	swait.ge [sflag:s19], $0x500  }
0x10d: {  	s31 =	smov.u32 s6;
	s6 =	sld [smem:$0x7FC]  }
0x10e: {  	[sflag:s19] =	ssyncset.done $0x0  }
0x10f: {  	s0 =	simm.s32 $0xAA00;
	[sflag:s19] =	ssyncadd.s32 $0xFFFFFB00  }
0x110: {  	[tilespmem:s0], [sflag:$0x5] =	stream.strided.gather [spmem:s6], $0x1400, s16, s15, $0x38;
	[tilespmem:$0x17700] =	vst v63  }
0x111: {  	_ = 	snop  }
0x112: {  	[tilespmem:s21], [sflag:$0x8] =	stream.strided.gather [spmem:s1], $0x1400, s16, s15, $0x38;
	[tilespmem:$0x17700] =	vst v63  }
0x113: {  	_ =	swait.ge [sflag:s25], $0x1400  }
0x114: {  	[sflag:s25] =	ssyncset.done $0x0  }
0x115: {  	[sflag:s25] =	ssyncadd.s32 $0xFFFFEC00  }
0x116: {  	_ =	swait.ge [sflag:s28], $0x1400  }
0x117: {  	[sflag:s28] =	ssyncset.done $0x0  }
0x118: {  	s7 =	smov.u32 s8;
	[sflag:s28] =	ssyncadd.s32 $0xFFFFEC00  }
0x119: {  	[spmem:s7] =	stream.indirect.scatter.add.f32 [tilespmem:s17], [sflag:$0x10], $0x1, s18, s20, $0xb8;
	[tilespmem:$0x17700] =	vst v63  }
0x11a: {  	s12 =	rddreg [dreg:$0x15];
	s17 =	simm.s32 $0x5  }
0x11b: {  	[spmem:s4], [sflag:s5] =	dma.local [hbm:s12], $0x500  }
0x11c: {  	_ =	swait.ge [sflag:s17], $0x1400  }
0x11d: {  	[sflag:s17] =	ssyncset.done $0x0  }
0x11e: {  	[sflag:s17] =	ssyncadd.s32 $0xFFFFEC00;
	s17 =	simm.s32 $0x12200  }
0x11f: {  	[tilespmem:s17], [sflag:$0xB] =	stream.indirect.gather [spmem:s31], $0x1, s0, s20, $0xb8;
	[tilespmem:$0x17700] =	vst v63  }
0x120: {  	_ =	swait.ge [sflag:s13], $0x1400  }
0x121: {  	[sflag:s13] =	ssyncset.done $0x0  }
0x122: {  	[sflag:s13] =	ssyncadd.s32 $0xFFFFEC00  }
0x123: {  	_ =	swait.ge [sflag:s23], $0x500  }
0x124: {  	s8 =	smov.u32 s31;
	s31 =	sld [smem:$0x7F8]  }
0x125: {  	[sflag:s23] =	ssyncset.done $0x0  }
0x126: {  	s1 =	smov.u32 s4;
	s4 =	simm.s32 $0xBE00;
	[sflag:s23] =	ssyncadd.s32 $0xFFFFFB00  }
0x127: {  	[tilespmem:s4], [sflag:$0x6] =	stream.strided.gather [spmem:s31], $0x1400, s16, s15, $0x38;
	[tilespmem:$0x17700] =	vst v63  }
0x128: {  	s18 =	simm.s32 $0xFA00  }
0x129: {  	[tilespmem:s18], [sflag:$0x9] =	stream.strided.gather [spmem:s3], $0x1400, s16, s15, $0x38;
	[tilespmem:$0x17700] =	vst v63  }
0x12a: {  	_ =	swait.ge [sflag:s26], $0x1400  }
0x12b: {  	[sflag:s26] =	ssyncset.done $0x0  }
0x12c: {  	[sflag:s26] =	ssyncadd.s32 $0xFFFFEC00  }
0x12d: {  	_ =	swait.ge [sflag:s14], $0x1400  }
0x12e: {  	s21 =	smov.u32 s5;
	[sflag:s14] =	ssyncset.done $0x0  }
0x12f: {  	s5 =	simm.s32 $0xE600;
	s18 =	sld [smem:$0x7F4];
	[sflag:s14] =	ssyncadd.s32 $0xFFFFEC00  }
0x130: {  	[spmem:s7] =	stream.indirect.scatter.add.f32 [tilespmem:s17], [sflag:$0xE], $0x1, s5, s20, $0xb8;
	[tilespmem:$0x17700] =	vst v63  }
0x131: {  	s0 =	smov.u32 s7;
	s7 =	rddreg [dreg:$0x17]  }
0x132: {  	[spmem:s24], [sflag:s18] =	dma.local [hbm:s7], $0x500  }
0x133: {  	[smem:$0x7F3] =	sst s24  }
0x134: {  	_ =	swait.ge [sflag:s22], $0x1400  }
0x135: {  	[sflag:s22] =	ssyncset.done $0x0  }
0x136: {  	s17 =	simm.s32 $0x13600;
	[sflag:s22] =	ssyncadd.s32 $0xFFFFEC00  }
0x137: {  	[tilespmem:s17], [sflag:$0xC] =	stream.indirect.gather [spmem:s8], $0x1, s4, s20, $0xb8;
	[tilespmem:$0x17700] =	vst v63  }
0x138: {  	_ =	swait.ge [sflag:s11], $0x1400  }
0x139: {  	[sflag:s11] =	ssyncset.done $0x0  }
0x13a: {  	[sflag:s11] =	ssyncadd.s32 $0xFFFFEC00  }
0x13b: {  	_ =	swait.ge [sflag:s29], $0x500  }
0x13c: {  	s4 =	sld [smem:$0x7FA]  }
0x13d: {  	[sflag:s29] =	ssyncset.done $0x0  }
0x13e: {  	s3 =	simm.s32 $0xD200;
	[sflag:s29] =	ssyncadd.s32 $0xFFFFFB00  }
0x13f: {  	[tilespmem:s3], [sflag:$0x7] =	stream.strided.gather [spmem:s4], $0x1400, s16, s15, $0x38;
	[tilespmem:$0x17700] =	vst v63  }
0x140: {  	s7 =	smov.u32 s8;
	s8 =	simm.s32 $0x10E00  }
0x141: {  	[tilespmem:s8], [sflag:$0xA] =	stream.strided.gather [spmem:s2], $0x1400, s16, s15, $0x38;
	[tilespmem:$0x17700] =	vst v63  }
0x142: {  	s8 =	simm.s32 $0xC  }
0x143: {  	_ =	swait.ge [sflag:s8], $0x1400  }
0x144: {  	[sflag:s8] =	ssyncset.done $0x0  }
0x145: {  	[sflag:s8] =	ssyncadd.s32 $0xFFFFEC00;
	s8 =	simm.s32 $0x9  }
0x146: {  	_ =	swait.ge [sflag:s8], $0x1400  }
0x147: {  	[sflag:s8] =	ssyncset.done $0x0  }
0x148: {  	[sflag:s8] =	ssyncadd.s32 $0xFFFFEC00;
	s8 =	smov.u32 s9;
	s9 =	sld [smem:$0x7F0]  }
0x149: {  	s12 =	simm.s32 $0xFA00;
	s5 =	rddreg [dreg:$0x18]  }
0x14a: {  	[spmem:s0] =	stream.indirect.scatter.add.f32 [tilespmem:s17], [sflag:$0xF], $0x1, s12, s20, $0xb8;
	[tilespmem:$0x17700] =	vst v63  }
0x14b: {  	[spmem:s9], [sflag:s8] =	dma.local [hbm:s5], $0x500  }
0x14c: {  	_ =	swait.ge [sflag:s30], $0x1400  }
0x14d: {  	[sflag:s30] =	ssyncset.done $0x0  }
0x14e: {  	s17 =	simm.s32 $0x14A00;
	[sflag:s30] =	ssyncadd.s32 $0xFFFFEC00  }
0x14f: {  	[tilespmem:s17], [sflag:$0xD] =	stream.indirect.gather [spmem:s7], $0x1, s3, s20, $0xb8;
	[tilespmem:$0x17700] =	vst v63  }
0x150: {  	_ =	swait.ge [sflag:s10], $0x1400  }
0x151: {  	[sflag:s10] =	ssyncset.done $0x0  }
0x152: {  	[sflag:s10] =	ssyncadd.s32 $0xFFFFEC00  }
0x153: {  	_ =	swait.ge [sflag:s19], $0x500  }
0x154: {  	[sflag:s19] =	ssyncset.done $0x0  }
0x155: {  	s5 =	simm.s32 $0xAA00;
	s3 =	sld [smem:$0x7F9];
	[sflag:s19] =	ssyncadd.s32 $0xFFFFFB00  }
0x156: {  	[tilespmem:s5], [sflag:$0x5] =	stream.strided.gather [spmem:s6], $0x1400, s16, s15, $0x38;
	[tilespmem:$0x17700] =	vst v63  }
0x157: {  	s12 =	simm.s32 $0xE600  }
0x158: {  	[tilespmem:s12], [sflag:$0x8] =	stream.strided.gather [spmem:s3], $0x1400, s16, s15, $0x38;
	[tilespmem:$0x17700] =	vst v63  }
0x159: {  	_ =	swait.ge [sflag:s25], $0x1400  }
0x15a: {  	[sflag:s25] =	ssyncset.done $0x0  }
0x15b: {  	[sflag:s25] =	ssyncadd.s32 $0xFFFFEC00  }
0x15c: {  	_ =	swait.ge [sflag:s28], $0x1400  }
0x15d: {  	[sflag:s28] =	ssyncset.done $0x0  }
0x15e: {  	s12 =	simm.s32 $0x10E00;
	[sflag:s28] =	ssyncadd.s32 $0xFFFFEC00  }
0x15f: {  	[spmem:s0] =	stream.indirect.scatter.add.f32 [tilespmem:s17], [sflag:$0x10], $0x1, s12, s20, $0xb8;
	[tilespmem:$0x17700] =	vst v63  }
0x160: {  	s6 =	simm.s32 $0x5;
	s12 =	smov.u32 s0;
	s0 =	rddreg [dreg:$0x19]  }
0x161: {  	[spmem:s1], [sflag:s21] =	dma.local [hbm:s0], $0x500  }
0x162: {  	_ =	swait.ge [sflag:s6], $0x1400  }
0x163: {  	[sflag:s6] =	ssyncset.done $0x0  }
0x164: {  	s1 =	simm.s32 $0x12200;
	[sflag:s6] =	ssyncadd.s32 $0xFFFFEC00  }
0x165: {  	[tilespmem:s1], [sflag:$0xB] =	stream.indirect.gather [spmem:s7], $0x1, s5, s20, $0xb8;
	[tilespmem:$0x17700] =	vst v63  }
0x166: {  	_ =	swait.ge [sflag:s13], $0x1400  }
0x167: {  	[sflag:s13] =	ssyncset.done $0x0  }
0x168: {  	[sflag:s13] =	ssyncadd.s32 $0xFFFFEC00  }
0x169: {  	_ =	swait.ge [sflag:s23], $0x500  }
0x16a: {  	s21 =	smov.u32 s7;
	[sflag:s23] =	ssyncset.done $0x0  }
0x16b: {  	s0 =	simm.s32 $0xBE00;
	s7 =	sld [smem:$0x7FB];
	[sflag:s23] =	ssyncadd.s32 $0xFFFFFB00  }
0x16c: {  	[tilespmem:s0], [sflag:$0x6] =	stream.strided.gather [spmem:s31], $0x1400, s16, s15, $0x38;
	[tilespmem:$0x17700] =	vst v63  }
0x16d: {  	s6 =	simm.s32 $0xFA00  }
0x16e: {  	[tilespmem:s6], [sflag:$0x9] =	stream.strided.gather [spmem:s7], $0x1400, s16, s15, $0x38;
	[tilespmem:$0x17700] =	vst v63  }
0x16f: {  	_ =	swait.ge [sflag:s26], $0x1400  }
0x170: {  	[sflag:s26] =	ssyncset.done $0x0  }
0x171: {  	[sflag:s26] =	ssyncadd.s32 $0xFFFFEC00  }
0x172: {  	_ =	swait.ge [sflag:s14], $0x1400  }
0x173: {  	[sflag:s14] =	ssyncset.done $0x0  }
0x174: {  	s17 =	simm.s32 $0xE600;
	s5 =	rddreg [dreg:$0x1a];
	[sflag:s14] =	ssyncadd.s32 $0xFFFFEC00  }
0x175: {  	[spmem:s12] =	stream.indirect.scatter.add.f32 [tilespmem:s1], [sflag:$0xE], $0x1, s17, s20, $0xb8;
	[tilespmem:$0x17700] =	vst v63  }
0x176: {  	[spmem:s24], [sflag:s18] =	dma.local [hbm:s5], $0x500  }
0x177: {  	_ =	swait.ge [sflag:s22], $0x1400  }
0x178: {  	[sflag:s22] =	ssyncset.done $0x0  }
0x179: {  	s17 =	simm.s32 $0x13600;
	[sflag:s22] =	ssyncadd.s32 $0xFFFFEC00  }
0x17a: {  	[tilespmem:s17], [sflag:$0xC] =	stream.indirect.gather [spmem:s21], $0x1, s0, s20, $0xb8;
	[tilespmem:$0x17700] =	vst v63  }
0x17b: {  	_ =	swait.ge [sflag:s11], $0x1400  }
0x17c: {  	[sflag:s11] =	ssyncset.done $0x0  }
0x17d: {  	[sflag:s11] =	ssyncadd.s32 $0xFFFFEC00  }
0x17e: {  	_ =	swait.ge [sflag:s29], $0x500  }
0x17f: {  	[sflag:s29] =	ssyncset.done $0x0  }
0x180: {  	s5 =	simm.s32 $0xD200;
	[sflag:s29] =	ssyncadd.s32 $0xFFFFFB00  }
0x181: {  	[tilespmem:s5], [sflag:$0x7] =	stream.strided.gather [spmem:s4], $0x1400, s16, s15, $0x38;
	[tilespmem:$0x17700] =	vst v63  }
0x182: {  	s24 =	smov.u32 s4;
	s0 =	simm.s32 $0xC;
	s4 =	simm.s32 $0x10E00  }
0x183: {  	[tilespmem:s4], [sflag:$0xA] =	stream.strided.gather [spmem:s2], $0x1400, s16, s15, $0x38;
	[tilespmem:$0x17700] =	vst v63  }
0x184: {  	_ =	swait.ge [sflag:s0], $0x1400  }
0x185: {  	[sflag:s0] =	ssyncset.done $0x0  }
0x186: {  	s18 =	smov.u32 s2;
	s2 =	simm.s32 $0x9;
	[sflag:s0] =	ssyncadd.s32 $0xFFFFEC00  }
0x187: {  	_ =	swait.ge [sflag:s2], $0x1400  }
0x188: {  	[sflag:s2] =	ssyncset.done $0x0  }
0x189: {  	s1 =	rddreg [dreg:$0x1b];
	[sflag:s2] =	ssyncadd.s32 $0xFFFFEC00  }
0x18a: {  	[spmem:s12] =	stream.indirect.scatter.add.f32 [tilespmem:s17], [sflag:$0xF], $0x1, s6, s20, $0xb8;
	[tilespmem:$0x17700] =	vst v63  }
0x18b: {  	[spmem:s9], [sflag:s8] =	dma.local [hbm:s1], $0x500  }
0x18c: {  	_ =	swait.ge [sflag:s30], $0x1400  }
0x18d: {  	[sflag:s30] =	ssyncset.done $0x0  }
0x18e: {  	s2 =	simm.s32 $0x14A00;
	[sflag:s30] =	ssyncadd.s32 $0xFFFFEC00  }
0x18f: {  	[tilespmem:s2], [sflag:$0xD] =	stream.indirect.gather [spmem:s21], $0x1, s5, s20, $0xb8;
	[tilespmem:$0x17700] =	vst v63  }
0x190: {  	_ =	swait.ge [sflag:s10], $0x1400  }
0x191: {  	[sflag:s10] =	ssyncset.done $0x0  }
0x192: {  	[sflag:s10] =	ssyncadd.s32 $0xFFFFEC00  }
0x193: {  	_ =	swait.ge [sflag:s19], $0x500  }
0x194: {  	s6 =	sld [smem:$0x7FC]  }
0x195: {  	[sflag:s19] =	ssyncset.done $0x0  }
0x196: {  	s17 =	simm.s32 $0xAA00;
	[sflag:s19] =	ssyncadd.s32 $0xFFFFFB00  }
0x197: {  	[tilespmem:s17], [sflag:$0x5] =	stream.strided.gather [spmem:s6], $0x1400, s16, s15, $0x38;
	[tilespmem:$0x17700] =	vst v63  }
0x198: {  	s9 =	simm.s32 $0xE600  }
0x199: {  	[tilespmem:s9], [sflag:$0x8] =	stream.strided.gather [spmem:s3], $0x1400, s16, s15, $0x38;
	[tilespmem:$0x17700] =	vst v63  }
0x19a: {  	_ =	swait.ge [sflag:s25], $0x1400  }
0x19b: {  	[sflag:s25] =	ssyncset.done $0x0  }
0x19c: {  	[sflag:s25] =	ssyncadd.s32 $0xFFFFEC00  }
0x19d: {  	_ =	swait.ge [sflag:s28], $0x1400  }
0x19e: {  	[sflag:s28] =	ssyncset.done $0x0  }
0x19f: {  	s8 =	sld [smem:$0x7F1];
	[sflag:s28] =	ssyncadd.s32 $0xFFFFEC00  }
0x1a0: {  	[spmem:s12] =	stream.indirect.scatter.add.f32 [tilespmem:s2], [sflag:$0x10], $0x1, s4, s20, $0xb8;
	[tilespmem:$0x17700] =	vst v63  }
0x1a1: {  	s2 =	smov.u32 s12;
	s12 =	sld [smem:$0x7F2];
	_ =	sdelay $0x1  }
0x1a2: {  	s4 =	rddreg [dreg:$0x1c]  }
0x1a3: {  	[spmem:s8], [sflag:s12] =	dma.local [hbm:s4], $0x500  }
0x1a4: {  	s4 =	simm.s32 $0x5  }
0x1a5: {  	_ =	swait.ge [sflag:s4], $0x1400  }
0x1a6: {  	[sflag:s4] =	ssyncset.done $0x0  }
0x1a7: {  	s5 =	simm.s32 $0x12200;
	[sflag:s4] =	ssyncadd.s32 $0xFFFFEC00  }
0x1a8: {  	[tilespmem:s5], [sflag:$0xB] =	stream.indirect.gather [spmem:s21], $0x1, s17, s20, $0xb8;
	[tilespmem:$0x17700] =	vst v63  }
0x1a9: {  	_ =	swait.ge [sflag:s13], $0x1400  }
0x1aa: {  	[sflag:s13] =	ssyncset.done $0x0  }
0x1ab: {  	[sflag:s13] =	ssyncadd.s32 $0xFFFFEC00  }
0x1ac: {  	_ =	swait.ge [sflag:s23], $0x500  }
0x1ad: {  	[sflag:s23] =	ssyncset.done $0x0  }
0x1ae: {  	s13 =	simm.s32 $0xBE00;
	[sflag:s23] =	ssyncadd.s32 $0xFFFFFB00  }
0x1af: {  	[tilespmem:s13], [sflag:$0x6] =	stream.strided.gather [spmem:s31], $0x1400, s16, s15, $0x38;
	[tilespmem:$0x17700] =	vst v63  }
0x1b0: {  	s8 =	simm.s32 $0xFA00  }
0x1b1: {  	[tilespmem:s8], [sflag:$0x9] =	stream.strided.gather [spmem:s7], $0x1400, s16, s15, $0x38;
	[tilespmem:$0x17700] =	vst v63  }
0x1b2: {  	_ =	swait.ge [sflag:s26], $0x1400  }
0x1b3: {  	[sflag:s26] =	ssyncset.done $0x0  }
0x1b4: {  	[sflag:s26] =	ssyncadd.s32 $0xFFFFEC00  }
0x1b5: {  	_ =	swait.ge [sflag:s14], $0x1400  }
0x1b6: {  	s1 =	smov.u32 s21;
	[sflag:s14] =	ssyncset.done $0x0;
	s21 =	sld [smem:$0x7F3]  }
0x1b7: {  	s7 =	sld [smem:$0x7F4];
	[sflag:s14] =	ssyncadd.s32 $0xFFFFEC00  }
0x1b8: {  	[spmem:s2] =	stream.indirect.scatter.add.f32 [tilespmem:s5], [sflag:$0xE], $0x1, s9, s20, $0xb8;
	[tilespmem:$0x17700] =	vst v63  }
0x1b9: {  	s9 =	rddreg [dreg:$0x1d]  }
0x1ba: {  	[spmem:s21], [sflag:s7] =	dma.local [hbm:s9], $0x500  }
0x1bb: {  	_ =	swait.ge [sflag:s22], $0x1400  }
0x1bc: {  	[sflag:s22] =	ssyncset.done $0x0  }
0x1bd: {  	s9 =	simm.s32 $0x13600;
	[sflag:s22] =	ssyncadd.s32 $0xFFFFEC00  }
0x1be: {  	[tilespmem:s9], [sflag:$0xC] =	stream.indirect.gather [spmem:s1], $0x1, s13, s20, $0xb8;
	[tilespmem:$0x17700] =	vst v63  }
0x1bf: {  	_ =	swait.ge [sflag:s11], $0x1400  }
0x1c0: {  	[sflag:s11] =	ssyncset.done $0x0  }
0x1c1: {  	[sflag:s11] =	ssyncadd.s32 $0xFFFFEC00  }
0x1c2: {  	_ =	swait.ge [sflag:s29], $0x500  }
0x1c3: {  	[sflag:s29] =	ssyncset.done $0x0  }
0x1c4: {  	s0 =	simm.s32 $0xD200;
	[sflag:s29] =	ssyncadd.s32 $0xFFFFFB00  }
0x1c5: {  	[tilespmem:s0], [sflag:$0x7] =	stream.strided.gather [spmem:s24], $0x1400, s16, s15, $0x38;
	[tilespmem:$0x17700] =	vst v63  }
0x1c6: {  	s22 =	simm.s32 $0xC;
	s13 =	simm.s32 $0x10E00  }
0x1c7: {  	[tilespmem:s13], [sflag:$0xA] =	stream.strided.gather [spmem:s18], $0x1400, s16, s15, $0x38;
	[tilespmem:$0x17700] =	vst v63  }
0x1c8: {  	_ =	swait.ge [sflag:s22], $0x1400  }
0x1c9: {  	[sflag:s22] =	ssyncset.done $0x0  }
0x1ca: {  	s24 =	simm.s32 $0x9;
	[sflag:s22] =	ssyncadd.s32 $0xFFFFEC00  }
0x1cb: {  	_ =	swait.ge [sflag:s24], $0x1400  }
0x1cc: {  	[sflag:s24] =	ssyncset.done $0x0  }
0x1cd: {  	[sflag:s24] =	ssyncadd.s32 $0xFFFFEC00  }
0x1ce: {  	[spmem:s2] =	stream.indirect.scatter.add.f32 [tilespmem:s9], [sflag:$0xF], $0x1, s8, s20, $0xb8;
	[tilespmem:$0x17700] =	vst v63  }
0x1cf: {  	_ =	swait.ge [sflag:s30], $0x1400  }
0x1d0: {  	[sflag:s30] =	ssyncset.done $0x0  }
0x1d1: {  	s8 =	simm.s32 $0x14A00;
	[sflag:s30] =	ssyncadd.s32 $0xFFFFEC00  }
0x1d2: {  	[tilespmem:s8], [sflag:$0xD] =	stream.indirect.gather [spmem:s1], $0x1, s0, s20, $0xb8;
	[tilespmem:$0x17700] =	vst v63  }
0x1d3: {  	_ =	swait.ge [sflag:s10], $0x1400  }
0x1d4: {  	[sflag:s10] =	ssyncset.done $0x0  }
0x1d5: {  	[sflag:s10] =	ssyncadd.s32 $0xFFFFEC00  }
0x1d6: {  	_ =	swait.ge [sflag:s19], $0x500  }
0x1d7: {  	[sflag:s19] =	ssyncset.done $0x0  }
0x1d8: {  	s17 =	simm.s32 $0xAA00;
	[sflag:s19] =	ssyncadd.s32 $0xFFFFFB00  }
0x1d9: {  	[tilespmem:s17], [sflag:$0x5] =	stream.strided.gather [spmem:s6], $0x1400, s16, s15, $0x38;
	[tilespmem:$0x17700] =	vst v63  }
0x1da: {  	s4 =	simm.s32 $0xE600  }
0x1db: {  	[tilespmem:s4], [sflag:$0x8] =	stream.strided.gather [spmem:s3], $0x1400, s16, s15, $0x38;
	[tilespmem:$0x17700] =	vst v63  }
0x1dc: {  	_ =	swait.ge [sflag:s25], $0x1400  }
0x1dd: {  	[sflag:s25] =	ssyncset.done $0x0  }
0x1de: {  	[sflag:s25] =	ssyncadd.s32 $0xFFFFEC00  }
0x1df: {  	_ =	swait.ge [sflag:s28], $0x1400  }
0x1e0: {  	[sflag:s28] =	ssyncset.done $0x0  }
0x1e1: {  	s12 =	simm.s32 $0x5;
	[sflag:s28] =	ssyncadd.s32 $0xFFFFEC00  }
0x1e2: {  	[spmem:s2] =	stream.indirect.scatter.add.f32 [tilespmem:s8], [sflag:$0x10], $0x1, s13, s20, $0xb8;
	[tilespmem:$0x17700] =	vst v63  }
0x1e3: {  	_ =	swait.ge [sflag:s12], $0x1400  }
0x1e4: {  	[sflag:s12] =	ssyncset.done $0x0  }
0x1e5: {  	s5 =	simm.s32 $0x12200;
	[sflag:s12] =	ssyncadd.s32 $0xFFFFEC00  }
0x1e6: {  	[tilespmem:s5], [sflag:$0xB] =	stream.indirect.gather [spmem:s1], $0x1, s17, s20, $0xb8;
	[tilespmem:$0x17700] =	vst v63  }
0x1e7: {  	_ =	swait.ge [sflag:s26], $0x1400  }
0x1e8: {  	[sflag:s26] =	ssyncset.done $0x0  }
0x1e9: {  	[sflag:s26] =	ssyncadd.s32 $0xFFFFEC00  }
0x1ea: {  	_ =	swait.ge [sflag:s14], $0x1400  }
0x1eb: {  	[sflag:s14] =	ssyncset.done $0x0  }
0x1ec: {  	[sflag:s14] =	ssyncadd.s32 $0xFFFFEC00  }
0x1ed: {  	[spmem:s2] =	stream.indirect.scatter.add.f32 [tilespmem:s5], [sflag:$0xE], $0x1, s4, s20, $0xb8;
	[tilespmem:$0x17700] =	vst v63  }
0x1ee: {  	_ =	swait.ge [sflag:s11], $0x1400  }
0x1ef: {  	[sflag:s11] =	ssyncset.done $0x0  }
0x1f0: {  	s0 =	stileid.u32;
	[sflag:s11] =	ssyncadd.s32 $0xFFFFEC00  }
0x1f1: {  	s9 =	smov.u32 s6;
	s0 =	sshll.u32 @!p0 s0, $0x6;
	_ =	swait.ge [sflag:s10], $0x1400  }
0x1f2: {  	s0 =	sor.u32 @!p0 $0x1C11, s0;
	s6 =	smov.u32 s3;
	[sflag:s10] =	ssyncset.done $0x0  }
0x1f3: {  	s3 =	sshrl.u32 @!p0 s9, $0x3;
	s4 =	rddreg [dreg:$0x1e];
	[sflag:s10] =	ssyncadd.s32 $0xFFFFEC00  }
0x1f4: {  	[spmem:s3], [sflag:s0] =	dma.local @!p0 [hbm:s4], $0x500  }
0x1f5: {  	s0 =	simm.s32 @!p0 $0x11  }
0x1f6: {  	_ =	swait.ge @!p0 [sflag:s0], $0x500  }
0x1f7: {  	s5 =	simm.s32 @!p0 $0xAA00;
	[sflag:s0] =	ssyncset.done @!p0 $0x0  }
0x1f8: {  	s3 =	simm.s32 @!p0 $0x80;
	s4 =	simm.s32 @!p0 $0x100;
	[sflag:s0] =	ssyncadd.s32 @!p0 $0xFFFFFB00  }
0x1f9: {  	[tilespmem:s5], [sflag:$0x11] =	stream.strided.gather @!p0 [spmem:s9], $0x1400, s4, s3, $0x38;
	[tilespmem:$0x17700] =	vst v63  }
0x1fa: {  	_ =	swait.ge @!p0 [sflag:s0], $0x1400  }
0x1fb: {  	[sflag:s0] =	ssyncset.done @!p0 $0x0  }
0x1fc: {  	s9 =	simm.s32 @!p0 $0xE600;
	[sflag:s0] =	ssyncadd.s32 @!p0 $0xFFFFEC00  }
0x1fd: {  	[tilespmem:s9], [sflag:$0x11] =	stream.strided.gather @!p0 [spmem:s6], $0x1400, s4, s3, $0x38;
	[tilespmem:$0x17700] =	vst v63  }
0x1fe: {  	_ =	swait.ge @!p0 [sflag:s0], $0x1400  }
0x1ff: {  	[sflag:s0] =	ssyncset.done @!p0 $0x0  }
0x200: {  	s3 =	simm.s32 @!p0 $0x1400;
	s4 =	simm.s32 @!p0 $0x12200;
	[sflag:s0] =	ssyncadd.s32 @!p0 $0xFFFFEC00  }
0x201: {  	[tilespmem:s4], [sflag:$0xB] =	stream.indirect.gather @!p0 [spmem:s1], $0x1, s5, s3, $0xb8;
	[tilespmem:$0x17700] =	vst v63  }
0x202: {  	s5 =	simm.s32 @!p0 $0xB  }
0x203: {  	_ =	swait.ge @!p0 [sflag:s5], $0x1400  }
0x204: {  	[sflag:s5] =	ssyncset.done @!p0 $0x0  }
0x205: {  	[sflag:s5] =	ssyncadd.s32 @!p0 $0xFFFFEC00  }
0x206: {  	[spmem:s2] =	stream.indirect.scatter.add.f32 @!p0 [tilespmem:s4], [sflag:$0x11], $0x1, s9, s3, $0xb8;
	[tilespmem:$0x17700] =	vst v63  }
0x207: {  	_ =	swait.ge @!p0 [sflag:s0], $0x1400  }
0x208: {  	[sflag:s0] =	ssyncset.done @!p0 $0x0  }
0x209: {  	[sflag:s0] =	ssyncadd.s32 @!p0 $0xFFFFEC00  }
0x20a: {  	[bflag:$0x0] =	sbarrier.arrive $0xFFFF  }
0x20b: {  	s13 =	sld [smem:$0x7F6];
	_ =	sdelay $0x1  }
0x20c: {  	s22 =	simm.s32 $0x11;
	s17 =	rddreg [dreg:$0x9]  }
0x20d: {  	s21 =	rddreg [dreg:$0x16];
	s18 =	sshrl.u32 s17, $0x3;
	s0 =	sor.u32 $0x1C11, s13  }
0x20e: {  	[hbm:s21], [sflag:s0] =	dma.local [spmem:s18], $0x320  }
0x20f: {  	_ =	swait.ge [sflag:s22], $0x320  }
0x210: {  	s31 =	rddreg [dreg:$0x7]  }
0x211: {  	s28 =	rddreg [dreg:$0x1f];
	s31 =	sadd.s32 $0x1, s31  }
0x212: {  	p1 =	sne.s32 s31, s28  }
.Ltmp1:
0x213: {  	_ = 	snop;
	(pc) =	sbr.rel @p1 .LBB2_1-.Ltmp1, $3  }
0x214: {  	_ =	sdelay $0x1  }
0x215: {  	s24 =	simm.s32 $0x11;
	[sflag:s22] =	ssyncset.done $0x0  }
0x216: {  	[sflag:s24] =	ssyncadd.s32 $0xFFFFFCE0  }
0x217: {  	_ =	sfence.sel $0x180000  }
0x218: {  	[bflag:$0x0] =	sbarrier.arrive $0xFFFF  }
0x219: {  	_ =	strace $0x9000004A  }
0x21a: {  	s0 =	stileid.u32;
	[bflag:$0x2] =	sbarrier.arrive $0xFFFF  }
0x21b: {  	p0 =	sne.s32 s0, $0x0;
	s0 =	rddreg [dreg:$0x6]  }
0x21c: {  	s0 =	sadd.s32 @!p0 $0x100000, s0  }
0x21d: {  	[sflag:s0] =	ssyncadd.tile.s32 @!p0 $0x1;
	_ =	shalt  }
.Lfunc_end2:
_tile_overlayer_lowered:
.L_overlay_start_2:
0x21e: {  	(tag) =	ssettag $0x2  }
0x21f: {  	s0 =	rddreg [dreg:$0x0];
	s2 =	stileid.u32  }
0x220: {  	s1 =	rddreg [dreg:$0x1];
	p0 =	sne.s32 s2, $0x0  }
0x221: {  	s3 =	rddreg [dreg:$0x2];
	[bflag:$0x3] =	sbarrier.arrive $0xFFFF;
	s2 =	simm.s32 @!p0 $0x1C11  }
0x222: {  	[timem:s3], [sflag:s2] =	dma.local @!p0 [hbm:s0], s1  }
0x223: {  	s0 =	simm.s32 @!p0 $0x11  }
0x224: {  	_ =	swait.ge @!p0 [sflag:s0], s1  }
0x225: {  	s1 =	ssub.s32 @!p0 $0x0, s1;
	[sflag:s0] =	ssyncset.done @!p0 $0x0  }
0x226: {  	[sflag:s0] =	ssyncadd.s32 @!p0 s1  }
0x227: {  	[bflag:$0x3] =	sbarrier.arrive $0xFFFF  }
0x228: {  	_ =	shalt  }

</sc_bundles>
